<compile_context>
chip_gen: v7x
topology: tpu7x:2x2x1
jax: 0.10.2.dev20260603
libtpu: 0.0.44.dev20260713+nightly
codegen_flags: <defaults>
</compile_context>

<pallas_src>
import jax
import jax.numpy as jnp
import numpy as np
from jax import lax
from jax.experimental import pallas as pl
from jax.experimental.pallas import tpu as pltpu
from jax.experimental.pallas import tpu_sc as plsc

_ATOM_DIMS = [119, 5, 12, 12, 10, 6, 6, 2, 2]
_SIZES = [d + 1 for d in _ATOM_DIMS]
_OFFS = np.concatenate([[0], np.cumsum(_SIZES)[:-1]]).astype(np.int32)
_TOTAL_ROWS = int(sum(_SIZES))
_N = 10000
_E = 320000
_H = 128
_G = 256
_C = 10
_EPS = 1e-5

_NC = 2
_NS = 16
_NW = _NC * _NS
_EPW = _E // _NW
_K = 80
_NCHUNK = _EPW // _K
_NP = 10240
_RPT = _NP // _NS
_NBF = _RPT // _K
_NBR = _RPT - _NBF * _K


def _mesh():
    return plsc.VectorSubcoreMesh(
        core_axis_name="c", subcore_axis_name="s", num_cores=_NC,
        num_subcores=_NS)


def _zero_slice(zeros_ref, rows, shared, row0):
    pltpu.sync_copy(zeros_ref, rows)
    for t in range(_NBF):
        pltpu.sync_copy(rows, shared.at[pl.ds(row0 + t * _K, _K), :])
    if _NBR:
        pltpu.sync_copy(rows.at[pl.ds(0, _NBR), :],
                        shared.at[pl.ds(row0 + _NBF * _K, _NBR), :])


def _write_slice(shared, out_ref, rows, c, row0):
    for t in range(_NBF):
        pltpu.sync_copy(shared.at[pl.ds(row0 + t * _K, _K), :], rows)
        pltpu.sync_copy(rows, out_ref.at[c, pl.ds(row0 + t * _K, _K), :])
    if _NBR:
        pltpu.sync_copy(shared.at[pl.ds(row0 + _NBF * _K, _NBR), :],
                        rows.at[pl.ds(0, _NBR), :])
        pltpu.sync_copy(rows.at[pl.ds(0, _NBR), :],
                        out_ref.at[c, pl.ds(row0 + _NBF * _K, _NBR), :])


def _agg_body(src_ref, dst_ref, u_ref, zeros_ref, out_ref,
              ixs_a, ixd_a, ixs_b, ixd_b, rows_a, rows_b,
              semi_a, semi_b, semg_a, semg_b, shared):
    c = lax.axis_index("c")
    s = lax.axis_index("s")
    wid = c * _NS + s
    row0 = s * _RPT
    base = wid * _EPW

    _zero_slice(zeros_ref, rows_a, shared, row0)
    plsc.subcore_barrier()

    def start_idx(j, ixs, ixd, semi):
        off = base + j * _K
        pltpu.make_async_copy(src_ref.at[pl.ds(off, _K)], ixs, semi).start()
        pltpu.make_async_copy(dst_ref.at[pl.ds(off, _K)], ixd, semi).start()

    def wait_idx(j, ixs, ixd, semi):
        off = base + j * _K
        pltpu.make_async_copy(src_ref.at[pl.ds(off, _K)], ixs, semi).wait()
        pltpu.make_async_copy(dst_ref.at[pl.ds(off, _K)], ixd, semi).wait()

    def scatter(rows, ixd):
        pltpu.sync_copy(rows, shared.at[ixd], add=True)

    start_idx(0, ixs_a, ixd_a, semi_a)
    start_idx(1, ixs_b, ixd_b, semi_b)

    def gather_scatter(rows, ixs, ixd, semg):
        g = pltpu.make_async_copy(u_ref.at[ixs], rows, semg)
        g.start()
        g.wait()
        scatter(rows, ixd)

    def pair(jj, _):
        j0 = jj * 2
        j1 = j0 + 1
        wait_idx(j0, ixs_a, ixd_a, semi_a)
        gather_scatter(rows_a, ixs_a, ixd_a, semg_a)
        start_idx(j0 + 2, ixs_a, ixd_a, semi_a)
        wait_idx(j1, ixs_b, ixd_b, semi_b)
        gather_scatter(rows_b, ixs_b, ixd_b, semg_b)
        start_idx(j1 + 2, ixs_b, ixd_b, semi_b)
        return 0

    lax.fori_loop(0, (_NCHUNK - 3) // 2, pair, 0)
    wait_idx(_NCHUNK - 3, ixs_a, ixd_a, semi_a)
    gather_scatter(rows_a, ixs_a, ixd_a, semg_a)
    start_idx(_NCHUNK - 1, ixs_a, ixd_a, semi_a)
    wait_idx(_NCHUNK - 2, ixs_b, ixd_b, semi_b)
    gather_scatter(rows_b, ixs_b, ixd_b, semg_b)
    wait_idx(_NCHUNK - 1, ixs_a, ixd_a, semi_a)
    gather_scatter(rows_a, ixs_a, ixd_a, semg_a)

    plsc.subcore_barrier()
    _write_slice(shared, out_ref, rows_a, c, row0)


def _sc_edge_agg(src, dst, u, zeros):
    return pl.kernel(
        _agg_body,
        out_type=jax.ShapeDtypeStruct((_NC, _NP, _H), jnp.float32),
        mesh=_mesh(),
        scratch_types=[
            pltpu.VMEM((_K,), jnp.int32),
            pltpu.VMEM((_K,), jnp.int32),
            pltpu.VMEM((_K,), jnp.int32),
            pltpu.VMEM((_K,), jnp.int32),
            pltpu.VMEM((_K, _H), jnp.float32),
            pltpu.VMEM((_K, _H), jnp.float32),
            pltpu.SemaphoreType.DMA,
            pltpu.SemaphoreType.DMA,
            pltpu.SemaphoreType.DMA,
            pltpu.SemaphoreType.DMA,
            pltpu.VMEM_SHARED((_NP, _H), jnp.float32),
        ],
    )(src, dst, u, zeros)


def _deg_body(dst_ref, onesrow_ref, zeros_ref, out_ref,
              ixd_a, ixd_b, rows, semi_a, semi_b, shared):
    c = lax.axis_index("c")
    s = lax.axis_index("s")
    wid = c * _NS + s
    row0 = s * _RPT
    base = wid * _EPW

    _zero_slice(zeros_ref, rows, shared, row0)
    pltpu.sync_copy(onesrow_ref, rows)
    plsc.subcore_barrier()

    def start_idx(j, ixd, semi):
        pltpu.make_async_copy(dst_ref.at[pl.ds(base + j * _K, _K)],
                              ixd, semi).start()

    def wait_idx(j, ixd, semi):
        pltpu.make_async_copy(dst_ref.at[pl.ds(base + j * _K, _K)],
                              ixd, semi).wait()

    start_idx(0, ixd_a, semi_a)
    start_idx(1, ixd_b, semi_b)

    def pair(jj, _):
        j0 = jj * 2
        j1 = j0 + 1
        wait_idx(j0, ixd_a, semi_a)
        pltpu.sync_copy(rows, shared.at[ixd_a], add=True)
        start_idx(j0 + 2, ixd_a, semi_a)
        wait_idx(j1, ixd_b, semi_b)
        pltpu.sync_copy(rows, shared.at[ixd_b], add=True)
        start_idx(j1 + 2, ixd_b, semi_b)
        return 0

    lax.fori_loop(0, (_NCHUNK - 3) // 2, pair, 0)
    wait_idx(_NCHUNK - 3, ixd_a, semi_a)
    pltpu.sync_copy(rows, shared.at[ixd_a], add=True)
    start_idx(_NCHUNK - 1, ixd_a, semi_a)
    wait_idx(_NCHUNK - 2, ixd_b, semi_b)
    pltpu.sync_copy(rows, shared.at[ixd_b], add=True)
    wait_idx(_NCHUNK - 1, ixd_a, semi_a)
    pltpu.sync_copy(rows, shared.at[ixd_a], add=True)

    plsc.subcore_barrier()
    _write_slice(shared, out_ref, rows, c, row0)


def _sc_degree(dst, onesrow, zeros16):
    return pl.kernel(
        _deg_body,
        out_type=jax.ShapeDtypeStruct((_NC, _NP, 16), jnp.float32),
        mesh=_mesh(),
        scratch_types=[
            pltpu.VMEM((_K,), jnp.int32),
            pltpu.VMEM((_K,), jnp.int32),
            pltpu.VMEM((_K, 16), jnp.float32),
            pltpu.SemaphoreType.DMA,
            pltpu.SemaphoreType.DMA,
            pltpu.VMEM_SHARED((_NP, 16), jnp.float32),
        ],
    )(dst, onesrow, zeros16)


def _embed_body(x_ref, emb_ref, out_ref):
    xv = x_ref[...]
    col = lax.broadcasted_iota(jnp.int32, (_N, 256), 1)
    cnt = jnp.zeros((_N, 256), jnp.float32)
    for j in range(9):
        cnt = cnt + (xv[:, j:j + 1] + int(_OFFS[j]) == col).astype(jnp.float32)
    out_ref[...] = jnp.dot(cnt, emb_ref[...],
                           preferred_element_type=jnp.float32)


def _tc_embed(x, emb_pad):
    return pl.pallas_call(
        _embed_body,
        out_shape=jax.ShapeDtypeStruct((_N, _H), jnp.float32),
    )(x, emb_pad)


def _bn(h, gamma, beta):
    mu = jnp.mean(h, axis=0, keepdims=True)
    var = jnp.mean((h - mu) * (h - mu), axis=0, keepdims=True)
    return (h - mu) * lax.rsqrt(var + _EPS) * gamma + beta


def _layer0_body(h_ref, degp_ref, gamma_ref, beta_ref, w_ref,
                 u_ref, dinv_ref):
    deg = degp_ref[0] + degp_ref[1] + 1.0
    dinv = lax.rsqrt(deg)
    dinv_ref[...] = dinv
    hn = _bn(h_ref[...], gamma_ref[...], beta_ref[...])
    u_ref[...] = jnp.dot(hn, w_ref[...],
                         preferred_element_type=jnp.float32) * dinv


def _tc_layer0(h0, degp, gamma, beta, w):
    return pl.pallas_call(
        _layer0_body,
        out_shape=[
            jax.ShapeDtypeStruct((_N, _H), jnp.float32),
            jax.ShapeDtypeStruct((_N, 1), jnp.float32),
        ],
    )(h0, degp, gamma, beta, w)


def _layer_body(p_ref, u_ref, dinv_ref, bprev_ref, gamma_ref, beta_ref,
                w_ref, out_ref):
    dinv = dinv_ref[...]
    h = jnp.maximum(
        (p_ref[0] + p_ref[1] + u_ref[...]) * dinv + bprev_ref[...], 0.0)
    hn = _bn(h, gamma_ref[...], beta_ref[...])
    out_ref[...] = jnp.dot(hn, w_ref[...],
                           preferred_element_type=jnp.float32) * dinv


def _tc_layer(p, u, dinv, bprev, gamma, beta, w):
    return pl.pallas_call(
        _layer_body,
        out_shape=jax.ShapeDtypeStruct((_N, _H), jnp.float32),
    )(p, u, dinv, bprev, gamma, beta, w)


def _readout_body(p_ref, u_ref, dinv_ref, b2_ref, batch_ref,
                  g1_ref, be1_ref, w1_ref, bb1_ref,
                  g2_ref, be2_ref, w2_ref, bb2_ref, out_ref):
    dinv = dinv_ref[...]
    h3 = jnp.maximum(
        (p_ref[0] + p_ref[1] + u_ref[...]) * dinv + b2_ref[...], 0.0)
    gid = lax.broadcasted_iota(jnp.int32, (_G, _N), 0)
    oh = (gid == batch_ref[...]).astype(jnp.float32)
    pooled = jnp.dot(oh, h3, preferred_element_type=jnp.float32)
    z = _bn(pooled, g1_ref[...], be1_ref[...])
    z = jnp.maximum(jnp.dot(z, w1_ref[...],
                            preferred_element_type=jnp.float32)
                    + bb1_ref[...], 0.0)
    z = _bn(z, g2_ref[...], be2_ref[...])
    out_ref[...] = jnp.dot(z, w2_ref[...],
                           preferred_element_type=jnp.float32) + bb2_ref[...]


def _tc_readout(p, u, dinv, b2, batch2, g1, be1, w1, bb1, g2, be2, w2, bb2):
    return pl.pallas_call(
        _readout_body,
        out_shape=jax.ShapeDtypeStruct((_G, _C), jnp.float32),
    )(p, u, dinv, b2, batch2, g1, be1, w1, bb1, g2, be2, w2, bb2)


def kernel(x, edge_index, batch, emb_table, bn_gamma, bn_beta, W, b,
           g1, be1, W1, bb1, g2, be2, W2, bb2):
    x = x.astype(jnp.int32)
    edge_index = edge_index.astype(jnp.int32)
    src = edge_index[0]
    dst = edge_index[1]
    batch2 = batch.astype(jnp.int32).reshape(1, _N)
    emb_pad = jnp.zeros((256, _H), jnp.float32).at[:_TOTAL_ROWS].set(emb_table)
    zeros = jnp.zeros((_K, _H), jnp.float32)
    zeros16 = jnp.zeros((_K, 16), jnp.float32)
    onesrow = jnp.zeros((_K, 16), jnp.float32).at[:, 0].set(1.0)

    h0 = _tc_embed(x, emb_pad)
    degw = _sc_degree(dst, onesrow, zeros16)
    degp = degw[:, :_N, 0:1]

    u0, dinv = _tc_layer0(h0, degp, bn_gamma[0], bn_beta[0], W[0])
    p0 = _sc_edge_agg(src, dst, u0, zeros)[:, :_N]
    u1 = _tc_layer(p0, u0, dinv, b[0], bn_gamma[1], bn_beta[1], W[1])
    p1 = _sc_edge_agg(src, dst, u1, zeros)[:, :_N]
    u2 = _tc_layer(p1, u1, dinv, b[1], bn_gamma[2], bn_beta[2], W[2])
    p2 = _sc_edge_agg(src, dst, u2, zeros)[:, :_N]
    return _tc_readout(p2, u2, dinv, b[2], batch2,
                       g1, be1, W1, bb1, g2, be2, W2, bb2)

# --- scband reference (transcript-rebuilt; emitter-appended) ---
"""Pipeline reference for scband-basic-gnn-68521908240880 (READ-ONLY COPY).

The authoritative reference and input builder live on the scoring server;
editing this copy changes nothing except your own understanding.
"""

import jax, jax.numpy as jnp
import numpy as np

ATOM_DIMS = [119, 5, 12, 12, 10, 6, 6, 2, 2]  # OGB full_atom_feature_dims
SIZES = [d + 1 for d in ATOM_DIMS]
OFFSETS = np.concatenate([[0], np.cumsum(SIZES)[:-1]]).astype(np.int64)
TOTAL_ROWS = int(sum(SIZES))  # 183
N = 10000
E = 320000
H = 128
L = 3
G = 256
C = 10  # num_classes * num_task
EPS = 1e-5


def setup_inputs(seed: int = 0) -> dict:
    key = jax.random.key(seed)
    ks = jax.random.split(key, 12)
    x = jax.random.randint(ks[0], (N, 9), 0, 3, dtype=jnp.int64) if jax.config.jax_enable_x64 else jax.random.randint(ks[0], (N, 9), 0, 3, dtype=jnp.int32)
    edge_index = jax.random.randint(ks[1], (2, E), 0, N, dtype=jnp.int32)
    batch = jnp.sort(jax.random.randint(ks[2], (N,), 0, G, dtype=jnp.int32))
    emb_table = jax.random.normal(ks[3], (TOTAL_ROWS, H), dtype=jnp.float32) * 0.1
    bn_gamma = jnp.ones((L, H), dtype=jnp.float32)
    bn_beta = jnp.zeros((L, H), dtype=jnp.float32)
    W = jax.random.normal(ks[4], (L, H, H), dtype=jnp.float32) / np.sqrt(H)
    b = jnp.zeros((L, H), dtype=jnp.float32)
    g1 = jnp.ones((H,), dtype=jnp.float32)
    be1 = jnp.zeros((H,), dtype=jnp.float32)
    W1 = jax.random.normal(ks[5], (H, H), dtype=jnp.float32) / np.sqrt(H)
    bb1 = jnp.zeros((H,), dtype=jnp.float32)
    g2 = jnp.ones((H,), dtype=jnp.float32)
    be2 = jnp.zeros((H,), dtype=jnp.float32)
    W2 = jax.random.normal(ks[6], (H, C), dtype=jnp.float32) / np.sqrt(H)
    bb2 = jnp.zeros((C,), dtype=jnp.float32)
    return {"x": x, "edge_index": edge_index, "batch": batch, "emb_table": emb_table,
            "bn_gamma": bn_gamma, "bn_beta": bn_beta, "W": W, "b": b,
            "g1": g1, "be1": be1, "W1": W1, "bb1": bb1,
            "g2": g2, "be2": be2, "W2": W2, "bb2": bb2}


def _batchnorm(h, g, b):
    m = h.mean(axis=0)
    v = h.var(axis=0)  # biased, matches torch BN normalization
    return (h - m) / jnp.sqrt(v + EPS) * g + b


def reference(x, edge_index, batch, emb_table, bn_gamma, bn_beta, W, b,
              g1, be1, W1, bb1, g2, be2, W2, bb2):
    offsets = jnp.asarray(OFFSETS, dtype=x.dtype)
    # AtomEncoder: sum of 9 per-feature embeddings via one offset-concatenated table
    h = emb_table[x + offsets[None, :]].sum(axis=1)  # [N, H]
    # GCN normalization with self-loops
    loops = jnp.arange(N, dtype=edge_index.dtype)
    src = jnp.concatenate([edge_index[0], loops])
    dst = jnp.concatenate([edge_index[1], loops])
    deg = jnp.zeros((N,), dtype=jnp.float32).at[dst].add(1.0)
    dinv = 1.0 / jnp.sqrt(deg)  # deg >= 1 due to self-loops
    norm = (dinv[src] * dinv[dst])[:, None]
    for i in range(L):
        h = _batchnorm(h, bn_gamma[i], bn_beta[i])
        m = h @ W[i]
        agg = jax.ops.segment_sum(m[src] * norm, dst, num_segments=N)
        h = jax.nn.relu(agg + b[i])  # dropout inactive in eval mode
    pooled = jax.ops.segment_sum(h, batch, num_segments=G)  # global_add_pool
    z = _batchnorm(pooled, g1, be1)
    z = jax.nn.relu(z @ W1 + bb1)
    z = _batchnorm(z, g2, be2)
    return z @ W2 + bb2

if __name__ == "__main__":
    import jax
    _d = setup_inputs()
    print(jax.jit(kernel)(*tuple(_d.values())))

</pallas_src>

<mosaic_0001>
#map = affine_map<(d0, d1) -> (0)>
#map1 = affine_map<(d0, d1) -> (0, 0)>
#map2 = affine_map<(d0, d1) -> (0, 0, 0)>
module attributes {stable_mosaic.version = 14 : i64} {
  func.func @_agg_body(%arg0: i32, %arg1: i32, %arg2: memref<320000xi32, #tpu.memory_space<hbm>>, %arg3: memref<320000xi32, #tpu.memory_space<hbm>>, %arg4: memref<10000x128xf32, #tpu.memory_space<hbm>>, %arg5: memref<80x128xf32, #tpu.memory_space<hbm>>, %arg6: memref<2x10240x128xf32, #tpu.memory_space<hbm>>, %arg7: memref<80xi32, #tpu.memory_space<vmem>>, %arg8: memref<80xi32, #tpu.memory_space<vmem>>, %arg9: memref<80xi32, #tpu.memory_space<vmem>>, %arg10: memref<80xi32, #tpu.memory_space<vmem>>, %arg11: memref<80x128xf32, #tpu.memory_space<vmem>>, %arg12: memref<80x128xf32, #tpu.memory_space<vmem>>, %arg13: memref<!tpu.dma_semaphore, #tpu.memory_space<semaphore_mem>>, %arg14: memref<!tpu.dma_semaphore, #tpu.memory_space<semaphore_mem>>, %arg15: memref<!tpu.dma_semaphore, #tpu.memory_space<semaphore_mem>>, %arg16: memref<!tpu.dma_semaphore, #tpu.memory_space<semaphore_mem>>, %arg17: memref<10240x128xf32, #tpu.memory_space<vmem_shared>>) attributes {dimension_semantics = [#tpu.dimension_semantics<core_parallel>, #tpu.dimension_semantics<subcore_parallel>], iteration_bounds = array<i64: 2, 16>, scalar_prefetch = 0 : i64, scratch_operands = 11 : i64, tpu.core_type = #tpu.core_type<sc_vector_subcore>, window_params = [{transform_indices = #map}, {transform_indices = #map}, {transform_indices = #map1}, {transform_indices = #map1}, {transform_indices = #map2}]} {
    %mul3A = arith.constant 16 : i32
    %mul3A_0 = arith.muli %arg0, %mul3A : i32
    %add3A = arith.addi %mul3A_0, %arg1 : i32
    %mul3A_1 = arith.constant 640 : i32
    %mul3A_2 = arith.muli %arg1, %mul3A_1 : i32
    %mul3A_3 = arith.constant 10000 : i32
    %mul3A_4 = arith.muli %add3A, %mul3A_3 : i32
    "tpu.region"() ({
      %run_scoped3A = tpu.sem_alloc : memref<!tpu.dma_semaphore, #tpu.memory_space<semaphore_mem>>
      tpu.enqueue_dma source(%arg5 : memref<80x128xf32, #tpu.memory_space<hbm>>) target(%arg11 : memref<80x128xf32, #tpu.memory_space<vmem>>) target_semaphore(%run_scoped3A : memref<!tpu.dma_semaphore, #tpu.memory_space<semaphore_mem>>)
      tpu.wait_dma2 semaphore(%run_scoped3A : memref<!tpu.dma_semaphore, #tpu.memory_space<semaphore_mem>>) src(%arg5 : memref<80x128xf32, #tpu.memory_space<hbm>>) dst(%arg11 : memref<80x128xf32, #tpu.memory_space<vmem>>)
      tpu.yield
    }) : () -> ()
    %add3A_5 = arith.constant 0 : i32
    %add3A_6 = arith.addi %mul3A_2, %add3A_5 : i32
    "tpu.region"() ({
      %run_scoped3A = tpu.sem_alloc : memref<!tpu.dma_semaphore, #tpu.memory_space<semaphore_mem>>
      %dma_start3A_112 = arith.constant 0 : i32
      %dma_start3A_113 = tpu.memref_slice %arg17[%add3A_6, %dma_start3A_112] : memref<10240x128xf32, #tpu.memory_space<vmem_shared>> -> memref<80x128xf32, #tpu.memory_space<vmem_shared>>
      %dma_start3A_114 = arith.constant 0 : i32
      %dma_start3A_115 = tpu.memref_slice %arg17[%add3A_6, %dma_start3A_114] : memref<10240x128xf32, #tpu.memory_space<vmem_shared>> -> memref<80x128xf32, #tpu.memory_space<vmem_shared>>
      tpu.enqueue_dma source(%arg11 : memref<80x128xf32, #tpu.memory_space<vmem>>) target(%dma_start3A_115 : memref<80x128xf32, #tpu.memory_space<vmem_shared>>) target_semaphore(%run_scoped3A : memref<!tpu.dma_semaphore, #tpu.memory_space<semaphore_mem>>)
      %dma_wait3A_116 = arith.constant 0 : i32
      %dma_wait3A_117 = tpu.memref_slice %arg17[%add3A_6, %dma_wait3A_116] : memref<10240x128xf32, #tpu.memory_space<vmem_shared>> -> memref<80x128xf32, #tpu.memory_space<vmem_shared>>
      %dma_wait3A_118 = arith.constant 0 : i32
      %dma_wait3A_119 = tpu.memref_slice %arg17[%add3A_6, %dma_wait3A_118] : memref<10240x128xf32, #tpu.memory_space<vmem_shared>> -> memref<80x128xf32, #tpu.memory_space<vmem_shared>>
      tpu.wait_dma2 semaphore(%run_scoped3A : memref<!tpu.dma_semaphore, #tpu.memory_space<semaphore_mem>>) src(%arg11 : memref<80x128xf32, #tpu.memory_space<vmem>>) dst(%dma_wait3A_119 : memref<80x128xf32, #tpu.memory_space<vmem_shared>>)
      tpu.yield
    }) : () -> ()
    %add3A_7 = arith.constant 80 : i32
    %add3A_8 = arith.addi %mul3A_2, %add3A_7 : i32
    "tpu.region"() ({
      %run_scoped3A = tpu.sem_alloc : memref<!tpu.dma_semaphore, #tpu.memory_space<semaphore_mem>>
      %dma_start3A_112 = arith.constant 0 : i32
      %dma_start3A_113 = tpu.memref_slice %arg17[%add3A_8, %dma_start3A_112] : memref<10240x128xf32, #tpu.memory_space<vmem_shared>> -> memref<80x128xf32, #tpu.memory_space<vmem_shared>>
      %dma_start3A_114 = arith.constant 0 : i32
      %dma_start3A_115 = tpu.memref_slice %arg17[%add3A_8, %dma_start3A_114] : memref<10240x128xf32, #tpu.memory_space<vmem_shared>> -> memref<80x128xf32, #tpu.memory_space<vmem_shared>>
      tpu.enqueue_dma source(%arg11 : memref<80x128xf32, #tpu.memory_space<vmem>>) target(%dma_start3A_115 : memref<80x128xf32, #tpu.memory_space<vmem_shared>>) target_semaphore(%run_scoped3A : memref<!tpu.dma_semaphore, #tpu.memory_space<semaphore_mem>>)
      %dma_wait3A_116 = arith.constant 0 : i32
      %dma_wait3A_117 = tpu.memref_slice %arg17[%add3A_8, %dma_wait3A_116] : memref<10240x128xf32, #tpu.memory_space<vmem_shared>> -> memref<80x128xf32, #tpu.memory_space<vmem_shared>>
      %dma_wait3A_118 = arith.constant 0 : i32
      %dma_wait3A_119 = tpu.memref_slice %arg17[%add3A_8, %dma_wait3A_118] : memref<10240x128xf32, #tpu.memory_space<vmem_shared>> -> memref<80x128xf32, #tpu.memory_space<vmem_shared>>
      tpu.wait_dma2 semaphore(%run_scoped3A : memref<!tpu.dma_semaphore, #tpu.memory_space<semaphore_mem>>) src(%arg11 : memref<80x128xf32, #tpu.memory_space<vmem>>) dst(%dma_wait3A_119 : memref<80x128xf32, #tpu.memory_space<vmem_shared>>)
      tpu.yield
    }) : () -> ()
    %add3A_9 = arith.constant 160 : i32
    %add3A_10 = arith.addi %mul3A_2, %add3A_9 : i32
    "tpu.region"() ({
      %run_scoped3A = tpu.sem_alloc : memref<!tpu.dma_semaphore, #tpu.memory_space<semaphore_mem>>
      %dma_start3A_112 = arith.constant 0 : i32
      %dma_start3A_113 = tpu.memref_slice %arg17[%add3A_10, %dma_start3A_112] : memref<10240x128xf32, #tpu.memory_space<vmem_shared>> -> memref<80x128xf32, #tpu.memory_space<vmem_shared>>
      %dma_start3A_114 = arith.constant 0 : i32
      %dma_start3A_115 = tpu.memref_slice %arg17[%add3A_10, %dma_start3A_114] : memref<10240x128xf32, #tpu.memory_space<vmem_shared>> -> memref<80x128xf32, #tpu.memory_space<vmem_shared>>
      tpu.enqueue_dma source(%arg11 : memref<80x128xf32, #tpu.memory_space<vmem>>) target(%dma_start3A_115 : memref<80x128xf32, #tpu.memory_space<vmem_shared>>) target_semaphore(%run_scoped3A : memref<!tpu.dma_semaphore, #tpu.memory_space<semaphore_mem>>)
      %dma_wait3A_116 = arith.constant 0 : i32
      %dma_wait3A_117 = tpu.memref_slice %arg17[%add3A_10, %dma_wait3A_116] : memref<10240x128xf32, #tpu.memory_space<vmem_shared>> -> memref<80x128xf32, #tpu.memory_space<vmem_shared>>
      %dma_wait3A_118 = arith.constant 0 : i32
      %dma_wait3A_119 = tpu.memref_slice %arg17[%add3A_10, %dma_wait3A_118] : memref<10240x128xf32, #tpu.memory_space<vmem_shared>> -> memref<80x128xf32, #tpu.memory_space<vmem_shared>>
      tpu.wait_dma2 semaphore(%run_scoped3A : memref<!tpu.dma_semaphore, #tpu.memory_space<semaphore_mem>>) src(%arg11 : memref<80x128xf32, #tpu.memory_space<vmem>>) dst(%dma_wait3A_119 : memref<80x128xf32, #tpu.memory_space<vmem_shared>>)
      tpu.yield
    }) : () -> ()
    %add3A_11 = arith.constant 240 : i32
    %add3A_12 = arith.addi %mul3A_2, %add3A_11 : i32
    "tpu.region"() ({
      %run_scoped3A = tpu.sem_alloc : memref<!tpu.dma_semaphore, #tpu.memory_space<semaphore_mem>>
      %dma_start3A_112 = arith.constant 0 : i32
      %dma_start3A_113 = tpu.memref_slice %arg17[%add3A_12, %dma_start3A_112] : memref<10240x128xf32, #tpu.memory_space<vmem_shared>> -> memref<80x128xf32, #tpu.memory_space<vmem_shared>>
      %dma_start3A_114 = arith.constant 0 : i32
      %dma_start3A_115 = tpu.memref_slice %arg17[%add3A_12, %dma_start3A_114] : memref<10240x128xf32, #tpu.memory_space<vmem_shared>> -> memref<80x128xf32, #tpu.memory_space<vmem_shared>>
      tpu.enqueue_dma source(%arg11 : memref<80x128xf32, #tpu.memory_space<vmem>>) target(%dma_start3A_115 : memref<80x128xf32, #tpu.memory_space<vmem_shared>>) target_semaphore(%run_scoped3A : memref<!tpu.dma_semaphore, #tpu.memory_space<semaphore_mem>>)
      %dma_wait3A_116 = arith.constant 0 : i32
      %dma_wait3A_117 = tpu.memref_slice %arg17[%add3A_12, %dma_wait3A_116] : memref<10240x128xf32, #tpu.memory_space<vmem_shared>> -> memref<80x128xf32, #tpu.memory_space<vmem_shared>>
      %dma_wait3A_118 = arith.constant 0 : i32
      %dma_wait3A_119 = tpu.memref_slice %arg17[%add3A_12, %dma_wait3A_118] : memref<10240x128xf32, #tpu.memory_space<vmem_shared>> -> memref<80x128xf32, #tpu.memory_space<vmem_shared>>
      tpu.wait_dma2 semaphore(%run_scoped3A : memref<!tpu.dma_semaphore, #tpu.memory_space<semaphore_mem>>) src(%arg11 : memref<80x128xf32, #tpu.memory_space<vmem>>) dst(%dma_wait3A_119 : memref<80x128xf32, #tpu.memory_space<vmem_shared>>)
      tpu.yield
    }) : () -> ()
    %add3A_13 = arith.constant 320 : i32
    %add3A_14 = arith.addi %mul3A_2, %add3A_13 : i32
    "tpu.region"() ({
      %run_scoped3A = tpu.sem_alloc : memref<!tpu.dma_semaphore, #tpu.memory_space<semaphore_mem>>
      %dma_start3A_112 = arith.constant 0 : i32
      %dma_start3A_113 = tpu.memref_slice %arg17[%add3A_14, %dma_start3A_112] : memref<10240x128xf32, #tpu.memory_space<vmem_shared>> -> memref<80x128xf32, #tpu.memory_space<vmem_shared>>
      %dma_start3A_114 = arith.constant 0 : i32
      %dma_start3A_115 = tpu.memref_slice %arg17[%add3A_14, %dma_start3A_114] : memref<10240x128xf32, #tpu.memory_space<vmem_shared>> -> memref<80x128xf32, #tpu.memory_space<vmem_shared>>
      tpu.enqueue_dma source(%arg11 : memref<80x128xf32, #tpu.memory_space<vmem>>) target(%dma_start3A_115 : memref<80x128xf32, #tpu.memory_space<vmem_shared>>) target_semaphore(%run_scoped3A : memref<!tpu.dma_semaphore, #tpu.memory_space<semaphore_mem>>)
      %dma_wait3A_116 = arith.constant 0 : i32
      %dma_wait3A_117 = tpu.memref_slice %arg17[%add3A_14, %dma_wait3A_116] : memref<10240x128xf32, #tpu.memory_space<vmem_shared>> -> memref<80x128xf32, #tpu.memory_space<vmem_shared>>
      %dma_wait3A_118 = arith.constant 0 : i32
      %dma_wait3A_119 = tpu.memref_slice %arg17[%add3A_14, %dma_wait3A_118] : memref<10240x128xf32, #tpu.memory_space<vmem_shared>> -> memref<80x128xf32, #tpu.memory_space<vmem_shared>>
      tpu.wait_dma2 semaphore(%run_scoped3A : memref<!tpu.dma_semaphore, #tpu.memory_space<semaphore_mem>>) src(%arg11 : memref<80x128xf32, #tpu.memory_space<vmem>>) dst(%dma_wait3A_119 : memref<80x128xf32, #tpu.memory_space<vmem_shared>>)
      tpu.yield
    }) : () -> ()
    %add3A_15 = arith.constant 400 : i32
    %add3A_16 = arith.addi %mul3A_2, %add3A_15 : i32
    "tpu.region"() ({
      %run_scoped3A = tpu.sem_alloc : memref<!tpu.dma_semaphore, #tpu.memory_space<semaphore_mem>>
      %dma_start3A_112 = arith.constant 0 : i32
      %dma_start3A_113 = tpu.memref_slice %arg17[%add3A_16, %dma_start3A_112] : memref<10240x128xf32, #tpu.memory_space<vmem_shared>> -> memref<80x128xf32, #tpu.memory_space<vmem_shared>>
      %dma_start3A_114 = arith.constant 0 : i32
      %dma_start3A_115 = tpu.memref_slice %arg17[%add3A_16, %dma_start3A_114] : memref<10240x128xf32, #tpu.memory_space<vmem_shared>> -> memref<80x128xf32, #tpu.memory_space<vmem_shared>>
      tpu.enqueue_dma source(%arg11 : memref<80x128xf32, #tpu.memory_space<vmem>>) target(%dma_start3A_115 : memref<80x128xf32, #tpu.memory_space<vmem_shared>>) target_semaphore(%run_scoped3A : memref<!tpu.dma_semaphore, #tpu.memory_space<semaphore_mem>>)
      %dma_wait3A_116 = arith.constant 0 : i32
      %dma_wait3A_117 = tpu.memref_slice %arg17[%add3A_16, %dma_wait3A_116] : memref<10240x128xf32, #tpu.memory_space<vmem_shared>> -> memref<80x128xf32, #tpu.memory_space<vmem_shared>>
      %dma_wait3A_118 = arith.constant 0 : i32
      %dma_wait3A_119 = tpu.memref_slice %arg17[%add3A_16, %dma_wait3A_118] : memref<10240x128xf32, #tpu.memory_space<vmem_shared>> -> memref<80x128xf32, #tpu.memory_space<vmem_shared>>
      tpu.wait_dma2 semaphore(%run_scoped3A : memref<!tpu.dma_semaphore, #tpu.memory_space<semaphore_mem>>) src(%arg11 : memref<80x128xf32, #tpu.memory_space<vmem>>) dst(%dma_wait3A_119 : memref<80x128xf32, #tpu.memory_space<vmem_shared>>)
      tpu.yield
    }) : () -> ()
    %add3A_17 = arith.constant 480 : i32
    %add3A_18 = arith.addi %mul3A_2, %add3A_17 : i32
    "tpu.region"() ({
      %run_scoped3A = tpu.sem_alloc : memref<!tpu.dma_semaphore, #tpu.memory_space<semaphore_mem>>
      %dma_start3A_112 = arith.constant 0 : i32
      %dma_start3A_113 = tpu.memref_slice %arg17[%add3A_18, %dma_start3A_112] : memref<10240x128xf32, #tpu.memory_space<vmem_shared>> -> memref<80x128xf32, #tpu.memory_space<vmem_shared>>
      %dma_start3A_114 = arith.constant 0 : i32
      %dma_start3A_115 = tpu.memref_slice %arg17[%add3A_18, %dma_start3A_114] : memref<10240x128xf32, #tpu.memory_space<vmem_shared>> -> memref<80x128xf32, #tpu.memory_space<vmem_shared>>
      tpu.enqueue_dma source(%arg11 : memref<80x128xf32, #tpu.memory_space<vmem>>) target(%dma_start3A_115 : memref<80x128xf32, #tpu.memory_space<vmem_shared>>) target_semaphore(%run_scoped3A : memref<!tpu.dma_semaphore, #tpu.memory_space<semaphore_mem>>)
      %dma_wait3A_116 = arith.constant 0 : i32
      %dma_wait3A_117 = tpu.memref_slice %arg17[%add3A_18, %dma_wait3A_116] : memref<10240x128xf32, #tpu.memory_space<vmem_shared>> -> memref<80x128xf32, #tpu.memory_space<vmem_shared>>
      %dma_wait3A_118 = arith.constant 0 : i32
      %dma_wait3A_119 = tpu.memref_slice %arg17[%add3A_18, %dma_wait3A_118] : memref<10240x128xf32, #tpu.memory_space<vmem_shared>> -> memref<80x128xf32, #tpu.memory_space<vmem_shared>>
      tpu.wait_dma2 semaphore(%run_scoped3A : memref<!tpu.dma_semaphore, #tpu.memory_space<semaphore_mem>>) src(%arg11 : memref<80x128xf32, #tpu.memory_space<vmem>>) dst(%dma_wait3A_119 : memref<80x128xf32, #tpu.memory_space<vmem_shared>>)
      tpu.yield
    }) : () -> ()
    %add3A_19 = arith.constant 560 : i32
    %add3A_20 = arith.addi %mul3A_2, %add3A_19 : i32
    "tpu.region"() ({
      %run_scoped3A = tpu.sem_alloc : memref<!tpu.dma_semaphore, #tpu.memory_space<semaphore_mem>>
      %dma_start3A_112 = arith.constant 0 : i32
      %dma_start3A_113 = tpu.memref_slice %arg17[%add3A_20, %dma_start3A_112] : memref<10240x128xf32, #tpu.memory_space<vmem_shared>> -> memref<80x128xf32, #tpu.memory_space<vmem_shared>>
      %dma_start3A_114 = arith.constant 0 : i32
      %dma_start3A_115 = tpu.memref_slice %arg17[%add3A_20, %dma_start3A_114] : memref<10240x128xf32, #tpu.memory_space<vmem_shared>> -> memref<80x128xf32, #tpu.memory_space<vmem_shared>>
      tpu.enqueue_dma source(%arg11 : memref<80x128xf32, #tpu.memory_space<vmem>>) target(%dma_start3A_115 : memref<80x128xf32, #tpu.memory_space<vmem_shared>>) target_semaphore(%run_scoped3A : memref<!tpu.dma_semaphore, #tpu.memory_space<semaphore_mem>>)
      %dma_wait3A_116 = arith.constant 0 : i32
      %dma_wait3A_117 = tpu.memref_slice %arg17[%add3A_20, %dma_wait3A_116] : memref<10240x128xf32, #tpu.memory_space<vmem_shared>> -> memref<80x128xf32, #tpu.memory_space<vmem_shared>>
      %dma_wait3A_118 = arith.constant 0 : i32
      %dma_wait3A_119 = tpu.memref_slice %arg17[%add3A_20, %dma_wait3A_118] : memref<10240x128xf32, #tpu.memory_space<vmem_shared>> -> memref<80x128xf32, #tpu.memory_space<vmem_shared>>
      tpu.wait_dma2 semaphore(%run_scoped3A : memref<!tpu.dma_semaphore, #tpu.memory_space<semaphore_mem>>) src(%arg11 : memref<80x128xf32, #tpu.memory_space<vmem>>) dst(%dma_wait3A_119 : memref<80x128xf32, #tpu.memory_space<vmem_shared>>)
      tpu.yield
    }) : () -> ()
    %barrier3A = arith.constant 0 : index
    tpu.barrier barrier_id(%barrier3A)
    %add3A_21 = arith.constant 0 : i32
    %add3A_22 = arith.addi %mul3A_4, %add3A_21 : i32
    %dma_start3A = tpu.memref_slice %arg2[%add3A_22] : memref<320000xi32, #tpu.memory_space<hbm>> -> memref<80xi32, #tpu.memory_space<hbm>>
    %dma_start3A_23 = tpu.memref_slice %arg2[%add3A_22] : memref<320000xi32, #tpu.memory_space<hbm>> -> memref<80xi32, #tpu.memory_space<hbm>>
    tpu.enqueue_dma source(%dma_start3A_23 : memref<80xi32, #tpu.memory_space<hbm>>) target(%arg7 : memref<80xi32, #tpu.memory_space<vmem>>) target_semaphore(%arg13 : memref<!tpu.dma_semaphore, #tpu.memory_space<semaphore_mem>>)
    %dma_start3A_24 = tpu.memref_slice %arg3[%add3A_22] : memref<320000xi32, #tpu.memory_space<hbm>> -> memref<80xi32, #tpu.memory_space<hbm>>
    %dma_start3A_25 = tpu.memref_slice %arg3[%add3A_22] : memref<320000xi32, #tpu.memory_space<hbm>> -> memref<80xi32, #tpu.memory_space<hbm>>
    tpu.enqueue_dma source(%dma_start3A_25 : memref<80xi32, #tpu.memory_space<hbm>>) target(%arg8 : memref<80xi32, #tpu.memory_space<vmem>>) target_semaphore(%arg13 : memref<!tpu.dma_semaphore, #tpu.memory_space<semaphore_mem>>)
    %add3A_26 = arith.constant 80 : i32
    %add3A_27 = arith.addi %mul3A_4, %add3A_26 : i32
    %dma_start3A_28 = tpu.memref_slice %arg2[%add3A_27] : memref<320000xi32, #tpu.memory_space<hbm>> -> memref<80xi32, #tpu.memory_space<hbm>>
    %dma_start3A_29 = tpu.memref_slice %arg2[%add3A_27] : memref<320000xi32, #tpu.memory_space<hbm>> -> memref<80xi32, #tpu.memory_space<hbm>>
    tpu.enqueue_dma source(%dma_start3A_29 : memref<80xi32, #tpu.memory_space<hbm>>) target(%arg9 : memref<80xi32, #tpu.memory_space<vmem>>) target_semaphore(%arg14 : memref<!tpu.dma_semaphore, #tpu.memory_space<semaphore_mem>>)
    %dma_start3A_30 = tpu.memref_slice %arg3[%add3A_27] : memref<320000xi32, #tpu.memory_space<hbm>> -> memref<80xi32, #tpu.memory_space<hbm>>
    %dma_start3A_31 = tpu.memref_slice %arg3[%add3A_27] : memref<320000xi32, #tpu.memory_space<hbm>> -> memref<80xi32, #tpu.memory_space<hbm>>
    tpu.enqueue_dma source(%dma_start3A_31 : memref<80xi32, #tpu.memory_space<hbm>>) target(%arg10 : memref<80xi32, #tpu.memory_space<vmem>>) target_semaphore(%arg14 : memref<!tpu.dma_semaphore, #tpu.memory_space<semaphore_mem>>)
    %scan3A = arith.constant 0 : i32
    %scan3A_32 = arith.constant 0 : i32
    %scan3A_33 = arith.constant 61 : i32
    %scan3A_34 = arith.addi %scan3A_32, %scan3A_33 : i32
    %scan3A_35 = arith.constant 1 : i32
    %scan3A_36 = scf.for %scan3A_112 = %scan3A_32 to %scan3A_34 step %scan3A_35 iter_args(%scan3A_113 = %scan3A) -> (i32)  : i32 {
      %mul3A_114 = arith.constant 2 : i32
      %mul3A_115 = arith.muli %scan3A_112, %mul3A_114 : i32
      %add3A_116 = arith.constant 1 : i32
      %add3A_117 = arith.addi %mul3A_115, %add3A_116 : i32
      %mul3A_118 = arith.constant 80 : i32
      %mul3A_119 = arith.muli %mul3A_115, %mul3A_118 : i32
      %add3A_120 = arith.addi %mul3A_4, %mul3A_119 : i32
      %dma_wait3A_121 = tpu.memref_slice %arg2[%add3A_120] : memref<320000xi32, #tpu.memory_space<hbm>> -> memref<80xi32, #tpu.memory_space<hbm>>
      %dma_wait3A_122 = tpu.memref_slice %arg2[%add3A_120] : memref<320000xi32, #tpu.memory_space<hbm>> -> memref<80xi32, #tpu.memory_space<hbm>>
      tpu.wait_dma2 semaphore(%arg13 : memref<!tpu.dma_semaphore, #tpu.memory_space<semaphore_mem>>) src(%dma_wait3A_122 : memref<80xi32, #tpu.memory_space<hbm>>) dst(%arg7 : memref<80xi32, #tpu.memory_space<vmem>>)
      %dma_wait3A_123 = tpu.memref_slice %arg3[%add3A_120] : memref<320000xi32, #tpu.memory_space<hbm>> -> memref<80xi32, #tpu.memory_space<hbm>>
      %dma_wait3A_124 = tpu.memref_slice %arg3[%add3A_120] : memref<320000xi32, #tpu.memory_space<hbm>> -> memref<80xi32, #tpu.memory_space<hbm>>
      tpu.wait_dma2 semaphore(%arg13 : memref<!tpu.dma_semaphore, #tpu.memory_space<semaphore_mem>>) src(%dma_wait3A_124 : memref<80xi32, #tpu.memory_space<hbm>>) dst(%arg8 : memref<80xi32, #tpu.memory_space<vmem>>)
      %dma_start3A_125 = arith.constant 0 : i32
      %dma_start3A_126 = arith.constant 0 : i32
      %dma_start3A_127 = tpu.memref_slice %arg4[%dma_start3A_125, %dma_start3A_126] : memref<10000x128xf32, #tpu.memory_space<hbm>> -> memref<10000x128xf32, #tpu.memory_space<hbm>>
      tpu.enqueue_indirect_dma source(%dma_start3A_127 : memref<10000x128xf32, #tpu.memory_space<hbm>>) target(%arg11 : memref<80x128xf32, #tpu.memory_space<vmem>>) offsets(%arg7 : memref<80xi32, #tpu.memory_space<vmem>>) semaphore(%arg15 : memref<!tpu.dma_semaphore, #tpu.memory_space<semaphore_mem>>)
      %dma_wait3A_128 = arith.constant 0 : i32
      %dma_wait3A_129 = arith.constant 0 : i32
      %dma_wait3A_130 = tpu.memref_slice %arg4[%dma_wait3A_128, %dma_wait3A_129] : memref<10000x128xf32, #tpu.memory_space<hbm>> -> memref<10000x128xf32, #tpu.memory_space<hbm>>
      tpu.wait_indirect_dma semaphore(%arg15 : memref<!tpu.dma_semaphore, #tpu.memory_space<semaphore_mem>>) src(%dma_wait3A_130 : memref<10000x128xf32, #tpu.memory_space<hbm>>) dst(%arg11 : memref<80x128xf32, #tpu.memory_space<vmem>>)
      "tpu.region"() ({
        %run_scoped3A = tpu.sem_alloc : memref<!tpu.dma_semaphore, #tpu.memory_space<semaphore_mem>>
        %dma_start3A_163 = arith.constant 0 : i32
        %dma_start3A_164 = arith.constant 0 : i32
        %dma_start3A_165 = tpu.memref_slice %arg17[%dma_start3A_163, %dma_start3A_164] : memref<10240x128xf32, #tpu.memory_space<vmem_shared>> -> memref<10240x128xf32, #tpu.memory_space<vmem_shared>>
        tpu.enqueue_indirect_dma source(%arg11 : memref<80x128xf32, #tpu.memory_space<vmem>>) target(%dma_start3A_165 : memref<10240x128xf32, #tpu.memory_space<vmem_shared>>) offsets(%arg8 : memref<80xi32, #tpu.memory_space<vmem>>) semaphore(%run_scoped3A : memref<!tpu.dma_semaphore, #tpu.memory_space<semaphore_mem>>) {add = true}
        %dma_wait3A_166 = arith.constant 0 : i32
        %dma_wait3A_167 = arith.constant 0 : i32
        %dma_wait3A_168 = tpu.memref_slice %arg17[%dma_wait3A_166, %dma_wait3A_167] : memref<10240x128xf32, #tpu.memory_space<vmem_shared>> -> memref<10240x128xf32, #tpu.memory_space<vmem_shared>>
        tpu.wait_indirect_dma semaphore(%run_scoped3A : memref<!tpu.dma_semaphore, #tpu.memory_space<semaphore_mem>>) src(%arg11 : memref<80x128xf32, #tpu.memory_space<vmem>>) dst(%dma_wait3A_168 : memref<10240x128xf32, #tpu.memory_space<vmem_shared>>)
        tpu.yield
      }) : () -> ()
      %add3A_131 = arith.constant 2 : i32
      %add3A_132 = arith.addi %mul3A_115, %add3A_131 : i32
      %mul3A_133 = arith.constant 80 : i32
      %mul3A_134 = arith.muli %add3A_132, %mul3A_133 : i32
      %add3A_135 = arith.addi %mul3A_4, %mul3A_134 : i32
      %dma_start3A_136 = tpu.memref_slice %arg2[%add3A_135] : memref<320000xi32, #tpu.memory_space<hbm>> -> memref<80xi32, #tpu.memory_space<hbm>>
      %dma_start3A_137 = tpu.memref_slice %arg2[%add3A_135] : memref<320000xi32, #tpu.memory_space<hbm>> -> memref<80xi32, #tpu.memory_space<hbm>>
      tpu.enqueue_dma source(%dma_start3A_137 : memref<80xi32, #tpu.memory_space<hbm>>) target(%arg7 : memref<80xi32, #tpu.memory_space<vmem>>) target_semaphore(%arg13 : memref<!tpu.dma_semaphore, #tpu.memory_space<semaphore_mem>>)
      %dma_start3A_138 = tpu.memref_slice %arg3[%add3A_135] : memref<320000xi32, #tpu.memory_space<hbm>> -> memref<80xi32, #tpu.memory_space<hbm>>
      %dma_start3A_139 = tpu.memref_slice %arg3[%add3A_135] : memref<320000xi32, #tpu.memory_space<hbm>> -> memref<80xi32, #tpu.memory_space<hbm>>
      tpu.enqueue_dma source(%dma_start3A_139 : memref<80xi32, #tpu.memory_space<hbm>>) target(%arg8 : memref<80xi32, #tpu.memory_space<vmem>>) target_semaphore(%arg13 : memref<!tpu.dma_semaphore, #tpu.memory_space<semaphore_mem>>)
      %mul3A_140 = arith.constant 80 : i32
      %mul3A_141 = arith.muli %add3A_117, %mul3A_140 : i32
      %add3A_142 = arith.addi %mul3A_4, %mul3A_141 : i32
      %dma_wait3A_143 = tpu.memref_slice %arg2[%add3A_142] : memref<320000xi32, #tpu.memory_space<hbm>> -> memref<80xi32, #tpu.memory_space<hbm>>
      %dma_wait3A_144 = tpu.memref_slice %arg2[%add3A_142] : memref<320000xi32, #tpu.memory_space<hbm>> -> memref<80xi32, #tpu.memory_space<hbm>>
      tpu.wait_dma2 semaphore(%arg14 : memref<!tpu.dma_semaphore, #tpu.memory_space<semaphore_mem>>) src(%dma_wait3A_144 : memref<80xi32, #tpu.memory_space<hbm>>) dst(%arg9 : memref<80xi32, #tpu.memory_space<vmem>>)
      %dma_wait3A_145 = tpu.memref_slice %arg3[%add3A_142] : memref<320000xi32, #tpu.memory_space<hbm>> -> memref<80xi32, #tpu.memory_space<hbm>>
      %dma_wait3A_146 = tpu.memref_slice %arg3[%add3A_142] : memref<320000xi32, #tpu.memory_space<hbm>> -> memref<80xi32, #tpu.memory_space<hbm>>
      tpu.wait_dma2 semaphore(%arg14 : memref<!tpu.dma_semaphore, #tpu.memory_space<semaphore_mem>>) src(%dma_wait3A_146 : memref<80xi32, #tpu.memory_space<hbm>>) dst(%arg10 : memref<80xi32, #tpu.memory_space<vmem>>)
      %dma_start3A_147 = arith.constant 0 : i32
      %dma_start3A_148 = arith.constant 0 : i32
      %dma_start3A_149 = tpu.memref_slice %arg4[%dma_start3A_147, %dma_start3A_148] : memref<10000x128xf32, #tpu.memory_space<hbm>> -> memref<10000x128xf32, #tpu.memory_space<hbm>>
      tpu.enqueue_indirect_dma source(%dma_start3A_149 : memref<10000x128xf32, #tpu.memory_space<hbm>>) target(%arg12 : memref<80x128xf32, #tpu.memory_space<vmem>>) offsets(%arg9 : memref<80xi32, #tpu.memory_space<vmem>>) semaphore(%arg16 : memref<!tpu.dma_semaphore, #tpu.memory_space<semaphore_mem>>)
      %dma_wait3A_150 = arith.constant 0 : i32
      %dma_wait3A_151 = arith.constant 0 : i32
      %dma_wait3A_152 = tpu.memref_slice %arg4[%dma_wait3A_150, %dma_wait3A_151] : memref<10000x128xf32, #tpu.memory_space<hbm>> -> memref<10000x128xf32, #tpu.memory_space<hbm>>
      tpu.wait_indirect_dma semaphore(%arg16 : memref<!tpu.dma_semaphore, #tpu.memory_space<semaphore_mem>>) src(%dma_wait3A_152 : memref<10000x128xf32, #tpu.memory_space<hbm>>) dst(%arg12 : memref<80x128xf32, #tpu.memory_space<vmem>>)
      "tpu.region"() ({
        %run_scoped3A = tpu.sem_alloc : memref<!tpu.dma_semaphore, #tpu.memory_space<semaphore_mem>>
        %dma_start3A_163 = arith.constant 0 : i32
        %dma_start3A_164 = arith.constant 0 : i32
        %dma_start3A_165 = tpu.memref_slice %arg17[%dma_start3A_163, %dma_start3A_164] : memref<10240x128xf32, #tpu.memory_space<vmem_shared>> -> memref<10240x128xf32, #tpu.memory_space<vmem_shared>>
        tpu.enqueue_indirect_dma source(%arg12 : memref<80x128xf32, #tpu.memory_space<vmem>>) target(%dma_start3A_165 : memref<10240x128xf32, #tpu.memory_space<vmem_shared>>) offsets(%arg10 : memref<80xi32, #tpu.memory_space<vmem>>) semaphore(%run_scoped3A : memref<!tpu.dma_semaphore, #tpu.memory_space<semaphore_mem>>) {add = true}
        %dma_wait3A_166 = arith.constant 0 : i32
        %dma_wait3A_167 = arith.constant 0 : i32
        %dma_wait3A_168 = tpu.memref_slice %arg17[%dma_wait3A_166, %dma_wait3A_167] : memref<10240x128xf32, #tpu.memory_space<vmem_shared>> -> memref<10240x128xf32, #tpu.memory_space<vmem_shared>>
        tpu.wait_indirect_dma semaphore(%run_scoped3A : memref<!tpu.dma_semaphore, #tpu.memory_space<semaphore_mem>>) src(%arg12 : memref<80x128xf32, #tpu.memory_space<vmem>>) dst(%dma_wait3A_168 : memref<10240x128xf32, #tpu.memory_space<vmem_shared>>)
        tpu.yield
      }) : () -> ()
      %add3A_153 = arith.constant 2 : i32
      %add3A_154 = arith.addi %add3A_117, %add3A_153 : i32
      %mul3A_155 = arith.constant 80 : i32
      %mul3A_156 = arith.muli %add3A_154, %mul3A_155 : i32
      %add3A_157 = arith.addi %mul3A_4, %mul3A_156 : i32
      %dma_start3A_158 = tpu.memref_slice %arg2[%add3A_157] : memref<320000xi32, #tpu.memory_space<hbm>> -> memref<80xi32, #tpu.memory_space<hbm>>
      %dma_start3A_159 = tpu.memref_slice %arg2[%add3A_157] : memref<320000xi32, #tpu.memory_space<hbm>> -> memref<80xi32, #tpu.memory_space<hbm>>
      tpu.enqueue_dma source(%dma_start3A_159 : memref<80xi32, #tpu.memory_space<hbm>>) target(%arg9 : memref<80xi32, #tpu.memory_space<vmem>>) target_semaphore(%arg14 : memref<!tpu.dma_semaphore, #tpu.memory_space<semaphore_mem>>)
      %dma_start3A_160 = tpu.memref_slice %arg3[%add3A_157] : memref<320000xi32, #tpu.memory_space<hbm>> -> memref<80xi32, #tpu.memory_space<hbm>>
      %dma_start3A_161 = tpu.memref_slice %arg3[%add3A_157] : memref<320000xi32, #tpu.memory_space<hbm>> -> memref<80xi32, #tpu.memory_space<hbm>>
      tpu.enqueue_dma source(%dma_start3A_161 : memref<80xi32, #tpu.memory_space<hbm>>) target(%arg10 : memref<80xi32, #tpu.memory_space<vmem>>) target_semaphore(%arg14 : memref<!tpu.dma_semaphore, #tpu.memory_space<semaphore_mem>>)
      %scan3A_162 = arith.constant 0 : i32
      scf.yield %scan3A_162 : i32
    }
    %scan3A_37 = arith.constant 61 : i32
    %add3A_38 = arith.constant 9760 : i32
    %add3A_39 = arith.addi %mul3A_4, %add3A_38 : i32
    %dma_wait3A = tpu.memref_slice %arg2[%add3A_39] : memref<320000xi32, #tpu.memory_space<hbm>> -> memref<80xi32, #tpu.memory_space<hbm>>
    %dma_wait3A_40 = tpu.memref_slice %arg2[%add3A_39] : memref<320000xi32, #tpu.memory_space<hbm>> -> memref<80xi32, #tpu.memory_space<hbm>>
    tpu.wait_dma2 semaphore(%arg13 : memref<!tpu.dma_semaphore, #tpu.memory_space<semaphore_mem>>) src(%dma_wait3A_40 : memref<80xi32, #tpu.memory_space<hbm>>) dst(%arg7 : memref<80xi32, #tpu.memory_space<vmem>>)
    %dma_wait3A_41 = tpu.memref_slice %arg3[%add3A_39] : memref<320000xi32, #tpu.memory_space<hbm>> -> memref<80xi32, #tpu.memory_space<hbm>>
    %dma_wait3A_42 = tpu.memref_slice %arg3[%add3A_39] : memref<320000xi32, #tpu.memory_space<hbm>> -> memref<80xi32, #tpu.memory_space<hbm>>
    tpu.wait_dma2 semaphore(%arg13 : memref<!tpu.dma_semaphore, #tpu.memory_space<semaphore_mem>>) src(%dma_wait3A_42 : memref<80xi32, #tpu.memory_space<hbm>>) dst(%arg8 : memref<80xi32, #tpu.memory_space<vmem>>)
    %dma_start3A_43 = arith.constant 0 : i32
    %dma_start3A_44 = arith.constant 0 : i32
    %dma_start3A_45 = tpu.memref_slice %arg4[%dma_start3A_43, %dma_start3A_44] : memref<10000x128xf32, #tpu.memory_space<hbm>> -> memref<10000x128xf32, #tpu.memory_space<hbm>>
    tpu.enqueue_indirect_dma source(%dma_start3A_45 : memref<10000x128xf32, #tpu.memory_space<hbm>>) target(%arg11 : memref<80x128xf32, #tpu.memory_space<vmem>>) offsets(%arg7 : memref<80xi32, #tpu.memory_space<vmem>>) semaphore(%arg15 : memref<!tpu.dma_semaphore, #tpu.memory_space<semaphore_mem>>)
    %dma_wait3A_46 = arith.constant 0 : i32
    %dma_wait3A_47 = arith.constant 0 : i32
    %dma_wait3A_48 = tpu.memref_slice %arg4[%dma_wait3A_46, %dma_wait3A_47] : memref<10000x128xf32, #tpu.memory_space<hbm>> -> memref<10000x128xf32, #tpu.memory_space<hbm>>
    tpu.wait_indirect_dma semaphore(%arg15 : memref<!tpu.dma_semaphore, #tpu.memory_space<semaphore_mem>>) src(%dma_wait3A_48 : memref<10000x128xf32, #tpu.memory_space<hbm>>) dst(%arg11 : memref<80x128xf32, #tpu.memory_space<vmem>>)
    "tpu.region"() ({
      %run_scoped3A = tpu.sem_alloc : memref<!tpu.dma_semaphore, #tpu.memory_space<semaphore_mem>>
      %dma_start3A_112 = arith.constant 0 : i32
      %dma_start3A_113 = arith.constant 0 : i32
      %dma_start3A_114 = tpu.memref_slice %arg17[%dma_start3A_112, %dma_start3A_113] : memref<10240x128xf32, #tpu.memory_space<vmem_shared>> -> memref<10240x128xf32, #tpu.memory_space<vmem_shared>>
      tpu.enqueue_indirect_dma source(%arg11 : memref<80x128xf32, #tpu.memory_space<vmem>>) target(%dma_start3A_114 : memref<10240x128xf32, #tpu.memory_space<vmem_shared>>) offsets(%arg8 : memref<80xi32, #tpu.memory_space<vmem>>) semaphore(%run_scoped3A : memref<!tpu.dma_semaphore, #tpu.memory_space<semaphore_mem>>) {add = true}
      %dma_wait3A_115 = arith.constant 0 : i32
      %dma_wait3A_116 = arith.constant 0 : i32
      %dma_wait3A_117 = tpu.memref_slice %arg17[%dma_wait3A_115, %dma_wait3A_116] : memref<10240x128xf32, #tpu.memory_space<vmem_shared>> -> memref<10240x128xf32, #tpu.memory_space<vmem_shared>>
      tpu.wait_indirect_dma semaphore(%run_scoped3A : memref<!tpu.dma_semaphore, #tpu.memory_space<semaphore_mem>>) src(%arg11 : memref<80x128xf32, #tpu.memory_space<vmem>>) dst(%dma_wait3A_117 : memref<10240x128xf32, #tpu.memory_space<vmem_shared>>)
      tpu.yield
    }) : () -> ()
    %add3A_49 = arith.constant 9920 : i32
    %add3A_50 = arith.addi %mul3A_4, %add3A_49 : i32
    %dma_start3A_51 = tpu.memref_slice %arg2[%add3A_50] : memref<320000xi32, #tpu.memory_space<hbm>> -> memref<80xi32, #tpu.memory_space<hbm>>
    %dma_start3A_52 = tpu.memref_slice %arg2[%add3A_50] : memref<320000xi32, #tpu.memory_space<hbm>> -> memref<80xi32, #tpu.memory_space<hbm>>
    tpu.enqueue_dma source(%dma_start3A_52 : memref<80xi32, #tpu.memory_space<hbm>>) target(%arg7 : memref<80xi32, #tpu.memory_space<vmem>>) target_semaphore(%arg13 : memref<!tpu.dma_semaphore, #tpu.memory_space<semaphore_mem>>)
    %dma_start3A_53 = tpu.memref_slice %arg3[%add3A_50] : memref<320000xi32, #tpu.memory_space<hbm>> -> memref<80xi32, #tpu.memory_space<hbm>>
    %dma_start3A_54 = tpu.memref_slice %arg3[%add3A_50] : memref<320000xi32, #tpu.memory_space<hbm>> -> memref<80xi32, #tpu.memory_space<hbm>>
    tpu.enqueue_dma source(%dma_start3A_54 : memref<80xi32, #tpu.memory_space<hbm>>) target(%arg8 : memref<80xi32, #tpu.memory_space<vmem>>) target_semaphore(%arg13 : memref<!tpu.dma_semaphore, #tpu.memory_space<semaphore_mem>>)
    %add3A_55 = arith.constant 9840 : i32
    %add3A_56 = arith.addi %mul3A_4, %add3A_55 : i32
    %dma_wait3A_57 = tpu.memref_slice %arg2[%add3A_56] : memref<320000xi32, #tpu.memory_space<hbm>> -> memref<80xi32, #tpu.memory_space<hbm>>
    %dma_wait3A_58 = tpu.memref_slice %arg2[%add3A_56] : memref<320000xi32, #tpu.memory_space<hbm>> -> memref<80xi32, #tpu.memory_space<hbm>>
    tpu.wait_dma2 semaphore(%arg14 : memref<!tpu.dma_semaphore, #tpu.memory_space<semaphore_mem>>) src(%dma_wait3A_58 : memref<80xi32, #tpu.memory_space<hbm>>) dst(%arg9 : memref<80xi32, #tpu.memory_space<vmem>>)
    %dma_wait3A_59 = tpu.memref_slice %arg3[%add3A_56] : memref<320000xi32, #tpu.memory_space<hbm>> -> memref<80xi32, #tpu.memory_space<hbm>>
    %dma_wait3A_60 = tpu.memref_slice %arg3[%add3A_56] : memref<320000xi32, #tpu.memory_space<hbm>> -> memref<80xi32, #tpu.memory_space<hbm>>
    tpu.wait_dma2 semaphore(%arg14 : memref<!tpu.dma_semaphore, #tpu.memory_space<semaphore_mem>>) src(%dma_wait3A_60 : memref<80xi32, #tpu.memory_space<hbm>>) dst(%arg10 : memref<80xi32, #tpu.memory_space<vmem>>)
    %dma_start3A_61 = arith.constant 0 : i32
    %dma_start3A_62 = arith.constant 0 : i32
    %dma_start3A_63 = tpu.memref_slice %arg4[%dma_start3A_61, %dma_start3A_62] : memref<10000x128xf32, #tpu.memory_space<hbm>> -> memref<10000x128xf32, #tpu.memory_space<hbm>>
    tpu.enqueue_indirect_dma source(%dma_start3A_63 : memref<10000x128xf32, #tpu.memory_space<hbm>>) target(%arg12 : memref<80x128xf32, #tpu.memory_space<vmem>>) offsets(%arg9 : memref<80xi32, #tpu.memory_space<vmem>>) semaphore(%arg16 : memref<!tpu.dma_semaphore, #tpu.memory_space<semaphore_mem>>)
    %dma_wait3A_64 = arith.constant 0 : i32
    %dma_wait3A_65 = arith.constant 0 : i32
    %dma_wait3A_66 = tpu.memref_slice %arg4[%dma_wait3A_64, %dma_wait3A_65] : memref<10000x128xf32, #tpu.memory_space<hbm>> -> memref<10000x128xf32, #tpu.memory_space<hbm>>
    tpu.wait_indirect_dma semaphore(%arg16 : memref<!tpu.dma_semaphore, #tpu.memory_space<semaphore_mem>>) src(%dma_wait3A_66 : memref<10000x128xf32, #tpu.memory_space<hbm>>) dst(%arg12 : memref<80x128xf32, #tpu.memory_space<vmem>>)
    "tpu.region"() ({
      %run_scoped3A = tpu.sem_alloc : memref<!tpu.dma_semaphore, #tpu.memory_space<semaphore_mem>>
      %dma_start3A_112 = arith.constant 0 : i32
      %dma_start3A_113 = arith.constant 0 : i32
      %dma_start3A_114 = tpu.memref_slice %arg17[%dma_start3A_112, %dma_start3A_113] : memref<10240x128xf32, #tpu.memory_space<vmem_shared>> -> memref<10240x128xf32, #tpu.memory_space<vmem_shared>>
      tpu.enqueue_indirect_dma source(%arg12 : memref<80x128xf32, #tpu.memory_space<vmem>>) target(%dma_start3A_114 : memref<10240x128xf32, #tpu.memory_space<vmem_shared>>) offsets(%arg10 : memref<80xi32, #tpu.memory_space<vmem>>) semaphore(%run_scoped3A : memref<!tpu.dma_semaphore, #tpu.memory_space<semaphore_mem>>) {add = true}
      %dma_wait3A_115 = arith.constant 0 : i32
      %dma_wait3A_116 = arith.constant 0 : i32
      %dma_wait3A_117 = tpu.memref_slice %arg17[%dma_wait3A_115, %dma_wait3A_116] : memref<10240x128xf32, #tpu.memory_space<vmem_shared>> -> memref<10240x128xf32, #tpu.memory_space<vmem_shared>>
      tpu.wait_indirect_dma semaphore(%run_scoped3A : memref<!tpu.dma_semaphore, #tpu.memory_space<semaphore_mem>>) src(%arg12 : memref<80x128xf32, #tpu.memory_space<vmem>>) dst(%dma_wait3A_117 : memref<10240x128xf32, #tpu.memory_space<vmem_shared>>)
      tpu.yield
    }) : () -> ()
    %add3A_67 = arith.constant 9920 : i32
    %add3A_68 = arith.addi %mul3A_4, %add3A_67 : i32
    %dma_wait3A_69 = tpu.memref_slice %arg2[%add3A_68] : memref<320000xi32, #tpu.memory_space<hbm>> -> memref<80xi32, #tpu.memory_space<hbm>>
    %dma_wait3A_70 = tpu.memref_slice %arg2[%add3A_68] : memref<320000xi32, #tpu.memory_space<hbm>> -> memref<80xi32, #tpu.memory_space<hbm>>
    tpu.wait_dma2 semaphore(%arg13 : memref<!tpu.dma_semaphore, #tpu.memory_space<semaphore_mem>>) src(%dma_wait3A_70 : memref<80xi32, #tpu.memory_space<hbm>>) dst(%arg7 : memref<80xi32, #tpu.memory_space<vmem>>)
    %dma_wait3A_71 = tpu.memref_slice %arg3[%add3A_68] : memref<320000xi32, #tpu.memory_space<hbm>> -> memref<80xi32, #tpu.memory_space<hbm>>
    %dma_wait3A_72 = tpu.memref_slice %arg3[%add3A_68] : memref<320000xi32, #tpu.memory_space<hbm>> -> memref<80xi32, #tpu.memory_space<hbm>>
    tpu.wait_dma2 semaphore(%arg13 : memref<!tpu.dma_semaphore, #tpu.memory_space<semaphore_mem>>) src(%dma_wait3A_72 : memref<80xi32, #tpu.memory_space<hbm>>) dst(%arg8 : memref<80xi32, #tpu.memory_space<vmem>>)
    %dma_start3A_73 = arith.constant 0 : i32
    %dma_start3A_74 = arith.constant 0 : i32
    %dma_start3A_75 = tpu.memref_slice %arg4[%dma_start3A_73, %dma_start3A_74] : memref<10000x128xf32, #tpu.memory_space<hbm>> -> memref<10000x128xf32, #tpu.memory_space<hbm>>
    tpu.enqueue_indirect_dma source(%dma_start3A_75 : memref<10000x128xf32, #tpu.memory_space<hbm>>) target(%arg11 : memref<80x128xf32, #tpu.memory_space<vmem>>) offsets(%arg7 : memref<80xi32, #tpu.memory_space<vmem>>) semaphore(%arg15 : memref<!tpu.dma_semaphore, #tpu.memory_space<semaphore_mem>>)
    %dma_wait3A_76 = arith.constant 0 : i32
    %dma_wait3A_77 = arith.constant 0 : i32
    %dma_wait3A_78 = tpu.memref_slice %arg4[%dma_wait3A_76, %dma_wait3A_77] : memref<10000x128xf32, #tpu.memory_space<hbm>> -> memref<10000x128xf32, #tpu.memory_space<hbm>>
    tpu.wait_indirect_dma semaphore(%arg15 : memref<!tpu.dma_semaphore, #tpu.memory_space<semaphore_mem>>) src(%dma_wait3A_78 : memref<10000x128xf32, #tpu.memory_space<hbm>>) dst(%arg11 : memref<80x128xf32, #tpu.memory_space<vmem>>)
    "tpu.region"() ({
      %run_scoped3A = tpu.sem_alloc : memref<!tpu.dma_semaphore, #tpu.memory_space<semaphore_mem>>
      %dma_start3A_112 = arith.constant 0 : i32
      %dma_start3A_113 = arith.constant 0 : i32
      %dma_start3A_114 = tpu.memref_slice %arg17[%dma_start3A_112, %dma_start3A_113] : memref<10240x128xf32, #tpu.memory_space<vmem_shared>> -> memref<10240x128xf32, #tpu.memory_space<vmem_shared>>
      tpu.enqueue_indirect_dma source(%arg11 : memref<80x128xf32, #tpu.memory_space<vmem>>) target(%dma_start3A_114 : memref<10240x128xf32, #tpu.memory_space<vmem_shared>>) offsets(%arg8 : memref<80xi32, #tpu.memory_space<vmem>>) semaphore(%run_scoped3A : memref<!tpu.dma_semaphore, #tpu.memory_space<semaphore_mem>>) {add = true}
      %dma_wait3A_115 = arith.constant 0 : i32
      %dma_wait3A_116 = arith.constant 0 : i32
      %dma_wait3A_117 = tpu.memref_slice %arg17[%dma_wait3A_115, %dma_wait3A_116] : memref<10240x128xf32, #tpu.memory_space<vmem_shared>> -> memref<10240x128xf32, #tpu.memory_space<vmem_shared>>
      tpu.wait_indirect_dma semaphore(%run_scoped3A : memref<!tpu.dma_semaphore, #tpu.memory_space<semaphore_mem>>) src(%arg11 : memref<80x128xf32, #tpu.memory_space<vmem>>) dst(%dma_wait3A_117 : memref<10240x128xf32, #tpu.memory_space<vmem_shared>>)
      tpu.yield
    }) : () -> ()
    %barrier3A_79 = arith.constant 0 : index
    tpu.barrier barrier_id(%barrier3A_79)
    %add3A_80 = arith.constant 0 : i32
    %add3A_81 = arith.addi %mul3A_2, %add3A_80 : i32
    "tpu.region"() ({
      %run_scoped3A = tpu.sem_alloc : memref<!tpu.dma_semaphore, #tpu.memory_space<semaphore_mem>>
      %dma_start3A_112 = arith.constant 0 : i32
      %dma_start3A_113 = tpu.memref_slice %arg17[%add3A_81, %dma_start3A_112] : memref<10240x128xf32, #tpu.memory_space<vmem_shared>> -> memref<80x128xf32, #tpu.memory_space<vmem_shared>>
      %dma_start3A_114 = arith.constant 0 : i32
      %dma_start3A_115 = tpu.memref_slice %arg17[%add3A_81, %dma_start3A_114] : memref<10240x128xf32, #tpu.memory_space<vmem_shared>> -> memref<80x128xf32, #tpu.memory_space<vmem_shared>>
      tpu.enqueue_dma source(%dma_start3A_115 : memref<80x128xf32, #tpu.memory_space<vmem_shared>>) target(%arg11 : memref<80x128xf32, #tpu.memory_space<vmem>>) target_semaphore(%run_scoped3A : memref<!tpu.dma_semaphore, #tpu.memory_space<semaphore_mem>>)
      %dma_wait3A_116 = arith.constant 0 : i32
      %dma_wait3A_117 = tpu.memref_slice %arg17[%add3A_81, %dma_wait3A_116] : memref<10240x128xf32, #tpu.memory_space<vmem_shared>> -> memref<80x128xf32, #tpu.memory_space<vmem_shared>>
      %dma_wait3A_118 = arith.constant 0 : i32
      %dma_wait3A_119 = tpu.memref_slice %arg17[%add3A_81, %dma_wait3A_118] : memref<10240x128xf32, #tpu.memory_space<vmem_shared>> -> memref<80x128xf32, #tpu.memory_space<vmem_shared>>
      tpu.wait_dma2 semaphore(%run_scoped3A : memref<!tpu.dma_semaphore, #tpu.memory_space<semaphore_mem>>) src(%dma_wait3A_119 : memref<80x128xf32, #tpu.memory_space<vmem_shared>>) dst(%arg11 : memref<80x128xf32, #tpu.memory_space<vmem>>)
      tpu.yield
    }) : () -> ()
    %add3A_82 = arith.constant 0 : i32
    %add3A_83 = arith.addi %mul3A_2, %add3A_82 : i32
    "tpu.region"() ({
      %run_scoped3A = tpu.sem_alloc : memref<!tpu.dma_semaphore, #tpu.memory_space<semaphore_mem>>
      %dma_start3A_112 = arith.constant 0 : i32
      %dma_start3A_113 = tpu.memref_slice %arg6[%arg0, %add3A_83, %dma_start3A_112] : memref<2x10240x128xf32, #tpu.memory_space<hbm>> -> memref<1x80x128xf32, #tpu.memory_space<hbm>>
      %dma_start3A_114 = tpu.memref_squeeze %dma_start3A_113 : memref<1x80x128xf32, #tpu.memory_space<hbm>> -> memref<80x128xf32, #tpu.memory_space<hbm>>
      %dma_start3A_115 = arith.constant 0 : i32
      %dma_start3A_116 = tpu.memref_slice %arg6[%arg0, %add3A_83, %dma_start3A_115] : memref<2x10240x128xf32, #tpu.memory_space<hbm>> -> memref<1x80x128xf32, #tpu.memory_space<hbm>>
      %dma_start3A_117 = tpu.memref_squeeze %dma_start3A_116 : memref<1x80x128xf32, #tpu.memory_space<hbm>> -> memref<80x128xf32, #tpu.memory_space<hbm>>
      tpu.enqueue_dma source(%arg11 : memref<80x128xf32, #tpu.memory_space<vmem>>) target(%dma_start3A_117 : memref<80x128xf32, #tpu.memory_space<hbm>>) target_semaphore(%run_scoped3A : memref<!tpu.dma_semaphore, #tpu.memory_space<semaphore_mem>>)
      %dma_wait3A_118 = arith.constant 0 : i32
      %dma_wait3A_119 = tpu.memref_slice %arg6[%arg0, %add3A_83, %dma_wait3A_118] : memref<2x10240x128xf32, #tpu.memory_space<hbm>> -> memref<1x80x128xf32, #tpu.memory_space<hbm>>
      %dma_wait3A_120 = tpu.memref_squeeze %dma_wait3A_119 : memref<1x80x128xf32, #tpu.memory_space<hbm>> -> memref<80x128xf32, #tpu.memory_space<hbm>>
      %dma_wait3A_121 = arith.constant 0 : i32
      %dma_wait3A_122 = tpu.memref_slice %arg6[%arg0, %add3A_83, %dma_wait3A_121] : memref<2x10240x128xf32, #tpu.memory_space<hbm>> -> memref<1x80x128xf32, #tpu.memory_space<hbm>>
      %dma_wait3A_123 = tpu.memref_squeeze %dma_wait3A_122 : memref<1x80x128xf32, #tpu.memory_space<hbm>> -> memref<80x128xf32, #tpu.memory_space<hbm>>
      tpu.wait_dma2 semaphore(%run_scoped3A : memref<!tpu.dma_semaphore, #tpu.memory_space<semaphore_mem>>) src(%arg11 : memref<80x128xf32, #tpu.memory_space<vmem>>) dst(%dma_wait3A_123 : memref<80x128xf32, #tpu.memory_space<hbm>>)
      tpu.yield
    }) : () -> ()
    %add3A_84 = arith.constant 80 : i32
    %add3A_85 = arith.addi %mul3A_2, %add3A_84 : i32
    "tpu.region"() ({
      %run_scoped3A = tpu.sem_alloc : memref<!tpu.dma_semaphore, #tpu.memory_space<semaphore_mem>>
      %dma_start3A_112 = arith.constant 0 : i32
      %dma_start3A_113 = tpu.memref_slice %arg17[%add3A_85, %dma_start3A_112] : memref<10240x128xf32, #tpu.memory_space<vmem_shared>> -> memref<80x128xf32, #tpu.memory_space<vmem_shared>>
      %dma_start3A_114 = arith.constant 0 : i32
      %dma_start3A_115 = tpu.memref_slice %arg17[%add3A_85, %dma_start3A_114] : memref<10240x128xf32, #tpu.memory_space<vmem_shared>> -> memref<80x128xf32, #tpu.memory_space<vmem_shared>>
      tpu.enqueue_dma source(%dma_start3A_115 : memref<80x128xf32, #tpu.memory_space<vmem_shared>>) target(%arg11 : memref<80x128xf32, #tpu.memory_space<vmem>>) target_semaphore(%run_scoped3A : memref<!tpu.dma_semaphore, #tpu.memory_space<semaphore_mem>>)
      %dma_wait3A_116 = arith.constant 0 : i32
      %dma_wait3A_117 = tpu.memref_slice %arg17[%add3A_85, %dma_wait3A_116] : memref<10240x128xf32, #tpu.memory_space<vmem_shared>> -> memref<80x128xf32, #tpu.memory_space<vmem_shared>>
      %dma_wait3A_118 = arith.constant 0 : i32
      %dma_wait3A_119 = tpu.memref_slice %arg17[%add3A_85, %dma_wait3A_118] : memref<10240x128xf32, #tpu.memory_space<vmem_shared>> -> memref<80x128xf32, #tpu.memory_space<vmem_shared>>
      tpu.wait_dma2 semaphore(%run_scoped3A : memref<!tpu.dma_semaphore, #tpu.memory_space<semaphore_mem>>) src(%dma_wait3A_119 : memref<80x128xf32, #tpu.memory_space<vmem_shared>>) dst(%arg11 : memref<80x128xf32, #tpu.memory_space<vmem>>)
      tpu.yield
    }) : () -> ()
    %add3A_86 = arith.constant 80 : i32
    %add3A_87 = arith.addi %mul3A_2, %add3A_86 : i32
    "tpu.region"() ({
      %run_scoped3A = tpu.sem_alloc : memref<!tpu.dma_semaphore, #tpu.memory_space<semaphore_mem>>
      %dma_start3A_112 = arith.constant 0 : i32
      %dma_start3A_113 = tpu.memref_slice %arg6[%arg0, %add3A_87, %dma_start3A_112] : memref<2x10240x128xf32, #tpu.memory_space<hbm>> -> memref<1x80x128xf32, #tpu.memory_space<hbm>>
      %dma_start3A_114 = tpu.memref_squeeze %dma_start3A_113 : memref<1x80x128xf32, #tpu.memory_space<hbm>> -> memref<80x128xf32, #tpu.memory_space<hbm>>
      %dma_start3A_115 = arith.constant 0 : i32
      %dma_start3A_116 = tpu.memref_slice %arg6[%arg0, %add3A_87, %dma_start3A_115] : memref<2x10240x128xf32, #tpu.memory_space<hbm>> -> memref<1x80x128xf32, #tpu.memory_space<hbm>>
      %dma_start3A_117 = tpu.memref_squeeze %dma_start3A_116 : memref<1x80x128xf32, #tpu.memory_space<hbm>> -> memref<80x128xf32, #tpu.memory_space<hbm>>
      tpu.enqueue_dma source(%arg11 : memref<80x128xf32, #tpu.memory_space<vmem>>) target(%dma_start3A_117 : memref<80x128xf32, #tpu.memory_space<hbm>>) target_semaphore(%run_scoped3A : memref<!tpu.dma_semaphore, #tpu.memory_space<semaphore_mem>>)
      %dma_wait3A_118 = arith.constant 0 : i32
      %dma_wait3A_119 = tpu.memref_slice %arg6[%arg0, %add3A_87, %dma_wait3A_118] : memref<2x10240x128xf32, #tpu.memory_space<hbm>> -> memref<1x80x128xf32, #tpu.memory_space<hbm>>
      %dma_wait3A_120 = tpu.memref_squeeze %dma_wait3A_119 : memref<1x80x128xf32, #tpu.memory_space<hbm>> -> memref<80x128xf32, #tpu.memory_space<hbm>>
      %dma_wait3A_121 = arith.constant 0 : i32
      %dma_wait3A_122 = tpu.memref_slice %arg6[%arg0, %add3A_87, %dma_wait3A_121] : memref<2x10240x128xf32, #tpu.memory_space<hbm>> -> memref<1x80x128xf32, #tpu.memory_space<hbm>>
      %dma_wait3A_123 = tpu.memref_squeeze %dma_wait3A_122 : memref<1x80x128xf32, #tpu.memory_space<hbm>> -> memref<80x128xf32, #tpu.memory_space<hbm>>
      tpu.wait_dma2 semaphore(%run_scoped3A : memref<!tpu.dma_semaphore, #tpu.memory_space<semaphore_mem>>) src(%arg11 : memref<80x128xf32, #tpu.memory_space<vmem>>) dst(%dma_wait3A_123 : memref<80x128xf32, #tpu.memory_space<hbm>>)
      tpu.yield
    }) : () -> ()
    %add3A_88 = arith.constant 160 : i32
    %add3A_89 = arith.addi %mul3A_2, %add3A_88 : i32
    "tpu.region"() ({
      %run_scoped3A = tpu.sem_alloc : memref<!tpu.dma_semaphore, #tpu.memory_space<semaphore_mem>>
      %dma_start3A_112 = arith.constant 0 : i32
      %dma_start3A_113 = tpu.memref_slice %arg17[%add3A_89, %dma_start3A_112] : memref<10240x128xf32, #tpu.memory_space<vmem_shared>> -> memref<80x128xf32, #tpu.memory_space<vmem_shared>>
      %dma_start3A_114 = arith.constant 0 : i32
      %dma_start3A_115 = tpu.memref_slice %arg17[%add3A_89, %dma_start3A_114] : memref<10240x128xf32, #tpu.memory_space<vmem_shared>> -> memref<80x128xf32, #tpu.memory_space<vmem_shared>>
      tpu.enqueue_dma source(%dma_start3A_115 : memref<80x128xf32, #tpu.memory_space<vmem_shared>>) target(%arg11 : memref<80x128xf32, #tpu.memory_space<vmem>>) target_semaphore(%run_scoped3A : memref<!tpu.dma_semaphore, #tpu.memory_space<semaphore_mem>>)
      %dma_wait3A_116 = arith.constant 0 : i32
      %dma_wait3A_117 = tpu.memref_slice %arg17[%add3A_89, %dma_wait3A_116] : memref<10240x128xf32, #tpu.memory_space<vmem_shared>> -> memref<80x128xf32, #tpu.memory_space<vmem_shared>>
      %dma_wait3A_118 = arith.constant 0 : i32
      %dma_wait3A_119 = tpu.memref_slice %arg17[%add3A_89, %dma_wait3A_118] : memref<10240x128xf32, #tpu.memory_space<vmem_shared>> -> memref<80x128xf32, #tpu.memory_space<vmem_shared>>
      tpu.wait_dma2 semaphore(%run_scoped3A : memref<!tpu.dma_semaphore, #tpu.memory_space<semaphore_mem>>) src(%dma_wait3A_119 : memref<80x128xf32, #tpu.memory_space<vmem_shared>>) dst(%arg11 : memref<80x128xf32, #tpu.memory_space<vmem>>)
      tpu.yield
    }) : () -> ()
    %add3A_90 = arith.constant 160 : i32
    %add3A_91 = arith.addi %mul3A_2, %add3A_90 : i32
    "tpu.region"() ({
      %run_scoped3A = tpu.sem_alloc : memref<!tpu.dma_semaphore, #tpu.memory_space<semaphore_mem>>
      %dma_start3A_112 = arith.constant 0 : i32
      %dma_start3A_113 = tpu.memref_slice %arg6[%arg0, %add3A_91, %dma_start3A_112] : memref<2x10240x128xf32, #tpu.memory_space<hbm>> -> memref<1x80x128xf32, #tpu.memory_space<hbm>>
      %dma_start3A_114 = tpu.memref_squeeze %dma_start3A_113 : memref<1x80x128xf32, #tpu.memory_space<hbm>> -> memref<80x128xf32, #tpu.memory_space<hbm>>
      %dma_start3A_115 = arith.constant 0 : i32
      %dma_start3A_116 = tpu.memref_slice %arg6[%arg0, %add3A_91, %dma_start3A_115] : memref<2x10240x128xf32, #tpu.memory_space<hbm>> -> memref<1x80x128xf32, #tpu.memory_space<hbm>>
      %dma_start3A_117 = tpu.memref_squeeze %dma_start3A_116 : memref<1x80x128xf32, #tpu.memory_space<hbm>> -> memref<80x128xf32, #tpu.memory_space<hbm>>
      tpu.enqueue_dma source(%arg11 : memref<80x128xf32, #tpu.memory_space<vmem>>) target(%dma_start3A_117 : memref<80x128xf32, #tpu.memory_space<hbm>>) target_semaphore(%run_scoped3A : memref<!tpu.dma_semaphore, #tpu.memory_space<semaphore_mem>>)
      %dma_wait3A_118 = arith.constant 0 : i32
      %dma_wait3A_119 = tpu.memref_slice %arg6[%arg0, %add3A_91, %dma_wait3A_118] : memref<2x10240x128xf32, #tpu.memory_space<hbm>> -> memref<1x80x128xf32, #tpu.memory_space<hbm>>
      %dma_wait3A_120 = tpu.memref_squeeze %dma_wait3A_119 : memref<1x80x128xf32, #tpu.memory_space<hbm>> -> memref<80x128xf32, #tpu.memory_space<hbm>>
      %dma_wait3A_121 = arith.constant 0 : i32
      %dma_wait3A_122 = tpu.memref_slice %arg6[%arg0, %add3A_91, %dma_wait3A_121] : memref<2x10240x128xf32, #tpu.memory_space<hbm>> -> memref<1x80x128xf32, #tpu.memory_space<hbm>>
      %dma_wait3A_123 = tpu.memref_squeeze %dma_wait3A_122 : memref<1x80x128xf32, #tpu.memory_space<hbm>> -> memref<80x128xf32, #tpu.memory_space<hbm>>
      tpu.wait_dma2 semaphore(%run_scoped3A : memref<!tpu.dma_semaphore, #tpu.memory_space<semaphore_mem>>) src(%arg11 : memref<80x128xf32, #tpu.memory_space<vmem>>) dst(%dma_wait3A_123 : memref<80x128xf32, #tpu.memory_space<hbm>>)
      tpu.yield
    }) : () -> ()
    %add3A_92 = arith.constant 240 : i32
    %add3A_93 = arith.addi %mul3A_2, %add3A_92 : i32
    "tpu.region"() ({
      %run_scoped3A = tpu.sem_alloc : memref<!tpu.dma_semaphore, #tpu.memory_space<semaphore_mem>>
      %dma_start3A_112 = arith.constant 0 : i32
      %dma_start3A_113 = tpu.memref_slice %arg17[%add3A_93, %dma_start3A_112] : memref<10240x128xf32, #tpu.memory_space<vmem_shared>> -> memref<80x128xf32, #tpu.memory_space<vmem_shared>>
      %dma_start3A_114 = arith.constant 0 : i32
      %dma_start3A_115 = tpu.memref_slice %arg17[%add3A_93, %dma_start3A_114] : memref<10240x128xf32, #tpu.memory_space<vmem_shared>> -> memref<80x128xf32, #tpu.memory_space<vmem_shared>>
      tpu.enqueue_dma source(%dma_start3A_115 : memref<80x128xf32, #tpu.memory_space<vmem_shared>>) target(%arg11 : memref<80x128xf32, #tpu.memory_space<vmem>>) target_semaphore(%run_scoped3A : memref<!tpu.dma_semaphore, #tpu.memory_space<semaphore_mem>>)
      %dma_wait3A_116 = arith.constant 0 : i32
      %dma_wait3A_117 = tpu.memref_slice %arg17[%add3A_93, %dma_wait3A_116] : memref<10240x128xf32, #tpu.memory_space<vmem_shared>> -> memref<80x128xf32, #tpu.memory_space<vmem_shared>>
      %dma_wait3A_118 = arith.constant 0 : i32
      %dma_wait3A_119 = tpu.memref_slice %arg17[%add3A_93, %dma_wait3A_118] : memref<10240x128xf32, #tpu.memory_space<vmem_shared>> -> memref<80x128xf32, #tpu.memory_space<vmem_shared>>
      tpu.wait_dma2 semaphore(%run_scoped3A : memref<!tpu.dma_semaphore, #tpu.memory_space<semaphore_mem>>) src(%dma_wait3A_119 : memref<80x128xf32, #tpu.memory_space<vmem_shared>>) dst(%arg11 : memref<80x128xf32, #tpu.memory_space<vmem>>)
      tpu.yield
    }) : () -> ()
    %add3A_94 = arith.constant 240 : i32
    %add3A_95 = arith.addi %mul3A_2, %add3A_94 : i32
    "tpu.region"() ({
      %run_scoped3A = tpu.sem_alloc : memref<!tpu.dma_semaphore, #tpu.memory_space<semaphore_mem>>
      %dma_start3A_112 = arith.constant 0 : i32
      %dma_start3A_113 = tpu.memref_slice %arg6[%arg0, %add3A_95, %dma_start3A_112] : memref<2x10240x128xf32, #tpu.memory_space<hbm>> -> memref<1x80x128xf32, #tpu.memory_space<hbm>>
      %dma_start3A_114 = tpu.memref_squeeze %dma_start3A_113 : memref<1x80x128xf32, #tpu.memory_space<hbm>> -> memref<80x128xf32, #tpu.memory_space<hbm>>
      %dma_start3A_115 = arith.constant 0 : i32
      %dma_start3A_116 = tpu.memref_slice %arg6[%arg0, %add3A_95, %dma_start3A_115] : memref<2x10240x128xf32, #tpu.memory_space<hbm>> -> memref<1x80x128xf32, #tpu.memory_space<hbm>>
      %dma_start3A_117 = tpu.memref_squeeze %dma_start3A_116 : memref<1x80x128xf32, #tpu.memory_space<hbm>> -> memref<80x128xf32, #tpu.memory_space<hbm>>
      tpu.enqueue_dma source(%arg11 : memref<80x128xf32, #tpu.memory_space<vmem>>) target(%dma_start3A_117 : memref<80x128xf32, #tpu.memory_space<hbm>>) target_semaphore(%run_scoped3A : memref<!tpu.dma_semaphore, #tpu.memory_space<semaphore_mem>>)
      %dma_wait3A_118 = arith.constant 0 : i32
      %dma_wait3A_119 = tpu.memref_slice %arg6[%arg0, %add3A_95, %dma_wait3A_118] : memref<2x10240x128xf32, #tpu.memory_space<hbm>> -> memref<1x80x128xf32, #tpu.memory_space<hbm>>
      %dma_wait3A_120 = tpu.memref_squeeze %dma_wait3A_119 : memref<1x80x128xf32, #tpu.memory_space<hbm>> -> memref<80x128xf32, #tpu.memory_space<hbm>>
      %dma_wait3A_121 = arith.constant 0 : i32
      %dma_wait3A_122 = tpu.memref_slice %arg6[%arg0, %add3A_95, %dma_wait3A_121] : memref<2x10240x128xf32, #tpu.memory_space<hbm>> -> memref<1x80x128xf32, #tpu.memory_space<hbm>>
      %dma_wait3A_123 = tpu.memref_squeeze %dma_wait3A_122 : memref<1x80x128xf32, #tpu.memory_space<hbm>> -> memref<80x128xf32, #tpu.memory_space<hbm>>
      tpu.wait_dma2 semaphore(%run_scoped3A : memref<!tpu.dma_semaphore, #tpu.memory_space<semaphore_mem>>) src(%arg11 : memref<80x128xf32, #tpu.memory_space<vmem>>) dst(%dma_wait3A_123 : memref<80x128xf32, #tpu.memory_space<hbm>>)
      tpu.yield
    }) : () -> ()
    %add3A_96 = arith.constant 320 : i32
    %add3A_97 = arith.addi %mul3A_2, %add3A_96 : i32
    "tpu.region"() ({
      %run_scoped3A = tpu.sem_alloc : memref<!tpu.dma_semaphore, #tpu.memory_space<semaphore_mem>>
      %dma_start3A_112 = arith.constant 0 : i32
      %dma_start3A_113 = tpu.memref_slice %arg17[%add3A_97, %dma_start3A_112] : memref<10240x128xf32, #tpu.memory_space<vmem_shared>> -> memref<80x128xf32, #tpu.memory_space<vmem_shared>>
      %dma_start3A_114 = arith.constant 0 : i32
      %dma_start3A_115 = tpu.memref_slice %arg17[%add3A_97, %dma_start3A_114] : memref<10240x128xf32, #tpu.memory_space<vmem_shared>> -> memref<80x128xf32, #tpu.memory_space<vmem_shared>>
      tpu.enqueue_dma source(%dma_start3A_115 : memref<80x128xf32, #tpu.memory_space<vmem_shared>>) target(%arg11 : memref<80x128xf32, #tpu.memory_space<vmem>>) target_semaphore(%run_scoped3A : memref<!tpu.dma_semaphore, #tpu.memory_space<semaphore_mem>>)
      %dma_wait3A_116 = arith.constant 0 : i32
      %dma_wait3A_117 = tpu.memref_slice %arg17[%add3A_97, %dma_wait3A_116] : memref<10240x128xf32, #tpu.memory_space<vmem_shared>> -> memref<80x128xf32, #tpu.memory_space<vmem_shared>>
      %dma_wait3A_118 = arith.constant 0 : i32
      %dma_wait3A_119 = tpu.memref_slice %arg17[%add3A_97, %dma_wait3A_118] : memref<10240x128xf32, #tpu.memory_space<vmem_shared>> -> memref<80x128xf32, #tpu.memory_space<vmem_shared>>
      tpu.wait_dma2 semaphore(%run_scoped3A : memref<!tpu.dma_semaphore, #tpu.memory_space<semaphore_mem>>) src(%dma_wait3A_119 : memref<80x128xf32, #tpu.memory_space<vmem_shared>>) dst(%arg11 : memref<80x128xf32, #tpu.memory_space<vmem>>)
      tpu.yield
    }) : () -> ()
    %add3A_98 = arith.constant 320 : i32
    %add3A_99 = arith.addi %mul3A_2, %add3A_98 : i32
    "tpu.region"() ({
      %run_scoped3A = tpu.sem_alloc : memref<!tpu.dma_semaphore, #tpu.memory_space<semaphore_mem>>
      %dma_start3A_112 = arith.constant 0 : i32
      %dma_start3A_113 = tpu.memref_slice %arg6[%arg0, %add3A_99, %dma_start3A_112] : memref<2x10240x128xf32, #tpu.memory_space<hbm>> -> memref<1x80x128xf32, #tpu.memory_space<hbm>>
      %dma_start3A_114 = tpu.memref_squeeze %dma_start3A_113 : memref<1x80x128xf32, #tpu.memory_space<hbm>> -> memref<80x128xf32, #tpu.memory_space<hbm>>
      %dma_start3A_115 = arith.constant 0 : i32
      %dma_start3A_116 = tpu.memref_slice %arg6[%arg0, %add3A_99, %dma_start3A_115] : memref<2x10240x128xf32, #tpu.memory_space<hbm>> -> memref<1x80x128xf32, #tpu.memory_space<hbm>>
      %dma_start3A_117 = tpu.memref_squeeze %dma_start3A_116 : memref<1x80x128xf32, #tpu.memory_space<hbm>> -> memref<80x128xf32, #tpu.memory_space<hbm>>
      tpu.enqueue_dma source(%arg11 : memref<80x128xf32, #tpu.memory_space<vmem>>) target(%dma_start3A_117 : memref<80x128xf32, #tpu.memory_space<hbm>>) target_semaphore(%run_scoped3A : memref<!tpu.dma_semaphore, #tpu.memory_space<semaphore_mem>>)
      %dma_wait3A_118 = arith.constant 0 : i32
      %dma_wait3A_119 = tpu.memref_slice %arg6[%arg0, %add3A_99, %dma_wait3A_118] : memref<2x10240x128xf32, #tpu.memory_space<hbm>> -> memref<1x80x128xf32, #tpu.memory_space<hbm>>
      %dma_wait3A_120 = tpu.memref_squeeze %dma_wait3A_119 : memref<1x80x128xf32, #tpu.memory_space<hbm>> -> memref<80x128xf32, #tpu.memory_space<hbm>>
      %dma_wait3A_121 = arith.constant 0 : i32
      %dma_wait3A_122 = tpu.memref_slice %arg6[%arg0, %add3A_99, %dma_wait3A_121] : memref<2x10240x128xf32, #tpu.memory_space<hbm>> -> memref<1x80x128xf32, #tpu.memory_space<hbm>>
      %dma_wait3A_123 = tpu.memref_squeeze %dma_wait3A_122 : memref<1x80x128xf32, #tpu.memory_space<hbm>> -> memref<80x128xf32, #tpu.memory_space<hbm>>
      tpu.wait_dma2 semaphore(%run_scoped3A : memref<!tpu.dma_semaphore, #tpu.memory_space<semaphore_mem>>) src(%arg11 : memref<80x128xf32, #tpu.memory_space<vmem>>) dst(%dma_wait3A_123 : memref<80x128xf32, #tpu.memory_space<hbm>>)
      tpu.yield
    }) : () -> ()
    %add3A_100 = arith.constant 400 : i32
    %add3A_101 = arith.addi %mul3A_2, %add3A_100 : i32
    "tpu.region"() ({
      %run_scoped3A = tpu.sem_alloc : memref<!tpu.dma_semaphore, #tpu.memory_space<semaphore_mem>>
      %dma_start3A_112 = arith.constant 0 : i32
      %dma_start3A_113 = tpu.memref_slice %arg17[%add3A_101, %dma_start3A_112] : memref<10240x128xf32, #tpu.memory_space<vmem_shared>> -> memref<80x128xf32, #tpu.memory_space<vmem_shared>>
      %dma_start3A_114 = arith.constant 0 : i32
      %dma_start3A_115 = tpu.memref_slice %arg17[%add3A_101, %dma_start3A_114] : memref<10240x128xf32, #tpu.memory_space<vmem_shared>> -> memref<80x128xf32, #tpu.memory_space<vmem_shared>>
      tpu.enqueue_dma source(%dma_start3A_115 : memref<80x128xf32, #tpu.memory_space<vmem_shared>>) target(%arg11 : memref<80x128xf32, #tpu.memory_space<vmem>>) target_semaphore(%run_scoped3A : memref<!tpu.dma_semaphore, #tpu.memory_space<semaphore_mem>>)
      %dma_wait3A_116 = arith.constant 0 : i32
      %dma_wait3A_117 = tpu.memref_slice %arg17[%add3A_101, %dma_wait3A_116] : memref<10240x128xf32, #tpu.memory_space<vmem_shared>> -> memref<80x128xf32, #tpu.memory_space<vmem_shared>>
      %dma_wait3A_118 = arith.constant 0 : i32
      %dma_wait3A_119 = tpu.memref_slice %arg17[%add3A_101, %dma_wait3A_118] : memref<10240x128xf32, #tpu.memory_space<vmem_shared>> -> memref<80x128xf32, #tpu.memory_space<vmem_shared>>
      tpu.wait_dma2 semaphore(%run_scoped3A : memref<!tpu.dma_semaphore, #tpu.memory_space<semaphore_mem>>) src(%dma_wait3A_119 : memref<80x128xf32, #tpu.memory_space<vmem_shared>>) dst(%arg11 : memref<80x128xf32, #tpu.memory_space<vmem>>)
      tpu.yield
    }) : () -> ()
    %add3A_102 = arith.constant 400 : i32
    %add3A_103 = arith.addi %mul3A_2, %add3A_102 : i32
    "tpu.region"() ({
      %run_scoped3A = tpu.sem_alloc : memref<!tpu.dma_semaphore, #tpu.memory_space<semaphore_mem>>
      %dma_start3A_112 = arith.constant 0 : i32
      %dma_start3A_113 = tpu.memref_slice %arg6[%arg0, %add3A_103, %dma_start3A_112] : memref<2x10240x128xf32, #tpu.memory_space<hbm>> -> memref<1x80x128xf32, #tpu.memory_space<hbm>>
      %dma_start3A_114 = tpu.memref_squeeze %dma_start3A_113 : memref<1x80x128xf32, #tpu.memory_space<hbm>> -> memref<80x128xf32, #tpu.memory_space<hbm>>
      %dma_start3A_115 = arith.constant 0 : i32
      %dma_start3A_116 = tpu.memref_slice %arg6[%arg0, %add3A_103, %dma_start3A_115] : memref<2x10240x128xf32, #tpu.memory_space<hbm>> -> memref<1x80x128xf32, #tpu.memory_space<hbm>>
      %dma_start3A_117 = tpu.memref_squeeze %dma_start3A_116 : memref<1x80x128xf32, #tpu.memory_space<hbm>> -> memref<80x128xf32, #tpu.memory_space<hbm>>
      tpu.enqueue_dma source(%arg11 : memref<80x128xf32, #tpu.memory_space<vmem>>) target(%dma_start3A_117 : memref<80x128xf32, #tpu.memory_space<hbm>>) target_semaphore(%run_scoped3A : memref<!tpu.dma_semaphore, #tpu.memory_space<semaphore_mem>>)
      %dma_wait3A_118 = arith.constant 0 : i32
      %dma_wait3A_119 = tpu.memref_slice %arg6[%arg0, %add3A_103, %dma_wait3A_118] : memref<2x10240x128xf32, #tpu.memory_space<hbm>> -> memref<1x80x128xf32, #tpu.memory_space<hbm>>
      %dma_wait3A_120 = tpu.memref_squeeze %dma_wait3A_119 : memref<1x80x128xf32, #tpu.memory_space<hbm>> -> memref<80x128xf32, #tpu.memory_space<hbm>>
      %dma_wait3A_121 = arith.constant 0 : i32
      %dma_wait3A_122 = tpu.memref_slice %arg6[%arg0, %add3A_103, %dma_wait3A_121] : memref<2x10240x128xf32, #tpu.memory_space<hbm>> -> memref<1x80x128xf32, #tpu.memory_space<hbm>>
      %dma_wait3A_123 = tpu.memref_squeeze %dma_wait3A_122 : memref<1x80x128xf32, #tpu.memory_space<hbm>> -> memref<80x128xf32, #tpu.memory_space<hbm>>
      tpu.wait_dma2 semaphore(%run_scoped3A : memref<!tpu.dma_semaphore, #tpu.memory_space<semaphore_mem>>) src(%arg11 : memref<80x128xf32, #tpu.memory_space<vmem>>) dst(%dma_wait3A_123 : memref<80x128xf32, #tpu.memory_space<hbm>>)
      tpu.yield
    }) : () -> ()
    %add3A_104 = arith.constant 480 : i32
    %add3A_105 = arith.addi %mul3A_2, %add3A_104 : i32
    "tpu.region"() ({
      %run_scoped3A = tpu.sem_alloc : memref<!tpu.dma_semaphore, #tpu.memory_space<semaphore_mem>>
      %dma_start3A_112 = arith.constant 0 : i32
      %dma_start3A_113 = tpu.memref_slice %arg17[%add3A_105, %dma_start3A_112] : memref<10240x128xf32, #tpu.memory_space<vmem_shared>> -> memref<80x128xf32, #tpu.memory_space<vmem_shared>>
      %dma_start3A_114 = arith.constant 0 : i32
      %dma_start3A_115 = tpu.memref_slice %arg17[%add3A_105, %dma_start3A_114] : memref<10240x128xf32, #tpu.memory_space<vmem_shared>> -> memref<80x128xf32, #tpu.memory_space<vmem_shared>>
      tpu.enqueue_dma source(%dma_start3A_115 : memref<80x128xf32, #tpu.memory_space<vmem_shared>>) target(%arg11 : memref<80x128xf32, #tpu.memory_space<vmem>>) target_semaphore(%run_scoped3A : memref<!tpu.dma_semaphore, #tpu.memory_space<semaphore_mem>>)
      %dma_wait3A_116 = arith.constant 0 : i32
      %dma_wait3A_117 = tpu.memref_slice %arg17[%add3A_105, %dma_wait3A_116] : memref<10240x128xf32, #tpu.memory_space<vmem_shared>> -> memref<80x128xf32, #tpu.memory_space<vmem_shared>>
      %dma_wait3A_118 = arith.constant 0 : i32
      %dma_wait3A_119 = tpu.memref_slice %arg17[%add3A_105, %dma_wait3A_118] : memref<10240x128xf32, #tpu.memory_space<vmem_shared>> -> memref<80x128xf32, #tpu.memory_space<vmem_shared>>
      tpu.wait_dma2 semaphore(%run_scoped3A : memref<!tpu.dma_semaphore, #tpu.memory_space<semaphore_mem>>) src(%dma_wait3A_119 : memref<80x128xf32, #tpu.memory_space<vmem_shared>>) dst(%arg11 : memref<80x128xf32, #tpu.memory_space<vmem>>)
      tpu.yield
    }) : () -> ()
    %add3A_106 = arith.constant 480 : i32
    %add3A_107 = arith.addi %mul3A_2, %add3A_106 : i32
    "tpu.region"() ({
      %run_scoped3A = tpu.sem_alloc : memref<!tpu.dma_semaphore, #tpu.memory_space<semaphore_mem>>
      %dma_start3A_112 = arith.constant 0 : i32
      %dma_start3A_113 = tpu.memref_slice %arg6[%arg0, %add3A_107, %dma_start3A_112] : memref<2x10240x128xf32, #tpu.memory_space<hbm>> -> memref<1x80x128xf32, #tpu.memory_space<hbm>>
      %dma_start3A_114 = tpu.memref_squeeze %dma_start3A_113 : memref<1x80x128xf32, #tpu.memory_space<hbm>> -> memref<80x128xf32, #tpu.memory_space<hbm>>
      %dma_start3A_115 = arith.constant 0 : i32
      %dma_start3A_116 = tpu.memref_slice %arg6[%arg0, %add3A_107, %dma_start3A_115] : memref<2x10240x128xf32, #tpu.memory_space<hbm>> -> memref<1x80x128xf32, #tpu.memory_space<hbm>>
      %dma_start3A_117 = tpu.memref_squeeze %dma_start3A_116 : memref<1x80x128xf32, #tpu.memory_space<hbm>> -> memref<80x128xf32, #tpu.memory_space<hbm>>
      tpu.enqueue_dma source(%arg11 : memref<80x128xf32, #tpu.memory_space<vmem>>) target(%dma_start3A_117 : memref<80x128xf32, #tpu.memory_space<hbm>>) target_semaphore(%run_scoped3A : memref<!tpu.dma_semaphore, #tpu.memory_space<semaphore_mem>>)
      %dma_wait3A_118 = arith.constant 0 : i32
      %dma_wait3A_119 = tpu.memref_slice %arg6[%arg0, %add3A_107, %dma_wait3A_118] : memref<2x10240x128xf32, #tpu.memory_space<hbm>> -> memref<1x80x128xf32, #tpu.memory_space<hbm>>
      %dma_wait3A_120 = tpu.memref_squeeze %dma_wait3A_119 : memref<1x80x128xf32, #tpu.memory_space<hbm>> -> memref<80x128xf32, #tpu.memory_space<hbm>>
      %dma_wait3A_121 = arith.constant 0 : i32
      %dma_wait3A_122 = tpu.memref_slice %arg6[%arg0, %add3A_107, %dma_wait3A_121] : memref<2x10240x128xf32, #tpu.memory_space<hbm>> -> memref<1x80x128xf32, #tpu.memory_space<hbm>>
      %dma_wait3A_123 = tpu.memref_squeeze %dma_wait3A_122 : memref<1x80x128xf32, #tpu.memory_space<hbm>> -> memref<80x128xf32, #tpu.memory_space<hbm>>
      tpu.wait_dma2 semaphore(%run_scoped3A : memref<!tpu.dma_semaphore, #tpu.memory_space<semaphore_mem>>) src(%arg11 : memref<80x128xf32, #tpu.memory_space<vmem>>) dst(%dma_wait3A_123 : memref<80x128xf32, #tpu.memory_space<hbm>>)
      tpu.yield
    }) : () -> ()
    %add3A_108 = arith.constant 560 : i32
    %add3A_109 = arith.addi %mul3A_2, %add3A_108 : i32
    "tpu.region"() ({
      %run_scoped3A = tpu.sem_alloc : memref<!tpu.dma_semaphore, #tpu.memory_space<semaphore_mem>>
      %dma_start3A_112 = arith.constant 0 : i32
      %dma_start3A_113 = tpu.memref_slice %arg17[%add3A_109, %dma_start3A_112] : memref<10240x128xf32, #tpu.memory_space<vmem_shared>> -> memref<80x128xf32, #tpu.memory_space<vmem_shared>>
      %dma_start3A_114 = arith.constant 0 : i32
      %dma_start3A_115 = tpu.memref_slice %arg17[%add3A_109, %dma_start3A_114] : memref<10240x128xf32, #tpu.memory_space<vmem_shared>> -> memref<80x128xf32, #tpu.memory_space<vmem_shared>>
      tpu.enqueue_dma source(%dma_start3A_115 : memref<80x128xf32, #tpu.memory_space<vmem_shared>>) target(%arg11 : memref<80x128xf32, #tpu.memory_space<vmem>>) target_semaphore(%run_scoped3A : memref<!tpu.dma_semaphore, #tpu.memory_space<semaphore_mem>>)
      %dma_wait3A_116 = arith.constant 0 : i32
      %dma_wait3A_117 = tpu.memref_slice %arg17[%add3A_109, %dma_wait3A_116] : memref<10240x128xf32, #tpu.memory_space<vmem_shared>> -> memref<80x128xf32, #tpu.memory_space<vmem_shared>>
      %dma_wait3A_118 = arith.constant 0 : i32
      %dma_wait3A_119 = tpu.memref_slice %arg17[%add3A_109, %dma_wait3A_118] : memref<10240x128xf32, #tpu.memory_space<vmem_shared>> -> memref<80x128xf32, #tpu.memory_space<vmem_shared>>
      tpu.wait_dma2 semaphore(%run_scoped3A : memref<!tpu.dma_semaphore, #tpu.memory_space<semaphore_mem>>) src(%dma_wait3A_119 : memref<80x128xf32, #tpu.memory_space<vmem_shared>>) dst(%arg11 : memref<80x128xf32, #tpu.memory_space<vmem>>)
      tpu.yield
    }) : () -> ()
    %add3A_110 = arith.constant 560 : i32
    %add3A_111 = arith.addi %mul3A_2, %add3A_110 : i32
    "tpu.region"() ({
      %run_scoped3A = tpu.sem_alloc : memref<!tpu.dma_semaphore, #tpu.memory_space<semaphore_mem>>
      %dma_start3A_112 = arith.constant 0 : i32
      %dma_start3A_113 = tpu.memref_slice %arg6[%arg0, %add3A_111, %dma_start3A_112] : memref<2x10240x128xf32, #tpu.memory_space<hbm>> -> memref<1x80x128xf32, #tpu.memory_space<hbm>>
      %dma_start3A_114 = tpu.memref_squeeze %dma_start3A_113 : memref<1x80x128xf32, #tpu.memory_space<hbm>> -> memref<80x128xf32, #tpu.memory_space<hbm>>
      %dma_start3A_115 = arith.constant 0 : i32
      %dma_start3A_116 = tpu.memref_slice %arg6[%arg0, %add3A_111, %dma_start3A_115] : memref<2x10240x128xf32, #tpu.memory_space<hbm>> -> memref<1x80x128xf32, #tpu.memory_space<hbm>>
      %dma_start3A_117 = tpu.memref_squeeze %dma_start3A_116 : memref<1x80x128xf32, #tpu.memory_space<hbm>> -> memref<80x128xf32, #tpu.memory_space<hbm>>
      tpu.enqueue_dma source(%arg11 : memref<80x128xf32, #tpu.memory_space<vmem>>) target(%dma_start3A_117 : memref<80x128xf32, #tpu.memory_space<hbm>>) target_semaphore(%run_scoped3A : memref<!tpu.dma_semaphore, #tpu.memory_space<semaphore_mem>>)
      %dma_wait3A_118 = arith.constant 0 : i32
      %dma_wait3A_119 = tpu.memref_slice %arg6[%arg0, %add3A_111, %dma_wait3A_118] : memref<2x10240x128xf32, #tpu.memory_space<hbm>> -> memref<1x80x128xf32, #tpu.memory_space<hbm>>
      %dma_wait3A_120 = tpu.memref_squeeze %dma_wait3A_119 : memref<1x80x128xf32, #tpu.memory_space<hbm>> -> memref<80x128xf32, #tpu.memory_space<hbm>>
      %dma_wait3A_121 = arith.constant 0 : i32
      %dma_wait3A_122 = tpu.memref_slice %arg6[%arg0, %add3A_111, %dma_wait3A_121] : memref<2x10240x128xf32, #tpu.memory_space<hbm>> -> memref<1x80x128xf32, #tpu.memory_space<hbm>>
      %dma_wait3A_123 = tpu.memref_squeeze %dma_wait3A_122 : memref<1x80x128xf32, #tpu.memory_space<hbm>> -> memref<80x128xf32, #tpu.memory_space<hbm>>
      tpu.wait_dma2 semaphore(%run_scoped3A : memref<!tpu.dma_semaphore, #tpu.memory_space<semaphore_mem>>) src(%arg11 : memref<80x128xf32, #tpu.memory_space<vmem>>) dst(%dma_wait3A_123 : memref<80x128xf32, #tpu.memory_space<hbm>>)
      tpu.yield
    }) : () -> ()
    return
  }
}

#map = affine_map<(d0, d1) -> (0)>
#map1 = affine_map<(d0, d1) -> (0, 0)>
#map2 = affine_map<(d0, d1) -> (0, 0, 0)>
module attributes {stable_mosaic.version = 14 : i64} {
  func.func @_deg_body(%arg0: i32, %arg1: i32, %arg2: memref<320000xi32, #tpu.memory_space<hbm>>, %arg3: memref<80x16xf32, #tpu.memory_space<hbm>>, %arg4: memref<80x16xf32, #tpu.memory_space<hbm>>, %arg5: memref<2x10240x16xf32, #tpu.memory_space<hbm>>, %arg6: memref<80xi32, #tpu.memory_space<vmem>>, %arg7: memref<80xi32, #tpu.memory_space<vmem>>, %arg8: memref<80x16xf32, #tpu.memory_space<vmem>>, %arg9: memref<!tpu.dma_semaphore, #tpu.memory_space<semaphore_mem>>, %arg10: memref<!tpu.dma_semaphore, #tpu.memory_space<semaphore_mem>>, %arg11: memref<10240x16xf32, #tpu.memory_space<vmem_shared>>) attributes {dimension_semantics = [#tpu.dimension_semantics<core_parallel>, #tpu.dimension_semantics<subcore_parallel>], iteration_bounds = array<i64: 2, 16>, scalar_prefetch = 0 : i64, scratch_operands = 6 : i64, tpu.core_type = #tpu.core_type<sc_vector_subcore>, window_params = [{transform_indices = #map}, {transform_indices = #map1}, {transform_indices = #map1}, {transform_indices = #map2}]} {
    %mul3A = arith.constant 16 : i32
    %mul3A_0 = arith.muli %arg0, %mul3A : i32
    %add3A = arith.addi %mul3A_0, %arg1 : i32
    %mul3A_1 = arith.constant 640 : i32
    %mul3A_2 = arith.muli %arg1, %mul3A_1 : i32
    %mul3A_3 = arith.constant 10000 : i32
    %mul3A_4 = arith.muli %add3A, %mul3A_3 : i32
    "tpu.region"() ({
      %run_scoped3A = tpu.sem_alloc : memref<!tpu.dma_semaphore, #tpu.memory_space<semaphore_mem>>
      tpu.enqueue_dma source(%arg4 : memref<80x16xf32, #tpu.memory_space<hbm>>) target(%arg8 : memref<80x16xf32, #tpu.memory_space<vmem>>) target_semaphore(%run_scoped3A : memref<!tpu.dma_semaphore, #tpu.memory_space<semaphore_mem>>)
      tpu.wait_dma2 semaphore(%run_scoped3A : memref<!tpu.dma_semaphore, #tpu.memory_space<semaphore_mem>>) src(%arg4 : memref<80x16xf32, #tpu.memory_space<hbm>>) dst(%arg8 : memref<80x16xf32, #tpu.memory_space<vmem>>)
      tpu.yield
    }) : () -> ()
    %add3A_5 = arith.constant 0 : i32
    %add3A_6 = arith.addi %mul3A_2, %add3A_5 : i32
    "tpu.region"() ({
      %run_scoped3A = tpu.sem_alloc : memref<!tpu.dma_semaphore, #tpu.memory_space<semaphore_mem>>
      %dma_start3A_82 = arith.constant 0 : i32
      %dma_start3A_83 = tpu.memref_slice %arg11[%add3A_6, %dma_start3A_82] : memref<10240x16xf32, #tpu.memory_space<vmem_shared>> -> memref<80x16xf32, #tpu.memory_space<vmem_shared>>
      %dma_start3A_84 = arith.constant 0 : i32
      %dma_start3A_85 = tpu.memref_slice %arg11[%add3A_6, %dma_start3A_84] : memref<10240x16xf32, #tpu.memory_space<vmem_shared>> -> memref<80x16xf32, #tpu.memory_space<vmem_shared>>
      tpu.enqueue_dma source(%arg8 : memref<80x16xf32, #tpu.memory_space<vmem>>) target(%dma_start3A_85 : memref<80x16xf32, #tpu.memory_space<vmem_shared>>) target_semaphore(%run_scoped3A : memref<!tpu.dma_semaphore, #tpu.memory_space<semaphore_mem>>)
      %dma_wait3A_86 = arith.constant 0 : i32
      %dma_wait3A_87 = tpu.memref_slice %arg11[%add3A_6, %dma_wait3A_86] : memref<10240x16xf32, #tpu.memory_space<vmem_shared>> -> memref<80x16xf32, #tpu.memory_space<vmem_shared>>
      %dma_wait3A_88 = arith.constant 0 : i32
      %dma_wait3A_89 = tpu.memref_slice %arg11[%add3A_6, %dma_wait3A_88] : memref<10240x16xf32, #tpu.memory_space<vmem_shared>> -> memref<80x16xf32, #tpu.memory_space<vmem_shared>>
      tpu.wait_dma2 semaphore(%run_scoped3A : memref<!tpu.dma_semaphore, #tpu.memory_space<semaphore_mem>>) src(%arg8 : memref<80x16xf32, #tpu.memory_space<vmem>>) dst(%dma_wait3A_89 : memref<80x16xf32, #tpu.memory_space<vmem_shared>>)
      tpu.yield
    }) : () -> ()
    %add3A_7 = arith.constant 80 : i32
    %add3A_8 = arith.addi %mul3A_2, %add3A_7 : i32
    "tpu.region"() ({
      %run_scoped3A = tpu.sem_alloc : memref<!tpu.dma_semaphore, #tpu.memory_space<semaphore_mem>>
      %dma_start3A_82 = arith.constant 0 : i32
      %dma_start3A_83 = tpu.memref_slice %arg11[%add3A_8, %dma_start3A_82] : memref<10240x16xf32, #tpu.memory_space<vmem_shared>> -> memref<80x16xf32, #tpu.memory_space<vmem_shared>>
      %dma_start3A_84 = arith.constant 0 : i32
      %dma_start3A_85 = tpu.memref_slice %arg11[%add3A_8, %dma_start3A_84] : memref<10240x16xf32, #tpu.memory_space<vmem_shared>> -> memref<80x16xf32, #tpu.memory_space<vmem_shared>>
      tpu.enqueue_dma source(%arg8 : memref<80x16xf32, #tpu.memory_space<vmem>>) target(%dma_start3A_85 : memref<80x16xf32, #tpu.memory_space<vmem_shared>>) target_semaphore(%run_scoped3A : memref<!tpu.dma_semaphore, #tpu.memory_space<semaphore_mem>>)
      %dma_wait3A_86 = arith.constant 0 : i32
      %dma_wait3A_87 = tpu.memref_slice %arg11[%add3A_8, %dma_wait3A_86] : memref<10240x16xf32, #tpu.memory_space<vmem_shared>> -> memref<80x16xf32, #tpu.memory_space<vmem_shared>>
      %dma_wait3A_88 = arith.constant 0 : i32
      %dma_wait3A_89 = tpu.memref_slice %arg11[%add3A_8, %dma_wait3A_88] : memref<10240x16xf32, #tpu.memory_space<vmem_shared>> -> memref<80x16xf32, #tpu.memory_space<vmem_shared>>
      tpu.wait_dma2 semaphore(%run_scoped3A : memref<!tpu.dma_semaphore, #tpu.memory_space<semaphore_mem>>) src(%arg8 : memref<80x16xf32, #tpu.memory_space<vmem>>) dst(%dma_wait3A_89 : memref<80x16xf32, #tpu.memory_space<vmem_shared>>)
      tpu.yield
    }) : () -> ()
    %add3A_9 = arith.constant 160 : i32
    %add3A_10 = arith.addi %mul3A_2, %add3A_9 : i32
    "tpu.region"() ({
      %run_scoped3A = tpu.sem_alloc : memref<!tpu.dma_semaphore, #tpu.memory_space<semaphore_mem>>
      %dma_start3A_82 = arith.constant 0 : i32
      %dma_start3A_83 = tpu.memref_slice %arg11[%add3A_10, %dma_start3A_82] : memref<10240x16xf32, #tpu.memory_space<vmem_shared>> -> memref<80x16xf32, #tpu.memory_space<vmem_shared>>
      %dma_start3A_84 = arith.constant 0 : i32
      %dma_start3A_85 = tpu.memref_slice %arg11[%add3A_10, %dma_start3A_84] : memref<10240x16xf32, #tpu.memory_space<vmem_shared>> -> memref<80x16xf32, #tpu.memory_space<vmem_shared>>
      tpu.enqueue_dma source(%arg8 : memref<80x16xf32, #tpu.memory_space<vmem>>) target(%dma_start3A_85 : memref<80x16xf32, #tpu.memory_space<vmem_shared>>) target_semaphore(%run_scoped3A : memref<!tpu.dma_semaphore, #tpu.memory_space<semaphore_mem>>)
      %dma_wait3A_86 = arith.constant 0 : i32
      %dma_wait3A_87 = tpu.memref_slice %arg11[%add3A_10, %dma_wait3A_86] : memref<10240x16xf32, #tpu.memory_space<vmem_shared>> -> memref<80x16xf32, #tpu.memory_space<vmem_shared>>
      %dma_wait3A_88 = arith.constant 0 : i32
      %dma_wait3A_89 = tpu.memref_slice %arg11[%add3A_10, %dma_wait3A_88] : memref<10240x16xf32, #tpu.memory_space<vmem_shared>> -> memref<80x16xf32, #tpu.memory_space<vmem_shared>>
      tpu.wait_dma2 semaphore(%run_scoped3A : memref<!tpu.dma_semaphore, #tpu.memory_space<semaphore_mem>>) src(%arg8 : memref<80x16xf32, #tpu.memory_space<vmem>>) dst(%dma_wait3A_89 : memref<80x16xf32, #tpu.memory_space<vmem_shared>>)
      tpu.yield
    }) : () -> ()
    %add3A_11 = arith.constant 240 : i32
    %add3A_12 = arith.addi %mul3A_2, %add3A_11 : i32
    "tpu.region"() ({
      %run_scoped3A = tpu.sem_alloc : memref<!tpu.dma_semaphore, #tpu.memory_space<semaphore_mem>>
      %dma_start3A_82 = arith.constant 0 : i32
      %dma_start3A_83 = tpu.memref_slice %arg11[%add3A_12, %dma_start3A_82] : memref<10240x16xf32, #tpu.memory_space<vmem_shared>> -> memref<80x16xf32, #tpu.memory_space<vmem_shared>>
      %dma_start3A_84 = arith.constant 0 : i32
      %dma_start3A_85 = tpu.memref_slice %arg11[%add3A_12, %dma_start3A_84] : memref<10240x16xf32, #tpu.memory_space<vmem_shared>> -> memref<80x16xf32, #tpu.memory_space<vmem_shared>>
      tpu.enqueue_dma source(%arg8 : memref<80x16xf32, #tpu.memory_space<vmem>>) target(%dma_start3A_85 : memref<80x16xf32, #tpu.memory_space<vmem_shared>>) target_semaphore(%run_scoped3A : memref<!tpu.dma_semaphore, #tpu.memory_space<semaphore_mem>>)
      %dma_wait3A_86 = arith.constant 0 : i32
      %dma_wait3A_87 = tpu.memref_slice %arg11[%add3A_12, %dma_wait3A_86] : memref<10240x16xf32, #tpu.memory_space<vmem_shared>> -> memref<80x16xf32, #tpu.memory_space<vmem_shared>>
      %dma_wait3A_88 = arith.constant 0 : i32
      %dma_wait3A_89 = tpu.memref_slice %arg11[%add3A_12, %dma_wait3A_88] : memref<10240x16xf32, #tpu.memory_space<vmem_shared>> -> memref<80x16xf32, #tpu.memory_space<vmem_shared>>
      tpu.wait_dma2 semaphore(%run_scoped3A : memref<!tpu.dma_semaphore, #tpu.memory_space<semaphore_mem>>) src(%arg8 : memref<80x16xf32, #tpu.memory_space<vmem>>) dst(%dma_wait3A_89 : memref<80x16xf32, #tpu.memory_space<vmem_shared>>)
      tpu.yield
    }) : () -> ()
    %add3A_13 = arith.constant 320 : i32
    %add3A_14 = arith.addi %mul3A_2, %add3A_13 : i32
    "tpu.region"() ({
      %run_scoped3A = tpu.sem_alloc : memref<!tpu.dma_semaphore, #tpu.memory_space<semaphore_mem>>
      %dma_start3A_82 = arith.constant 0 : i32
      %dma_start3A_83 = tpu.memref_slice %arg11[%add3A_14, %dma_start3A_82] : memref<10240x16xf32, #tpu.memory_space<vmem_shared>> -> memref<80x16xf32, #tpu.memory_space<vmem_shared>>
      %dma_start3A_84 = arith.constant 0 : i32
      %dma_start3A_85 = tpu.memref_slice %arg11[%add3A_14, %dma_start3A_84] : memref<10240x16xf32, #tpu.memory_space<vmem_shared>> -> memref<80x16xf32, #tpu.memory_space<vmem_shared>>
      tpu.enqueue_dma source(%arg8 : memref<80x16xf32, #tpu.memory_space<vmem>>) target(%dma_start3A_85 : memref<80x16xf32, #tpu.memory_space<vmem_shared>>) target_semaphore(%run_scoped3A : memref<!tpu.dma_semaphore, #tpu.memory_space<semaphore_mem>>)
      %dma_wait3A_86 = arith.constant 0 : i32
      %dma_wait3A_87 = tpu.memref_slice %arg11[%add3A_14, %dma_wait3A_86] : memref<10240x16xf32, #tpu.memory_space<vmem_shared>> -> memref<80x16xf32, #tpu.memory_space<vmem_shared>>
      %dma_wait3A_88 = arith.constant 0 : i32
      %dma_wait3A_89 = tpu.memref_slice %arg11[%add3A_14, %dma_wait3A_88] : memref<10240x16xf32, #tpu.memory_space<vmem_shared>> -> memref<80x16xf32, #tpu.memory_space<vmem_shared>>
      tpu.wait_dma2 semaphore(%run_scoped3A : memref<!tpu.dma_semaphore, #tpu.memory_space<semaphore_mem>>) src(%arg8 : memref<80x16xf32, #tpu.memory_space<vmem>>) dst(%dma_wait3A_89 : memref<80x16xf32, #tpu.memory_space<vmem_shared>>)
      tpu.yield
    }) : () -> ()
    %add3A_15 = arith.constant 400 : i32
    %add3A_16 = arith.addi %mul3A_2, %add3A_15 : i32
    "tpu.region"() ({
      %run_scoped3A = tpu.sem_alloc : memref<!tpu.dma_semaphore, #tpu.memory_space<semaphore_mem>>
      %dma_start3A_82 = arith.constant 0 : i32
      %dma_start3A_83 = tpu.memref_slice %arg11[%add3A_16, %dma_start3A_82] : memref<10240x16xf32, #tpu.memory_space<vmem_shared>> -> memref<80x16xf32, #tpu.memory_space<vmem_shared>>
      %dma_start3A_84 = arith.constant 0 : i32
      %dma_start3A_85 = tpu.memref_slice %arg11[%add3A_16, %dma_start3A_84] : memref<10240x16xf32, #tpu.memory_space<vmem_shared>> -> memref<80x16xf32, #tpu.memory_space<vmem_shared>>
      tpu.enqueue_dma source(%arg8 : memref<80x16xf32, #tpu.memory_space<vmem>>) target(%dma_start3A_85 : memref<80x16xf32, #tpu.memory_space<vmem_shared>>) target_semaphore(%run_scoped3A : memref<!tpu.dma_semaphore, #tpu.memory_space<semaphore_mem>>)
      %dma_wait3A_86 = arith.constant 0 : i32
      %dma_wait3A_87 = tpu.memref_slice %arg11[%add3A_16, %dma_wait3A_86] : memref<10240x16xf32, #tpu.memory_space<vmem_shared>> -> memref<80x16xf32, #tpu.memory_space<vmem_shared>>
      %dma_wait3A_88 = arith.constant 0 : i32
      %dma_wait3A_89 = tpu.memref_slice %arg11[%add3A_16, %dma_wait3A_88] : memref<10240x16xf32, #tpu.memory_space<vmem_shared>> -> memref<80x16xf32, #tpu.memory_space<vmem_shared>>
      tpu.wait_dma2 semaphore(%run_scoped3A : memref<!tpu.dma_semaphore, #tpu.memory_space<semaphore_mem>>) src(%arg8 : memref<80x16xf32, #tpu.memory_space<vmem>>) dst(%dma_wait3A_89 : memref<80x16xf32, #tpu.memory_space<vmem_shared>>)
      tpu.yield
    }) : () -> ()
    %add3A_17 = arith.constant 480 : i32
    %add3A_18 = arith.addi %mul3A_2, %add3A_17 : i32
    "tpu.region"() ({
      %run_scoped3A = tpu.sem_alloc : memref<!tpu.dma_semaphore, #tpu.memory_space<semaphore_mem>>
      %dma_start3A_82 = arith.constant 0 : i32
      %dma_start3A_83 = tpu.memref_slice %arg11[%add3A_18, %dma_start3A_82] : memref<10240x16xf32, #tpu.memory_space<vmem_shared>> -> memref<80x16xf32, #tpu.memory_space<vmem_shared>>
      %dma_start3A_84 = arith.constant 0 : i32
      %dma_start3A_85 = tpu.memref_slice %arg11[%add3A_18, %dma_start3A_84] : memref<10240x16xf32, #tpu.memory_space<vmem_shared>> -> memref<80x16xf32, #tpu.memory_space<vmem_shared>>
      tpu.enqueue_dma source(%arg8 : memref<80x16xf32, #tpu.memory_space<vmem>>) target(%dma_start3A_85 : memref<80x16xf32, #tpu.memory_space<vmem_shared>>) target_semaphore(%run_scoped3A : memref<!tpu.dma_semaphore, #tpu.memory_space<semaphore_mem>>)
      %dma_wait3A_86 = arith.constant 0 : i32
      %dma_wait3A_87 = tpu.memref_slice %arg11[%add3A_18, %dma_wait3A_86] : memref<10240x16xf32, #tpu.memory_space<vmem_shared>> -> memref<80x16xf32, #tpu.memory_space<vmem_shared>>
      %dma_wait3A_88 = arith.constant 0 : i32
      %dma_wait3A_89 = tpu.memref_slice %arg11[%add3A_18, %dma_wait3A_88] : memref<10240x16xf32, #tpu.memory_space<vmem_shared>> -> memref<80x16xf32, #tpu.memory_space<vmem_shared>>
      tpu.wait_dma2 semaphore(%run_scoped3A : memref<!tpu.dma_semaphore, #tpu.memory_space<semaphore_mem>>) src(%arg8 : memref<80x16xf32, #tpu.memory_space<vmem>>) dst(%dma_wait3A_89 : memref<80x16xf32, #tpu.memory_space<vmem_shared>>)
      tpu.yield
    }) : () -> ()
    %add3A_19 = arith.constant 560 : i32
    %add3A_20 = arith.addi %mul3A_2, %add3A_19 : i32
    "tpu.region"() ({
      %run_scoped3A = tpu.sem_alloc : memref<!tpu.dma_semaphore, #tpu.memory_space<semaphore_mem>>
      %dma_start3A_82 = arith.constant 0 : i32
      %dma_start3A_83 = tpu.memref_slice %arg11[%add3A_20, %dma_start3A_82] : memref<10240x16xf32, #tpu.memory_space<vmem_shared>> -> memref<80x16xf32, #tpu.memory_space<vmem_shared>>
      %dma_start3A_84 = arith.constant 0 : i32
      %dma_start3A_85 = tpu.memref_slice %arg11[%add3A_20, %dma_start3A_84] : memref<10240x16xf32, #tpu.memory_space<vmem_shared>> -> memref<80x16xf32, #tpu.memory_space<vmem_shared>>
      tpu.enqueue_dma source(%arg8 : memref<80x16xf32, #tpu.memory_space<vmem>>) target(%dma_start3A_85 : memref<80x16xf32, #tpu.memory_space<vmem_shared>>) target_semaphore(%run_scoped3A : memref<!tpu.dma_semaphore, #tpu.memory_space<semaphore_mem>>)
      %dma_wait3A_86 = arith.constant 0 : i32
      %dma_wait3A_87 = tpu.memref_slice %arg11[%add3A_20, %dma_wait3A_86] : memref<10240x16xf32, #tpu.memory_space<vmem_shared>> -> memref<80x16xf32, #tpu.memory_space<vmem_shared>>
      %dma_wait3A_88 = arith.constant 0 : i32
      %dma_wait3A_89 = tpu.memref_slice %arg11[%add3A_20, %dma_wait3A_88] : memref<10240x16xf32, #tpu.memory_space<vmem_shared>> -> memref<80x16xf32, #tpu.memory_space<vmem_shared>>
      tpu.wait_dma2 semaphore(%run_scoped3A : memref<!tpu.dma_semaphore, #tpu.memory_space<semaphore_mem>>) src(%arg8 : memref<80x16xf32, #tpu.memory_space<vmem>>) dst(%dma_wait3A_89 : memref<80x16xf32, #tpu.memory_space<vmem_shared>>)
      tpu.yield
    }) : () -> ()
    "tpu.region"() ({
      %run_scoped3A = tpu.sem_alloc : memref<!tpu.dma_semaphore, #tpu.memory_space<semaphore_mem>>
      tpu.enqueue_dma source(%arg3 : memref<80x16xf32, #tpu.memory_space<hbm>>) target(%arg8 : memref<80x16xf32, #tpu.memory_space<vmem>>) target_semaphore(%run_scoped3A : memref<!tpu.dma_semaphore, #tpu.memory_space<semaphore_mem>>)
      tpu.wait_dma2 semaphore(%run_scoped3A : memref<!tpu.dma_semaphore, #tpu.memory_space<semaphore_mem>>) src(%arg3 : memref<80x16xf32, #tpu.memory_space<hbm>>) dst(%arg8 : memref<80x16xf32, #tpu.memory_space<vmem>>)
      tpu.yield
    }) : () -> ()
    %barrier3A = arith.constant 0 : index
    tpu.barrier barrier_id(%barrier3A)
    %add3A_21 = arith.constant 0 : i32
    %add3A_22 = arith.addi %mul3A_4, %add3A_21 : i32
    %dma_start3A = tpu.memref_slice %arg2[%add3A_22] : memref<320000xi32, #tpu.memory_space<hbm>> -> memref<80xi32, #tpu.memory_space<hbm>>
    %dma_start3A_23 = tpu.memref_slice %arg2[%add3A_22] : memref<320000xi32, #tpu.memory_space<hbm>> -> memref<80xi32, #tpu.memory_space<hbm>>
    tpu.enqueue_dma source(%dma_start3A_23 : memref<80xi32, #tpu.memory_space<hbm>>) target(%arg6 : memref<80xi32, #tpu.memory_space<vmem>>) target_semaphore(%arg9 : memref<!tpu.dma_semaphore, #tpu.memory_space<semaphore_mem>>)
    %add3A_24 = arith.constant 80 : i32
    %add3A_25 = arith.addi %mul3A_4, %add3A_24 : i32
    %dma_start3A_26 = tpu.memref_slice %arg2[%add3A_25] : memref<320000xi32, #tpu.memory_space<hbm>> -> memref<80xi32, #tpu.memory_space<hbm>>
    %dma_start3A_27 = tpu.memref_slice %arg2[%add3A_25] : memref<320000xi32, #tpu.memory_space<hbm>> -> memref<80xi32, #tpu.memory_space<hbm>>
    tpu.enqueue_dma source(%dma_start3A_27 : memref<80xi32, #tpu.memory_space<hbm>>) target(%arg7 : memref<80xi32, #tpu.memory_space<vmem>>) target_semaphore(%arg10 : memref<!tpu.dma_semaphore, #tpu.memory_space<semaphore_mem>>)
    %scan3A = arith.constant 0 : i32
    %scan3A_28 = arith.constant 0 : i32
    %scan3A_29 = arith.constant 61 : i32
    %scan3A_30 = arith.addi %scan3A_28, %scan3A_29 : i32
    %scan3A_31 = arith.constant 1 : i32
    %scan3A_32 = scf.for %scan3A_82 = %scan3A_28 to %scan3A_30 step %scan3A_31 iter_args(%scan3A_83 = %scan3A) -> (i32)  : i32 {
      %mul3A_84 = arith.constant 2 : i32
      %mul3A_85 = arith.muli %scan3A_82, %mul3A_84 : i32
      %add3A_86 = arith.constant 1 : i32
      %add3A_87 = arith.addi %mul3A_85, %add3A_86 : i32
      %mul3A_88 = arith.constant 80 : i32
      %mul3A_89 = arith.muli %mul3A_85, %mul3A_88 : i32
      %add3A_90 = arith.addi %mul3A_4, %mul3A_89 : i32
      %dma_wait3A_91 = tpu.memref_slice %arg2[%add3A_90] : memref<320000xi32, #tpu.memory_space<hbm>> -> memref<80xi32, #tpu.memory_space<hbm>>
      %dma_wait3A_92 = tpu.memref_slice %arg2[%add3A_90] : memref<320000xi32, #tpu.memory_space<hbm>> -> memref<80xi32, #tpu.memory_space<hbm>>
      tpu.wait_dma2 semaphore(%arg9 : memref<!tpu.dma_semaphore, #tpu.memory_space<semaphore_mem>>) src(%dma_wait3A_92 : memref<80xi32, #tpu.memory_space<hbm>>) dst(%arg6 : memref<80xi32, #tpu.memory_space<vmem>>)
      "tpu.region"() ({
        %run_scoped3A = tpu.sem_alloc : memref<!tpu.dma_semaphore, #tpu.memory_space<semaphore_mem>>
        %dma_start3A_113 = arith.constant 0 : i32
        %dma_start3A_114 = arith.constant 0 : i32
        %dma_start3A_115 = tpu.memref_slice %arg11[%dma_start3A_113, %dma_start3A_114] : memref<10240x16xf32, #tpu.memory_space<vmem_shared>> -> memref<10240x16xf32, #tpu.memory_space<vmem_shared>>
        tpu.enqueue_indirect_dma source(%arg8 : memref<80x16xf32, #tpu.memory_space<vmem>>) target(%dma_start3A_115 : memref<10240x16xf32, #tpu.memory_space<vmem_shared>>) offsets(%arg6 : memref<80xi32, #tpu.memory_space<vmem>>) semaphore(%run_scoped3A : memref<!tpu.dma_semaphore, #tpu.memory_space<semaphore_mem>>) {add = true}
        %dma_wait3A_116 = arith.constant 0 : i32
        %dma_wait3A_117 = arith.constant 0 : i32
        %dma_wait3A_118 = tpu.memref_slice %arg11[%dma_wait3A_116, %dma_wait3A_117] : memref<10240x16xf32, #tpu.memory_space<vmem_shared>> -> memref<10240x16xf32, #tpu.memory_space<vmem_shared>>
        tpu.wait_indirect_dma semaphore(%run_scoped3A : memref<!tpu.dma_semaphore, #tpu.memory_space<semaphore_mem>>) src(%arg8 : memref<80x16xf32, #tpu.memory_space<vmem>>) dst(%dma_wait3A_118 : memref<10240x16xf32, #tpu.memory_space<vmem_shared>>)
        tpu.yield
      }) : () -> ()
      %add3A_93 = arith.constant 2 : i32
      %add3A_94 = arith.addi %mul3A_85, %add3A_93 : i32
      %mul3A_95 = arith.constant 80 : i32
      %mul3A_96 = arith.muli %add3A_94, %mul3A_95 : i32
      %add3A_97 = arith.addi %mul3A_4, %mul3A_96 : i32
      %dma_start3A_98 = tpu.memref_slice %arg2[%add3A_97] : memref<320000xi32, #tpu.memory_space<hbm>> -> memref<80xi32, #tpu.memory_space<hbm>>
      %dma_start3A_99 = tpu.memref_slice %arg2[%add3A_97] : memref<320000xi32, #tpu.memory_space<hbm>> -> memref<80xi32, #tpu.memory_space<hbm>>
      tpu.enqueue_dma source(%dma_start3A_99 : memref<80xi32, #tpu.memory_space<hbm>>) target(%arg6 : memref<80xi32, #tpu.memory_space<vmem>>) target_semaphore(%arg9 : memref<!tpu.dma_semaphore, #tpu.memory_space<semaphore_mem>>)
      %mul3A_100 = arith.constant 80 : i32
      %mul3A_101 = arith.muli %add3A_87, %mul3A_100 : i32
      %add3A_102 = arith.addi %mul3A_4, %mul3A_101 : i32
      %dma_wait3A_103 = tpu.memref_slice %arg2[%add3A_102] : memref<320000xi32, #tpu.memory_space<hbm>> -> memref<80xi32, #tpu.memory_space<hbm>>
      %dma_wait3A_104 = tpu.memref_slice %arg2[%add3A_102] : memref<320000xi32, #tpu.memory_space<hbm>> -> memref<80xi32, #tpu.memory_space<hbm>>
      tpu.wait_dma2 semaphore(%arg10 : memref<!tpu.dma_semaphore, #tpu.memory_space<semaphore_mem>>) src(%dma_wait3A_104 : memref<80xi32, #tpu.memory_space<hbm>>) dst(%arg7 : memref<80xi32, #tpu.memory_space<vmem>>)
      "tpu.region"() ({
        %run_scoped3A = tpu.sem_alloc : memref<!tpu.dma_semaphore, #tpu.memory_space<semaphore_mem>>
        %dma_start3A_113 = arith.constant 0 : i32
        %dma_start3A_114 = arith.constant 0 : i32
        %dma_start3A_115 = tpu.memref_slice %arg11[%dma_start3A_113, %dma_start3A_114] : memref<10240x16xf32, #tpu.memory_space<vmem_shared>> -> memref<10240x16xf32, #tpu.memory_space<vmem_shared>>
        tpu.enqueue_indirect_dma source(%arg8 : memref<80x16xf32, #tpu.memory_space<vmem>>) target(%dma_start3A_115 : memref<10240x16xf32, #tpu.memory_space<vmem_shared>>) offsets(%arg7 : memref<80xi32, #tpu.memory_space<vmem>>) semaphore(%run_scoped3A : memref<!tpu.dma_semaphore, #tpu.memory_space<semaphore_mem>>) {add = true}
        %dma_wait3A_116 = arith.constant 0 : i32
        %dma_wait3A_117 = arith.constant 0 : i32
        %dma_wait3A_118 = tpu.memref_slice %arg11[%dma_wait3A_116, %dma_wait3A_117] : memref<10240x16xf32, #tpu.memory_space<vmem_shared>> -> memref<10240x16xf32, #tpu.memory_space<vmem_shared>>
        tpu.wait_indirect_dma semaphore(%run_scoped3A : memref<!tpu.dma_semaphore, #tpu.memory_space<semaphore_mem>>) src(%arg8 : memref<80x16xf32, #tpu.memory_space<vmem>>) dst(%dma_wait3A_118 : memref<10240x16xf32, #tpu.memory_space<vmem_shared>>)
        tpu.yield
      }) : () -> ()
      %add3A_105 = arith.constant 2 : i32
      %add3A_106 = arith.addi %add3A_87, %add3A_105 : i32
      %mul3A_107 = arith.constant 80 : i32
      %mul3A_108 = arith.muli %add3A_106, %mul3A_107 : i32
      %add3A_109 = arith.addi %mul3A_4, %mul3A_108 : i32
      %dma_start3A_110 = tpu.memref_slice %arg2[%add3A_109] : memref<320000xi32, #tpu.memory_space<hbm>> -> memref<80xi32, #tpu.memory_space<hbm>>
      %dma_start3A_111 = tpu.memref_slice %arg2[%add3A_109] : memref<320000xi32, #tpu.memory_space<hbm>> -> memref<80xi32, #tpu.memory_space<hbm>>
      tpu.enqueue_dma source(%dma_start3A_111 : memref<80xi32, #tpu.memory_space<hbm>>) target(%arg7 : memref<80xi32, #tpu.memory_space<vmem>>) target_semaphore(%arg10 : memref<!tpu.dma_semaphore, #tpu.memory_space<semaphore_mem>>)
      %scan3A_112 = arith.constant 0 : i32
      scf.yield %scan3A_112 : i32
    }
    %scan3A_33 = arith.constant 61 : i32
    %add3A_34 = arith.constant 9760 : i32
    %add3A_35 = arith.addi %mul3A_4, %add3A_34 : i32
    %dma_wait3A = tpu.memref_slice %arg2[%add3A_35] : memref<320000xi32, #tpu.memory_space<hbm>> -> memref<80xi32, #tpu.memory_space<hbm>>
    %dma_wait3A_36 = tpu.memref_slice %arg2[%add3A_35] : memref<320000xi32, #tpu.memory_space<hbm>> -> memref<80xi32, #tpu.memory_space<hbm>>
    tpu.wait_dma2 semaphore(%arg9 : memref<!tpu.dma_semaphore, #tpu.memory_space<semaphore_mem>>) src(%dma_wait3A_36 : memref<80xi32, #tpu.memory_space<hbm>>) dst(%arg6 : memref<80xi32, #tpu.memory_space<vmem>>)
    "tpu.region"() ({
      %run_scoped3A = tpu.sem_alloc : memref<!tpu.dma_semaphore, #tpu.memory_space<semaphore_mem>>
      %dma_start3A_82 = arith.constant 0 : i32
      %dma_start3A_83 = arith.constant 0 : i32
      %dma_start3A_84 = tpu.memref_slice %arg11[%dma_start3A_82, %dma_start3A_83] : memref<10240x16xf32, #tpu.memory_space<vmem_shared>> -> memref<10240x16xf32, #tpu.memory_space<vmem_shared>>
      tpu.enqueue_indirect_dma source(%arg8 : memref<80x16xf32, #tpu.memory_space<vmem>>) target(%dma_start3A_84 : memref<10240x16xf32, #tpu.memory_space<vmem_shared>>) offsets(%arg6 : memref<80xi32, #tpu.memory_space<vmem>>) semaphore(%run_scoped3A : memref<!tpu.dma_semaphore, #tpu.memory_space<semaphore_mem>>) {add = true}
      %dma_wait3A_85 = arith.constant 0 : i32
      %dma_wait3A_86 = arith.constant 0 : i32
      %dma_wait3A_87 = tpu.memref_slice %arg11[%dma_wait3A_85, %dma_wait3A_86] : memref<10240x16xf32, #tpu.memory_space<vmem_shared>> -> memref<10240x16xf32, #tpu.memory_space<vmem_shared>>
      tpu.wait_indirect_dma semaphore(%run_scoped3A : memref<!tpu.dma_semaphore, #tpu.memory_space<semaphore_mem>>) src(%arg8 : memref<80x16xf32, #tpu.memory_space<vmem>>) dst(%dma_wait3A_87 : memref<10240x16xf32, #tpu.memory_space<vmem_shared>>)
      tpu.yield
    }) : () -> ()
    %add3A_37 = arith.constant 9920 : i32
    %add3A_38 = arith.addi %mul3A_4, %add3A_37 : i32
    %dma_start3A_39 = tpu.memref_slice %arg2[%add3A_38] : memref<320000xi32, #tpu.memory_space<hbm>> -> memref<80xi32, #tpu.memory_space<hbm>>
    %dma_start3A_40 = tpu.memref_slice %arg2[%add3A_38] : memref<320000xi32, #tpu.memory_space<hbm>> -> memref<80xi32, #tpu.memory_space<hbm>>
    tpu.enqueue_dma source(%dma_start3A_40 : memref<80xi32, #tpu.memory_space<hbm>>) target(%arg6 : memref<80xi32, #tpu.memory_space<vmem>>) target_semaphore(%arg9 : memref<!tpu.dma_semaphore, #tpu.memory_space<semaphore_mem>>)
    %add3A_41 = arith.constant 9840 : i32
    %add3A_42 = arith.addi %mul3A_4, %add3A_41 : i32
    %dma_wait3A_43 = tpu.memref_slice %arg2[%add3A_42] : memref<320000xi32, #tpu.memory_space<hbm>> -> memref<80xi32, #tpu.memory_space<hbm>>
    %dma_wait3A_44 = tpu.memref_slice %arg2[%add3A_42] : memref<320000xi32, #tpu.memory_space<hbm>> -> memref<80xi32, #tpu.memory_space<hbm>>
    tpu.wait_dma2 semaphore(%arg10 : memref<!tpu.dma_semaphore, #tpu.memory_space<semaphore_mem>>) src(%dma_wait3A_44 : memref<80xi32, #tpu.memory_space<hbm>>) dst(%arg7 : memref<80xi32, #tpu.memory_space<vmem>>)
    "tpu.region"() ({
      %run_scoped3A = tpu.sem_alloc : memref<!tpu.dma_semaphore, #tpu.memory_space<semaphore_mem>>
      %dma_start3A_82 = arith.constant 0 : i32
      %dma_start3A_83 = arith.constant 0 : i32
      %dma_start3A_84 = tpu.memref_slice %arg11[%dma_start3A_82, %dma_start3A_83] : memref<10240x16xf32, #tpu.memory_space<vmem_shared>> -> memref<10240x16xf32, #tpu.memory_space<vmem_shared>>
      tpu.enqueue_indirect_dma source(%arg8 : memref<80x16xf32, #tpu.memory_space<vmem>>) target(%dma_start3A_84 : memref<10240x16xf32, #tpu.memory_space<vmem_shared>>) offsets(%arg7 : memref<80xi32, #tpu.memory_space<vmem>>) semaphore(%run_scoped3A : memref<!tpu.dma_semaphore, #tpu.memory_space<semaphore_mem>>) {add = true}
      %dma_wait3A_85 = arith.constant 0 : i32
      %dma_wait3A_86 = arith.constant 0 : i32
      %dma_wait3A_87 = tpu.memref_slice %arg11[%dma_wait3A_85, %dma_wait3A_86] : memref<10240x16xf32, #tpu.memory_space<vmem_shared>> -> memref<10240x16xf32, #tpu.memory_space<vmem_shared>>
      tpu.wait_indirect_dma semaphore(%run_scoped3A : memref<!tpu.dma_semaphore, #tpu.memory_space<semaphore_mem>>) src(%arg8 : memref<80x16xf32, #tpu.memory_space<vmem>>) dst(%dma_wait3A_87 : memref<10240x16xf32, #tpu.memory_space<vmem_shared>>)
      tpu.yield
    }) : () -> ()
    %add3A_45 = arith.constant 9920 : i32
    %add3A_46 = arith.addi %mul3A_4, %add3A_45 : i32
    %dma_wait3A_47 = tpu.memref_slice %arg2[%add3A_46] : memref<320000xi32, #tpu.memory_space<hbm>> -> memref<80xi32, #tpu.memory_space<hbm>>
    %dma_wait3A_48 = tpu.memref_slice %arg2[%add3A_46] : memref<320000xi32, #tpu.memory_space<hbm>> -> memref<80xi32, #tpu.memory_space<hbm>>
    tpu.wait_dma2 semaphore(%arg9 : memref<!tpu.dma_semaphore, #tpu.memory_space<semaphore_mem>>) src(%dma_wait3A_48 : memref<80xi32, #tpu.memory_space<hbm>>) dst(%arg6 : memref<80xi32, #tpu.memory_space<vmem>>)
    "tpu.region"() ({
      %run_scoped3A = tpu.sem_alloc : memref<!tpu.dma_semaphore, #tpu.memory_space<semaphore_mem>>
      %dma_start3A_82 = arith.constant 0 : i32
      %dma_start3A_83 = arith.constant 0 : i32
      %dma_start3A_84 = tpu.memref_slice %arg11[%dma_start3A_82, %dma_start3A_83] : memref<10240x16xf32, #tpu.memory_space<vmem_shared>> -> memref<10240x16xf32, #tpu.memory_space<vmem_shared>>
      tpu.enqueue_indirect_dma source(%arg8 : memref<80x16xf32, #tpu.memory_space<vmem>>) target(%dma_start3A_84 : memref<10240x16xf32, #tpu.memory_space<vmem_shared>>) offsets(%arg6 : memref<80xi32, #tpu.memory_space<vmem>>) semaphore(%run_scoped3A : memref<!tpu.dma_semaphore, #tpu.memory_space<semaphore_mem>>) {add = true}
      %dma_wait3A_85 = arith.constant 0 : i32
      %dma_wait3A_86 = arith.constant 0 : i32
      %dma_wait3A_87 = tpu.memref_slice %arg11[%dma_wait3A_85, %dma_wait3A_86] : memref<10240x16xf32, #tpu.memory_space<vmem_shared>> -> memref<10240x16xf32, #tpu.memory_space<vmem_shared>>
      tpu.wait_indirect_dma semaphore(%run_scoped3A : memref<!tpu.dma_semaphore, #tpu.memory_space<semaphore_mem>>) src(%arg8 : memref<80x16xf32, #tpu.memory_space<vmem>>) dst(%dma_wait3A_87 : memref<10240x16xf32, #tpu.memory_space<vmem_shared>>)
      tpu.yield
    }) : () -> ()
    %barrier3A_49 = arith.constant 0 : index
    tpu.barrier barrier_id(%barrier3A_49)
    %add3A_50 = arith.constant 0 : i32
    %add3A_51 = arith.addi %mul3A_2, %add3A_50 : i32
    "tpu.region"() ({
      %run_scoped3A = tpu.sem_alloc : memref<!tpu.dma_semaphore, #tpu.memory_space<semaphore_mem>>
      %dma_start3A_82 = arith.constant 0 : i32
      %dma_start3A_83 = tpu.memref_slice %arg11[%add3A_51, %dma_start3A_82] : memref<10240x16xf32, #tpu.memory_space<vmem_shared>> -> memref<80x16xf32, #tpu.memory_space<vmem_shared>>
      %dma_start3A_84 = arith.constant 0 : i32
      %dma_start3A_85 = tpu.memref_slice %arg11[%add3A_51, %dma_start3A_84] : memref<10240x16xf32, #tpu.memory_space<vmem_shared>> -> memref<80x16xf32, #tpu.memory_space<vmem_shared>>
      tpu.enqueue_dma source(%dma_start3A_85 : memref<80x16xf32, #tpu.memory_space<vmem_shared>>) target(%arg8 : memref<80x16xf32, #tpu.memory_space<vmem>>) target_semaphore(%run_scoped3A : memref<!tpu.dma_semaphore, #tpu.memory_space<semaphore_mem>>)
      %dma_wait3A_86 = arith.constant 0 : i32
      %dma_wait3A_87 = tpu.memref_slice %arg11[%add3A_51, %dma_wait3A_86] : memref<10240x16xf32, #tpu.memory_space<vmem_shared>> -> memref<80x16xf32, #tpu.memory_space<vmem_shared>>
      %dma_wait3A_88 = arith.constant 0 : i32
      %dma_wait3A_89 = tpu.memref_slice %arg11[%add3A_51, %dma_wait3A_88] : memref<10240x16xf32, #tpu.memory_space<vmem_shared>> -> memref<80x16xf32, #tpu.memory_space<vmem_shared>>
      tpu.wait_dma2 semaphore(%run_scoped3A : memref<!tpu.dma_semaphore, #tpu.memory_space<semaphore_mem>>) src(%dma_wait3A_89 : memref<80x16xf32, #tpu.memory_space<vmem_shared>>) dst(%arg8 : memref<80x16xf32, #tpu.memory_space<vmem>>)
      tpu.yield
    }) : () -> ()
    %add3A_52 = arith.constant 0 : i32
    %add3A_53 = arith.addi %mul3A_2, %add3A_52 : i32
    "tpu.region"() ({
      %run_scoped3A = tpu.sem_alloc : memref<!tpu.dma_semaphore, #tpu.memory_space<semaphore_mem>>
      %dma_start3A_82 = arith.constant 0 : i32
      %dma_start3A_83 = tpu.memref_slice %arg5[%arg0, %add3A_53, %dma_start3A_82] : memref<2x10240x16xf32, #tpu.memory_space<hbm>> -> memref<1x80x16xf32, #tpu.memory_space<hbm>>
      %dma_start3A_84 = tpu.memref_squeeze %dma_start3A_83 : memref<1x80x16xf32, #tpu.memory_space<hbm>> -> memref<80x16xf32, #tpu.memory_space<hbm>>
      %dma_start3A_85 = arith.constant 0 : i32
      %dma_start3A_86 = tpu.memref_slice %arg5[%arg0, %add3A_53, %dma_start3A_85] : memref<2x10240x16xf32, #tpu.memory_space<hbm>> -> memref<1x80x16xf32, #tpu.memory_space<hbm>>
      %dma_start3A_87 = tpu.memref_squeeze %dma_start3A_86 : memref<1x80x16xf32, #tpu.memory_space<hbm>> -> memref<80x16xf32, #tpu.memory_space<hbm>>
      tpu.enqueue_dma source(%arg8 : memref<80x16xf32, #tpu.memory_space<vmem>>) target(%dma_start3A_87 : memref<80x16xf32, #tpu.memory_space<hbm>>) target_semaphore(%run_scoped3A : memref<!tpu.dma_semaphore, #tpu.memory_space<semaphore_mem>>)
      %dma_wait3A_88 = arith.constant 0 : i32
      %dma_wait3A_89 = tpu.memref_slice %arg5[%arg0, %add3A_53, %dma_wait3A_88] : memref<2x10240x16xf32, #tpu.memory_space<hbm>> -> memref<1x80x16xf32, #tpu.memory_space<hbm>>
      %dma_wait3A_90 = tpu.memref_squeeze %dma_wait3A_89 : memref<1x80x16xf32, #tpu.memory_space<hbm>> -> memref<80x16xf32, #tpu.memory_space<hbm>>
      %dma_wait3A_91 = arith.constant 0 : i32
      %dma_wait3A_92 = tpu.memref_slice %arg5[%arg0, %add3A_53, %dma_wait3A_91] : memref<2x10240x16xf32, #tpu.memory_space<hbm>> -> memref<1x80x16xf32, #tpu.memory_space<hbm>>
      %dma_wait3A_93 = tpu.memref_squeeze %dma_wait3A_92 : memref<1x80x16xf32, #tpu.memory_space<hbm>> -> memref<80x16xf32, #tpu.memory_space<hbm>>
      tpu.wait_dma2 semaphore(%run_scoped3A : memref<!tpu.dma_semaphore, #tpu.memory_space<semaphore_mem>>) src(%arg8 : memref<80x16xf32, #tpu.memory_space<vmem>>) dst(%dma_wait3A_93 : memref<80x16xf32, #tpu.memory_space<hbm>>)
      tpu.yield
    }) : () -> ()
    %add3A_54 = arith.constant 80 : i32
    %add3A_55 = arith.addi %mul3A_2, %add3A_54 : i32
    "tpu.region"() ({
      %run_scoped3A = tpu.sem_alloc : memref<!tpu.dma_semaphore, #tpu.memory_space<semaphore_mem>>
      %dma_start3A_82 = arith.constant 0 : i32
      %dma_start3A_83 = tpu.memref_slice %arg11[%add3A_55, %dma_start3A_82] : memref<10240x16xf32, #tpu.memory_space<vmem_shared>> -> memref<80x16xf32, #tpu.memory_space<vmem_shared>>
      %dma_start3A_84 = arith.constant 0 : i32
      %dma_start3A_85 = tpu.memref_slice %arg11[%add3A_55, %dma_start3A_84] : memref<10240x16xf32, #tpu.memory_space<vmem_shared>> -> memref<80x16xf32, #tpu.memory_space<vmem_shared>>
      tpu.enqueue_dma source(%dma_start3A_85 : memref<80x16xf32, #tpu.memory_space<vmem_shared>>) target(%arg8 : memref<80x16xf32, #tpu.memory_space<vmem>>) target_semaphore(%run_scoped3A : memref<!tpu.dma_semaphore, #tpu.memory_space<semaphore_mem>>)
      %dma_wait3A_86 = arith.constant 0 : i32
      %dma_wait3A_87 = tpu.memref_slice %arg11[%add3A_55, %dma_wait3A_86] : memref<10240x16xf32, #tpu.memory_space<vmem_shared>> -> memref<80x16xf32, #tpu.memory_space<vmem_shared>>
      %dma_wait3A_88 = arith.constant 0 : i32
      %dma_wait3A_89 = tpu.memref_slice %arg11[%add3A_55, %dma_wait3A_88] : memref<10240x16xf32, #tpu.memory_space<vmem_shared>> -> memref<80x16xf32, #tpu.memory_space<vmem_shared>>
      tpu.wait_dma2 semaphore(%run_scoped3A : memref<!tpu.dma_semaphore, #tpu.memory_space<semaphore_mem>>) src(%dma_wait3A_89 : memref<80x16xf32, #tpu.memory_space<vmem_shared>>) dst(%arg8 : memref<80x16xf32, #tpu.memory_space<vmem>>)
      tpu.yield
    }) : () -> ()
    %add3A_56 = arith.constant 80 : i32
    %add3A_57 = arith.addi %mul3A_2, %add3A_56 : i32
    "tpu.region"() ({
      %run_scoped3A = tpu.sem_alloc : memref<!tpu.dma_semaphore, #tpu.memory_space<semaphore_mem>>
      %dma_start3A_82 = arith.constant 0 : i32
      %dma_start3A_83 = tpu.memref_slice %arg5[%arg0, %add3A_57, %dma_start3A_82] : memref<2x10240x16xf32, #tpu.memory_space<hbm>> -> memref<1x80x16xf32, #tpu.memory_space<hbm>>
      %dma_start3A_84 = tpu.memref_squeeze %dma_start3A_83 : memref<1x80x16xf32, #tpu.memory_space<hbm>> -> memref<80x16xf32, #tpu.memory_space<hbm>>
      %dma_start3A_85 = arith.constant 0 : i32
      %dma_start3A_86 = tpu.memref_slice %arg5[%arg0, %add3A_57, %dma_start3A_85] : memref<2x10240x16xf32, #tpu.memory_space<hbm>> -> memref<1x80x16xf32, #tpu.memory_space<hbm>>
      %dma_start3A_87 = tpu.memref_squeeze %dma_start3A_86 : memref<1x80x16xf32, #tpu.memory_space<hbm>> -> memref<80x16xf32, #tpu.memory_space<hbm>>
      tpu.enqueue_dma source(%arg8 : memref<80x16xf32, #tpu.memory_space<vmem>>) target(%dma_start3A_87 : memref<80x16xf32, #tpu.memory_space<hbm>>) target_semaphore(%run_scoped3A : memref<!tpu.dma_semaphore, #tpu.memory_space<semaphore_mem>>)
      %dma_wait3A_88 = arith.constant 0 : i32
      %dma_wait3A_89 = tpu.memref_slice %arg5[%arg0, %add3A_57, %dma_wait3A_88] : memref<2x10240x16xf32, #tpu.memory_space<hbm>> -> memref<1x80x16xf32, #tpu.memory_space<hbm>>
      %dma_wait3A_90 = tpu.memref_squeeze %dma_wait3A_89 : memref<1x80x16xf32, #tpu.memory_space<hbm>> -> memref<80x16xf32, #tpu.memory_space<hbm>>
      %dma_wait3A_91 = arith.constant 0 : i32
      %dma_wait3A_92 = tpu.memref_slice %arg5[%arg0, %add3A_57, %dma_wait3A_91] : memref<2x10240x16xf32, #tpu.memory_space<hbm>> -> memref<1x80x16xf32, #tpu.memory_space<hbm>>
      %dma_wait3A_93 = tpu.memref_squeeze %dma_wait3A_92 : memref<1x80x16xf32, #tpu.memory_space<hbm>> -> memref<80x16xf32, #tpu.memory_space<hbm>>
      tpu.wait_dma2 semaphore(%run_scoped3A : memref<!tpu.dma_semaphore, #tpu.memory_space<semaphore_mem>>) src(%arg8 : memref<80x16xf32, #tpu.memory_space<vmem>>) dst(%dma_wait3A_93 : memref<80x16xf32, #tpu.memory_space<hbm>>)
      tpu.yield
    }) : () -> ()
    %add3A_58 = arith.constant 160 : i32
    %add3A_59 = arith.addi %mul3A_2, %add3A_58 : i32
    "tpu.region"() ({
      %run_scoped3A = tpu.sem_alloc : memref<!tpu.dma_semaphore, #tpu.memory_space<semaphore_mem>>
      %dma_start3A_82 = arith.constant 0 : i32
      %dma_start3A_83 = tpu.memref_slice %arg11[%add3A_59, %dma_start3A_82] : memref<10240x16xf32, #tpu.memory_space<vmem_shared>> -> memref<80x16xf32, #tpu.memory_space<vmem_shared>>
      %dma_start3A_84 = arith.constant 0 : i32
      %dma_start3A_85 = tpu.memref_slice %arg11[%add3A_59, %dma_start3A_84] : memref<10240x16xf32, #tpu.memory_space<vmem_shared>> -> memref<80x16xf32, #tpu.memory_space<vmem_shared>>
      tpu.enqueue_dma source(%dma_start3A_85 : memref<80x16xf32, #tpu.memory_space<vmem_shared>>) target(%arg8 : memref<80x16xf32, #tpu.memory_space<vmem>>) target_semaphore(%run_scoped3A : memref<!tpu.dma_semaphore, #tpu.memory_space<semaphore_mem>>)
      %dma_wait3A_86 = arith.constant 0 : i32
      %dma_wait3A_87 = tpu.memref_slice %arg11[%add3A_59, %dma_wait3A_86] : memref<10240x16xf32, #tpu.memory_space<vmem_shared>> -> memref<80x16xf32, #tpu.memory_space<vmem_shared>>
      %dma_wait3A_88 = arith.constant 0 : i32
      %dma_wait3A_89 = tpu.memref_slice %arg11[%add3A_59, %dma_wait3A_88] : memref<10240x16xf32, #tpu.memory_space<vmem_shared>> -> memref<80x16xf32, #tpu.memory_space<vmem_shared>>
      tpu.wait_dma2 semaphore(%run_scoped3A : memref<!tpu.dma_semaphore, #tpu.memory_space<semaphore_mem>>) src(%dma_wait3A_89 : memref<80x16xf32, #tpu.memory_space<vmem_shared>>) dst(%arg8 : memref<80x16xf32, #tpu.memory_space<vmem>>)
      tpu.yield
    }) : () -> ()
    %add3A_60 = arith.constant 160 : i32
    %add3A_61 = arith.addi %mul3A_2, %add3A_60 : i32
    "tpu.region"() ({
      %run_scoped3A = tpu.sem_alloc : memref<!tpu.dma_semaphore, #tpu.memory_space<semaphore_mem>>
      %dma_start3A_82 = arith.constant 0 : i32
      %dma_start3A_83 = tpu.memref_slice %arg5[%arg0, %add3A_61, %dma_start3A_82] : memref<2x10240x16xf32, #tpu.memory_space<hbm>> -> memref<1x80x16xf32, #tpu.memory_space<hbm>>
      %dma_start3A_84 = tpu.memref_squeeze %dma_start3A_83 : memref<1x80x16xf32, #tpu.memory_space<hbm>> -> memref<80x16xf32, #tpu.memory_space<hbm>>
      %dma_start3A_85 = arith.constant 0 : i32
      %dma_start3A_86 = tpu.memref_slice %arg5[%arg0, %add3A_61, %dma_start3A_85] : memref<2x10240x16xf32, #tpu.memory_space<hbm>> -> memref<1x80x16xf32, #tpu.memory_space<hbm>>
      %dma_start3A_87 = tpu.memref_squeeze %dma_start3A_86 : memref<1x80x16xf32, #tpu.memory_space<hbm>> -> memref<80x16xf32, #tpu.memory_space<hbm>>
      tpu.enqueue_dma source(%arg8 : memref<80x16xf32, #tpu.memory_space<vmem>>) target(%dma_start3A_87 : memref<80x16xf32, #tpu.memory_space<hbm>>) target_semaphore(%run_scoped3A : memref<!tpu.dma_semaphore, #tpu.memory_space<semaphore_mem>>)
      %dma_wait3A_88 = arith.constant 0 : i32
      %dma_wait3A_89 = tpu.memref_slice %arg5[%arg0, %add3A_61, %dma_wait3A_88] : memref<2x10240x16xf32, #tpu.memory_space<hbm>> -> memref<1x80x16xf32, #tpu.memory_space<hbm>>
      %dma_wait3A_90 = tpu.memref_squeeze %dma_wait3A_89 : memref<1x80x16xf32, #tpu.memory_space<hbm>> -> memref<80x16xf32, #tpu.memory_space<hbm>>
      %dma_wait3A_91 = arith.constant 0 : i32
      %dma_wait3A_92 = tpu.memref_slice %arg5[%arg0, %add3A_61, %dma_wait3A_91] : memref<2x10240x16xf32, #tpu.memory_space<hbm>> -> memref<1x80x16xf32, #tpu.memory_space<hbm>>
      %dma_wait3A_93 = tpu.memref_squeeze %dma_wait3A_92 : memref<1x80x16xf32, #tpu.memory_space<hbm>> -> memref<80x16xf32, #tpu.memory_space<hbm>>
      tpu.wait_dma2 semaphore(%run_scoped3A : memref<!tpu.dma_semaphore, #tpu.memory_space<semaphore_mem>>) src(%arg8 : memref<80x16xf32, #tpu.memory_space<vmem>>) dst(%dma_wait3A_93 : memref<80x16xf32, #tpu.memory_space<hbm>>)
      tpu.yield
    }) : () -> ()
    %add3A_62 = arith.constant 240 : i32
    %add3A_63 = arith.addi %mul3A_2, %add3A_62 : i32
    "tpu.region"() ({
      %run_scoped3A = tpu.sem_alloc : memref<!tpu.dma_semaphore, #tpu.memory_space<semaphore_mem>>
      %dma_start3A_82 = arith.constant 0 : i32
      %dma_start3A_83 = tpu.memref_slice %arg11[%add3A_63, %dma_start3A_82] : memref<10240x16xf32, #tpu.memory_space<vmem_shared>> -> memref<80x16xf32, #tpu.memory_space<vmem_shared>>
      %dma_start3A_84 = arith.constant 0 : i32
      %dma_start3A_85 = tpu.memref_slice %arg11[%add3A_63, %dma_start3A_84] : memref<10240x16xf32, #tpu.memory_space<vmem_shared>> -> memref<80x16xf32, #tpu.memory_space<vmem_shared>>
      tpu.enqueue_dma source(%dma_start3A_85 : memref<80x16xf32, #tpu.memory_space<vmem_shared>>) target(%arg8 : memref<80x16xf32, #tpu.memory_space<vmem>>) target_semaphore(%run_scoped3A : memref<!tpu.dma_semaphore, #tpu.memory_space<semaphore_mem>>)
      %dma_wait3A_86 = arith.constant 0 : i32
      %dma_wait3A_87 = tpu.memref_slice %arg11[%add3A_63, %dma_wait3A_86] : memref<10240x16xf32, #tpu.memory_space<vmem_shared>> -> memref<80x16xf32, #tpu.memory_space<vmem_shared>>
      %dma_wait3A_88 = arith.constant 0 : i32
      %dma_wait3A_89 = tpu.memref_slice %arg11[%add3A_63, %dma_wait3A_88] : memref<10240x16xf32, #tpu.memory_space<vmem_shared>> -> memref<80x16xf32, #tpu.memory_space<vmem_shared>>
      tpu.wait_dma2 semaphore(%run_scoped3A : memref<!tpu.dma_semaphore, #tpu.memory_space<semaphore_mem>>) src(%dma_wait3A_89 : memref<80x16xf32, #tpu.memory_space<vmem_shared>>) dst(%arg8 : memref<80x16xf32, #tpu.memory_space<vmem>>)
      tpu.yield
    }) : () -> ()
    %add3A_64 = arith.constant 240 : i32
    %add3A_65 = arith.addi %mul3A_2, %add3A_64 : i32
    "tpu.region"() ({
      %run_scoped3A = tpu.sem_alloc : memref<!tpu.dma_semaphore, #tpu.memory_space<semaphore_mem>>
      %dma_start3A_82 = arith.constant 0 : i32
      %dma_start3A_83 = tpu.memref_slice %arg5[%arg0, %add3A_65, %dma_start3A_82] : memref<2x10240x16xf32, #tpu.memory_space<hbm>> -> memref<1x80x16xf32, #tpu.memory_space<hbm>>
      %dma_start3A_84 = tpu.memref_squeeze %dma_start3A_83 : memref<1x80x16xf32, #tpu.memory_space<hbm>> -> memref<80x16xf32, #tpu.memory_space<hbm>>
      %dma_start3A_85 = arith.constant 0 : i32
      %dma_start3A_86 = tpu.memref_slice %arg5[%arg0, %add3A_65, %dma_start3A_85] : memref<2x10240x16xf32, #tpu.memory_space<hbm>> -> memref<1x80x16xf32, #tpu.memory_space<hbm>>
      %dma_start3A_87 = tpu.memref_squeeze %dma_start3A_86 : memref<1x80x16xf32, #tpu.memory_space<hbm>> -> memref<80x16xf32, #tpu.memory_space<hbm>>
      tpu.enqueue_dma source(%arg8 : memref<80x16xf32, #tpu.memory_space<vmem>>) target(%dma_start3A_87 : memref<80x16xf32, #tpu.memory_space<hbm>>) target_semaphore(%run_scoped3A : memref<!tpu.dma_semaphore, #tpu.memory_space<semaphore_mem>>)
      %dma_wait3A_88 = arith.constant 0 : i32
      %dma_wait3A_89 = tpu.memref_slice %arg5[%arg0, %add3A_65, %dma_wait3A_88] : memref<2x10240x16xf32, #tpu.memory_space<hbm>> -> memref<1x80x16xf32, #tpu.memory_space<hbm>>
      %dma_wait3A_90 = tpu.memref_squeeze %dma_wait3A_89 : memref<1x80x16xf32, #tpu.memory_space<hbm>> -> memref<80x16xf32, #tpu.memory_space<hbm>>
      %dma_wait3A_91 = arith.constant 0 : i32
      %dma_wait3A_92 = tpu.memref_slice %arg5[%arg0, %add3A_65, %dma_wait3A_91] : memref<2x10240x16xf32, #tpu.memory_space<hbm>> -> memref<1x80x16xf32, #tpu.memory_space<hbm>>
      %dma_wait3A_93 = tpu.memref_squeeze %dma_wait3A_92 : memref<1x80x16xf32, #tpu.memory_space<hbm>> -> memref<80x16xf32, #tpu.memory_space<hbm>>
      tpu.wait_dma2 semaphore(%run_scoped3A : memref<!tpu.dma_semaphore, #tpu.memory_space<semaphore_mem>>) src(%arg8 : memref<80x16xf32, #tpu.memory_space<vmem>>) dst(%dma_wait3A_93 : memref<80x16xf32, #tpu.memory_space<hbm>>)
      tpu.yield
    }) : () -> ()
    %add3A_66 = arith.constant 320 : i32
    %add3A_67 = arith.addi %mul3A_2, %add3A_66 : i32
    "tpu.region"() ({
      %run_scoped3A = tpu.sem_alloc : memref<!tpu.dma_semaphore, #tpu.memory_space<semaphore_mem>>
      %dma_start3A_82 = arith.constant 0 : i32
      %dma_start3A_83 = tpu.memref_slice %arg11[%add3A_67, %dma_start3A_82] : memref<10240x16xf32, #tpu.memory_space<vmem_shared>> -> memref<80x16xf32, #tpu.memory_space<vmem_shared>>
      %dma_start3A_84 = arith.constant 0 : i32
      %dma_start3A_85 = tpu.memref_slice %arg11[%add3A_67, %dma_start3A_84] : memref<10240x16xf32, #tpu.memory_space<vmem_shared>> -> memref<80x16xf32, #tpu.memory_space<vmem_shared>>
      tpu.enqueue_dma source(%dma_start3A_85 : memref<80x16xf32, #tpu.memory_space<vmem_shared>>) target(%arg8 : memref<80x16xf32, #tpu.memory_space<vmem>>) target_semaphore(%run_scoped3A : memref<!tpu.dma_semaphore, #tpu.memory_space<semaphore_mem>>)
      %dma_wait3A_86 = arith.constant 0 : i32
      %dma_wait3A_87 = tpu.memref_slice %arg11[%add3A_67, %dma_wait3A_86] : memref<10240x16xf32, #tpu.memory_space<vmem_shared>> -> memref<80x16xf32, #tpu.memory_space<vmem_shared>>
      %dma_wait3A_88 = arith.constant 0 : i32
      %dma_wait3A_89 = tpu.memref_slice %arg11[%add3A_67, %dma_wait3A_88] : memref<10240x16xf32, #tpu.memory_space<vmem_shared>> -> memref<80x16xf32, #tpu.memory_space<vmem_shared>>
      tpu.wait_dma2 semaphore(%run_scoped3A : memref<!tpu.dma_semaphore, #tpu.memory_space<semaphore_mem>>) src(%dma_wait3A_89 : memref<80x16xf32, #tpu.memory_space<vmem_shared>>) dst(%arg8 : memref<80x16xf32, #tpu.memory_space<vmem>>)
      tpu.yield
    }) : () -> ()
    %add3A_68 = arith.constant 320 : i32
    %add3A_69 = arith.addi %mul3A_2, %add3A_68 : i32
    "tpu.region"() ({
      %run_scoped3A = tpu.sem_alloc : memref<!tpu.dma_semaphore, #tpu.memory_space<semaphore_mem>>
      %dma_start3A_82 = arith.constant 0 : i32
      %dma_start3A_83 = tpu.memref_slice %arg5[%arg0, %add3A_69, %dma_start3A_82] : memref<2x10240x16xf32, #tpu.memory_space<hbm>> -> memref<1x80x16xf32, #tpu.memory_space<hbm>>
      %dma_start3A_84 = tpu.memref_squeeze %dma_start3A_83 : memref<1x80x16xf32, #tpu.memory_space<hbm>> -> memref<80x16xf32, #tpu.memory_space<hbm>>
      %dma_start3A_85 = arith.constant 0 : i32
      %dma_start3A_86 = tpu.memref_slice %arg5[%arg0, %add3A_69, %dma_start3A_85] : memref<2x10240x16xf32, #tpu.memory_space<hbm>> -> memref<1x80x16xf32, #tpu.memory_space<hbm>>
      %dma_start3A_87 = tpu.memref_squeeze %dma_start3A_86 : memref<1x80x16xf32, #tpu.memory_space<hbm>> -> memref<80x16xf32, #tpu.memory_space<hbm>>
      tpu.enqueue_dma source(%arg8 : memref<80x16xf32, #tpu.memory_space<vmem>>) target(%dma_start3A_87 : memref<80x16xf32, #tpu.memory_space<hbm>>) target_semaphore(%run_scoped3A : memref<!tpu.dma_semaphore, #tpu.memory_space<semaphore_mem>>)
      %dma_wait3A_88 = arith.constant 0 : i32
      %dma_wait3A_89 = tpu.memref_slice %arg5[%arg0, %add3A_69, %dma_wait3A_88] : memref<2x10240x16xf32, #tpu.memory_space<hbm>> -> memref<1x80x16xf32, #tpu.memory_space<hbm>>
      %dma_wait3A_90 = tpu.memref_squeeze %dma_wait3A_89 : memref<1x80x16xf32, #tpu.memory_space<hbm>> -> memref<80x16xf32, #tpu.memory_space<hbm>>
      %dma_wait3A_91 = arith.constant 0 : i32
      %dma_wait3A_92 = tpu.memref_slice %arg5[%arg0, %add3A_69, %dma_wait3A_91] : memref<2x10240x16xf32, #tpu.memory_space<hbm>> -> memref<1x80x16xf32, #tpu.memory_space<hbm>>
      %dma_wait3A_93 = tpu.memref_squeeze %dma_wait3A_92 : memref<1x80x16xf32, #tpu.memory_space<hbm>> -> memref<80x16xf32, #tpu.memory_space<hbm>>
      tpu.wait_dma2 semaphore(%run_scoped3A : memref<!tpu.dma_semaphore, #tpu.memory_space<semaphore_mem>>) src(%arg8 : memref<80x16xf32, #tpu.memory_space<vmem>>) dst(%dma_wait3A_93 : memref<80x16xf32, #tpu.memory_space<hbm>>)
      tpu.yield
    }) : () -> ()
    %add3A_70 = arith.constant 400 : i32
    %add3A_71 = arith.addi %mul3A_2, %add3A_70 : i32
    "tpu.region"() ({
      %run_scoped3A = tpu.sem_alloc : memref<!tpu.dma_semaphore, #tpu.memory_space<semaphore_mem>>
      %dma_start3A_82 = arith.constant 0 : i32
      %dma_start3A_83 = tpu.memref_slice %arg11[%add3A_71, %dma_start3A_82] : memref<10240x16xf32, #tpu.memory_space<vmem_shared>> -> memref<80x16xf32, #tpu.memory_space<vmem_shared>>
      %dma_start3A_84 = arith.constant 0 : i32
      %dma_start3A_85 = tpu.memref_slice %arg11[%add3A_71, %dma_start3A_84] : memref<10240x16xf32, #tpu.memory_space<vmem_shared>> -> memref<80x16xf32, #tpu.memory_space<vmem_shared>>
      tpu.enqueue_dma source(%dma_start3A_85 : memref<80x16xf32, #tpu.memory_space<vmem_shared>>) target(%arg8 : memref<80x16xf32, #tpu.memory_space<vmem>>) target_semaphore(%run_scoped3A : memref<!tpu.dma_semaphore, #tpu.memory_space<semaphore_mem>>)
      %dma_wait3A_86 = arith.constant 0 : i32
      %dma_wait3A_87 = tpu.memref_slice %arg11[%add3A_71, %dma_wait3A_86] : memref<10240x16xf32, #tpu.memory_space<vmem_shared>> -> memref<80x16xf32, #tpu.memory_space<vmem_shared>>
      %dma_wait3A_88 = arith.constant 0 : i32
      %dma_wait3A_89 = tpu.memref_slice %arg11[%add3A_71, %dma_wait3A_88] : memref<10240x16xf32, #tpu.memory_space<vmem_shared>> -> memref<80x16xf32, #tpu.memory_space<vmem_shared>>
      tpu.wait_dma2 semaphore(%run_scoped3A : memref<!tpu.dma_semaphore, #tpu.memory_space<semaphore_mem>>) src(%dma_wait3A_89 : memref<80x16xf32, #tpu.memory_space<vmem_shared>>) dst(%arg8 : memref<80x16xf32, #tpu.memory_space<vmem>>)
      tpu.yield
    }) : () -> ()
    %add3A_72 = arith.constant 400 : i32
    %add3A_73 = arith.addi %mul3A_2, %add3A_72 : i32
    "tpu.region"() ({
      %run_scoped3A = tpu.sem_alloc : memref<!tpu.dma_semaphore, #tpu.memory_space<semaphore_mem>>
      %dma_start3A_82 = arith.constant 0 : i32
      %dma_start3A_83 = tpu.memref_slice %arg5[%arg0, %add3A_73, %dma_start3A_82] : memref<2x10240x16xf32, #tpu.memory_space<hbm>> -> memref<1x80x16xf32, #tpu.memory_space<hbm>>
      %dma_start3A_84 = tpu.memref_squeeze %dma_start3A_83 : memref<1x80x16xf32, #tpu.memory_space<hbm>> -> memref<80x16xf32, #tpu.memory_space<hbm>>
      %dma_start3A_85 = arith.constant 0 : i32
      %dma_start3A_86 = tpu.memref_slice %arg5[%arg0, %add3A_73, %dma_start3A_85] : memref<2x10240x16xf32, #tpu.memory_space<hbm>> -> memref<1x80x16xf32, #tpu.memory_space<hbm>>
      %dma_start3A_87 = tpu.memref_squeeze %dma_start3A_86 : memref<1x80x16xf32, #tpu.memory_space<hbm>> -> memref<80x16xf32, #tpu.memory_space<hbm>>
      tpu.enqueue_dma source(%arg8 : memref<80x16xf32, #tpu.memory_space<vmem>>) target(%dma_start3A_87 : memref<80x16xf32, #tpu.memory_space<hbm>>) target_semaphore(%run_scoped3A : memref<!tpu.dma_semaphore, #tpu.memory_space<semaphore_mem>>)
      %dma_wait3A_88 = arith.constant 0 : i32
      %dma_wait3A_89 = tpu.memref_slice %arg5[%arg0, %add3A_73, %dma_wait3A_88] : memref<2x10240x16xf32, #tpu.memory_space<hbm>> -> memref<1x80x16xf32, #tpu.memory_space<hbm>>
      %dma_wait3A_90 = tpu.memref_squeeze %dma_wait3A_89 : memref<1x80x16xf32, #tpu.memory_space<hbm>> -> memref<80x16xf32, #tpu.memory_space<hbm>>
      %dma_wait3A_91 = arith.constant 0 : i32
      %dma_wait3A_92 = tpu.memref_slice %arg5[%arg0, %add3A_73, %dma_wait3A_91] : memref<2x10240x16xf32, #tpu.memory_space<hbm>> -> memref<1x80x16xf32, #tpu.memory_space<hbm>>
      %dma_wait3A_93 = tpu.memref_squeeze %dma_wait3A_92 : memref<1x80x16xf32, #tpu.memory_space<hbm>> -> memref<80x16xf32, #tpu.memory_space<hbm>>
      tpu.wait_dma2 semaphore(%run_scoped3A : memref<!tpu.dma_semaphore, #tpu.memory_space<semaphore_mem>>) src(%arg8 : memref<80x16xf32, #tpu.memory_space<vmem>>) dst(%dma_wait3A_93 : memref<80x16xf32, #tpu.memory_space<hbm>>)
      tpu.yield
    }) : () -> ()
    %add3A_74 = arith.constant 480 : i32
    %add3A_75 = arith.addi %mul3A_2, %add3A_74 : i32
    "tpu.region"() ({
      %run_scoped3A = tpu.sem_alloc : memref<!tpu.dma_semaphore, #tpu.memory_space<semaphore_mem>>
      %dma_start3A_82 = arith.constant 0 : i32
      %dma_start3A_83 = tpu.memref_slice %arg11[%add3A_75, %dma_start3A_82] : memref<10240x16xf32, #tpu.memory_space<vmem_shared>> -> memref<80x16xf32, #tpu.memory_space<vmem_shared>>
      %dma_start3A_84 = arith.constant 0 : i32
      %dma_start3A_85 = tpu.memref_slice %arg11[%add3A_75, %dma_start3A_84] : memref<10240x16xf32, #tpu.memory_space<vmem_shared>> -> memref<80x16xf32, #tpu.memory_space<vmem_shared>>
      tpu.enqueue_dma source(%dma_start3A_85 : memref<80x16xf32, #tpu.memory_space<vmem_shared>>) target(%arg8 : memref<80x16xf32, #tpu.memory_space<vmem>>) target_semaphore(%run_scoped3A : memref<!tpu.dma_semaphore, #tpu.memory_space<semaphore_mem>>)
      %dma_wait3A_86 = arith.constant 0 : i32
      %dma_wait3A_87 = tpu.memref_slice %arg11[%add3A_75, %dma_wait3A_86] : memref<10240x16xf32, #tpu.memory_space<vmem_shared>> -> memref<80x16xf32, #tpu.memory_space<vmem_shared>>
      %dma_wait3A_88 = arith.constant 0 : i32
      %dma_wait3A_89 = tpu.memref_slice %arg11[%add3A_75, %dma_wait3A_88] : memref<10240x16xf32, #tpu.memory_space<vmem_shared>> -> memref<80x16xf32, #tpu.memory_space<vmem_shared>>
      tpu.wait_dma2 semaphore(%run_scoped3A : memref<!tpu.dma_semaphore, #tpu.memory_space<semaphore_mem>>) src(%dma_wait3A_89 : memref<80x16xf32, #tpu.memory_space<vmem_shared>>) dst(%arg8 : memref<80x16xf32, #tpu.memory_space<vmem>>)
      tpu.yield
    }) : () -> ()
    %add3A_76 = arith.constant 480 : i32
    %add3A_77 = arith.addi %mul3A_2, %add3A_76 : i32
    "tpu.region"() ({
      %run_scoped3A = tpu.sem_alloc : memref<!tpu.dma_semaphore, #tpu.memory_space<semaphore_mem>>
      %dma_start3A_82 = arith.constant 0 : i32
      %dma_start3A_83 = tpu.memref_slice %arg5[%arg0, %add3A_77, %dma_start3A_82] : memref<2x10240x16xf32, #tpu.memory_space<hbm>> -> memref<1x80x16xf32, #tpu.memory_space<hbm>>
      %dma_start3A_84 = tpu.memref_squeeze %dma_start3A_83 : memref<1x80x16xf32, #tpu.memory_space<hbm>> -> memref<80x16xf32, #tpu.memory_space<hbm>>
      %dma_start3A_85 = arith.constant 0 : i32
      %dma_start3A_86 = tpu.memref_slice %arg5[%arg0, %add3A_77, %dma_start3A_85] : memref<2x10240x16xf32, #tpu.memory_space<hbm>> -> memref<1x80x16xf32, #tpu.memory_space<hbm>>
      %dma_start3A_87 = tpu.memref_squeeze %dma_start3A_86 : memref<1x80x16xf32, #tpu.memory_space<hbm>> -> memref<80x16xf32, #tpu.memory_space<hbm>>
      tpu.enqueue_dma source(%arg8 : memref<80x16xf32, #tpu.memory_space<vmem>>) target(%dma_start3A_87 : memref<80x16xf32, #tpu.memory_space<hbm>>) target_semaphore(%run_scoped3A : memref<!tpu.dma_semaphore, #tpu.memory_space<semaphore_mem>>)
      %dma_wait3A_88 = arith.constant 0 : i32
      %dma_wait3A_89 = tpu.memref_slice %arg5[%arg0, %add3A_77, %dma_wait3A_88] : memref<2x10240x16xf32, #tpu.memory_space<hbm>> -> memref<1x80x16xf32, #tpu.memory_space<hbm>>
      %dma_wait3A_90 = tpu.memref_squeeze %dma_wait3A_89 : memref<1x80x16xf32, #tpu.memory_space<hbm>> -> memref<80x16xf32, #tpu.memory_space<hbm>>
      %dma_wait3A_91 = arith.constant 0 : i32
      %dma_wait3A_92 = tpu.memref_slice %arg5[%arg0, %add3A_77, %dma_wait3A_91] : memref<2x10240x16xf32, #tpu.memory_space<hbm>> -> memref<1x80x16xf32, #tpu.memory_space<hbm>>
      %dma_wait3A_93 = tpu.memref_squeeze %dma_wait3A_92 : memref<1x80x16xf32, #tpu.memory_space<hbm>> -> memref<80x16xf32, #tpu.memory_space<hbm>>
      tpu.wait_dma2 semaphore(%run_scoped3A : memref<!tpu.dma_semaphore, #tpu.memory_space<semaphore_mem>>) src(%arg8 : memref<80x16xf32, #tpu.memory_space<vmem>>) dst(%dma_wait3A_93 : memref<80x16xf32, #tpu.memory_space<hbm>>)
      tpu.yield
    }) : () -> ()
    %add3A_78 = arith.constant 560 : i32
    %add3A_79 = arith.addi %mul3A_2, %add3A_78 : i32
    "tpu.region"() ({
      %run_scoped3A = tpu.sem_alloc : memref<!tpu.dma_semaphore, #tpu.memory_space<semaphore_mem>>
      %dma_start3A_82 = arith.constant 0 : i32
      %dma_start3A_83 = tpu.memref_slice %arg11[%add3A_79, %dma_start3A_82] : memref<10240x16xf32, #tpu.memory_space<vmem_shared>> -> memref<80x16xf32, #tpu.memory_space<vmem_shared>>
      %dma_start3A_84 = arith.constant 0 : i32
      %dma_start3A_85 = tpu.memref_slice %arg11[%add3A_79, %dma_start3A_84] : memref<10240x16xf32, #tpu.memory_space<vmem_shared>> -> memref<80x16xf32, #tpu.memory_space<vmem_shared>>
      tpu.enqueue_dma source(%dma_start3A_85 : memref<80x16xf32, #tpu.memory_space<vmem_shared>>) target(%arg8 : memref<80x16xf32, #tpu.memory_space<vmem>>) target_semaphore(%run_scoped3A : memref<!tpu.dma_semaphore, #tpu.memory_space<semaphore_mem>>)
      %dma_wait3A_86 = arith.constant 0 : i32
      %dma_wait3A_87 = tpu.memref_slice %arg11[%add3A_79, %dma_wait3A_86] : memref<10240x16xf32, #tpu.memory_space<vmem_shared>> -> memref<80x16xf32, #tpu.memory_space<vmem_shared>>
      %dma_wait3A_88 = arith.constant 0 : i32
      %dma_wait3A_89 = tpu.memref_slice %arg11[%add3A_79, %dma_wait3A_88] : memref<10240x16xf32, #tpu.memory_space<vmem_shared>> -> memref<80x16xf32, #tpu.memory_space<vmem_shared>>
      tpu.wait_dma2 semaphore(%run_scoped3A : memref<!tpu.dma_semaphore, #tpu.memory_space<semaphore_mem>>) src(%dma_wait3A_89 : memref<80x16xf32, #tpu.memory_space<vmem_shared>>) dst(%arg8 : memref<80x16xf32, #tpu.memory_space<vmem>>)
      tpu.yield
    }) : () -> ()
    %add3A_80 = arith.constant 560 : i32
    %add3A_81 = arith.addi %mul3A_2, %add3A_80 : i32
    "tpu.region"() ({
      %run_scoped3A = tpu.sem_alloc : memref<!tpu.dma_semaphore, #tpu.memory_space<semaphore_mem>>
      %dma_start3A_82 = arith.constant 0 : i32
      %dma_start3A_83 = tpu.memref_slice %arg5[%arg0, %add3A_81, %dma_start3A_82] : memref<2x10240x16xf32, #tpu.memory_space<hbm>> -> memref<1x80x16xf32, #tpu.memory_space<hbm>>
      %dma_start3A_84 = tpu.memref_squeeze %dma_start3A_83 : memref<1x80x16xf32, #tpu.memory_space<hbm>> -> memref<80x16xf32, #tpu.memory_space<hbm>>
      %dma_start3A_85 = arith.constant 0 : i32
      %dma_start3A_86 = tpu.memref_slice %arg5[%arg0, %add3A_81, %dma_start3A_85] : memref<2x10240x16xf32, #tpu.memory_space<hbm>> -> memref<1x80x16xf32, #tpu.memory_space<hbm>>
      %dma_start3A_87 = tpu.memref_squeeze %dma_start3A_86 : memref<1x80x16xf32, #tpu.memory_space<hbm>> -> memref<80x16xf32, #tpu.memory_space<hbm>>
      tpu.enqueue_dma source(%arg8 : memref<80x16xf32, #tpu.memory_space<vmem>>) target(%dma_start3A_87 : memref<80x16xf32, #tpu.memory_space<hbm>>) target_semaphore(%run_scoped3A : memref<!tpu.dma_semaphore, #tpu.memory_space<semaphore_mem>>)
      %dma_wait3A_88 = arith.constant 0 : i32
      %dma_wait3A_89 = tpu.memref_slice %arg5[%arg0, %add3A_81, %dma_wait3A_88] : memref<2x10240x16xf32, #tpu.memory_space<hbm>> -> memref<1x80x16xf32, #tpu.memory_space<hbm>>
      %dma_wait3A_90 = tpu.memref_squeeze %dma_wait3A_89 : memref<1x80x16xf32, #tpu.memory_space<hbm>> -> memref<80x16xf32, #tpu.memory_space<hbm>>
      %dma_wait3A_91 = arith.constant 0 : i32
      %dma_wait3A_92 = tpu.memref_slice %arg5[%arg0, %add3A_81, %dma_wait3A_91] : memref<2x10240x16xf32, #tpu.memory_space<hbm>> -> memref<1x80x16xf32, #tpu.memory_space<hbm>>
      %dma_wait3A_93 = tpu.memref_squeeze %dma_wait3A_92 : memref<1x80x16xf32, #tpu.memory_space<hbm>> -> memref<80x16xf32, #tpu.memory_space<hbm>>
      tpu.wait_dma2 semaphore(%run_scoped3A : memref<!tpu.dma_semaphore, #tpu.memory_space<semaphore_mem>>) src(%arg8 : memref<80x16xf32, #tpu.memory_space<vmem>>) dst(%dma_wait3A_93 : memref<80x16xf32, #tpu.memory_space<hbm>>)
      tpu.yield
    }) : () -> ()
    return
  }
}

#map = affine_map<(d0, d1) -> (0)>
#map1 = affine_map<(d0, d1) -> (0, 0)>
#map2 = affine_map<(d0, d1) -> (0, 0, 0)>
module attributes {stable_mosaic.version = 14 : i64} {
  func.func @_agg_body(%arg0: i32, %arg1: i32, %arg2: memref<320000xi32, #tpu.memory_space<hbm>>, %arg3: memref<320000xi32, #tpu.memory_space<hbm>>, %arg4: memref<10000x128xf32, #tpu.memory_space<hbm>>, %arg5: memref<80x128xf32, #tpu.memory_space<hbm>>, %arg6: memref<2x10240x128xf32, #tpu.memory_space<hbm>>, %arg7: memref<80xi32, #tpu.memory_space<vmem>>, %arg8: memref<80xi32, #tpu.memory_space<vmem>>, %arg9: memref<80xi32, #tpu.memory_space<vmem>>, %arg10: memref<80xi32, #tpu.memory_space<vmem>>, %arg11: memref<80x128xf32, #tpu.memory_space<vmem>>, %arg12: memref<80x128xf32, #tpu.memory_space<vmem>>, %arg13: memref<!tpu.dma_semaphore, #tpu.memory_space<semaphore_mem>>, %arg14: memref<!tpu.dma_semaphore, #tpu.memory_space<semaphore_mem>>, %arg15: memref<!tpu.dma_semaphore, #tpu.memory_space<semaphore_mem>>, %arg16: memref<!tpu.dma_semaphore, #tpu.memory_space<semaphore_mem>>, %arg17: memref<10240x128xf32, #tpu.memory_space<vmem_shared>>) attributes {dimension_semantics = [#tpu.dimension_semantics<core_parallel>, #tpu.dimension_semantics<subcore_parallel>], iteration_bounds = array<i64: 2, 16>, scalar_prefetch = 0 : i64, scratch_operands = 11 : i64, tpu.core_type = #tpu.core_type<sc_vector_subcore>, window_params = [{transform_indices = #map}, {transform_indices = #map}, {transform_indices = #map1}, {transform_indices = #map1}, {transform_indices = #map2}]} {
    %mul3A = arith.constant 16 : i32
    %mul3A_0 = arith.muli %arg0, %mul3A : i32
    %add3A = arith.addi %mul3A_0, %arg1 : i32
    %mul3A_1 = arith.constant 640 : i32
    %mul3A_2 = arith.muli %arg1, %mul3A_1 : i32
    %mul3A_3 = arith.constant 10000 : i32
    %mul3A_4 = arith.muli %add3A, %mul3A_3 : i32
    "tpu.region"() ({
      %run_scoped3A = tpu.sem_alloc : memref<!tpu.dma_semaphore, #tpu.memory_space<semaphore_mem>>
      tpu.enqueue_dma source(%arg5 : memref<80x128xf32, #tpu.memory_space<hbm>>) target(%arg11 : memref<80x128xf32, #tpu.memory_space<vmem>>) target_semaphore(%run_scoped3A : memref<!tpu.dma_semaphore, #tpu.memory_space<semaphore_mem>>)
      tpu.wait_dma2 semaphore(%run_scoped3A : memref<!tpu.dma_semaphore, #tpu.memory_space<semaphore_mem>>) src(%arg5 : memref<80x128xf32, #tpu.memory_space<hbm>>) dst(%arg11 : memref<80x128xf32, #tpu.memory_space<vmem>>)
      tpu.yield
    }) : () -> ()
    %add3A_5 = arith.constant 0 : i32
    %add3A_6 = arith.addi %mul3A_2, %add3A_5 : i32
    "tpu.region"() ({
      %run_scoped3A = tpu.sem_alloc : memref<!tpu.dma_semaphore, #tpu.memory_space<semaphore_mem>>
      %dma_start3A_112 = arith.constant 0 : i32
      %dma_start3A_113 = tpu.memref_slice %arg17[%add3A_6, %dma_start3A_112] : memref<10240x128xf32, #tpu.memory_space<vmem_shared>> -> memref<80x128xf32, #tpu.memory_space<vmem_shared>>
      %dma_start3A_114 = arith.constant 0 : i32
      %dma_start3A_115 = tpu.memref_slice %arg17[%add3A_6, %dma_start3A_114] : memref<10240x128xf32, #tpu.memory_space<vmem_shared>> -> memref<80x128xf32, #tpu.memory_space<vmem_shared>>
      tpu.enqueue_dma source(%arg11 : memref<80x128xf32, #tpu.memory_space<vmem>>) target(%dma_start3A_115 : memref<80x128xf32, #tpu.memory_space<vmem_shared>>) target_semaphore(%run_scoped3A : memref<!tpu.dma_semaphore, #tpu.memory_space<semaphore_mem>>)
      %dma_wait3A_116 = arith.constant 0 : i32
      %dma_wait3A_117 = tpu.memref_slice %arg17[%add3A_6, %dma_wait3A_116] : memref<10240x128xf32, #tpu.memory_space<vmem_shared>> -> memref<80x128xf32, #tpu.memory_space<vmem_shared>>
      %dma_wait3A_118 = arith.constant 0 : i32
      %dma_wait3A_119 = tpu.memref_slice %arg17[%add3A_6, %dma_wait3A_118] : memref<10240x128xf32, #tpu.memory_space<vmem_shared>> -> memref<80x128xf32, #tpu.memory_space<vmem_shared>>
      tpu.wait_dma2 semaphore(%run_scoped3A : memref<!tpu.dma_semaphore, #tpu.memory_space<semaphore_mem>>) src(%arg11 : memref<80x128xf32, #tpu.memory_space<vmem>>) dst(%dma_wait3A_119 : memref<80x128xf32, #tpu.memory_space<vmem_shared>>)
      tpu.yield
    }) : () -> ()
    %add3A_7 = arith.constant 80 : i32
    %add3A_8 = arith.addi %mul3A_2, %add3A_7 : i32
    "tpu.region"() ({
      %run_scoped3A = tpu.sem_alloc : memref<!tpu.dma_semaphore, #tpu.memory_space<semaphore_mem>>
      %dma_start3A_112 = arith.constant 0 : i32
      %dma_start3A_113 = tpu.memref_slice %arg17[%add3A_8, %dma_start3A_112] : memref<10240x128xf32, #tpu.memory_space<vmem_shared>> -> memref<80x128xf32, #tpu.memory_space<vmem_shared>>
      %dma_start3A_114 = arith.constant 0 : i32
      %dma_start3A_115 = tpu.memref_slice %arg17[%add3A_8, %dma_start3A_114] : memref<10240x128xf32, #tpu.memory_space<vmem_shared>> -> memref<80x128xf32, #tpu.memory_space<vmem_shared>>
      tpu.enqueue_dma source(%arg11 : memref<80x128xf32, #tpu.memory_space<vmem>>) target(%dma_start3A_115 : memref<80x128xf32, #tpu.memory_space<vmem_shared>>) target_semaphore(%run_scoped3A : memref<!tpu.dma_semaphore, #tpu.memory_space<semaphore_mem>>)
      %dma_wait3A_116 = arith.constant 0 : i32
      %dma_wait3A_117 = tpu.memref_slice %arg17[%add3A_8, %dma_wait3A_116] : memref<10240x128xf32, #tpu.memory_space<vmem_shared>> -> memref<80x128xf32, #tpu.memory_space<vmem_shared>>
      %dma_wait3A_118 = arith.constant 0 : i32
      %dma_wait3A_119 = tpu.memref_slice %arg17[%add3A_8, %dma_wait3A_118] : memref<10240x128xf32, #tpu.memory_space<vmem_shared>> -> memref<80x128xf32, #tpu.memory_space<vmem_shared>>
      tpu.wait_dma2 semaphore(%run_scoped3A : memref<!tpu.dma_semaphore, #tpu.memory_space<semaphore_mem>>) src(%arg11 : memref<80x128xf32, #tpu.memory_space<vmem>>) dst(%dma_wait3A_119 : memref<80x128xf32, #tpu.memory_space<vmem_shared>>)
      tpu.yield
    }) : () -> ()
    %add3A_9 = arith.constant 160 : i32
    %add3A_10 = arith.addi %mul3A_2, %add3A_9 : i32
    "tpu.region"() ({
      %run_scoped3A = tpu.sem_alloc : memref<!tpu.dma_semaphore, #tpu.memory_space<semaphore_mem>>
      %dma_start3A_112 = arith.constant 0 : i32
      %dma_start3A_113 = tpu.memref_slice %arg17[%add3A_10, %dma_start3A_112] : memref<10240x128xf32, #tpu.memory_space<vmem_shared>> -> memref<80x128xf32, #tpu.memory_space<vmem_shared>>
      %dma_start3A_114 = arith.constant 0 : i32
      %dma_start3A_115 = tpu.memref_slice %arg17[%add3A_10, %dma_start3A_114] : memref<10240x128xf32, #tpu.memory_space<vmem_shared>> -> memref<80x128xf32, #tpu.memory_space<vmem_shared>>
      tpu.enqueue_dma source(%arg11 : memref<80x128xf32, #tpu.memory_space<vmem>>) target(%dma_start3A_115 : memref<80x128xf32, #tpu.memory_space<vmem_shared>>) target_semaphore(%run_scoped3A : memref<!tpu.dma_semaphore, #tpu.memory_space<semaphore_mem>>)
      %dma_wait3A_116 = arith.constant 0 : i32
      %dma_wait3A_117 = tpu.memref_slice %arg17[%add3A_10, %dma_wait3A_116] : memref<10240x128xf32, #tpu.memory_space<vmem_shared>> -> memref<80x128xf32, #tpu.memory_space<vmem_shared>>
      %dma_wait3A_118 = arith.constant 0 : i32
      %dma_wait3A_119 = tpu.memref_slice %arg17[%add3A_10, %dma_wait3A_118] : memref<10240x128xf32, #tpu.memory_space<vmem_shared>> -> memref<80x128xf32, #tpu.memory_space<vmem_shared>>
      tpu.wait_dma2 semaphore(%run_scoped3A : memref<!tpu.dma_semaphore, #tpu.memory_space<semaphore_mem>>) src(%arg11 : memref<80x128xf32, #tpu.memory_space<vmem>>) dst(%dma_wait3A_119 : memref<80x128xf32, #tpu.memory_space<vmem_shared>>)
      tpu.yield
    }) : () -> ()
    %add3A_11 = arith.constant 240 : i32
    %add3A_12 = arith.addi %mul3A_2, %add3A_11 : i32
    "tpu.region"() ({
      %run_scoped3A = tpu.sem_alloc : memref<!tpu.dma_semaphore, #tpu.memory_space<semaphore_mem>>
      %dma_start3A_112 = arith.constant 0 : i32
      %dma_start3A_113 = tpu.memref_slice %arg17[%add3A_12, %dma_start3A_112] : memref<10240x128xf32, #tpu.memory_space<vmem_shared>> -> memref<80x128xf32, #tpu.memory_space<vmem_shared>>
      %dma_start3A_114 = arith.constant 0 : i32
      %dma_start3A_115 = tpu.memref_slice %arg17[%add3A_12, %dma_start3A_114] : memref<10240x128xf32, #tpu.memory_space<vmem_shared>> -> memref<80x128xf32, #tpu.memory_space<vmem_shared>>
      tpu.enqueue_dma source(%arg11 : memref<80x128xf32, #tpu.memory_space<vmem>>) target(%dma_start3A_115 : memref<80x128xf32, #tpu.memory_space<vmem_shared>>) target_semaphore(%run_scoped3A : memref<!tpu.dma_semaphore, #tpu.memory_space<semaphore_mem>>)
      %dma_wait3A_116 = arith.constant 0 : i32
      %dma_wait3A_117 = tpu.memref_slice %arg17[%add3A_12, %dma_wait3A_116] : memref<10240x128xf32, #tpu.memory_space<vmem_shared>> -> memref<80x128xf32, #tpu.memory_space<vmem_shared>>
      %dma_wait3A_118 = arith.constant 0 : i32
      %dma_wait3A_119 = tpu.memref_slice %arg17[%add3A_12, %dma_wait3A_118] : memref<10240x128xf32, #tpu.memory_space<vmem_shared>> -> memref<80x128xf32, #tpu.memory_space<vmem_shared>>
      tpu.wait_dma2 semaphore(%run_scoped3A : memref<!tpu.dma_semaphore, #tpu.memory_space<semaphore_mem>>) src(%arg11 : memref<80x128xf32, #tpu.memory_space<vmem>>) dst(%dma_wait3A_119 : memref<80x128xf32, #tpu.memory_space<vmem_shared>>)
      tpu.yield
    }) : () -> ()
    %add3A_13 = arith.constant 320 : i32
    %add3A_14 = arith.addi %mul3A_2, %add3A_13 : i32
    "tpu.region"() ({
      %run_scoped3A = tpu.sem_alloc : memref<!tpu.dma_semaphore, #tpu.memory_space<semaphore_mem>>
      %dma_start3A_112 = arith.constant 0 : i32
      %dma_start3A_113 = tpu.memref_slice %arg17[%add3A_14, %dma_start3A_112] : memref<10240x128xf32, #tpu.memory_space<vmem_shared>> -> memref<80x128xf32, #tpu.memory_space<vmem_shared>>
      %dma_start3A_114 = arith.constant 0 : i32
      %dma_start3A_115 = tpu.memref_slice %arg17[%add3A_14, %dma_start3A_114] : memref<10240x128xf32, #tpu.memory_space<vmem_shared>> -> memref<80x128xf32, #tpu.memory_space<vmem_shared>>
      tpu.enqueue_dma source(%arg11 : memref<80x128xf32, #tpu.memory_space<vmem>>) target(%dma_start3A_115 : memref<80x128xf32, #tpu.memory_space<vmem_shared>>) target_semaphore(%run_scoped3A : memref<!tpu.dma_semaphore, #tpu.memory_space<semaphore_mem>>)
      %dma_wait3A_116 = arith.constant 0 : i32
      %dma_wait3A_117 = tpu.memref_slice %arg17[%add3A_14, %dma_wait3A_116] : memref<10240x128xf32, #tpu.memory_space<vmem_shared>> -> memref<80x128xf32, #tpu.memory_space<vmem_shared>>
      %dma_wait3A_118 = arith.constant 0 : i32
      %dma_wait3A_119 = tpu.memref_slice %arg17[%add3A_14, %dma_wait3A_118] : memref<10240x128xf32, #tpu.memory_space<vmem_shared>> -> memref<80x128xf32, #tpu.memory_space<vmem_shared>>
      tpu.wait_dma2 semaphore(%run_scoped3A : memref<!tpu.dma_semaphore, #tpu.memory_space<semaphore_mem>>) src(%arg11 : memref<80x128xf32, #tpu.memory_space<vmem>>) dst(%dma_wait3A_119 : memref<80x128xf32, #tpu.memory_space<vmem_shared>>)
      tpu.yield
    }) : () -> ()
    %add3A_15 = arith.constant 400 : i32
    %add3A_16 = arith.addi %mul3A_2, %add3A_15 : i32
    "tpu.region"() ({
      %run_scoped3A = tpu.sem_alloc : memref<!tpu.dma_semaphore, #tpu.memory_space<semaphore_mem>>
      %dma_start3A_112 = arith.constant 0 : i32
      %dma_start3A_113 = tpu.memref_slice %arg17[%add3A_16, %dma_start3A_112] : memref<10240x128xf32, #tpu.memory_space<vmem_shared>> -> memref<80x128xf32, #tpu.memory_space<vmem_shared>>
      %dma_start3A_114 = arith.constant 0 : i32
      %dma_start3A_115 = tpu.memref_slice %arg17[%add3A_16, %dma_start3A_114] : memref<10240x128xf32, #tpu.memory_space<vmem_shared>> -> memref<80x128xf32, #tpu.memory_space<vmem_shared>>
      tpu.enqueue_dma source(%arg11 : memref<80x128xf32, #tpu.memory_space<vmem>>) target(%dma_start3A_115 : memref<80x128xf32, #tpu.memory_space<vmem_shared>>) target_semaphore(%run_scoped3A : memref<!tpu.dma_semaphore, #tpu.memory_space<semaphore_mem>>)
      %dma_wait3A_116 = arith.constant 0 : i32
      %dma_wait3A_117 = tpu.memref_slice %arg17[%add3A_16, %dma_wait3A_116] : memref<10240x128xf32, #tpu.memory_space<vmem_shared>> -> memref<80x128xf32, #tpu.memory_space<vmem_shared>>
      %dma_wait3A_118 = arith.constant 0 : i32
      %dma_wait3A_119 = tpu.memref_slice %arg17[%add3A_16, %dma_wait3A_118] : memref<10240x128xf32, #tpu.memory_space<vmem_shared>> -> memref<80x128xf32, #tpu.memory_space<vmem_shared>>
      tpu.wait_dma2 semaphore(%run_scoped3A : memref<!tpu.dma_semaphore, #tpu.memory_space<semaphore_mem>>) src(%arg11 : memref<80x128xf32, #tpu.memory_space<vmem>>) dst(%dma_wait3A_119 : memref<80x128xf32, #tpu.memory_space<vmem_shared>>)
      tpu.yield
    }) : () -> ()
    %add3A_17 = arith.constant 480 : i32
    %add3A_18 = arith.addi %mul3A_2, %add3A_17 : i32
    "tpu.region"() ({
      %run_scoped3A = tpu.sem_alloc : memref<!tpu.dma_semaphore, #tpu.memory_space<semaphore_mem>>
      %dma_start3A_112 = arith.constant 0 : i32
      %dma_start3A_113 = tpu.memref_slice %arg17[%add3A_18, %dma_start3A_112] : memref<10240x128xf32, #tpu.memory_space<vmem_shared>> -> memref<80x128xf32, #tpu.memory_space<vmem_shared>>
      %dma_start3A_114 = arith.constant 0 : i32
      %dma_start3A_115 = tpu.memref_slice %arg17[%add3A_18, %dma_start3A_114] : memref<10240x128xf32, #tpu.memory_space<vmem_shared>> -> memref<80x128xf32, #tpu.memory_space<vmem_shared>>
      tpu.enqueue_dma source(%arg11 : memref<80x128xf32, #tpu.memory_space<vmem>>) target(%dma_start3A_115 : memref<80x128xf32, #tpu.memory_space<vmem_shared>>) target_semaphore(%run_scoped3A : memref<!tpu.dma_semaphore, #tpu.memory_space<semaphore_mem>>)
      %dma_wait3A_116 = arith.constant 0 : i32
      %dma_wait3A_117 = tpu.memref_slice %arg17[%add3A_18, %dma_wait3A_116] : memref<10240x128xf32, #tpu.memory_space<vmem_shared>> -> memref<80x128xf32, #tpu.memory_space<vmem_shared>>
      %dma_wait3A_118 = arith.constant 0 : i32
      %dma_wait3A_119 = tpu.memref_slice %arg17[%add3A_18, %dma_wait3A_118] : memref<10240x128xf32, #tpu.memory_space<vmem_shared>> -> memref<80x128xf32, #tpu.memory_space<vmem_shared>>
      tpu.wait_dma2 semaphore(%run_scoped3A : memref<!tpu.dma_semaphore, #tpu.memory_space<semaphore_mem>>) src(%arg11 : memref<80x128xf32, #tpu.memory_space<vmem>>) dst(%dma_wait3A_119 : memref<80x128xf32, #tpu.memory_space<vmem_shared>>)
      tpu.yield
    }) : () -> ()
    %add3A_19 = arith.constant 560 : i32
    %add3A_20 = arith.addi %mul3A_2, %add3A_19 : i32
    "tpu.region"() ({
      %run_scoped3A = tpu.sem_alloc : memref<!tpu.dma_semaphore, #tpu.memory_space<semaphore_mem>>
      %dma_start3A_112 = arith.constant 0 : i32
      %dma_start3A_113 = tpu.memref_slice %arg17[%add3A_20, %dma_start3A_112] : memref<10240x128xf32, #tpu.memory_space<vmem_shared>> -> memref<80x128xf32, #tpu.memory_space<vmem_shared>>
      %dma_start3A_114 = arith.constant 0 : i32
      %dma_start3A_115 = tpu.memref_slice %arg17[%add3A_20, %dma_start3A_114] : memref<10240x128xf32, #tpu.memory_space<vmem_shared>> -> memref<80x128xf32, #tpu.memory_space<vmem_shared>>
      tpu.enqueue_dma source(%arg11 : memref<80x128xf32, #tpu.memory_space<vmem>>) target(%dma_start3A_115 : memref<80x128xf32, #tpu.memory_space<vmem_shared>>) target_semaphore(%run_scoped3A : memref<!tpu.dma_semaphore, #tpu.memory_space<semaphore_mem>>)
      %dma_wait3A_116 = arith.constant 0 : i32
      %dma_wait3A_117 = tpu.memref_slice %arg17[%add3A_20, %dma_wait3A_116] : memref<10240x128xf32, #tpu.memory_space<vmem_shared>> -> memref<80x128xf32, #tpu.memory_space<vmem_shared>>
      %dma_wait3A_118 = arith.constant 0 : i32
      %dma_wait3A_119 = tpu.memref_slice %arg17[%add3A_20, %dma_wait3A_118] : memref<10240x128xf32, #tpu.memory_space<vmem_shared>> -> memref<80x128xf32, #tpu.memory_space<vmem_shared>>
      tpu.wait_dma2 semaphore(%run_scoped3A : memref<!tpu.dma_semaphore, #tpu.memory_space<semaphore_mem>>) src(%arg11 : memref<80x128xf32, #tpu.memory_space<vmem>>) dst(%dma_wait3A_119 : memref<80x128xf32, #tpu.memory_space<vmem_shared>>)
      tpu.yield
    }) : () -> ()
    %barrier3A = arith.constant 0 : index
    tpu.barrier barrier_id(%barrier3A)
    %add3A_21 = arith.constant 0 : i32
    %add3A_22 = arith.addi %mul3A_4, %add3A_21 : i32
    %dma_start3A = tpu.memref_slice %arg2[%add3A_22] : memref<320000xi32, #tpu.memory_space<hbm>> -> memref<80xi32, #tpu.memory_space<hbm>>
    %dma_start3A_23 = tpu.memref_slice %arg2[%add3A_22] : memref<320000xi32, #tpu.memory_space<hbm>> -> memref<80xi32, #tpu.memory_space<hbm>>
    tpu.enqueue_dma source(%dma_start3A_23 : memref<80xi32, #tpu.memory_space<hbm>>) target(%arg7 : memref<80xi32, #tpu.memory_space<vmem>>) target_semaphore(%arg13 : memref<!tpu.dma_semaphore, #tpu.memory_space<semaphore_mem>>)
    %dma_start3A_24 = tpu.memref_slice %arg3[%add3A_22] : memref<320000xi32, #tpu.memory_space<hbm>> -> memref<80xi32, #tpu.memory_space<hbm>>
    %dma_start3A_25 = tpu.memref_slice %arg3[%add3A_22] : memref<320000xi32, #tpu.memory_space<hbm>> -> memref<80xi32, #tpu.memory_space<hbm>>
    tpu.enqueue_dma source(%dma_start3A_25 : memref<80xi32, #tpu.memory_space<hbm>>) target(%arg8 : memref<80xi32, #tpu.memory_space<vmem>>) target_semaphore(%arg13 : memref<!tpu.dma_semaphore, #tpu.memory_space<semaphore_mem>>)
    %add3A_26 = arith.constant 80 : i32
    %add3A_27 = arith.addi %mul3A_4, %add3A_26 : i32
    %dma_start3A_28 = tpu.memref_slice %arg2[%add3A_27] : memref<320000xi32, #tpu.memory_space<hbm>> -> memref<80xi32, #tpu.memory_space<hbm>>
    %dma_start3A_29 = tpu.memref_slice %arg2[%add3A_27] : memref<320000xi32, #tpu.memory_space<hbm>> -> memref<80xi32, #tpu.memory_space<hbm>>
    tpu.enqueue_dma source(%dma_start3A_29 : memref<80xi32, #tpu.memory_space<hbm>>) target(%arg9 : memref<80xi32, #tpu.memory_space<vmem>>) target_semaphore(%arg14 : memref<!tpu.dma_semaphore, #tpu.memory_space<semaphore_mem>>)
    %dma_start3A_30 = tpu.memref_slice %arg3[%add3A_27] : memref<320000xi32, #tpu.memory_space<hbm>> -> memref<80xi32, #tpu.memory_space<hbm>>
    %dma_start3A_31 = tpu.memref_slice %arg3[%add3A_27] : memref<320000xi32, #tpu.memory_space<hbm>> -> memref<80xi32, #tpu.memory_space<hbm>>
    tpu.enqueue_dma source(%dma_start3A_31 : memref<80xi32, #tpu.memory_space<hbm>>) target(%arg10 : memref<80xi32, #tpu.memory_space<vmem>>) target_semaphore(%arg14 : memref<!tpu.dma_semaphore, #tpu.memory_space<semaphore_mem>>)
    %scan3A = arith.constant 0 : i32
    %scan3A_32 = arith.constant 0 : i32
    %scan3A_33 = arith.constant 61 : i32
    %scan3A_34 = arith.addi %scan3A_32, %scan3A_33 : i32
    %scan3A_35 = arith.constant 1 : i32
    %scan3A_36 = scf.for %scan3A_112 = %scan3A_32 to %scan3A_34 step %scan3A_35 iter_args(%scan3A_113 = %scan3A) -> (i32)  : i32 {
      %mul3A_114 = arith.constant 2 : i32
      %mul3A_115 = arith.muli %scan3A_112, %mul3A_114 : i32
      %add3A_116 = arith.constant 1 : i32
      %add3A_117 = arith.addi %mul3A_115, %add3A_116 : i32
      %mul3A_118 = arith.constant 80 : i32
      %mul3A_119 = arith.muli %mul3A_115, %mul3A_118 : i32
      %add3A_120 = arith.addi %mul3A_4, %mul3A_119 : i32
      %dma_wait3A_121 = tpu.memref_slice %arg2[%add3A_120] : memref<320000xi32, #tpu.memory_space<hbm>> -> memref<80xi32, #tpu.memory_space<hbm>>
      %dma_wait3A_122 = tpu.memref_slice %arg2[%add3A_120] : memref<320000xi32, #tpu.memory_space<hbm>> -> memref<80xi32, #tpu.memory_space<hbm>>
      tpu.wait_dma2 semaphore(%arg13 : memref<!tpu.dma_semaphore, #tpu.memory_space<semaphore_mem>>) src(%dma_wait3A_122 : memref<80xi32, #tpu.memory_space<hbm>>) dst(%arg7 : memref<80xi32, #tpu.memory_space<vmem>>)
      %dma_wait3A_123 = tpu.memref_slice %arg3[%add3A_120] : memref<320000xi32, #tpu.memory_space<hbm>> -> memref<80xi32, #tpu.memory_space<hbm>>
      %dma_wait3A_124 = tpu.memref_slice %arg3[%add3A_120] : memref<320000xi32, #tpu.memory_space<hbm>> -> memref<80xi32, #tpu.memory_space<hbm>>
      tpu.wait_dma2 semaphore(%arg13 : memref<!tpu.dma_semaphore, #tpu.memory_space<semaphore_mem>>) src(%dma_wait3A_124 : memref<80xi32, #tpu.memory_space<hbm>>) dst(%arg8 : memref<80xi32, #tpu.memory_space<vmem>>)
      %dma_start3A_125 = arith.constant 0 : i32
      %dma_start3A_126 = arith.constant 0 : i32
      %dma_start3A_127 = tpu.memref_slice %arg4[%dma_start3A_125, %dma_start3A_126] : memref<10000x128xf32, #tpu.memory_space<hbm>> -> memref<10000x128xf32, #tpu.memory_space<hbm>>
      tpu.enqueue_indirect_dma source(%dma_start3A_127 : memref<10000x128xf32, #tpu.memory_space<hbm>>) target(%arg11 : memref<80x128xf32, #tpu.memory_space<vmem>>) offsets(%arg7 : memref<80xi32, #tpu.memory_space<vmem>>) semaphore(%arg15 : memref<!tpu.dma_semaphore, #tpu.memory_space<semaphore_mem>>)
      %dma_wait3A_128 = arith.constant 0 : i32
      %dma_wait3A_129 = arith.constant 0 : i32
      %dma_wait3A_130 = tpu.memref_slice %arg4[%dma_wait3A_128, %dma_wait3A_129] : memref<10000x128xf32, #tpu.memory_space<hbm>> -> memref<10000x128xf32, #tpu.memory_space<hbm>>
      tpu.wait_indirect_dma semaphore(%arg15 : memref<!tpu.dma_semaphore, #tpu.memory_space<semaphore_mem>>) src(%dma_wait3A_130 : memref<10000x128xf32, #tpu.memory_space<hbm>>) dst(%arg11 : memref<80x128xf32, #tpu.memory_space<vmem>>)
      "tpu.region"() ({
        %run_scoped3A = tpu.sem_alloc : memref<!tpu.dma_semaphore, #tpu.memory_space<semaphore_mem>>
        %dma_start3A_163 = arith.constant 0 : i32
        %dma_start3A_164 = arith.constant 0 : i32
        %dma_start3A_165 = tpu.memref_slice %arg17[%dma_start3A_163, %dma_start3A_164] : memref<10240x128xf32, #tpu.memory_space<vmem_shared>> -> memref<10240x128xf32, #tpu.memory_space<vmem_shared>>
        tpu.enqueue_indirect_dma source(%arg11 : memref<80x128xf32, #tpu.memory_space<vmem>>) target(%dma_start3A_165 : memref<10240x128xf32, #tpu.memory_space<vmem_shared>>) offsets(%arg8 : memref<80xi32, #tpu.memory_space<vmem>>) semaphore(%run_scoped3A : memref<!tpu.dma_semaphore, #tpu.memory_space<semaphore_mem>>) {add = true}
        %dma_wait3A_166 = arith.constant 0 : i32
        %dma_wait3A_167 = arith.constant 0 : i32
        %dma_wait3A_168 = tpu.memref_slice %arg17[%dma_wait3A_166, %dma_wait3A_167] : memref<10240x128xf32, #tpu.memory_space<vmem_shared>> -> memref<10240x128xf32, #tpu.memory_space<vmem_shared>>
        tpu.wait_indirect_dma semaphore(%run_scoped3A : memref<!tpu.dma_semaphore, #tpu.memory_space<semaphore_mem>>) src(%arg11 : memref<80x128xf32, #tpu.memory_space<vmem>>) dst(%dma_wait3A_168 : memref<10240x128xf32, #tpu.memory_space<vmem_shared>>)
        tpu.yield
      }) : () -> ()
      %add3A_131 = arith.constant 2 : i32
      %add3A_132 = arith.addi %mul3A_115, %add3A_131 : i32
      %mul3A_133 = arith.constant 80 : i32
      %mul3A_134 = arith.muli %add3A_132, %mul3A_133 : i32
      %add3A_135 = arith.addi %mul3A_4, %mul3A_134 : i32
      %dma_start3A_136 = tpu.memref_slice %arg2[%add3A_135] : memref<320000xi32, #tpu.memory_space<hbm>> -> memref<80xi32, #tpu.memory_space<hbm>>
      %dma_start3A_137 = tpu.memref_slice %arg2[%add3A_135] : memref<320000xi32, #tpu.memory_space<hbm>> -> memref<80xi32, #tpu.memory_space<hbm>>
      tpu.enqueue_dma source(%dma_start3A_137 : memref<80xi32, #tpu.memory_space<hbm>>) target(%arg7 : memref<80xi32, #tpu.memory_space<vmem>>) target_semaphore(%arg13 : memref<!tpu.dma_semaphore, #tpu.memory_space<semaphore_mem>>)
      %dma_start3A_138 = tpu.memref_slice %arg3[%add3A_135] : memref<320000xi32, #tpu.memory_space<hbm>> -> memref<80xi32, #tpu.memory_space<hbm>>
      %dma_start3A_139 = tpu.memref_slice %arg3[%add3A_135] : memref<320000xi32, #tpu.memory_space<hbm>> -> memref<80xi32, #tpu.memory_space<hbm>>
      tpu.enqueue_dma source(%dma_start3A_139 : memref<80xi32, #tpu.memory_space<hbm>>) target(%arg8 : memref<80xi32, #tpu.memory_space<vmem>>) target_semaphore(%arg13 : memref<!tpu.dma_semaphore, #tpu.memory_space<semaphore_mem>>)
      %mul3A_140 = arith.constant 80 : i32
      %mul3A_141 = arith.muli %add3A_117, %mul3A_140 : i32
      %add3A_142 = arith.addi %mul3A_4, %mul3A_141 : i32
      %dma_wait3A_143 = tpu.memref_slice %arg2[%add3A_142] : memref<320000xi32, #tpu.memory_space<hbm>> -> memref<80xi32, #tpu.memory_space<hbm>>
      %dma_wait3A_144 = tpu.memref_slice %arg2[%add3A_142] : memref<320000xi32, #tpu.memory_space<hbm>> -> memref<80xi32, #tpu.memory_space<hbm>>
      tpu.wait_dma2 semaphore(%arg14 : memref<!tpu.dma_semaphore, #tpu.memory_space<semaphore_mem>>) src(%dma_wait3A_144 : memref<80xi32, #tpu.memory_space<hbm>>) dst(%arg9 : memref<80xi32, #tpu.memory_space<vmem>>)
      %dma_wait3A_145 = tpu.memref_slice %arg3[%add3A_142] : memref<320000xi32, #tpu.memory_space<hbm>> -> memref<80xi32, #tpu.memory_space<hbm>>
      %dma_wait3A_146 = tpu.memref_slice %arg3[%add3A_142] : memref<320000xi32, #tpu.memory_space<hbm>> -> memref<80xi32, #tpu.memory_space<hbm>>
      tpu.wait_dma2 semaphore(%arg14 : memref<!tpu.dma_semaphore, #tpu.memory_space<semaphore_mem>>) src(%dma_wait3A_146 : memref<80xi32, #tpu.memory_space<hbm>>) dst(%arg10 : memref<80xi32, #tpu.memory_space<vmem>>)
      %dma_start3A_147 = arith.constant 0 : i32
      %dma_start3A_148 = arith.constant 0 : i32
      %dma_start3A_149 = tpu.memref_slice %arg4[%dma_start3A_147, %dma_start3A_148] : memref<10000x128xf32, #tpu.memory_space<hbm>> -> memref<10000x128xf32, #tpu.memory_space<hbm>>
      tpu.enqueue_indirect_dma source(%dma_start3A_149 : memref<10000x128xf32, #tpu.memory_space<hbm>>) target(%arg12 : memref<80x128xf32, #tpu.memory_space<vmem>>) offsets(%arg9 : memref<80xi32, #tpu.memory_space<vmem>>) semaphore(%arg16 : memref<!tpu.dma_semaphore, #tpu.memory_space<semaphore_mem>>)
      %dma_wait3A_150 = arith.constant 0 : i32
      %dma_wait3A_151 = arith.constant 0 : i32
      %dma_wait3A_152 = tpu.memref_slice %arg4[%dma_wait3A_150, %dma_wait3A_151] : memref<10000x128xf32, #tpu.memory_space<hbm>> -> memref<10000x128xf32, #tpu.memory_space<hbm>>
      tpu.wait_indirect_dma semaphore(%arg16 : memref<!tpu.dma_semaphore, #tpu.memory_space<semaphore_mem>>) src(%dma_wait3A_152 : memref<10000x128xf32, #tpu.memory_space<hbm>>) dst(%arg12 : memref<80x128xf32, #tpu.memory_space<vmem>>)
      "tpu.region"() ({
        %run_scoped3A = tpu.sem_alloc : memref<!tpu.dma_semaphore, #tpu.memory_space<semaphore_mem>>
        %dma_start3A_163 = arith.constant 0 : i32
        %dma_start3A_164 = arith.constant 0 : i32
        %dma_start3A_165 = tpu.memref_slice %arg17[%dma_start3A_163, %dma_start3A_164] : memref<10240x128xf32, #tpu.memory_space<vmem_shared>> -> memref<10240x128xf32, #tpu.memory_space<vmem_shared>>
        tpu.enqueue_indirect_dma source(%arg12 : memref<80x128xf32, #tpu.memory_space<vmem>>) target(%dma_start3A_165 : memref<10240x128xf32, #tpu.memory_space<vmem_shared>>) offsets(%arg10 : memref<80xi32, #tpu.memory_space<vmem>>) semaphore(%run_scoped3A : memref<!tpu.dma_semaphore, #tpu.memory_space<semaphore_mem>>) {add = true}
        %dma_wait3A_166 = arith.constant 0 : i32
        %dma_wait3A_167 = arith.constant 0 : i32
        %dma_wait3A_168 = tpu.memref_slice %arg17[%dma_wait3A_166, %dma_wait3A_167] : memref<10240x128xf32, #tpu.memory_space<vmem_shared>> -> memref<10240x128xf32, #tpu.memory_space<vmem_shared>>
        tpu.wait_indirect_dma semaphore(%run_scoped3A : memref<!tpu.dma_semaphore, #tpu.memory_space<semaphore_mem>>) src(%arg12 : memref<80x128xf32, #tpu.memory_space<vmem>>) dst(%dma_wait3A_168 : memref<10240x128xf32, #tpu.memory_space<vmem_shared>>)
        tpu.yield
      }) : () -> ()
      %add3A_153 = arith.constant 2 : i32
      %add3A_154 = arith.addi %add3A_117, %add3A_153 : i32
      %mul3A_155 = arith.constant 80 : i32
      %mul3A_156 = arith.muli %add3A_154, %mul3A_155 : i32
      %add3A_157 = arith.addi %mul3A_4, %mul3A_156 : i32
      %dma_start3A_158 = tpu.memref_slice %arg2[%add3A_157] : memref<320000xi32, #tpu.memory_space<hbm>> -> memref<80xi32, #tpu.memory_space<hbm>>
      %dma_start3A_159 = tpu.memref_slice %arg2[%add3A_157] : memref<320000xi32, #tpu.memory_space<hbm>> -> memref<80xi32, #tpu.memory_space<hbm>>
      tpu.enqueue_dma source(%dma_start3A_159 : memref<80xi32, #tpu.memory_space<hbm>>) target(%arg9 : memref<80xi32, #tpu.memory_space<vmem>>) target_semaphore(%arg14 : memref<!tpu.dma_semaphore, #tpu.memory_space<semaphore_mem>>)
      %dma_start3A_160 = tpu.memref_slice %arg3[%add3A_157] : memref<320000xi32, #tpu.memory_space<hbm>> -> memref<80xi32, #tpu.memory_space<hbm>>
      %dma_start3A_161 = tpu.memref_slice %arg3[%add3A_157] : memref<320000xi32, #tpu.memory_space<hbm>> -> memref<80xi32, #tpu.memory_space<hbm>>
      tpu.enqueue_dma source(%dma_start3A_161 : memref<80xi32, #tpu.memory_space<hbm>>) target(%arg10 : memref<80xi32, #tpu.memory_space<vmem>>) target_semaphore(%arg14 : memref<!tpu.dma_semaphore, #tpu.memory_space<semaphore_mem>>)
      %scan3A_162 = arith.constant 0 : i32
      scf.yield %scan3A_162 : i32
    }
    %scan3A_37 = arith.constant 61 : i32
    %add3A_38 = arith.constant 9760 : i32
    %add3A_39 = arith.addi %mul3A_4, %add3A_38 : i32
    %dma_wait3A = tpu.memref_slice %arg2[%add3A_39] : memref<320000xi32, #tpu.memory_space<hbm>> -> memref<80xi32, #tpu.memory_space<hbm>>
    %dma_wait3A_40 = tpu.memref_slice %arg2[%add3A_39] : memref<320000xi32, #tpu.memory_space<hbm>> -> memref<80xi32, #tpu.memory_space<hbm>>
    tpu.wait_dma2 semaphore(%arg13 : memref<!tpu.dma_semaphore, #tpu.memory_space<semaphore_mem>>) src(%dma_wait3A_40 : memref<80xi32, #tpu.memory_space<hbm>>) dst(%arg7 : memref<80xi32, #tpu.memory_space<vmem>>)
    %dma_wait3A_41 = tpu.memref_slice %arg3[%add3A_39] : memref<320000xi32, #tpu.memory_space<hbm>> -> memref<80xi32, #tpu.memory_space<hbm>>
    %dma_wait3A_42 = tpu.memref_slice %arg3[%add3A_39] : memref<320000xi32, #tpu.memory_space<hbm>> -> memref<80xi32, #tpu.memory_space<hbm>>
    tpu.wait_dma2 semaphore(%arg13 : memref<!tpu.dma_semaphore, #tpu.memory_space<semaphore_mem>>) src(%dma_wait3A_42 : memref<80xi32, #tpu.memory_space<hbm>>) dst(%arg8 : memref<80xi32, #tpu.memory_space<vmem>>)
    %dma_start3A_43 = arith.constant 0 : i32
    %dma_start3A_44 = arith.constant 0 : i32
    %dma_start3A_45 = tpu.memref_slice %arg4[%dma_start3A_43, %dma_start3A_44] : memref<10000x128xf32, #tpu.memory_space<hbm>> -> memref<10000x128xf32, #tpu.memory_space<hbm>>
    tpu.enqueue_indirect_dma source(%dma_start3A_45 : memref<10000x128xf32, #tpu.memory_space<hbm>>) target(%arg11 : memref<80x128xf32, #tpu.memory_space<vmem>>) offsets(%arg7 : memref<80xi32, #tpu.memory_space<vmem>>) semaphore(%arg15 : memref<!tpu.dma_semaphore, #tpu.memory_space<semaphore_mem>>)
    %dma_wait3A_46 = arith.constant 0 : i32
    %dma_wait3A_47 = arith.constant 0 : i32
    %dma_wait3A_48 = tpu.memref_slice %arg4[%dma_wait3A_46, %dma_wait3A_47] : memref<10000x128xf32, #tpu.memory_space<hbm>> -> memref<10000x128xf32, #tpu.memory_space<hbm>>
    tpu.wait_indirect_dma semaphore(%arg15 : memref<!tpu.dma_semaphore, #tpu.memory_space<semaphore_mem>>) src(%dma_wait3A_48 : memref<10000x128xf32, #tpu.memory_space<hbm>>) dst(%arg11 : memref<80x128xf32, #tpu.memory_space<vmem>>)
    "tpu.region"() ({
      %run_scoped3A = tpu.sem_alloc : memref<!tpu.dma_semaphore, #tpu.memory_space<semaphore_mem>>
      %dma_start3A_112 = arith.constant 0 : i32
      %dma_start3A_113 = arith.constant 0 : i32
      %dma_start3A_114 = tpu.memref_slice %arg17[%dma_start3A_112, %dma_start3A_113] : memref<10240x128xf32, #tpu.memory_space<vmem_shared>> -> memref<10240x128xf32, #tpu.memory_space<vmem_shared>>
      tpu.enqueue_indirect_dma source(%arg11 : memref<80x128xf32, #tpu.memory_space<vmem>>) target(%dma_start3A_114 : memref<10240x128xf32, #tpu.memory_space<vmem_shared>>) offsets(%arg8 : memref<80xi32, #tpu.memory_space<vmem>>) semaphore(%run_scoped3A : memref<!tpu.dma_semaphore, #tpu.memory_space<semaphore_mem>>) {add = true}
      %dma_wait3A_115 = arith.constant 0 : i32
      %dma_wait3A_116 = arith.constant 0 : i32
      %dma_wait3A_117 = tpu.memref_slice %arg17[%dma_wait3A_115, %dma_wait3A_116] : memref<10240x128xf32, #tpu.memory_space<vmem_shared>> -> memref<10240x128xf32, #tpu.memory_space<vmem_shared>>
      tpu.wait_indirect_dma semaphore(%run_scoped3A : memref<!tpu.dma_semaphore, #tpu.memory_space<semaphore_mem>>) src(%arg11 : memref<80x128xf32, #tpu.memory_space<vmem>>) dst(%dma_wait3A_117 : memref<10240x128xf32, #tpu.memory_space<vmem_shared>>)
      tpu.yield
    }) : () -> ()
    %add3A_49 = arith.constant 9920 : i32
    %add3A_50 = arith.addi %mul3A_4, %add3A_49 : i32
    %dma_start3A_51 = tpu.memref_slice %arg2[%add3A_50] : memref<320000xi32, #tpu.memory_space<hbm>> -> memref<80xi32, #tpu.memory_space<hbm>>
    %dma_start3A_52 = tpu.memref_slice %arg2[%add3A_50] : memref<320000xi32, #tpu.memory_space<hbm>> -> memref<80xi32, #tpu.memory_space<hbm>>
    tpu.enqueue_dma source(%dma_start3A_52 : memref<80xi32, #tpu.memory_space<hbm>>) target(%arg7 : memref<80xi32, #tpu.memory_space<vmem>>) target_semaphore(%arg13 : memref<!tpu.dma_semaphore, #tpu.memory_space<semaphore_mem>>)
    %dma_start3A_53 = tpu.memref_slice %arg3[%add3A_50] : memref<320000xi32, #tpu.memory_space<hbm>> -> memref<80xi32, #tpu.memory_space<hbm>>
    %dma_start3A_54 = tpu.memref_slice %arg3[%add3A_50] : memref<320000xi32, #tpu.memory_space<hbm>> -> memref<80xi32, #tpu.memory_space<hbm>>
    tpu.enqueue_dma source(%dma_start3A_54 : memref<80xi32, #tpu.memory_space<hbm>>) target(%arg8 : memref<80xi32, #tpu.memory_space<vmem>>) target_semaphore(%arg13 : memref<!tpu.dma_semaphore, #tpu.memory_space<semaphore_mem>>)
    %add3A_55 = arith.constant 9840 : i32
    %add3A_56 = arith.addi %mul3A_4, %add3A_55 : i32
    %dma_wait3A_57 = tpu.memref_slice %arg2[%add3A_56] : memref<320000xi32, #tpu.memory_space<hbm>> -> memref<80xi32, #tpu.memory_space<hbm>>
    %dma_wait3A_58 = tpu.memref_slice %arg2[%add3A_56] : memref<320000xi32, #tpu.memory_space<hbm>> -> memref<80xi32, #tpu.memory_space<hbm>>
    tpu.wait_dma2 semaphore(%arg14 : memref<!tpu.dma_semaphore, #tpu.memory_space<semaphore_mem>>) src(%dma_wait3A_58 : memref<80xi32, #tpu.memory_space<hbm>>) dst(%arg9 : memref<80xi32, #tpu.memory_space<vmem>>)
    %dma_wait3A_59 = tpu.memref_slice %arg3[%add3A_56] : memref<320000xi32, #tpu.memory_space<hbm>> -> memref<80xi32, #tpu.memory_space<hbm>>
    %dma_wait3A_60 = tpu.memref_slice %arg3[%add3A_56] : memref<320000xi32, #tpu.memory_space<hbm>> -> memref<80xi32, #tpu.memory_space<hbm>>
    tpu.wait_dma2 semaphore(%arg14 : memref<!tpu.dma_semaphore, #tpu.memory_space<semaphore_mem>>) src(%dma_wait3A_60 : memref<80xi32, #tpu.memory_space<hbm>>) dst(%arg10 : memref<80xi32, #tpu.memory_space<vmem>>)
    %dma_start3A_61 = arith.constant 0 : i32
    %dma_start3A_62 = arith.constant 0 : i32
    %dma_start3A_63 = tpu.memref_slice %arg4[%dma_start3A_61, %dma_start3A_62] : memref<10000x128xf32, #tpu.memory_space<hbm>> -> memref<10000x128xf32, #tpu.memory_space<hbm>>
    tpu.enqueue_indirect_dma source(%dma_start3A_63 : memref<10000x128xf32, #tpu.memory_space<hbm>>) target(%arg12 : memref<80x128xf32, #tpu.memory_space<vmem>>) offsets(%arg9 : memref<80xi32, #tpu.memory_space<vmem>>) semaphore(%arg16 : memref<!tpu.dma_semaphore, #tpu.memory_space<semaphore_mem>>)
    %dma_wait3A_64 = arith.constant 0 : i32
    %dma_wait3A_65 = arith.constant 0 : i32
    %dma_wait3A_66 = tpu.memref_slice %arg4[%dma_wait3A_64, %dma_wait3A_65] : memref<10000x128xf32, #tpu.memory_space<hbm>> -> memref<10000x128xf32, #tpu.memory_space<hbm>>
    tpu.wait_indirect_dma semaphore(%arg16 : memref<!tpu.dma_semaphore, #tpu.memory_space<semaphore_mem>>) src(%dma_wait3A_66 : memref<10000x128xf32, #tpu.memory_space<hbm>>) dst(%arg12 : memref<80x128xf32, #tpu.memory_space<vmem>>)
    "tpu.region"() ({
      %run_scoped3A = tpu.sem_alloc : memref<!tpu.dma_semaphore, #tpu.memory_space<semaphore_mem>>
      %dma_start3A_112 = arith.constant 0 : i32
      %dma_start3A_113 = arith.constant 0 : i32
      %dma_start3A_114 = tpu.memref_slice %arg17[%dma_start3A_112, %dma_start3A_113] : memref<10240x128xf32, #tpu.memory_space<vmem_shared>> -> memref<10240x128xf32, #tpu.memory_space<vmem_shared>>
      tpu.enqueue_indirect_dma source(%arg12 : memref<80x128xf32, #tpu.memory_space<vmem>>) target(%dma_start3A_114 : memref<10240x128xf32, #tpu.memory_space<vmem_shared>>) offsets(%arg10 : memref<80xi32, #tpu.memory_space<vmem>>) semaphore(%run_scoped3A : memref<!tpu.dma_semaphore, #tpu.memory_space<semaphore_mem>>) {add = true}
      %dma_wait3A_115 = arith.constant 0 : i32
      %dma_wait3A_116 = arith.constant 0 : i32
      %dma_wait3A_117 = tpu.memref_slice %arg17[%dma_wait3A_115, %dma_wait3A_116] : memref<10240x128xf32, #tpu.memory_space<vmem_shared>> -> memref<10240x128xf32, #tpu.memory_space<vmem_shared>>
      tpu.wait_indirect_dma semaphore(%run_scoped3A : memref<!tpu.dma_semaphore, #tpu.memory_space<semaphore_mem>>) src(%arg12 : memref<80x128xf32, #tpu.memory_space<vmem>>) dst(%dma_wait3A_117 : memref<10240x128xf32, #tpu.memory_space<vmem_shared>>)
      tpu.yield
    }) : () -> ()
    %add3A_67 = arith.constant 9920 : i32
    %add3A_68 = arith.addi %mul3A_4, %add3A_67 : i32
    %dma_wait3A_69 = tpu.memref_slice %arg2[%add3A_68] : memref<320000xi32, #tpu.memory_space<hbm>> -> memref<80xi32, #tpu.memory_space<hbm>>
    %dma_wait3A_70 = tpu.memref_slice %arg2[%add3A_68] : memref<320000xi32, #tpu.memory_space<hbm>> -> memref<80xi32, #tpu.memory_space<hbm>>
    tpu.wait_dma2 semaphore(%arg13 : memref<!tpu.dma_semaphore, #tpu.memory_space<semaphore_mem>>) src(%dma_wait3A_70 : memref<80xi32, #tpu.memory_space<hbm>>) dst(%arg7 : memref<80xi32, #tpu.memory_space<vmem>>)
    %dma_wait3A_71 = tpu.memref_slice %arg3[%add3A_68] : memref<320000xi32, #tpu.memory_space<hbm>> -> memref<80xi32, #tpu.memory_space<hbm>>
    %dma_wait3A_72 = tpu.memref_slice %arg3[%add3A_68] : memref<320000xi32, #tpu.memory_space<hbm>> -> memref<80xi32, #tpu.memory_space<hbm>>
    tpu.wait_dma2 semaphore(%arg13 : memref<!tpu.dma_semaphore, #tpu.memory_space<semaphore_mem>>) src(%dma_wait3A_72 : memref<80xi32, #tpu.memory_space<hbm>>) dst(%arg8 : memref<80xi32, #tpu.memory_space<vmem>>)
    %dma_start3A_73 = arith.constant 0 : i32
    %dma_start3A_74 = arith.constant 0 : i32
    %dma_start3A_75 = tpu.memref_slice %arg4[%dma_start3A_73, %dma_start3A_74] : memref<10000x128xf32, #tpu.memory_space<hbm>> -> memref<10000x128xf32, #tpu.memory_space<hbm>>
    tpu.enqueue_indirect_dma source(%dma_start3A_75 : memref<10000x128xf32, #tpu.memory_space<hbm>>) target(%arg11 : memref<80x128xf32, #tpu.memory_space<vmem>>) offsets(%arg7 : memref<80xi32, #tpu.memory_space<vmem>>) semaphore(%arg15 : memref<!tpu.dma_semaphore, #tpu.memory_space<semaphore_mem>>)
    %dma_wait3A_76 = arith.constant 0 : i32
    %dma_wait3A_77 = arith.constant 0 : i32
    %dma_wait3A_78 = tpu.memref_slice %arg4[%dma_wait3A_76, %dma_wait3A_77] : memref<10000x128xf32, #tpu.memory_space<hbm>> -> memref<10000x128xf32, #tpu.memory_space<hbm>>
    tpu.wait_indirect_dma semaphore(%arg15 : memref<!tpu.dma_semaphore, #tpu.memory_space<semaphore_mem>>) src(%dma_wait3A_78 : memref<10000x128xf32, #tpu.memory_space<hbm>>) dst(%arg11 : memref<80x128xf32, #tpu.memory_space<vmem>>)
    "tpu.region"() ({
      %run_scoped3A = tpu.sem_alloc : memref<!tpu.dma_semaphore, #tpu.memory_space<semaphore_mem>>
      %dma_start3A_112 = arith.constant 0 : i32
      %dma_start3A_113 = arith.constant 0 : i32
      %dma_start3A_114 = tpu.memref_slice %arg17[%dma_start3A_112, %dma_start3A_113] : memref<10240x128xf32, #tpu.memory_space<vmem_shared>> -> memref<10240x128xf32, #tpu.memory_space<vmem_shared>>
      tpu.enqueue_indirect_dma source(%arg11 : memref<80x128xf32, #tpu.memory_space<vmem>>) target(%dma_start3A_114 : memref<10240x128xf32, #tpu.memory_space<vmem_shared>>) offsets(%arg8 : memref<80xi32, #tpu.memory_space<vmem>>) semaphore(%run_scoped3A : memref<!tpu.dma_semaphore, #tpu.memory_space<semaphore_mem>>) {add = true}
      %dma_wait3A_115 = arith.constant 0 : i32
      %dma_wait3A_116 = arith.constant 0 : i32
      %dma_wait3A_117 = tpu.memref_slice %arg17[%dma_wait3A_115, %dma_wait3A_116] : memref<10240x128xf32, #tpu.memory_space<vmem_shared>> -> memref<10240x128xf32, #tpu.memory_space<vmem_shared>>
      tpu.wait_indirect_dma semaphore(%run_scoped3A : memref<!tpu.dma_semaphore, #tpu.memory_space<semaphore_mem>>) src(%arg11 : memref<80x128xf32, #tpu.memory_space<vmem>>) dst(%dma_wait3A_117 : memref<10240x128xf32, #tpu.memory_space<vmem_shared>>)
      tpu.yield
    }) : () -> ()
    %barrier3A_79 = arith.constant 0 : index
    tpu.barrier barrier_id(%barrier3A_79)
    %add3A_80 = arith.constant 0 : i32
    %add3A_81 = arith.addi %mul3A_2, %add3A_80 : i32
    "tpu.region"() ({
      %run_scoped3A = tpu.sem_alloc : memref<!tpu.dma_semaphore, #tpu.memory_space<semaphore_mem>>
      %dma_start3A_112 = arith.constant 0 : i32
      %dma_start3A_113 = tpu.memref_slice %arg17[%add3A_81, %dma_start3A_112] : memref<10240x128xf32, #tpu.memory_space<vmem_shared>> -> memref<80x128xf32, #tpu.memory_space<vmem_shared>>
      %dma_start3A_114 = arith.constant 0 : i32
      %dma_start3A_115 = tpu.memref_slice %arg17[%add3A_81, %dma_start3A_114] : memref<10240x128xf32, #tpu.memory_space<vmem_shared>> -> memref<80x128xf32, #tpu.memory_space<vmem_shared>>
      tpu.enqueue_dma source(%dma_start3A_115 : memref<80x128xf32, #tpu.memory_space<vmem_shared>>) target(%arg11 : memref<80x128xf32, #tpu.memory_space<vmem>>) target_semaphore(%run_scoped3A : memref<!tpu.dma_semaphore, #tpu.memory_space<semaphore_mem>>)
      %dma_wait3A_116 = arith.constant 0 : i32
      %dma_wait3A_117 = tpu.memref_slice %arg17[%add3A_81, %dma_wait3A_116] : memref<10240x128xf32, #tpu.memory_space<vmem_shared>> -> memref<80x128xf32, #tpu.memory_space<vmem_shared>>
      %dma_wait3A_118 = arith.constant 0 : i32
      %dma_wait3A_119 = tpu.memref_slice %arg17[%add3A_81, %dma_wait3A_118] : memref<10240x128xf32, #tpu.memory_space<vmem_shared>> -> memref<80x128xf32, #tpu.memory_space<vmem_shared>>
      tpu.wait_dma2 semaphore(%run_scoped3A : memref<!tpu.dma_semaphore, #tpu.memory_space<semaphore_mem>>) src(%dma_wait3A_119 : memref<80x128xf32, #tpu.memory_space<vmem_shared>>) dst(%arg11 : memref<80x128xf32, #tpu.memory_space<vmem>>)
      tpu.yield
    }) : () -> ()
    %add3A_82 = arith.constant 0 : i32
    %add3A_83 = arith.addi %mul3A_2, %add3A_82 : i32
    "tpu.region"() ({
      %run_scoped3A = tpu.sem_alloc : memref<!tpu.dma_semaphore, #tpu.memory_space<semaphore_mem>>
      %dma_start3A_112 = arith.constant 0 : i32
      %dma_start3A_113 = tpu.memref_slice %arg6[%arg0, %add3A_83, %dma_start3A_112] : memref<2x10240x128xf32, #tpu.memory_space<hbm>> -> memref<1x80x128xf32, #tpu.memory_space<hbm>>
      %dma_start3A_114 = tpu.memref_squeeze %dma_start3A_113 : memref<1x80x128xf32, #tpu.memory_space<hbm>> -> memref<80x128xf32, #tpu.memory_space<hbm>>
      %dma_start3A_115 = arith.constant 0 : i32
      %dma_start3A_116 = tpu.memref_slice %arg6[%arg0, %add3A_83, %dma_start3A_115] : memref<2x10240x128xf32, #tpu.memory_space<hbm>> -> memref<1x80x128xf32, #tpu.memory_space<hbm>>
      %dma_start3A_117 = tpu.memref_squeeze %dma_start3A_116 : memref<1x80x128xf32, #tpu.memory_space<hbm>> -> memref<80x128xf32, #tpu.memory_space<hbm>>
      tpu.enqueue_dma source(%arg11 : memref<80x128xf32, #tpu.memory_space<vmem>>) target(%dma_start3A_117 : memref<80x128xf32, #tpu.memory_space<hbm>>) target_semaphore(%run_scoped3A : memref<!tpu.dma_semaphore, #tpu.memory_space<semaphore_mem>>)
      %dma_wait3A_118 = arith.constant 0 : i32
      %dma_wait3A_119 = tpu.memref_slice %arg6[%arg0, %add3A_83, %dma_wait3A_118] : memref<2x10240x128xf32, #tpu.memory_space<hbm>> -> memref<1x80x128xf32, #tpu.memory_space<hbm>>
      %dma_wait3A_120 = tpu.memref_squeeze %dma_wait3A_119 : memref<1x80x128xf32, #tpu.memory_space<hbm>> -> memref<80x128xf32, #tpu.memory_space<hbm>>
      %dma_wait3A_121 = arith.constant 0 : i32
      %dma_wait3A_122 = tpu.memref_slice %arg6[%arg0, %add3A_83, %dma_wait3A_121] : memref<2x10240x128xf32, #tpu.memory_space<hbm>> -> memref<1x80x128xf32, #tpu.memory_space<hbm>>
      %dma_wait3A_123 = tpu.memref_squeeze %dma_wait3A_122 : memref<1x80x128xf32, #tpu.memory_space<hbm>> -> memref<80x128xf32, #tpu.memory_space<hbm>>
      tpu.wait_dma2 semaphore(%run_scoped3A : memref<!tpu.dma_semaphore, #tpu.memory_space<semaphore_mem>>) src(%arg11 : memref<80x128xf32, #tpu.memory_space<vmem>>) dst(%dma_wait3A_123 : memref<80x128xf32, #tpu.memory_space<hbm>>)
      tpu.yield
    }) : () -> ()
    %add3A_84 = arith.constant 80 : i32
    %add3A_85 = arith.addi %mul3A_2, %add3A_84 : i32
    "tpu.region"() ({
      %run_scoped3A = tpu.sem_alloc : memref<!tpu.dma_semaphore, #tpu.memory_space<semaphore_mem>>
      %dma_start3A_112 = arith.constant 0 : i32
      %dma_start3A_113 = tpu.memref_slice %arg17[%add3A_85, %dma_start3A_112] : memref<10240x128xf32, #tpu.memory_space<vmem_shared>> -> memref<80x128xf32, #tpu.memory_space<vmem_shared>>
      %dma_start3A_114 = arith.constant 0 : i32
      %dma_start3A_115 = tpu.memref_slice %arg17[%add3A_85, %dma_start3A_114] : memref<10240x128xf32, #tpu.memory_space<vmem_shared>> -> memref<80x128xf32, #tpu.memory_space<vmem_shared>>
      tpu.enqueue_dma source(%dma_start3A_115 : memref<80x128xf32, #tpu.memory_space<vmem_shared>>) target(%arg11 : memref<80x128xf32, #tpu.memory_space<vmem>>) target_semaphore(%run_scoped3A : memref<!tpu.dma_semaphore, #tpu.memory_space<semaphore_mem>>)
      %dma_wait3A_116 = arith.constant 0 : i32
      %dma_wait3A_117 = tpu.memref_slice %arg17[%add3A_85, %dma_wait3A_116] : memref<10240x128xf32, #tpu.memory_space<vmem_shared>> -> memref<80x128xf32, #tpu.memory_space<vmem_shared>>
      %dma_wait3A_118 = arith.constant 0 : i32
      %dma_wait3A_119 = tpu.memref_slice %arg17[%add3A_85, %dma_wait3A_118] : memref<10240x128xf32, #tpu.memory_space<vmem_shared>> -> memref<80x128xf32, #tpu.memory_space<vmem_shared>>
      tpu.wait_dma2 semaphore(%run_scoped3A : memref<!tpu.dma_semaphore, #tpu.memory_space<semaphore_mem>>) src(%dma_wait3A_119 : memref<80x128xf32, #tpu.memory_space<vmem_shared>>) dst(%arg11 : memref<80x128xf32, #tpu.memory_space<vmem>>)
      tpu.yield
    }) : () -> ()
    %add3A_86 = arith.constant 80 : i32
    %add3A_87 = arith.addi %mul3A_2, %add3A_86 : i32
    "tpu.region"() ({
      %run_scoped3A = tpu.sem_alloc : memref<!tpu.dma_semaphore, #tpu.memory_space<semaphore_mem>>
      %dma_start3A_112 = arith.constant 0 : i32
      %dma_start3A_113 = tpu.memref_slice %arg6[%arg0, %add3A_87, %dma_start3A_112] : memref<2x10240x128xf32, #tpu.memory_space<hbm>> -> memref<1x80x128xf32, #tpu.memory_space<hbm>>
      %dma_start3A_114 = tpu.memref_squeeze %dma_start3A_113 : memref<1x80x128xf32, #tpu.memory_space<hbm>> -> memref<80x128xf32, #tpu.memory_space<hbm>>
      %dma_start3A_115 = arith.constant 0 : i32
      %dma_start3A_116 = tpu.memref_slice %arg6[%arg0, %add3A_87, %dma_start3A_115] : memref<2x10240x128xf32, #tpu.memory_space<hbm>> -> memref<1x80x128xf32, #tpu.memory_space<hbm>>
      %dma_start3A_117 = tpu.memref_squeeze %dma_start3A_116 : memref<1x80x128xf32, #tpu.memory_space<hbm>> -> memref<80x128xf32, #tpu.memory_space<hbm>>
      tpu.enqueue_dma source(%arg11 : memref<80x128xf32, #tpu.memory_space<vmem>>) target(%dma_start3A_117 : memref<80x128xf32, #tpu.memory_space<hbm>>) target_semaphore(%run_scoped3A : memref<!tpu.dma_semaphore, #tpu.memory_space<semaphore_mem>>)
      %dma_wait3A_118 = arith.constant 0 : i32
      %dma_wait3A_119 = tpu.memref_slice %arg6[%arg0, %add3A_87, %dma_wait3A_118] : memref<2x10240x128xf32, #tpu.memory_space<hbm>> -> memref<1x80x128xf32, #tpu.memory_space<hbm>>
      %dma_wait3A_120 = tpu.memref_squeeze %dma_wait3A_119 : memref<1x80x128xf32, #tpu.memory_space<hbm>> -> memref<80x128xf32, #tpu.memory_space<hbm>>
      %dma_wait3A_121 = arith.constant 0 : i32
      %dma_wait3A_122 = tpu.memref_slice %arg6[%arg0, %add3A_87, %dma_wait3A_121] : memref<2x10240x128xf32, #tpu.memory_space<hbm>> -> memref<1x80x128xf32, #tpu.memory_space<hbm>>
      %dma_wait3A_123 = tpu.memref_squeeze %dma_wait3A_122 : memref<1x80x128xf32, #tpu.memory_space<hbm>> -> memref<80x128xf32, #tpu.memory_space<hbm>>
      tpu.wait_dma2 semaphore(%run_scoped3A : memref<!tpu.dma_semaphore, #tpu.memory_space<semaphore_mem>>) src(%arg11 : memref<80x128xf32, #tpu.memory_space<vmem>>) dst(%dma_wait3A_123 : memref<80x128xf32, #tpu.memory_space<hbm>>)
      tpu.yield
    }) : () -> ()
    %add3A_88 = arith.constant 160 : i32
    %add3A_89 = arith.addi %mul3A_2, %add3A_88 : i32
    "tpu.region"() ({
      %run_scoped3A = tpu.sem_alloc : memref<!tpu.dma_semaphore, #tpu.memory_space<semaphore_mem>>
      %dma_start3A_112 = arith.constant 0 : i32
      %dma_start3A_113 = tpu.memref_slice %arg17[%add3A_89, %dma_start3A_112] : memref<10240x128xf32, #tpu.memory_space<vmem_shared>> -> memref<80x128xf32, #tpu.memory_space<vmem_shared>>
      %dma_start3A_114 = arith.constant 0 : i32
      %dma_start3A_115 = tpu.memref_slice %arg17[%add3A_89, %dma_start3A_114] : memref<10240x128xf32, #tpu.memory_space<vmem_shared>> -> memref<80x128xf32, #tpu.memory_space<vmem_shared>>
      tpu.enqueue_dma source(%dma_start3A_115 : memref<80x128xf32, #tpu.memory_space<vmem_shared>>) target(%arg11 : memref<80x128xf32, #tpu.memory_space<vmem>>) target_semaphore(%run_scoped3A : memref<!tpu.dma_semaphore, #tpu.memory_space<semaphore_mem>>)
      %dma_wait3A_116 = arith.constant 0 : i32
      %dma_wait3A_117 = tpu.memref_slice %arg17[%add3A_89, %dma_wait3A_116] : memref<10240x128xf32, #tpu.memory_space<vmem_shared>> -> memref<80x128xf32, #tpu.memory_space<vmem_shared>>
      %dma_wait3A_118 = arith.constant 0 : i32
      %dma_wait3A_119 = tpu.memref_slice %arg17[%add3A_89, %dma_wait3A_118] : memref<10240x128xf32, #tpu.memory_space<vmem_shared>> -> memref<80x128xf32, #tpu.memory_space<vmem_shared>>
      tpu.wait_dma2 semaphore(%run_scoped3A : memref<!tpu.dma_semaphore, #tpu.memory_space<semaphore_mem>>) src(%dma_wait3A_119 : memref<80x128xf32, #tpu.memory_space<vmem_shared>>) dst(%arg11 : memref<80x128xf32, #tpu.memory_space<vmem>>)
      tpu.yield
    }) : () -> ()
    %add3A_90 = arith.constant 160 : i32
    %add3A_91 = arith.addi %mul3A_2, %add3A_90 : i32
    "tpu.region"() ({
      %run_scoped3A = tpu.sem_alloc : memref<!tpu.dma_semaphore, #tpu.memory_space<semaphore_mem>>
      %dma_start3A_112 = arith.constant 0 : i32
      %dma_start3A_113 = tpu.memref_slice %arg6[%arg0, %add3A_91, %dma_start3A_112] : memref<2x10240x128xf32, #tpu.memory_space<hbm>> -> memref<1x80x128xf32, #tpu.memory_space<hbm>>
      %dma_start3A_114 = tpu.memref_squeeze %dma_start3A_113 : memref<1x80x128xf32, #tpu.memory_space<hbm>> -> memref<80x128xf32, #tpu.memory_space<hbm>>
      %dma_start3A_115 = arith.constant 0 : i32
      %dma_start3A_116 = tpu.memref_slice %arg6[%arg0, %add3A_91, %dma_start3A_115] : memref<2x10240x128xf32, #tpu.memory_space<hbm>> -> memref<1x80x128xf32, #tpu.memory_space<hbm>>
      %dma_start3A_117 = tpu.memref_squeeze %dma_start3A_116 : memref<1x80x128xf32, #tpu.memory_space<hbm>> -> memref<80x128xf32, #tpu.memory_space<hbm>>
      tpu.enqueue_dma source(%arg11 : memref<80x128xf32, #tpu.memory_space<vmem>>) target(%dma_start3A_117 : memref<80x128xf32, #tpu.memory_space<hbm>>) target_semaphore(%run_scoped3A : memref<!tpu.dma_semaphore, #tpu.memory_space<semaphore_mem>>)
      %dma_wait3A_118 = arith.constant 0 : i32
      %dma_wait3A_119 = tpu.memref_slice %arg6[%arg0, %add3A_91, %dma_wait3A_118] : memref<2x10240x128xf32, #tpu.memory_space<hbm>> -> memref<1x80x128xf32, #tpu.memory_space<hbm>>
      %dma_wait3A_120 = tpu.memref_squeeze %dma_wait3A_119 : memref<1x80x128xf32, #tpu.memory_space<hbm>> -> memref<80x128xf32, #tpu.memory_space<hbm>>
      %dma_wait3A_121 = arith.constant 0 : i32
      %dma_wait3A_122 = tpu.memref_slice %arg6[%arg0, %add3A_91, %dma_wait3A_121] : memref<2x10240x128xf32, #tpu.memory_space<hbm>> -> memref<1x80x128xf32, #tpu.memory_space<hbm>>
      %dma_wait3A_123 = tpu.memref_squeeze %dma_wait3A_122 : memref<1x80x128xf32, #tpu.memory_space<hbm>> -> memref<80x128xf32, #tpu.memory_space<hbm>>
      tpu.wait_dma2 semaphore(%run_scoped3A : memref<!tpu.dma_semaphore, #tpu.memory_space<semaphore_mem>>) src(%arg11 : memref<80x128xf32, #tpu.memory_space<vmem>>) dst(%dma_wait3A_123 : memref<80x128xf32, #tpu.memory_space<hbm>>)
      tpu.yield
    }) : () -> ()
    %add3A_92 = arith.constant 240 : i32
    %add3A_93 = arith.addi %mul3A_2, %add3A_92 : i32
    "tpu.region"() ({
      %run_scoped3A = tpu.sem_alloc : memref<!tpu.dma_semaphore, #tpu.memory_space<semaphore_mem>>
      %dma_start3A_112 = arith.constant 0 : i32
      %dma_start3A_113 = tpu.memref_slice %arg17[%add3A_93, %dma_start3A_112] : memref<10240x128xf32, #tpu.memory_space<vmem_shared>> -> memref<80x128xf32, #tpu.memory_space<vmem_shared>>
      %dma_start3A_114 = arith.constant 0 : i32
      %dma_start3A_115 = tpu.memref_slice %arg17[%add3A_93, %dma_start3A_114] : memref<10240x128xf32, #tpu.memory_space<vmem_shared>> -> memref<80x128xf32, #tpu.memory_space<vmem_shared>>
      tpu.enqueue_dma source(%dma_start3A_115 : memref<80x128xf32, #tpu.memory_space<vmem_shared>>) target(%arg11 : memref<80x128xf32, #tpu.memory_space<vmem>>) target_semaphore(%run_scoped3A : memref<!tpu.dma_semaphore, #tpu.memory_space<semaphore_mem>>)
      %dma_wait3A_116 = arith.constant 0 : i32
      %dma_wait3A_117 = tpu.memref_slice %arg17[%add3A_93, %dma_wait3A_116] : memref<10240x128xf32, #tpu.memory_space<vmem_shared>> -> memref<80x128xf32, #tpu.memory_space<vmem_shared>>
      %dma_wait3A_118 = arith.constant 0 : i32
      %dma_wait3A_119 = tpu.memref_slice %arg17[%add3A_93, %dma_wait3A_118] : memref<10240x128xf32, #tpu.memory_space<vmem_shared>> -> memref<80x128xf32, #tpu.memory_space<vmem_shared>>
      tpu.wait_dma2 semaphore(%run_scoped3A : memref<!tpu.dma_semaphore, #tpu.memory_space<semaphore_mem>>) src(%dma_wait3A_119 : memref<80x128xf32, #tpu.memory_space<vmem_shared>>) dst(%arg11 : memref<80x128xf32, #tpu.memory_space<vmem>>)
      tpu.yield
    }) : () -> ()
    %add3A_94 = arith.constant 240 : i32
    %add3A_95 = arith.addi %mul3A_2, %add3A_94 : i32
    "tpu.region"() ({
      %run_scoped3A = tpu.sem_alloc : memref<!tpu.dma_semaphore, #tpu.memory_space<semaphore_mem>>
      %dma_start3A_112 = arith.constant 0 : i32
      %dma_start3A_113 = tpu.memref_slice %arg6[%arg0, %add3A_95, %dma_start3A_112] : memref<2x10240x128xf32, #tpu.memory_space<hbm>> -> memref<1x80x128xf32, #tpu.memory_space<hbm>>
      %dma_start3A_114 = tpu.memref_squeeze %dma_start3A_113 : memref<1x80x128xf32, #tpu.memory_space<hbm>> -> memref<80x128xf32, #tpu.memory_space<hbm>>
      %dma_start3A_115 = arith.constant 0 : i32
      %dma_start3A_116 = tpu.memref_slice %arg6[%arg0, %add3A_95, %dma_start3A_115] : memref<2x10240x128xf32, #tpu.memory_space<hbm>> -> memref<1x80x128xf32, #tpu.memory_space<hbm>>
      %dma_start3A_117 = tpu.memref_squeeze %dma_start3A_116 : memref<1x80x128xf32, #tpu.memory_space<hbm>> -> memref<80x128xf32, #tpu.memory_space<hbm>>
      tpu.enqueue_dma source(%arg11 : memref<80x128xf32, #tpu.memory_space<vmem>>) target(%dma_start3A_117 : memref<80x128xf32, #tpu.memory_space<hbm>>) target_semaphore(%run_scoped3A : memref<!tpu.dma_semaphore, #tpu.memory_space<semaphore_mem>>)
      %dma_wait3A_118 = arith.constant 0 : i32
      %dma_wait3A_119 = tpu.memref_slice %arg6[%arg0, %add3A_95, %dma_wait3A_118] : memref<2x10240x128xf32, #tpu.memory_space<hbm>> -> memref<1x80x128xf32, #tpu.memory_space<hbm>>
      %dma_wait3A_120 = tpu.memref_squeeze %dma_wait3A_119 : memref<1x80x128xf32, #tpu.memory_space<hbm>> -> memref<80x128xf32, #tpu.memory_space<hbm>>
      %dma_wait3A_121 = arith.constant 0 : i32
      %dma_wait3A_122 = tpu.memref_slice %arg6[%arg0, %add3A_95, %dma_wait3A_121] : memref<2x10240x128xf32, #tpu.memory_space<hbm>> -> memref<1x80x128xf32, #tpu.memory_space<hbm>>
      %dma_wait3A_123 = tpu.memref_squeeze %dma_wait3A_122 : memref<1x80x128xf32, #tpu.memory_space<hbm>> -> memref<80x128xf32, #tpu.memory_space<hbm>>
      tpu.wait_dma2 semaphore(%run_scoped3A : memref<!tpu.dma_semaphore, #tpu.memory_space<semaphore_mem>>) src(%arg11 : memref<80x128xf32, #tpu.memory_space<vmem>>) dst(%dma_wait3A_123 : memref<80x128xf32, #tpu.memory_space<hbm>>)
      tpu.yield
    }) : () -> ()
    %add3A_96 = arith.constant 320 : i32
    %add3A_97 = arith.addi %mul3A_2, %add3A_96 : i32
    "tpu.region"() ({
      %run_scoped3A = tpu.sem_alloc : memref<!tpu.dma_semaphore, #tpu.memory_space<semaphore_mem>>
      %dma_start3A_112 = arith.constant 0 : i32
      %dma_start3A_113 = tpu.memref_slice %arg17[%add3A_97, %dma_start3A_112] : memref<10240x128xf32, #tpu.memory_space<vmem_shared>> -> memref<80x128xf32, #tpu.memory_space<vmem_shared>>
      %dma_start3A_114 = arith.constant 0 : i32
      %dma_start3A_115 = tpu.memref_slice %arg17[%add3A_97, %dma_start3A_114] : memref<10240x128xf32, #tpu.memory_space<vmem_shared>> -> memref<80x128xf32, #tpu.memory_space<vmem_shared>>
      tpu.enqueue_dma source(%dma_start3A_115 : memref<80x128xf32, #tpu.memory_space<vmem_shared>>) target(%arg11 : memref<80x128xf32, #tpu.memory_space<vmem>>) target_semaphore(%run_scoped3A : memref<!tpu.dma_semaphore, #tpu.memory_space<semaphore_mem>>)
      %dma_wait3A_116 = arith.constant 0 : i32
      %dma_wait3A_117 = tpu.memref_slice %arg17[%add3A_97, %dma_wait3A_116] : memref<10240x128xf32, #tpu.memory_space<vmem_shared>> -> memref<80x128xf32, #tpu.memory_space<vmem_shared>>
      %dma_wait3A_118 = arith.constant 0 : i32
      %dma_wait3A_119 = tpu.memref_slice %arg17[%add3A_97, %dma_wait3A_118] : memref<10240x128xf32, #tpu.memory_space<vmem_shared>> -> memref<80x128xf32, #tpu.memory_space<vmem_shared>>
      tpu.wait_dma2 semaphore(%run_scoped3A : memref<!tpu.dma_semaphore, #tpu.memory_space<semaphore_mem>>) src(%dma_wait3A_119 : memref<80x128xf32, #tpu.memory_space<vmem_shared>>) dst(%arg11 : memref<80x128xf32, #tpu.memory_space<vmem>>)
      tpu.yield
    }) : () -> ()
    %add3A_98 = arith.constant 320 : i32
    %add3A_99 = arith.addi %mul3A_2, %add3A_98 : i32
    "tpu.region"() ({
      %run_scoped3A = tpu.sem_alloc : memref<!tpu.dma_semaphore, #tpu.memory_space<semaphore_mem>>
      %dma_start3A_112 = arith.constant 0 : i32
      %dma_start3A_113 = tpu.memref_slice %arg6[%arg0, %add3A_99, %dma_start3A_112] : memref<2x10240x128xf32, #tpu.memory_space<hbm>> -> memref<1x80x128xf32, #tpu.memory_space<hbm>>
      %dma_start3A_114 = tpu.memref_squeeze %dma_start3A_113 : memref<1x80x128xf32, #tpu.memory_space<hbm>> -> memref<80x128xf32, #tpu.memory_space<hbm>>
      %dma_start3A_115 = arith.constant 0 : i32
      %dma_start3A_116 = tpu.memref_slice %arg6[%arg0, %add3A_99, %dma_start3A_115] : memref<2x10240x128xf32, #tpu.memory_space<hbm>> -> memref<1x80x128xf32, #tpu.memory_space<hbm>>
      %dma_start3A_117 = tpu.memref_squeeze %dma_start3A_116 : memref<1x80x128xf32, #tpu.memory_space<hbm>> -> memref<80x128xf32, #tpu.memory_space<hbm>>
      tpu.enqueue_dma source(%arg11 : memref<80x128xf32, #tpu.memory_space<vmem>>) target(%dma_start3A_117 : memref<80x128xf32, #tpu.memory_space<hbm>>) target_semaphore(%run_scoped3A : memref<!tpu.dma_semaphore, #tpu.memory_space<semaphore_mem>>)
      %dma_wait3A_118 = arith.constant 0 : i32
      %dma_wait3A_119 = tpu.memref_slice %arg6[%arg0, %add3A_99, %dma_wait3A_118] : memref<2x10240x128xf32, #tpu.memory_space<hbm>> -> memref<1x80x128xf32, #tpu.memory_space<hbm>>
      %dma_wait3A_120 = tpu.memref_squeeze %dma_wait3A_119 : memref<1x80x128xf32, #tpu.memory_space<hbm>> -> memref<80x128xf32, #tpu.memory_space<hbm>>
      %dma_wait3A_121 = arith.constant 0 : i32
      %dma_wait3A_122 = tpu.memref_slice %arg6[%arg0, %add3A_99, %dma_wait3A_121] : memref<2x10240x128xf32, #tpu.memory_space<hbm>> -> memref<1x80x128xf32, #tpu.memory_space<hbm>>
      %dma_wait3A_123 = tpu.memref_squeeze %dma_wait3A_122 : memref<1x80x128xf32, #tpu.memory_space<hbm>> -> memref<80x128xf32, #tpu.memory_space<hbm>>
      tpu.wait_dma2 semaphore(%run_scoped3A : memref<!tpu.dma_semaphore, #tpu.memory_space<semaphore_mem>>) src(%arg11 : memref<80x128xf32, #tpu.memory_space<vmem>>) dst(%dma_wait3A_123 : memref<80x128xf32, #tpu.memory_space<hbm>>)
      tpu.yield
    }) : () -> ()
    %add3A_100 = arith.constant 400 : i32
    %add3A_101 = arith.addi %mul3A_2, %add3A_100 : i32
    "tpu.region"() ({
      %run_scoped3A = tpu.sem_alloc : memref<!tpu.dma_semaphore, #tpu.memory_space<semaphore_mem>>
      %dma_start3A_112 = arith.constant 0 : i32
      %dma_start3A_113 = tpu.memref_slice %arg17[%add3A_101, %dma_start3A_112] : memref<10240x128xf32, #tpu.memory_space<vmem_shared>> -> memref<80x128xf32, #tpu.memory_space<vmem_shared>>
      %dma_start3A_114 = arith.constant 0 : i32
      %dma_start3A_115 = tpu.memref_slice %arg17[%add3A_101, %dma_start3A_114] : memref<10240x128xf32, #tpu.memory_space<vmem_shared>> -> memref<80x128xf32, #tpu.memory_space<vmem_shared>>
      tpu.enqueue_dma source(%dma_start3A_115 : memref<80x128xf32, #tpu.memory_space<vmem_shared>>) target(%arg11 : memref<80x128xf32, #tpu.memory_space<vmem>>) target_semaphore(%run_scoped3A : memref<!tpu.dma_semaphore, #tpu.memory_space<semaphore_mem>>)
      %dma_wait3A_116 = arith.constant 0 : i32
      %dma_wait3A_117 = tpu.memref_slice %arg17[%add3A_101, %dma_wait3A_116] : memref<10240x128xf32, #tpu.memory_space<vmem_shared>> -> memref<80x128xf32, #tpu.memory_space<vmem_shared>>
      %dma_wait3A_118 = arith.constant 0 : i32
      %dma_wait3A_119 = tpu.memref_slice %arg17[%add3A_101, %dma_wait3A_118] : memref<10240x128xf32, #tpu.memory_space<vmem_shared>> -> memref<80x128xf32, #tpu.memory_space<vmem_shared>>
      tpu.wait_dma2 semaphore(%run_scoped3A : memref<!tpu.dma_semaphore, #tpu.memory_space<semaphore_mem>>) src(%dma_wait3A_119 : memref<80x128xf32, #tpu.memory_space<vmem_shared>>) dst(%arg11 : memref<80x128xf32, #tpu.memory_space<vmem>>)
      tpu.yield
    }) : () -> ()
    %add3A_102 = arith.constant 400 : i32
    %add3A_103 = arith.addi %mul3A_2, %add3A_102 : i32
    "tpu.region"() ({
      %run_scoped3A = tpu.sem_alloc : memref<!tpu.dma_semaphore, #tpu.memory_space<semaphore_mem>>
      %dma_start3A_112 = arith.constant 0 : i32
      %dma_start3A_113 = tpu.memref_slice %arg6[%arg0, %add3A_103, %dma_start3A_112] : memref<2x10240x128xf32, #tpu.memory_space<hbm>> -> memref<1x80x128xf32, #tpu.memory_space<hbm>>
      %dma_start3A_114 = tpu.memref_squeeze %dma_start3A_113 : memref<1x80x128xf32, #tpu.memory_space<hbm>> -> memref<80x128xf32, #tpu.memory_space<hbm>>
      %dma_start3A_115 = arith.constant 0 : i32
      %dma_start3A_116 = tpu.memref_slice %arg6[%arg0, %add3A_103, %dma_start3A_115] : memref<2x10240x128xf32, #tpu.memory_space<hbm>> -> memref<1x80x128xf32, #tpu.memory_space<hbm>>
      %dma_start3A_117 = tpu.memref_squeeze %dma_start3A_116 : memref<1x80x128xf32, #tpu.memory_space<hbm>> -> memref<80x128xf32, #tpu.memory_space<hbm>>
      tpu.enqueue_dma source(%arg11 : memref<80x128xf32, #tpu.memory_space<vmem>>) target(%dma_start3A_117 : memref<80x128xf32, #tpu.memory_space<hbm>>) target_semaphore(%run_scoped3A : memref<!tpu.dma_semaphore, #tpu.memory_space<semaphore_mem>>)
      %dma_wait3A_118 = arith.constant 0 : i32
      %dma_wait3A_119 = tpu.memref_slice %arg6[%arg0, %add3A_103, %dma_wait3A_118] : memref<2x10240x128xf32, #tpu.memory_space<hbm>> -> memref<1x80x128xf32, #tpu.memory_space<hbm>>
      %dma_wait3A_120 = tpu.memref_squeeze %dma_wait3A_119 : memref<1x80x128xf32, #tpu.memory_space<hbm>> -> memref<80x128xf32, #tpu.memory_space<hbm>>
      %dma_wait3A_121 = arith.constant 0 : i32
      %dma_wait3A_122 = tpu.memref_slice %arg6[%arg0, %add3A_103, %dma_wait3A_121] : memref<2x10240x128xf32, #tpu.memory_space<hbm>> -> memref<1x80x128xf32, #tpu.memory_space<hbm>>
      %dma_wait3A_123 = tpu.memref_squeeze %dma_wait3A_122 : memref<1x80x128xf32, #tpu.memory_space<hbm>> -> memref<80x128xf32, #tpu.memory_space<hbm>>
      tpu.wait_dma2 semaphore(%run_scoped3A : memref<!tpu.dma_semaphore, #tpu.memory_space<semaphore_mem>>) src(%arg11 : memref<80x128xf32, #tpu.memory_space<vmem>>) dst(%dma_wait3A_123 : memref<80x128xf32, #tpu.memory_space<hbm>>)
      tpu.yield
    }) : () -> ()
    %add3A_104 = arith.constant 480 : i32
    %add3A_105 = arith.addi %mul3A_2, %add3A_104 : i32
    "tpu.region"() ({
      %run_scoped3A = tpu.sem_alloc : memref<!tpu.dma_semaphore, #tpu.memory_space<semaphore_mem>>
      %dma_start3A_112 = arith.constant 0 : i32
      %dma_start3A_113 = tpu.memref_slice %arg17[%add3A_105, %dma_start3A_112] : memref<10240x128xf32, #tpu.memory_space<vmem_shared>> -> memref<80x128xf32, #tpu.memory_space<vmem_shared>>
      %dma_start3A_114 = arith.constant 0 : i32
      %dma_start3A_115 = tpu.memref_slice %arg17[%add3A_105, %dma_start3A_114] : memref<10240x128xf32, #tpu.memory_space<vmem_shared>> -> memref<80x128xf32, #tpu.memory_space<vmem_shared>>
      tpu.enqueue_dma source(%dma_start3A_115 : memref<80x128xf32, #tpu.memory_space<vmem_shared>>) target(%arg11 : memref<80x128xf32, #tpu.memory_space<vmem>>) target_semaphore(%run_scoped3A : memref<!tpu.dma_semaphore, #tpu.memory_space<semaphore_mem>>)
      %dma_wait3A_116 = arith.constant 0 : i32
      %dma_wait3A_117 = tpu.memref_slice %arg17[%add3A_105, %dma_wait3A_116] : memref<10240x128xf32, #tpu.memory_space<vmem_shared>> -> memref<80x128xf32, #tpu.memory_space<vmem_shared>>
      %dma_wait3A_118 = arith.constant 0 : i32
      %dma_wait3A_119 = tpu.memref_slice %arg17[%add3A_105, %dma_wait3A_118] : memref<10240x128xf32, #tpu.memory_space<vmem_shared>> -> memref<80x128xf32, #tpu.memory_space<vmem_shared>>
      tpu.wait_dma2 semaphore(%run_scoped3A : memref<!tpu.dma_semaphore, #tpu.memory_space<semaphore_mem>>) src(%dma_wait3A_119 : memref<80x128xf32, #tpu.memory_space<vmem_shared>>) dst(%arg11 : memref<80x128xf32, #tpu.memory_space<vmem>>)
      tpu.yield
    }) : () -> ()
    %add3A_106 = arith.constant 480 : i32
    %add3A_107 = arith.addi %mul3A_2, %add3A_106 : i32
    "tpu.region"() ({
      %run_scoped3A = tpu.sem_alloc : memref<!tpu.dma_semaphore, #tpu.memory_space<semaphore_mem>>
      %dma_start3A_112 = arith.constant 0 : i32
      %dma_start3A_113 = tpu.memref_slice %arg6[%arg0, %add3A_107, %dma_start3A_112] : memref<2x10240x128xf32, #tpu.memory_space<hbm>> -> memref<1x80x128xf32, #tpu.memory_space<hbm>>
      %dma_start3A_114 = tpu.memref_squeeze %dma_start3A_113 : memref<1x80x128xf32, #tpu.memory_space<hbm>> -> memref<80x128xf32, #tpu.memory_space<hbm>>
      %dma_start3A_115 = arith.constant 0 : i32
      %dma_start3A_116 = tpu.memref_slice %arg6[%arg0, %add3A_107, %dma_start3A_115] : memref<2x10240x128xf32, #tpu.memory_space<hbm>> -> memref<1x80x128xf32, #tpu.memory_space<hbm>>
      %dma_start3A_117 = tpu.memref_squeeze %dma_start3A_116 : memref<1x80x128xf32, #tpu.memory_space<hbm>> -> memref<80x128xf32, #tpu.memory_space<hbm>>
      tpu.enqueue_dma source(%arg11 : memref<80x128xf32, #tpu.memory_space<vmem>>) target(%dma_start3A_117 : memref<80x128xf32, #tpu.memory_space<hbm>>) target_semaphore(%run_scoped3A : memref<!tpu.dma_semaphore, #tpu.memory_space<semaphore_mem>>)
      %dma_wait3A_118 = arith.constant 0 : i32
      %dma_wait3A_119 = tpu.memref_slice %arg6[%arg0, %add3A_107, %dma_wait3A_118] : memref<2x10240x128xf32, #tpu.memory_space<hbm>> -> memref<1x80x128xf32, #tpu.memory_space<hbm>>
      %dma_wait3A_120 = tpu.memref_squeeze %dma_wait3A_119 : memref<1x80x128xf32, #tpu.memory_space<hbm>> -> memref<80x128xf32, #tpu.memory_space<hbm>>
      %dma_wait3A_121 = arith.constant 0 : i32
      %dma_wait3A_122 = tpu.memref_slice %arg6[%arg0, %add3A_107, %dma_wait3A_121] : memref<2x10240x128xf32, #tpu.memory_space<hbm>> -> memref<1x80x128xf32, #tpu.memory_space<hbm>>
      %dma_wait3A_123 = tpu.memref_squeeze %dma_wait3A_122 : memref<1x80x128xf32, #tpu.memory_space<hbm>> -> memref<80x128xf32, #tpu.memory_space<hbm>>
      tpu.wait_dma2 semaphore(%run_scoped3A : memref<!tpu.dma_semaphore, #tpu.memory_space<semaphore_mem>>) src(%arg11 : memref<80x128xf32, #tpu.memory_space<vmem>>) dst(%dma_wait3A_123 : memref<80x128xf32, #tpu.memory_space<hbm>>)
      tpu.yield
    }) : () -> ()
    %add3A_108 = arith.constant 560 : i32
    %add3A_109 = arith.addi %mul3A_2, %add3A_108 : i32
    "tpu.region"() ({
      %run_scoped3A = tpu.sem_alloc : memref<!tpu.dma_semaphore, #tpu.memory_space<semaphore_mem>>
      %dma_start3A_112 = arith.constant 0 : i32
      %dma_start3A_113 = tpu.memref_slice %arg17[%add3A_109, %dma_start3A_112] : memref<10240x128xf32, #tpu.memory_space<vmem_shared>> -> memref<80x128xf32, #tpu.memory_space<vmem_shared>>
      %dma_start3A_114 = arith.constant 0 : i32
      %dma_start3A_115 = tpu.memref_slice %arg17[%add3A_109, %dma_start3A_114] : memref<10240x128xf32, #tpu.memory_space<vmem_shared>> -> memref<80x128xf32, #tpu.memory_space<vmem_shared>>
      tpu.enqueue_dma source(%dma_start3A_115 : memref<80x128xf32, #tpu.memory_space<vmem_shared>>) target(%arg11 : memref<80x128xf32, #tpu.memory_space<vmem>>) target_semaphore(%run_scoped3A : memref<!tpu.dma_semaphore, #tpu.memory_space<semaphore_mem>>)
      %dma_wait3A_116 = arith.constant 0 : i32
      %dma_wait3A_117 = tpu.memref_slice %arg17[%add3A_109, %dma_wait3A_116] : memref<10240x128xf32, #tpu.memory_space<vmem_shared>> -> memref<80x128xf32, #tpu.memory_space<vmem_shared>>
      %dma_wait3A_118 = arith.constant 0 : i32
      %dma_wait3A_119 = tpu.memref_slice %arg17[%add3A_109, %dma_wait3A_118] : memref<10240x128xf32, #tpu.memory_space<vmem_shared>> -> memref<80x128xf32, #tpu.memory_space<vmem_shared>>
      tpu.wait_dma2 semaphore(%run_scoped3A : memref<!tpu.dma_semaphore, #tpu.memory_space<semaphore_mem>>) src(%dma_wait3A_119 : memref<80x128xf32, #tpu.memory_space<vmem_shared>>) dst(%arg11 : memref<80x128xf32, #tpu.memory_space<vmem>>)
      tpu.yield
    }) : () -> ()
    %add3A_110 = arith.constant 560 : i32
    %add3A_111 = arith.addi %mul3A_2, %add3A_110 : i32
    "tpu.region"() ({
      %run_scoped3A = tpu.sem_alloc : memref<!tpu.dma_semaphore, #tpu.memory_space<semaphore_mem>>
      %dma_start3A_112 = arith.constant 0 : i32
      %dma_start3A_113 = tpu.memref_slice %arg6[%arg0, %add3A_111, %dma_start3A_112] : memref<2x10240x128xf32, #tpu.memory_space<hbm>> -> memref<1x80x128xf32, #tpu.memory_space<hbm>>
      %dma_start3A_114 = tpu.memref_squeeze %dma_start3A_113 : memref<1x80x128xf32, #tpu.memory_space<hbm>> -> memref<80x128xf32, #tpu.memory_space<hbm>>
      %dma_start3A_115 = arith.constant 0 : i32
      %dma_start3A_116 = tpu.memref_slice %arg6[%arg0, %add3A_111, %dma_start3A_115] : memref<2x10240x128xf32, #tpu.memory_space<hbm>> -> memref<1x80x128xf32, #tpu.memory_space<hbm>>
      %dma_start3A_117 = tpu.memref_squeeze %dma_start3A_116 : memref<1x80x128xf32, #tpu.memory_space<hbm>> -> memref<80x128xf32, #tpu.memory_space<hbm>>
      tpu.enqueue_dma source(%arg11 : memref<80x128xf32, #tpu.memory_space<vmem>>) target(%dma_start3A_117 : memref<80x128xf32, #tpu.memory_space<hbm>>) target_semaphore(%run_scoped3A : memref<!tpu.dma_semaphore, #tpu.memory_space<semaphore_mem>>)
      %dma_wait3A_118 = arith.constant 0 : i32
      %dma_wait3A_119 = tpu.memref_slice %arg6[%arg0, %add3A_111, %dma_wait3A_118] : memref<2x10240x128xf32, #tpu.memory_space<hbm>> -> memref<1x80x128xf32, #tpu.memory_space<hbm>>
      %dma_wait3A_120 = tpu.memref_squeeze %dma_wait3A_119 : memref<1x80x128xf32, #tpu.memory_space<hbm>> -> memref<80x128xf32, #tpu.memory_space<hbm>>
      %dma_wait3A_121 = arith.constant 0 : i32
      %dma_wait3A_122 = tpu.memref_slice %arg6[%arg0, %add3A_111, %dma_wait3A_121] : memref<2x10240x128xf32, #tpu.memory_space<hbm>> -> memref<1x80x128xf32, #tpu.memory_space<hbm>>
      %dma_wait3A_123 = tpu.memref_squeeze %dma_wait3A_122 : memref<1x80x128xf32, #tpu.memory_space<hbm>> -> memref<80x128xf32, #tpu.memory_space<hbm>>
      tpu.wait_dma2 semaphore(%run_scoped3A : memref<!tpu.dma_semaphore, #tpu.memory_space<semaphore_mem>>) src(%arg11 : memref<80x128xf32, #tpu.memory_space<vmem>>) dst(%dma_wait3A_123 : memref<80x128xf32, #tpu.memory_space<hbm>>)
      tpu.yield
    }) : () -> ()
    return
  }
}

#map = affine_map<(d0, d1) -> (0)>
#map1 = affine_map<(d0, d1) -> (0, 0)>
#map2 = affine_map<(d0, d1) -> (0, 0, 0)>
module attributes {stable_mosaic.version = 14 : i64} {
  func.func @_agg_body(%arg0: i32, %arg1: i32, %arg2: memref<320000xi32, #tpu.memory_space<hbm>>, %arg3: memref<320000xi32, #tpu.memory_space<hbm>>, %arg4: memref<10000x128xf32, #tpu.memory_space<hbm>>, %arg5: memref<80x128xf32, #tpu.memory_space<hbm>>, %arg6: memref<2x10240x128xf32, #tpu.memory_space<hbm>>, %arg7: memref<80xi32, #tpu.memory_space<vmem>>, %arg8: memref<80xi32, #tpu.memory_space<vmem>>, %arg9: memref<80xi32, #tpu.memory_space<vmem>>, %arg10: memref<80xi32, #tpu.memory_space<vmem>>, %arg11: memref<80x128xf32, #tpu.memory_space<vmem>>, %arg12: memref<80x128xf32, #tpu.memory_space<vmem>>, %arg13: memref<!tpu.dma_semaphore, #tpu.memory_space<semaphore_mem>>, %arg14: memref<!tpu.dma_semaphore, #tpu.memory_space<semaphore_mem>>, %arg15: memref<!tpu.dma_semaphore, #tpu.memory_space<semaphore_mem>>, %arg16: memref<!tpu.dma_semaphore, #tpu.memory_space<semaphore_mem>>, %arg17: memref<10240x128xf32, #tpu.memory_space<vmem_shared>>) attributes {dimension_semantics = [#tpu.dimension_semantics<core_parallel>, #tpu.dimension_semantics<subcore_parallel>], iteration_bounds = array<i64: 2, 16>, scalar_prefetch = 0 : i64, scratch_operands = 11 : i64, tpu.core_type = #tpu.core_type<sc_vector_subcore>, window_params = [{transform_indices = #map}, {transform_indices = #map}, {transform_indices = #map1}, {transform_indices = #map1}, {transform_indices = #map2}]} {
    %mul3A = arith.constant 16 : i32
    %mul3A_0 = arith.muli %arg0, %mul3A : i32
    %add3A = arith.addi %mul3A_0, %arg1 : i32
    %mul3A_1 = arith.constant 640 : i32
    %mul3A_2 = arith.muli %arg1, %mul3A_1 : i32
    %mul3A_3 = arith.constant 10000 : i32
    %mul3A_4 = arith.muli %add3A, %mul3A_3 : i32
    "tpu.region"() ({
      %run_scoped3A = tpu.sem_alloc : memref<!tpu.dma_semaphore, #tpu.memory_space<semaphore_mem>>
      tpu.enqueue_dma source(%arg5 : memref<80x128xf32, #tpu.memory_space<hbm>>) target(%arg11 : memref<80x128xf32, #tpu.memory_space<vmem>>) target_semaphore(%run_scoped3A : memref<!tpu.dma_semaphore, #tpu.memory_space<semaphore_mem>>)
      tpu.wait_dma2 semaphore(%run_scoped3A : memref<!tpu.dma_semaphore, #tpu.memory_space<semaphore_mem>>) src(%arg5 : memref<80x128xf32, #tpu.memory_space<hbm>>) dst(%arg11 : memref<80x128xf32, #tpu.memory_space<vmem>>)
      tpu.yield
    }) : () -> ()
    %add3A_5 = arith.constant 0 : i32
    %add3A_6 = arith.addi %mul3A_2, %add3A_5 : i32
    "tpu.region"() ({
      %run_scoped3A = tpu.sem_alloc : memref<!tpu.dma_semaphore, #tpu.memory_space<semaphore_mem>>
      %dma_start3A_112 = arith.constant 0 : i32
      %dma_start3A_113 = tpu.memref_slice %arg17[%add3A_6, %dma_start3A_112] : memref<10240x128xf32, #tpu.memory_space<vmem_shared>> -> memref<80x128xf32, #tpu.memory_space<vmem_shared>>
      %dma_start3A_114 = arith.constant 0 : i32
      %dma_start3A_115 = tpu.memref_slice %arg17[%add3A_6, %dma_start3A_114] : memref<10240x128xf32, #tpu.memory_space<vmem_shared>> -> memref<80x128xf32, #tpu.memory_space<vmem_shared>>
      tpu.enqueue_dma source(%arg11 : memref<80x128xf32, #tpu.memory_space<vmem>>) target(%dma_start3A_115 : memref<80x128xf32, #tpu.memory_space<vmem_shared>>) target_semaphore(%run_scoped3A : memref<!tpu.dma_semaphore, #tpu.memory_space<semaphore_mem>>)
      %dma_wait3A_116 = arith.constant 0 : i32
      %dma_wait3A_117 = tpu.memref_slice %arg17[%add3A_6, %dma_wait3A_116] : memref<10240x128xf32, #tpu.memory_space<vmem_shared>> -> memref<80x128xf32, #tpu.memory_space<vmem_shared>>
      %dma_wait3A_118 = arith.constant 0 : i32
      %dma_wait3A_119 = tpu.memref_slice %arg17[%add3A_6, %dma_wait3A_118] : memref<10240x128xf32, #tpu.memory_space<vmem_shared>> -> memref<80x128xf32, #tpu.memory_space<vmem_shared>>
      tpu.wait_dma2 semaphore(%run_scoped3A : memref<!tpu.dma_semaphore, #tpu.memory_space<semaphore_mem>>) src(%arg11 : memref<80x128xf32, #tpu.memory_space<vmem>>) dst(%dma_wait3A_119 : memref<80x128xf32, #tpu.memory_space<vmem_shared>>)
      tpu.yield
    }) : () -> ()
    %add3A_7 = arith.constant 80 : i32
    %add3A_8 = arith.addi %mul3A_2, %add3A_7 : i32
    "tpu.region"() ({
      %run_scoped3A = tpu.sem_alloc : memref<!tpu.dma_semaphore, #tpu.memory_space<semaphore_mem>>
      %dma_start3A_112 = arith.constant 0 : i32
      %dma_start3A_113 = tpu.memref_slice %arg17[%add3A_8, %dma_start3A_112] : memref<10240x128xf32, #tpu.memory_space<vmem_shared>> -> memref<80x128xf32, #tpu.memory_space<vmem_shared>>
      %dma_start3A_114 = arith.constant 0 : i32
      %dma_start3A_115 = tpu.memref_slice %arg17[%add3A_8, %dma_start3A_114] : memref<10240x128xf32, #tpu.memory_space<vmem_shared>> -> memref<80x128xf32, #tpu.memory_space<vmem_shared>>
      tpu.enqueue_dma source(%arg11 : memref<80x128xf32, #tpu.memory_space<vmem>>) target(%dma_start3A_115 : memref<80x128xf32, #tpu.memory_space<vmem_shared>>) target_semaphore(%run_scoped3A : memref<!tpu.dma_semaphore, #tpu.memory_space<semaphore_mem>>)
      %dma_wait3A_116 = arith.constant 0 : i32
      %dma_wait3A_117 = tpu.memref_slice %arg17[%add3A_8, %dma_wait3A_116] : memref<10240x128xf32, #tpu.memory_space<vmem_shared>> -> memref<80x128xf32, #tpu.memory_space<vmem_shared>>
      %dma_wait3A_118 = arith.constant 0 : i32
      %dma_wait3A_119 = tpu.memref_slice %arg17[%add3A_8, %dma_wait3A_118] : memref<10240x128xf32, #tpu.memory_space<vmem_shared>> -> memref<80x128xf32, #tpu.memory_space<vmem_shared>>
      tpu.wait_dma2 semaphore(%run_scoped3A : memref<!tpu.dma_semaphore, #tpu.memory_space<semaphore_mem>>) src(%arg11 : memref<80x128xf32, #tpu.memory_space<vmem>>) dst(%dma_wait3A_119 : memref<80x128xf32, #tpu.memory_space<vmem_shared>>)
      tpu.yield
    }) : () -> ()
    %add3A_9 = arith.constant 160 : i32
    %add3A_10 = arith.addi %mul3A_2, %add3A_9 : i32
    "tpu.region"() ({
      %run_scoped3A = tpu.sem_alloc : memref<!tpu.dma_semaphore, #tpu.memory_space<semaphore_mem>>
      %dma_start3A_112 = arith.constant 0 : i32
      %dma_start3A_113 = tpu.memref_slice %arg17[%add3A_10, %dma_start3A_112] : memref<10240x128xf32, #tpu.memory_space<vmem_shared>> -> memref<80x128xf32, #tpu.memory_space<vmem_shared>>
      %dma_start3A_114 = arith.constant 0 : i32
      %dma_start3A_115 = tpu.memref_slice %arg17[%add3A_10, %dma_start3A_114] : memref<10240x128xf32, #tpu.memory_space<vmem_shared>> -> memref<80x128xf32, #tpu.memory_space<vmem_shared>>
      tpu.enqueue_dma source(%arg11 : memref<80x128xf32, #tpu.memory_space<vmem>>) target(%dma_start3A_115 : memref<80x128xf32, #tpu.memory_space<vmem_shared>>) target_semaphore(%run_scoped3A : memref<!tpu.dma_semaphore, #tpu.memory_space<semaphore_mem>>)
      %dma_wait3A_116 = arith.constant 0 : i32
      %dma_wait3A_117 = tpu.memref_slice %arg17[%add3A_10, %dma_wait3A_116] : memref<10240x128xf32, #tpu.memory_space<vmem_shared>> -> memref<80x128xf32, #tpu.memory_space<vmem_shared>>
      %dma_wait3A_118 = arith.constant 0 : i32
      %dma_wait3A_119 = tpu.memref_slice %arg17[%add3A_10, %dma_wait3A_118] : memref<10240x128xf32, #tpu.memory_space<vmem_shared>> -> memref<80x128xf32, #tpu.memory_space<vmem_shared>>
      tpu.wait_dma2 semaphore(%run_scoped3A : memref<!tpu.dma_semaphore, #tpu.memory_space<semaphore_mem>>) src(%arg11 : memref<80x128xf32, #tpu.memory_space<vmem>>) dst(%dma_wait3A_119 : memref<80x128xf32, #tpu.memory_space<vmem_shared>>)
      tpu.yield
    }) : () -> ()
    %add3A_11 = arith.constant 240 : i32
    %add3A_12 = arith.addi %mul3A_2, %add3A_11 : i32
    "tpu.region"() ({
      %run_scoped3A = tpu.sem_alloc : memref<!tpu.dma_semaphore, #tpu.memory_space<semaphore_mem>>
      %dma_start3A_112 = arith.constant 0 : i32
      %dma_start3A_113 = tpu.memref_slice %arg17[%add3A_12, %dma_start3A_112] : memref<10240x128xf32, #tpu.memory_space<vmem_shared>> -> memref<80x128xf32, #tpu.memory_space<vmem_shared>>
      %dma_start3A_114 = arith.constant 0 : i32
      %dma_start3A_115 = tpu.memref_slice %arg17[%add3A_12, %dma_start3A_114] : memref<10240x128xf32, #tpu.memory_space<vmem_shared>> -> memref<80x128xf32, #tpu.memory_space<vmem_shared>>
      tpu.enqueue_dma source(%arg11 : memref<80x128xf32, #tpu.memory_space<vmem>>) target(%dma_start3A_115 : memref<80x128xf32, #tpu.memory_space<vmem_shared>>) target_semaphore(%run_scoped3A : memref<!tpu.dma_semaphore, #tpu.memory_space<semaphore_mem>>)
      %dma_wait3A_116 = arith.constant 0 : i32
      %dma_wait3A_117 = tpu.memref_slice %arg17[%add3A_12, %dma_wait3A_116] : memref<10240x128xf32, #tpu.memory_space<vmem_shared>> -> memref<80x128xf32, #tpu.memory_space<vmem_shared>>
      %dma_wait3A_118 = arith.constant 0 : i32
      %dma_wait3A_119 = tpu.memref_slice %arg17[%add3A_12, %dma_wait3A_118] : memref<10240x128xf32, #tpu.memory_space<vmem_shared>> -> memref<80x128xf32, #tpu.memory_space<vmem_shared>>
      tpu.wait_dma2 semaphore(%run_scoped3A : memref<!tpu.dma_semaphore, #tpu.memory_space<semaphore_mem>>) src(%arg11 : memref<80x128xf32, #tpu.memory_space<vmem>>) dst(%dma_wait3A_119 : memref<80x128xf32, #tpu.memory_space<vmem_shared>>)
      tpu.yield
    }) : () -> ()
    %add3A_13 = arith.constant 320 : i32
    %add3A_14 = arith.addi %mul3A_2, %add3A_13 : i32
    "tpu.region"() ({
      %run_scoped3A = tpu.sem_alloc : memref<!tpu.dma_semaphore, #tpu.memory_space<semaphore_mem>>
      %dma_start3A_112 = arith.constant 0 : i32
      %dma_start3A_113 = tpu.memref_slice %arg17[%add3A_14, %dma_start3A_112] : memref<10240x128xf32, #tpu.memory_space<vmem_shared>> -> memref<80x128xf32, #tpu.memory_space<vmem_shared>>
      %dma_start3A_114 = arith.constant 0 : i32
      %dma_start3A_115 = tpu.memref_slice %arg17[%add3A_14, %dma_start3A_114] : memref<10240x128xf32, #tpu.memory_space<vmem_shared>> -> memref<80x128xf32, #tpu.memory_space<vmem_shared>>
      tpu.enqueue_dma source(%arg11 : memref<80x128xf32, #tpu.memory_space<vmem>>) target(%dma_start3A_115 : memref<80x128xf32, #tpu.memory_space<vmem_shared>>) target_semaphore(%run_scoped3A : memref<!tpu.dma_semaphore, #tpu.memory_space<semaphore_mem>>)
      %dma_wait3A_116 = arith.constant 0 : i32
      %dma_wait3A_117 = tpu.memref_slice %arg17[%add3A_14, %dma_wait3A_116] : memref<10240x128xf32, #tpu.memory_space<vmem_shared>> -> memref<80x128xf32, #tpu.memory_space<vmem_shared>>
      %dma_wait3A_118 = arith.constant 0 : i32
      %dma_wait3A_119 = tpu.memref_slice %arg17[%add3A_14, %dma_wait3A_118] : memref<10240x128xf32, #tpu.memory_space<vmem_shared>> -> memref<80x128xf32, #tpu.memory_space<vmem_shared>>
      tpu.wait_dma2 semaphore(%run_scoped3A : memref<!tpu.dma_semaphore, #tpu.memory_space<semaphore_mem>>) src(%arg11 : memref<80x128xf32, #tpu.memory_space<vmem>>) dst(%dma_wait3A_119 : memref<80x128xf32, #tpu.memory_space<vmem_shared>>)
      tpu.yield
    }) : () -> ()
    %add3A_15 = arith.constant 400 : i32
    %add3A_16 = arith.addi %mul3A_2, %add3A_15 : i32
    "tpu.region"() ({
      %run_scoped3A = tpu.sem_alloc : memref<!tpu.dma_semaphore, #tpu.memory_space<semaphore_mem>>
      %dma_start3A_112 = arith.constant 0 : i32
      %dma_start3A_113 = tpu.memref_slice %arg17[%add3A_16, %dma_start3A_112] : memref<10240x128xf32, #tpu.memory_space<vmem_shared>> -> memref<80x128xf32, #tpu.memory_space<vmem_shared>>
      %dma_start3A_114 = arith.constant 0 : i32
      %dma_start3A_115 = tpu.memref_slice %arg17[%add3A_16, %dma_start3A_114] : memref<10240x128xf32, #tpu.memory_space<vmem_shared>> -> memref<80x128xf32, #tpu.memory_space<vmem_shared>>
      tpu.enqueue_dma source(%arg11 : memref<80x128xf32, #tpu.memory_space<vmem>>) target(%dma_start3A_115 : memref<80x128xf32, #tpu.memory_space<vmem_shared>>) target_semaphore(%run_scoped3A : memref<!tpu.dma_semaphore, #tpu.memory_space<semaphore_mem>>)
      %dma_wait3A_116 = arith.constant 0 : i32
      %dma_wait3A_117 = tpu.memref_slice %arg17[%add3A_16, %dma_wait3A_116] : memref<10240x128xf32, #tpu.memory_space<vmem_shared>> -> memref<80x128xf32, #tpu.memory_space<vmem_shared>>
      %dma_wait3A_118 = arith.constant 0 : i32
      %dma_wait3A_119 = tpu.memref_slice %arg17[%add3A_16, %dma_wait3A_118] : memref<10240x128xf32, #tpu.memory_space<vmem_shared>> -> memref<80x128xf32, #tpu.memory_space<vmem_shared>>
      tpu.wait_dma2 semaphore(%run_scoped3A : memref<!tpu.dma_semaphore, #tpu.memory_space<semaphore_mem>>) src(%arg11 : memref<80x128xf32, #tpu.memory_space<vmem>>) dst(%dma_wait3A_119 : memref<80x128xf32, #tpu.memory_space<vmem_shared>>)
      tpu.yield
    }) : () -> ()
    %add3A_17 = arith.constant 480 : i32
    %add3A_18 = arith.addi %mul3A_2, %add3A_17 : i32
    "tpu.region"() ({
      %run_scoped3A = tpu.sem_alloc : memref<!tpu.dma_semaphore, #tpu.memory_space<semaphore_mem>>
      %dma_start3A_112 = arith.constant 0 : i32
      %dma_start3A_113 = tpu.memref_slice %arg17[%add3A_18, %dma_start3A_112] : memref<10240x128xf32, #tpu.memory_space<vmem_shared>> -> memref<80x128xf32, #tpu.memory_space<vmem_shared>>
      %dma_start3A_114 = arith.constant 0 : i32
      %dma_start3A_115 = tpu.memref_slice %arg17[%add3A_18, %dma_start3A_114] : memref<10240x128xf32, #tpu.memory_space<vmem_shared>> -> memref<80x128xf32, #tpu.memory_space<vmem_shared>>
      tpu.enqueue_dma source(%arg11 : memref<80x128xf32, #tpu.memory_space<vmem>>) target(%dma_start3A_115 : memref<80x128xf32, #tpu.memory_space<vmem_shared>>) target_semaphore(%run_scoped3A : memref<!tpu.dma_semaphore, #tpu.memory_space<semaphore_mem>>)
      %dma_wait3A_116 = arith.constant 0 : i32
      %dma_wait3A_117 = tpu.memref_slice %arg17[%add3A_18, %dma_wait3A_116] : memref<10240x128xf32, #tpu.memory_space<vmem_shared>> -> memref<80x128xf32, #tpu.memory_space<vmem_shared>>
      %dma_wait3A_118 = arith.constant 0 : i32
      %dma_wait3A_119 = tpu.memref_slice %arg17[%add3A_18, %dma_wait3A_118] : memref<10240x128xf32, #tpu.memory_space<vmem_shared>> -> memref<80x128xf32, #tpu.memory_space<vmem_shared>>
      tpu.wait_dma2 semaphore(%run_scoped3A : memref<!tpu.dma_semaphore, #tpu.memory_space<semaphore_mem>>) src(%arg11 : memref<80x128xf32, #tpu.memory_space<vmem>>) dst(%dma_wait3A_119 : memref<80x128xf32, #tpu.memory_space<vmem_shared>>)
      tpu.yield
    }) : () -> ()
    %add3A_19 = arith.constant 560 : i32
    %add3A_20 = arith.addi %mul3A_2, %add3A_19 : i32
    "tpu.region"() ({
      %run_scoped3A = tpu.sem_alloc : memref<!tpu.dma_semaphore, #tpu.memory_space<semaphore_mem>>
      %dma_start3A_112 = arith.constant 0 : i32
      %dma_start3A_113 = tpu.memref_slice %arg17[%add3A_20, %dma_start3A_112] : memref<10240x128xf32, #tpu.memory_space<vmem_shared>> -> memref<80x128xf32, #tpu.memory_space<vmem_shared>>
      %dma_start3A_114 = arith.constant 0 : i32
      %dma_start3A_115 = tpu.memref_slice %arg17[%add3A_20, %dma_start3A_114] : memref<10240x128xf32, #tpu.memory_space<vmem_shared>> -> memref<80x128xf32, #tpu.memory_space<vmem_shared>>
      tpu.enqueue_dma source(%arg11 : memref<80x128xf32, #tpu.memory_space<vmem>>) target(%dma_start3A_115 : memref<80x128xf32, #tpu.memory_space<vmem_shared>>) target_semaphore(%run_scoped3A : memref<!tpu.dma_semaphore, #tpu.memory_space<semaphore_mem>>)
      %dma_wait3A_116 = arith.constant 0 : i32
      %dma_wait3A_117 = tpu.memref_slice %arg17[%add3A_20, %dma_wait3A_116] : memref<10240x128xf32, #tpu.memory_space<vmem_shared>> -> memref<80x128xf32, #tpu.memory_space<vmem_shared>>
      %dma_wait3A_118 = arith.constant 0 : i32
      %dma_wait3A_119 = tpu.memref_slice %arg17[%add3A_20, %dma_wait3A_118] : memref<10240x128xf32, #tpu.memory_space<vmem_shared>> -> memref<80x128xf32, #tpu.memory_space<vmem_shared>>
      tpu.wait_dma2 semaphore(%run_scoped3A : memref<!tpu.dma_semaphore, #tpu.memory_space<semaphore_mem>>) src(%arg11 : memref<80x128xf32, #tpu.memory_space<vmem>>) dst(%dma_wait3A_119 : memref<80x128xf32, #tpu.memory_space<vmem_shared>>)
      tpu.yield
    }) : () -> ()
    %barrier3A = arith.constant 0 : index
    tpu.barrier barrier_id(%barrier3A)
    %add3A_21 = arith.constant 0 : i32
    %add3A_22 = arith.addi %mul3A_4, %add3A_21 : i32
    %dma_start3A = tpu.memref_slice %arg2[%add3A_22] : memref<320000xi32, #tpu.memory_space<hbm>> -> memref<80xi32, #tpu.memory_space<hbm>>
    %dma_start3A_23 = tpu.memref_slice %arg2[%add3A_22] : memref<320000xi32, #tpu.memory_space<hbm>> -> memref<80xi32, #tpu.memory_space<hbm>>
    tpu.enqueue_dma source(%dma_start3A_23 : memref<80xi32, #tpu.memory_space<hbm>>) target(%arg7 : memref<80xi32, #tpu.memory_space<vmem>>) target_semaphore(%arg13 : memref<!tpu.dma_semaphore, #tpu.memory_space<semaphore_mem>>)
    %dma_start3A_24 = tpu.memref_slice %arg3[%add3A_22] : memref<320000xi32, #tpu.memory_space<hbm>> -> memref<80xi32, #tpu.memory_space<hbm>>
    %dma_start3A_25 = tpu.memref_slice %arg3[%add3A_22] : memref<320000xi32, #tpu.memory_space<hbm>> -> memref<80xi32, #tpu.memory_space<hbm>>
    tpu.enqueue_dma source(%dma_start3A_25 : memref<80xi32, #tpu.memory_space<hbm>>) target(%arg8 : memref<80xi32, #tpu.memory_space<vmem>>) target_semaphore(%arg13 : memref<!tpu.dma_semaphore, #tpu.memory_space<semaphore_mem>>)
    %add3A_26 = arith.constant 80 : i32
    %add3A_27 = arith.addi %mul3A_4, %add3A_26 : i32
    %dma_start3A_28 = tpu.memref_slice %arg2[%add3A_27] : memref<320000xi32, #tpu.memory_space<hbm>> -> memref<80xi32, #tpu.memory_space<hbm>>
    %dma_start3A_29 = tpu.memref_slice %arg2[%add3A_27] : memref<320000xi32, #tpu.memory_space<hbm>> -> memref<80xi32, #tpu.memory_space<hbm>>
    tpu.enqueue_dma source(%dma_start3A_29 : memref<80xi32, #tpu.memory_space<hbm>>) target(%arg9 : memref<80xi32, #tpu.memory_space<vmem>>) target_semaphore(%arg14 : memref<!tpu.dma_semaphore, #tpu.memory_space<semaphore_mem>>)
    %dma_start3A_30 = tpu.memref_slice %arg3[%add3A_27] : memref<320000xi32, #tpu.memory_space<hbm>> -> memref<80xi32, #tpu.memory_space<hbm>>
    %dma_start3A_31 = tpu.memref_slice %arg3[%add3A_27] : memref<320000xi32, #tpu.memory_space<hbm>> -> memref<80xi32, #tpu.memory_space<hbm>>
    tpu.enqueue_dma source(%dma_start3A_31 : memref<80xi32, #tpu.memory_space<hbm>>) target(%arg10 : memref<80xi32, #tpu.memory_space<vmem>>) target_semaphore(%arg14 : memref<!tpu.dma_semaphore, #tpu.memory_space<semaphore_mem>>)
    %scan3A = arith.constant 0 : i32
    %scan3A_32 = arith.constant 0 : i32
    %scan3A_33 = arith.constant 61 : i32
    %scan3A_34 = arith.addi %scan3A_32, %scan3A_33 : i32
    %scan3A_35 = arith.constant 1 : i32
    %scan3A_36 = scf.for %scan3A_112 = %scan3A_32 to %scan3A_34 step %scan3A_35 iter_args(%scan3A_113 = %scan3A) -> (i32)  : i32 {
      %mul3A_114 = arith.constant 2 : i32
      %mul3A_115 = arith.muli %scan3A_112, %mul3A_114 : i32
      %add3A_116 = arith.constant 1 : i32
      %add3A_117 = arith.addi %mul3A_115, %add3A_116 : i32
      %mul3A_118 = arith.constant 80 : i32
      %mul3A_119 = arith.muli %mul3A_115, %mul3A_118 : i32
      %add3A_120 = arith.addi %mul3A_4, %mul3A_119 : i32
      %dma_wait3A_121 = tpu.memref_slice %arg2[%add3A_120] : memref<320000xi32, #tpu.memory_space<hbm>> -> memref<80xi32, #tpu.memory_space<hbm>>
      %dma_wait3A_122 = tpu.memref_slice %arg2[%add3A_120] : memref<320000xi32, #tpu.memory_space<hbm>> -> memref<80xi32, #tpu.memory_space<hbm>>
      tpu.wait_dma2 semaphore(%arg13 : memref<!tpu.dma_semaphore, #tpu.memory_space<semaphore_mem>>) src(%dma_wait3A_122 : memref<80xi32, #tpu.memory_space<hbm>>) dst(%arg7 : memref<80xi32, #tpu.memory_space<vmem>>)
      %dma_wait3A_123 = tpu.memref_slice %arg3[%add3A_120] : memref<320000xi32, #tpu.memory_space<hbm>> -> memref<80xi32, #tpu.memory_space<hbm>>
      %dma_wait3A_124 = tpu.memref_slice %arg3[%add3A_120] : memref<320000xi32, #tpu.memory_space<hbm>> -> memref<80xi32, #tpu.memory_space<hbm>>
      tpu.wait_dma2 semaphore(%arg13 : memref<!tpu.dma_semaphore, #tpu.memory_space<semaphore_mem>>) src(%dma_wait3A_124 : memref<80xi32, #tpu.memory_space<hbm>>) dst(%arg8 : memref<80xi32, #tpu.memory_space<vmem>>)
      %dma_start3A_125 = arith.constant 0 : i32
      %dma_start3A_126 = arith.constant 0 : i32
      %dma_start3A_127 = tpu.memref_slice %arg4[%dma_start3A_125, %dma_start3A_126] : memref<10000x128xf32, #tpu.memory_space<hbm>> -> memref<10000x128xf32, #tpu.memory_space<hbm>>
      tpu.enqueue_indirect_dma source(%dma_start3A_127 : memref<10000x128xf32, #tpu.memory_space<hbm>>) target(%arg11 : memref<80x128xf32, #tpu.memory_space<vmem>>) offsets(%arg7 : memref<80xi32, #tpu.memory_space<vmem>>) semaphore(%arg15 : memref<!tpu.dma_semaphore, #tpu.memory_space<semaphore_mem>>)
      %dma_wait3A_128 = arith.constant 0 : i32
      %dma_wait3A_129 = arith.constant 0 : i32
      %dma_wait3A_130 = tpu.memref_slice %arg4[%dma_wait3A_128, %dma_wait3A_129] : memref<10000x128xf32, #tpu.memory_space<hbm>> -> memref<10000x128xf32, #tpu.memory_space<hbm>>
      tpu.wait_indirect_dma semaphore(%arg15 : memref<!tpu.dma_semaphore, #tpu.memory_space<semaphore_mem>>) src(%dma_wait3A_130 : memref<10000x128xf32, #tpu.memory_space<hbm>>) dst(%arg11 : memref<80x128xf32, #tpu.memory_space<vmem>>)
      "tpu.region"() ({
        %run_scoped3A = tpu.sem_alloc : memref<!tpu.dma_semaphore, #tpu.memory_space<semaphore_mem>>
        %dma_start3A_163 = arith.constant 0 : i32
        %dma_start3A_164 = arith.constant 0 : i32
        %dma_start3A_165 = tpu.memref_slice %arg17[%dma_start3A_163, %dma_start3A_164] : memref<10240x128xf32, #tpu.memory_space<vmem_shared>> -> memref<10240x128xf32, #tpu.memory_space<vmem_shared>>
        tpu.enqueue_indirect_dma source(%arg11 : memref<80x128xf32, #tpu.memory_space<vmem>>) target(%dma_start3A_165 : memref<10240x128xf32, #tpu.memory_space<vmem_shared>>) offsets(%arg8 : memref<80xi32, #tpu.memory_space<vmem>>) semaphore(%run_scoped3A : memref<!tpu.dma_semaphore, #tpu.memory_space<semaphore_mem>>) {add = true}
        %dma_wait3A_166 = arith.constant 0 : i32
        %dma_wait3A_167 = arith.constant 0 : i32
        %dma_wait3A_168 = tpu.memref_slice %arg17[%dma_wait3A_166, %dma_wait3A_167] : memref<10240x128xf32, #tpu.memory_space<vmem_shared>> -> memref<10240x128xf32, #tpu.memory_space<vmem_shared>>
        tpu.wait_indirect_dma semaphore(%run_scoped3A : memref<!tpu.dma_semaphore, #tpu.memory_space<semaphore_mem>>) src(%arg11 : memref<80x128xf32, #tpu.memory_space<vmem>>) dst(%dma_wait3A_168 : memref<10240x128xf32, #tpu.memory_space<vmem_shared>>)
        tpu.yield
      }) : () -> ()
      %add3A_131 = arith.constant 2 : i32
      %add3A_132 = arith.addi %mul3A_115, %add3A_131 : i32
      %mul3A_133 = arith.constant 80 : i32
      %mul3A_134 = arith.muli %add3A_132, %mul3A_133 : i32
      %add3A_135 = arith.addi %mul3A_4, %mul3A_134 : i32
      %dma_start3A_136 = tpu.memref_slice %arg2[%add3A_135] : memref<320000xi32, #tpu.memory_space<hbm>> -> memref<80xi32, #tpu.memory_space<hbm>>
      %dma_start3A_137 = tpu.memref_slice %arg2[%add3A_135] : memref<320000xi32, #tpu.memory_space<hbm>> -> memref<80xi32, #tpu.memory_space<hbm>>
      tpu.enqueue_dma source(%dma_start3A_137 : memref<80xi32, #tpu.memory_space<hbm>>) target(%arg7 : memref<80xi32, #tpu.memory_space<vmem>>) target_semaphore(%arg13 : memref<!tpu.dma_semaphore, #tpu.memory_space<semaphore_mem>>)
      %dma_start3A_138 = tpu.memref_slice %arg3[%add3A_135] : memref<320000xi32, #tpu.memory_space<hbm>> -> memref<80xi32, #tpu.memory_space<hbm>>
      %dma_start3A_139 = tpu.memref_slice %arg3[%add3A_135] : memref<320000xi32, #tpu.memory_space<hbm>> -> memref<80xi32, #tpu.memory_space<hbm>>
      tpu.enqueue_dma source(%dma_start3A_139 : memref<80xi32, #tpu.memory_space<hbm>>) target(%arg8 : memref<80xi32, #tpu.memory_space<vmem>>) target_semaphore(%arg13 : memref<!tpu.dma_semaphore, #tpu.memory_space<semaphore_mem>>)
      %mul3A_140 = arith.constant 80 : i32
      %mul3A_141 = arith.muli %add3A_117, %mul3A_140 : i32
      %add3A_142 = arith.addi %mul3A_4, %mul3A_141 : i32
      %dma_wait3A_143 = tpu.memref_slice %arg2[%add3A_142] : memref<320000xi32, #tpu.memory_space<hbm>> -> memref<80xi32, #tpu.memory_space<hbm>>
      %dma_wait3A_144 = tpu.memref_slice %arg2[%add3A_142] : memref<320000xi32, #tpu.memory_space<hbm>> -> memref<80xi32, #tpu.memory_space<hbm>>
      tpu.wait_dma2 semaphore(%arg14 : memref<!tpu.dma_semaphore, #tpu.memory_space<semaphore_mem>>) src(%dma_wait3A_144 : memref<80xi32, #tpu.memory_space<hbm>>) dst(%arg9 : memref<80xi32, #tpu.memory_space<vmem>>)
      %dma_wait3A_145 = tpu.memref_slice %arg3[%add3A_142] : memref<320000xi32, #tpu.memory_space<hbm>> -> memref<80xi32, #tpu.memory_space<hbm>>
      %dma_wait3A_146 = tpu.memref_slice %arg3[%add3A_142] : memref<320000xi32, #tpu.memory_space<hbm>> -> memref<80xi32, #tpu.memory_space<hbm>>
      tpu.wait_dma2 semaphore(%arg14 : memref<!tpu.dma_semaphore, #tpu.memory_space<semaphore_mem>>) src(%dma_wait3A_146 : memref<80xi32, #tpu.memory_space<hbm>>) dst(%arg10 : memref<80xi32, #tpu.memory_space<vmem>>)
      %dma_start3A_147 = arith.constant 0 : i32
      %dma_start3A_148 = arith.constant 0 : i32
      %dma_start3A_149 = tpu.memref_slice %arg4[%dma_start3A_147, %dma_start3A_148] : memref<10000x128xf32, #tpu.memory_space<hbm>> -> memref<10000x128xf32, #tpu.memory_space<hbm>>
      tpu.enqueue_indirect_dma source(%dma_start3A_149 : memref<10000x128xf32, #tpu.memory_space<hbm>>) target(%arg12 : memref<80x128xf32, #tpu.memory_space<vmem>>) offsets(%arg9 : memref<80xi32, #tpu.memory_space<vmem>>) semaphore(%arg16 : memref<!tpu.dma_semaphore, #tpu.memory_space<semaphore_mem>>)
      %dma_wait3A_150 = arith.constant 0 : i32
      %dma_wait3A_151 = arith.constant 0 : i32
      %dma_wait3A_152 = tpu.memref_slice %arg4[%dma_wait3A_150, %dma_wait3A_151] : memref<10000x128xf32, #tpu.memory_space<hbm>> -> memref<10000x128xf32, #tpu.memory_space<hbm>>
      tpu.wait_indirect_dma semaphore(%arg16 : memref<!tpu.dma_semaphore, #tpu.memory_space<semaphore_mem>>) src(%dma_wait3A_152 : memref<10000x128xf32, #tpu.memory_space<hbm>>) dst(%arg12 : memref<80x128xf32, #tpu.memory_space<vmem>>)
      "tpu.region"() ({
        %run_scoped3A = tpu.sem_alloc : memref<!tpu.dma_semaphore, #tpu.memory_space<semaphore_mem>>
        %dma_start3A_163 = arith.constant 0 : i32
        %dma_start3A_164 = arith.constant 0 : i32
        %dma_start3A_165 = tpu.memref_slice %arg17[%dma_start3A_163, %dma_start3A_164] : memref<10240x128xf32, #tpu.memory_space<vmem_shared>> -> memref<10240x128xf32, #tpu.memory_space<vmem_shared>>
        tpu.enqueue_indirect_dma source(%arg12 : memref<80x128xf32, #tpu.memory_space<vmem>>) target(%dma_start3A_165 : memref<10240x128xf32, #tpu.memory_space<vmem_shared>>) offsets(%arg10 : memref<80xi32, #tpu.memory_space<vmem>>) semaphore(%run_scoped3A : memref<!tpu.dma_semaphore, #tpu.memory_space<semaphore_mem>>) {add = true}
        %dma_wait3A_166 = arith.constant 0 : i32
        %dma_wait3A_167 = arith.constant 0 : i32
        %dma_wait3A_168 = tpu.memref_slice %arg17[%dma_wait3A_166, %dma_wait3A_167] : memref<10240x128xf32, #tpu.memory_space<vmem_shared>> -> memref<10240x128xf32, #tpu.memory_space<vmem_shared>>
        tpu.wait_indirect_dma semaphore(%run_scoped3A : memref<!tpu.dma_semaphore, #tpu.memory_space<semaphore_mem>>) src(%arg12 : memref<80x128xf32, #tpu.memory_space<vmem>>) dst(%dma_wait3A_168 : memref<10240x128xf32, #tpu.memory_space<vmem_shared>>)
        tpu.yield
      }) : () -> ()
      %add3A_153 = arith.constant 2 : i32
      %add3A_154 = arith.addi %add3A_117, %add3A_153 : i32
      %mul3A_155 = arith.constant 80 : i32
      %mul3A_156 = arith.muli %add3A_154, %mul3A_155 : i32
      %add3A_157 = arith.addi %mul3A_4, %mul3A_156 : i32
      %dma_start3A_158 = tpu.memref_slice %arg2[%add3A_157] : memref<320000xi32, #tpu.memory_space<hbm>> -> memref<80xi32, #tpu.memory_space<hbm>>
      %dma_start3A_159 = tpu.memref_slice %arg2[%add3A_157] : memref<320000xi32, #tpu.memory_space<hbm>> -> memref<80xi32, #tpu.memory_space<hbm>>
      tpu.enqueue_dma source(%dma_start3A_159 : memref<80xi32, #tpu.memory_space<hbm>>) target(%arg9 : memref<80xi32, #tpu.memory_space<vmem>>) target_semaphore(%arg14 : memref<!tpu.dma_semaphore, #tpu.memory_space<semaphore_mem>>)
      %dma_start3A_160 = tpu.memref_slice %arg3[%add3A_157] : memref<320000xi32, #tpu.memory_space<hbm>> -> memref<80xi32, #tpu.memory_space<hbm>>
      %dma_start3A_161 = tpu.memref_slice %arg3[%add3A_157] : memref<320000xi32, #tpu.memory_space<hbm>> -> memref<80xi32, #tpu.memory_space<hbm>>
      tpu.enqueue_dma source(%dma_start3A_161 : memref<80xi32, #tpu.memory_space<hbm>>) target(%arg10 : memref<80xi32, #tpu.memory_space<vmem>>) target_semaphore(%arg14 : memref<!tpu.dma_semaphore, #tpu.memory_space<semaphore_mem>>)
      %scan3A_162 = arith.constant 0 : i32
      scf.yield %scan3A_162 : i32
    }
    %scan3A_37 = arith.constant 61 : i32
    %add3A_38 = arith.constant 9760 : i32
    %add3A_39 = arith.addi %mul3A_4, %add3A_38 : i32
    %dma_wait3A = tpu.memref_slice %arg2[%add3A_39] : memref<320000xi32, #tpu.memory_space<hbm>> -> memref<80xi32, #tpu.memory_space<hbm>>
    %dma_wait3A_40 = tpu.memref_slice %arg2[%add3A_39] : memref<320000xi32, #tpu.memory_space<hbm>> -> memref<80xi32, #tpu.memory_space<hbm>>
    tpu.wait_dma2 semaphore(%arg13 : memref<!tpu.dma_semaphore, #tpu.memory_space<semaphore_mem>>) src(%dma_wait3A_40 : memref<80xi32, #tpu.memory_space<hbm>>) dst(%arg7 : memref<80xi32, #tpu.memory_space<vmem>>)
    %dma_wait3A_41 = tpu.memref_slice %arg3[%add3A_39] : memref<320000xi32, #tpu.memory_space<hbm>> -> memref<80xi32, #tpu.memory_space<hbm>>
    %dma_wait3A_42 = tpu.memref_slice %arg3[%add3A_39] : memref<320000xi32, #tpu.memory_space<hbm>> -> memref<80xi32, #tpu.memory_space<hbm>>
    tpu.wait_dma2 semaphore(%arg13 : memref<!tpu.dma_semaphore, #tpu.memory_space<semaphore_mem>>) src(%dma_wait3A_42 : memref<80xi32, #tpu.memory_space<hbm>>) dst(%arg8 : memref<80xi32, #tpu.memory_space<vmem>>)
    %dma_start3A_43 = arith.constant 0 : i32
    %dma_start3A_44 = arith.constant 0 : i32
    %dma_start3A_45 = tpu.memref_slice %arg4[%dma_start3A_43, %dma_start3A_44] : memref<10000x128xf32, #tpu.memory_space<hbm>> -> memref<10000x128xf32, #tpu.memory_space<hbm>>
    tpu.enqueue_indirect_dma source(%dma_start3A_45 : memref<10000x128xf32, #tpu.memory_space<hbm>>) target(%arg11 : memref<80x128xf32, #tpu.memory_space<vmem>>) offsets(%arg7 : memref<80xi32, #tpu.memory_space<vmem>>) semaphore(%arg15 : memref<!tpu.dma_semaphore, #tpu.memory_space<semaphore_mem>>)
    %dma_wait3A_46 = arith.constant 0 : i32
    %dma_wait3A_47 = arith.constant 0 : i32
    %dma_wait3A_48 = tpu.memref_slice %arg4[%dma_wait3A_46, %dma_wait3A_47] : memref<10000x128xf32, #tpu.memory_space<hbm>> -> memref<10000x128xf32, #tpu.memory_space<hbm>>
    tpu.wait_indirect_dma semaphore(%arg15 : memref<!tpu.dma_semaphore, #tpu.memory_space<semaphore_mem>>) src(%dma_wait3A_48 : memref<10000x128xf32, #tpu.memory_space<hbm>>) dst(%arg11 : memref<80x128xf32, #tpu.memory_space<vmem>>)
    "tpu.region"() ({
      %run_scoped3A = tpu.sem_alloc : memref<!tpu.dma_semaphore, #tpu.memory_space<semaphore_mem>>
      %dma_start3A_112 = arith.constant 0 : i32
      %dma_start3A_113 = arith.constant 0 : i32
      %dma_start3A_114 = tpu.memref_slice %arg17[%dma_start3A_112, %dma_start3A_113] : memref<10240x128xf32, #tpu.memory_space<vmem_shared>> -> memref<10240x128xf32, #tpu.memory_space<vmem_shared>>
      tpu.enqueue_indirect_dma source(%arg11 : memref<80x128xf32, #tpu.memory_space<vmem>>) target(%dma_start3A_114 : memref<10240x128xf32, #tpu.memory_space<vmem_shared>>) offsets(%arg8 : memref<80xi32, #tpu.memory_space<vmem>>) semaphore(%run_scoped3A : memref<!tpu.dma_semaphore, #tpu.memory_space<semaphore_mem>>) {add = true}
      %dma_wait3A_115 = arith.constant 0 : i32
      %dma_wait3A_116 = arith.constant 0 : i32
      %dma_wait3A_117 = tpu.memref_slice %arg17[%dma_wait3A_115, %dma_wait3A_116] : memref<10240x128xf32, #tpu.memory_space<vmem_shared>> -> memref<10240x128xf32, #tpu.memory_space<vmem_shared>>
      tpu.wait_indirect_dma semaphore(%run_scoped3A : memref<!tpu.dma_semaphore, #tpu.memory_space<semaphore_mem>>) src(%arg11 : memref<80x128xf32, #tpu.memory_space<vmem>>) dst(%dma_wait3A_117 : memref<10240x128xf32, #tpu.memory_space<vmem_shared>>)
      tpu.yield
    }) : () -> ()
    %add3A_49 = arith.constant 9920 : i32
    %add3A_50 = arith.addi %mul3A_4, %add3A_49 : i32
    %dma_start3A_51 = tpu.memref_slice %arg2[%add3A_50] : memref<320000xi32, #tpu.memory_space<hbm>> -> memref<80xi32, #tpu.memory_space<hbm>>
    %dma_start3A_52 = tpu.memref_slice %arg2[%add3A_50] : memref<320000xi32, #tpu.memory_space<hbm>> -> memref<80xi32, #tpu.memory_space<hbm>>
    tpu.enqueue_dma source(%dma_start3A_52 : memref<80xi32, #tpu.memory_space<hbm>>) target(%arg7 : memref<80xi32, #tpu.memory_space<vmem>>) target_semaphore(%arg13 : memref<!tpu.dma_semaphore, #tpu.memory_space<semaphore_mem>>)
    %dma_start3A_53 = tpu.memref_slice %arg3[%add3A_50] : memref<320000xi32, #tpu.memory_space<hbm>> -> memref<80xi32, #tpu.memory_space<hbm>>
    %dma_start3A_54 = tpu.memref_slice %arg3[%add3A_50] : memref<320000xi32, #tpu.memory_space<hbm>> -> memref<80xi32, #tpu.memory_space<hbm>>
    tpu.enqueue_dma source(%dma_start3A_54 : memref<80xi32, #tpu.memory_space<hbm>>) target(%arg8 : memref<80xi32, #tpu.memory_space<vmem>>) target_semaphore(%arg13 : memref<!tpu.dma_semaphore, #tpu.memory_space<semaphore_mem>>)
    %add3A_55 = arith.constant 9840 : i32
    %add3A_56 = arith.addi %mul3A_4, %add3A_55 : i32
    %dma_wait3A_57 = tpu.memref_slice %arg2[%add3A_56] : memref<320000xi32, #tpu.memory_space<hbm>> -> memref<80xi32, #tpu.memory_space<hbm>>
    %dma_wait3A_58 = tpu.memref_slice %arg2[%add3A_56] : memref<320000xi32, #tpu.memory_space<hbm>> -> memref<80xi32, #tpu.memory_space<hbm>>
    tpu.wait_dma2 semaphore(%arg14 : memref<!tpu.dma_semaphore, #tpu.memory_space<semaphore_mem>>) src(%dma_wait3A_58 : memref<80xi32, #tpu.memory_space<hbm>>) dst(%arg9 : memref<80xi32, #tpu.memory_space<vmem>>)
    %dma_wait3A_59 = tpu.memref_slice %arg3[%add3A_56] : memref<320000xi32, #tpu.memory_space<hbm>> -> memref<80xi32, #tpu.memory_space<hbm>>
    %dma_wait3A_60 = tpu.memref_slice %arg3[%add3A_56] : memref<320000xi32, #tpu.memory_space<hbm>> -> memref<80xi32, #tpu.memory_space<hbm>>
    tpu.wait_dma2 semaphore(%arg14 : memref<!tpu.dma_semaphore, #tpu.memory_space<semaphore_mem>>) src(%dma_wait3A_60 : memref<80xi32, #tpu.memory_space<hbm>>) dst(%arg10 : memref<80xi32, #tpu.memory_space<vmem>>)
    %dma_start3A_61 = arith.constant 0 : i32
    %dma_start3A_62 = arith.constant 0 : i32
    %dma_start3A_63 = tpu.memref_slice %arg4[%dma_start3A_61, %dma_start3A_62] : memref<10000x128xf32, #tpu.memory_space<hbm>> -> memref<10000x128xf32, #tpu.memory_space<hbm>>
    tpu.enqueue_indirect_dma source(%dma_start3A_63 : memref<10000x128xf32, #tpu.memory_space<hbm>>) target(%arg12 : memref<80x128xf32, #tpu.memory_space<vmem>>) offsets(%arg9 : memref<80xi32, #tpu.memory_space<vmem>>) semaphore(%arg16 : memref<!tpu.dma_semaphore, #tpu.memory_space<semaphore_mem>>)
    %dma_wait3A_64 = arith.constant 0 : i32
    %dma_wait3A_65 = arith.constant 0 : i32
    %dma_wait3A_66 = tpu.memref_slice %arg4[%dma_wait3A_64, %dma_wait3A_65] : memref<10000x128xf32, #tpu.memory_space<hbm>> -> memref<10000x128xf32, #tpu.memory_space<hbm>>
    tpu.wait_indirect_dma semaphore(%arg16 : memref<!tpu.dma_semaphore, #tpu.memory_space<semaphore_mem>>) src(%dma_wait3A_66 : memref<10000x128xf32, #tpu.memory_space<hbm>>) dst(%arg12 : memref<80x128xf32, #tpu.memory_space<vmem>>)
    "tpu.region"() ({
      %run_scoped3A = tpu.sem_alloc : memref<!tpu.dma_semaphore, #tpu.memory_space<semaphore_mem>>
      %dma_start3A_112 = arith.constant 0 : i32
      %dma_start3A_113 = arith.constant 0 : i32
      %dma_start3A_114 = tpu.memref_slice %arg17[%dma_start3A_112, %dma_start3A_113] : memref<10240x128xf32, #tpu.memory_space<vmem_shared>> -> memref<10240x128xf32, #tpu.memory_space<vmem_shared>>
      tpu.enqueue_indirect_dma source(%arg12 : memref<80x128xf32, #tpu.memory_space<vmem>>) target(%dma_start3A_114 : memref<10240x128xf32, #tpu.memory_space<vmem_shared>>) offsets(%arg10 : memref<80xi32, #tpu.memory_space<vmem>>) semaphore(%run_scoped3A : memref<!tpu.dma_semaphore, #tpu.memory_space<semaphore_mem>>) {add = true}
      %dma_wait3A_115 = arith.constant 0 : i32
      %dma_wait3A_116 = arith.constant 0 : i32
      %dma_wait3A_117 = tpu.memref_slice %arg17[%dma_wait3A_115, %dma_wait3A_116] : memref<10240x128xf32, #tpu.memory_space<vmem_shared>> -> memref<10240x128xf32, #tpu.memory_space<vmem_shared>>
      tpu.wait_indirect_dma semaphore(%run_scoped3A : memref<!tpu.dma_semaphore, #tpu.memory_space<semaphore_mem>>) src(%arg12 : memref<80x128xf32, #tpu.memory_space<vmem>>) dst(%dma_wait3A_117 : memref<10240x128xf32, #tpu.memory_space<vmem_shared>>)
      tpu.yield
    }) : () -> ()
    %add3A_67 = arith.constant 9920 : i32
    %add3A_68 = arith.addi %mul3A_4, %add3A_67 : i32
    %dma_wait3A_69 = tpu.memref_slice %arg2[%add3A_68] : memref<320000xi32, #tpu.memory_space<hbm>> -> memref<80xi32, #tpu.memory_space<hbm>>
    %dma_wait3A_70 = tpu.memref_slice %arg2[%add3A_68] : memref<320000xi32, #tpu.memory_space<hbm>> -> memref<80xi32, #tpu.memory_space<hbm>>
    tpu.wait_dma2 semaphore(%arg13 : memref<!tpu.dma_semaphore, #tpu.memory_space<semaphore_mem>>) src(%dma_wait3A_70 : memref<80xi32, #tpu.memory_space<hbm>>) dst(%arg7 : memref<80xi32, #tpu.memory_space<vmem>>)
    %dma_wait3A_71 = tpu.memref_slice %arg3[%add3A_68] : memref<320000xi32, #tpu.memory_space<hbm>> -> memref<80xi32, #tpu.memory_space<hbm>>
    %dma_wait3A_72 = tpu.memref_slice %arg3[%add3A_68] : memref<320000xi32, #tpu.memory_space<hbm>> -> memref<80xi32, #tpu.memory_space<hbm>>
    tpu.wait_dma2 semaphore(%arg13 : memref<!tpu.dma_semaphore, #tpu.memory_space<semaphore_mem>>) src(%dma_wait3A_72 : memref<80xi32, #tpu.memory_space<hbm>>) dst(%arg8 : memref<80xi32, #tpu.memory_space<vmem>>)
    %dma_start3A_73 = arith.constant 0 : i32
    %dma_start3A_74 = arith.constant 0 : i32
    %dma_start3A_75 = tpu.memref_slice %arg4[%dma_start3A_73, %dma_start3A_74] : memref<10000x128xf32, #tpu.memory_space<hbm>> -> memref<10000x128xf32, #tpu.memory_space<hbm>>
    tpu.enqueue_indirect_dma source(%dma_start3A_75 : memref<10000x128xf32, #tpu.memory_space<hbm>>) target(%arg11 : memref<80x128xf32, #tpu.memory_space<vmem>>) offsets(%arg7 : memref<80xi32, #tpu.memory_space<vmem>>) semaphore(%arg15 : memref<!tpu.dma_semaphore, #tpu.memory_space<semaphore_mem>>)
    %dma_wait3A_76 = arith.constant 0 : i32
    %dma_wait3A_77 = arith.constant 0 : i32
    %dma_wait3A_78 = tpu.memref_slice %arg4[%dma_wait3A_76, %dma_wait3A_77] : memref<10000x128xf32, #tpu.memory_space<hbm>> -> memref<10000x128xf32, #tpu.memory_space<hbm>>
    tpu.wait_indirect_dma semaphore(%arg15 : memref<!tpu.dma_semaphore, #tpu.memory_space<semaphore_mem>>) src(%dma_wait3A_78 : memref<10000x128xf32, #tpu.memory_space<hbm>>) dst(%arg11 : memref<80x128xf32, #tpu.memory_space<vmem>>)
    "tpu.region"() ({
      %run_scoped3A = tpu.sem_alloc : memref<!tpu.dma_semaphore, #tpu.memory_space<semaphore_mem>>
      %dma_start3A_112 = arith.constant 0 : i32
      %dma_start3A_113 = arith.constant 0 : i32
      %dma_start3A_114 = tpu.memref_slice %arg17[%dma_start3A_112, %dma_start3A_113] : memref<10240x128xf32, #tpu.memory_space<vmem_shared>> -> memref<10240x128xf32, #tpu.memory_space<vmem_shared>>
      tpu.enqueue_indirect_dma source(%arg11 : memref<80x128xf32, #tpu.memory_space<vmem>>) target(%dma_start3A_114 : memref<10240x128xf32, #tpu.memory_space<vmem_shared>>) offsets(%arg8 : memref<80xi32, #tpu.memory_space<vmem>>) semaphore(%run_scoped3A : memref<!tpu.dma_semaphore, #tpu.memory_space<semaphore_mem>>) {add = true}
      %dma_wait3A_115 = arith.constant 0 : i32
      %dma_wait3A_116 = arith.constant 0 : i32
      %dma_wait3A_117 = tpu.memref_slice %arg17[%dma_wait3A_115, %dma_wait3A_116] : memref<10240x128xf32, #tpu.memory_space<vmem_shared>> -> memref<10240x128xf32, #tpu.memory_space<vmem_shared>>
      tpu.wait_indirect_dma semaphore(%run_scoped3A : memref<!tpu.dma_semaphore, #tpu.memory_space<semaphore_mem>>) src(%arg11 : memref<80x128xf32, #tpu.memory_space<vmem>>) dst(%dma_wait3A_117 : memref<10240x128xf32, #tpu.memory_space<vmem_shared>>)
      tpu.yield
    }) : () -> ()
    %barrier3A_79 = arith.constant 0 : index
    tpu.barrier barrier_id(%barrier3A_79)
    %add3A_80 = arith.constant 0 : i32
    %add3A_81 = arith.addi %mul3A_2, %add3A_80 : i32
    "tpu.region"() ({
      %run_scoped3A = tpu.sem_alloc : memref<!tpu.dma_semaphore, #tpu.memory_space<semaphore_mem>>
      %dma_start3A_112 = arith.constant 0 : i32
      %dma_start3A_113 = tpu.memref_slice %arg17[%add3A_81, %dma_start3A_112] : memref<10240x128xf32, #tpu.memory_space<vmem_shared>> -> memref<80x128xf32, #tpu.memory_space<vmem_shared>>
      %dma_start3A_114 = arith.constant 0 : i32
      %dma_start3A_115 = tpu.memref_slice %arg17[%add3A_81, %dma_start3A_114] : memref<10240x128xf32, #tpu.memory_space<vmem_shared>> -> memref<80x128xf32, #tpu.memory_space<vmem_shared>>
      tpu.enqueue_dma source(%dma_start3A_115 : memref<80x128xf32, #tpu.memory_space<vmem_shared>>) target(%arg11 : memref<80x128xf32, #tpu.memory_space<vmem>>) target_semaphore(%run_scoped3A : memref<!tpu.dma_semaphore, #tpu.memory_space<semaphore_mem>>)
      %dma_wait3A_116 = arith.constant 0 : i32
      %dma_wait3A_117 = tpu.memref_slice %arg17[%add3A_81, %dma_wait3A_116] : memref<10240x128xf32, #tpu.memory_space<vmem_shared>> -> memref<80x128xf32, #tpu.memory_space<vmem_shared>>
      %dma_wait3A_118 = arith.constant 0 : i32
      %dma_wait3A_119 = tpu.memref_slice %arg17[%add3A_81, %dma_wait3A_118] : memref<10240x128xf32, #tpu.memory_space<vmem_shared>> -> memref<80x128xf32, #tpu.memory_space<vmem_shared>>
      tpu.wait_dma2 semaphore(%run_scoped3A : memref<!tpu.dma_semaphore, #tpu.memory_space<semaphore_mem>>) src(%dma_wait3A_119 : memref<80x128xf32, #tpu.memory_space<vmem_shared>>) dst(%arg11 : memref<80x128xf32, #tpu.memory_space<vmem>>)
      tpu.yield
    }) : () -> ()
    %add3A_82 = arith.constant 0 : i32
    %add3A_83 = arith.addi %mul3A_2, %add3A_82 : i32
    "tpu.region"() ({
      %run_scoped3A = tpu.sem_alloc : memref<!tpu.dma_semaphore, #tpu.memory_space<semaphore_mem>>
      %dma_start3A_112 = arith.constant 0 : i32
      %dma_start3A_113 = tpu.memref_slice %arg6[%arg0, %add3A_83, %dma_start3A_112] : memref<2x10240x128xf32, #tpu.memory_space<hbm>> -> memref<1x80x128xf32, #tpu.memory_space<hbm>>
      %dma_start3A_114 = tpu.memref_squeeze %dma_start3A_113 : memref<1x80x128xf32, #tpu.memory_space<hbm>> -> memref<80x128xf32, #tpu.memory_space<hbm>>
      %dma_start3A_115 = arith.constant 0 : i32
      %dma_start3A_116 = tpu.memref_slice %arg6[%arg0, %add3A_83, %dma_start3A_115] : memref<2x10240x128xf32, #tpu.memory_space<hbm>> -> memref<1x80x128xf32, #tpu.memory_space<hbm>>
      %dma_start3A_117 = tpu.memref_squeeze %dma_start3A_116 : memref<1x80x128xf32, #tpu.memory_space<hbm>> -> memref<80x128xf32, #tpu.memory_space<hbm>>
      tpu.enqueue_dma source(%arg11 : memref<80x128xf32, #tpu.memory_space<vmem>>) target(%dma_start3A_117 : memref<80x128xf32, #tpu.memory_space<hbm>>) target_semaphore(%run_scoped3A : memref<!tpu.dma_semaphore, #tpu.memory_space<semaphore_mem>>)
      %dma_wait3A_118 = arith.constant 0 : i32
      %dma_wait3A_119 = tpu.memref_slice %arg6[%arg0, %add3A_83, %dma_wait3A_118] : memref<2x10240x128xf32, #tpu.memory_space<hbm>> -> memref<1x80x128xf32, #tpu.memory_space<hbm>>
      %dma_wait3A_120 = tpu.memref_squeeze %dma_wait3A_119 : memref<1x80x128xf32, #tpu.memory_space<hbm>> -> memref<80x128xf32, #tpu.memory_space<hbm>>
      %dma_wait3A_121 = arith.constant 0 : i32
      %dma_wait3A_122 = tpu.memref_slice %arg6[%arg0, %add3A_83, %dma_wait3A_121] : memref<2x10240x128xf32, #tpu.memory_space<hbm>> -> memref<1x80x128xf32, #tpu.memory_space<hbm>>
      %dma_wait3A_123 = tpu.memref_squeeze %dma_wait3A_122 : memref<1x80x128xf32, #tpu.memory_space<hbm>> -> memref<80x128xf32, #tpu.memory_space<hbm>>
      tpu.wait_dma2 semaphore(%run_scoped3A : memref<!tpu.dma_semaphore, #tpu.memory_space<semaphore_mem>>) src(%arg11 : memref<80x128xf32, #tpu.memory_space<vmem>>) dst(%dma_wait3A_123 : memref<80x128xf32, #tpu.memory_space<hbm>>)
      tpu.yield
    }) : () -> ()
    %add3A_84 = arith.constant 80 : i32
    %add3A_85 = arith.addi %mul3A_2, %add3A_84 : i32
    "tpu.region"() ({
      %run_scoped3A = tpu.sem_alloc : memref<!tpu.dma_semaphore, #tpu.memory_space<semaphore_mem>>
      %dma_start3A_112 = arith.constant 0 : i32
      %dma_start3A_113 = tpu.memref_slice %arg17[%add3A_85, %dma_start3A_112] : memref<10240x128xf32, #tpu.memory_space<vmem_shared>> -> memref<80x128xf32, #tpu.memory_space<vmem_shared>>
      %dma_start3A_114 = arith.constant 0 : i32
      %dma_start3A_115 = tpu.memref_slice %arg17[%add3A_85, %dma_start3A_114] : memref<10240x128xf32, #tpu.memory_space<vmem_shared>> -> memref<80x128xf32, #tpu.memory_space<vmem_shared>>
      tpu.enqueue_dma source(%dma_start3A_115 : memref<80x128xf32, #tpu.memory_space<vmem_shared>>) target(%arg11 : memref<80x128xf32, #tpu.memory_space<vmem>>) target_semaphore(%run_scoped3A : memref<!tpu.dma_semaphore, #tpu.memory_space<semaphore_mem>>)
      %dma_wait3A_116 = arith.constant 0 : i32
      %dma_wait3A_117 = tpu.memref_slice %arg17[%add3A_85, %dma_wait3A_116] : memref<10240x128xf32, #tpu.memory_space<vmem_shared>> -> memref<80x128xf32, #tpu.memory_space<vmem_shared>>
      %dma_wait3A_118 = arith.constant 0 : i32
      %dma_wait3A_119 = tpu.memref_slice %arg17[%add3A_85, %dma_wait3A_118] : memref<10240x128xf32, #tpu.memory_space<vmem_shared>> -> memref<80x128xf32, #tpu.memory_space<vmem_shared>>
      tpu.wait_dma2 semaphore(%run_scoped3A : memref<!tpu.dma_semaphore, #tpu.memory_space<semaphore_mem>>) src(%dma_wait3A_119 : memref<80x128xf32, #tpu.memory_space<vmem_shared>>) dst(%arg11 : memref<80x128xf32, #tpu.memory_space<vmem>>)
      tpu.yield
    }) : () -> ()
    %add3A_86 = arith.constant 80 : i32
    %add3A_87 = arith.addi %mul3A_2, %add3A_86 : i32
    "tpu.region"() ({
      %run_scoped3A = tpu.sem_alloc : memref<!tpu.dma_semaphore, #tpu.memory_space<semaphore_mem>>
      %dma_start3A_112 = arith.constant 0 : i32
      %dma_start3A_113 = tpu.memref_slice %arg6[%arg0, %add3A_87, %dma_start3A_112] : memref<2x10240x128xf32, #tpu.memory_space<hbm>> -> memref<1x80x128xf32, #tpu.memory_space<hbm>>
      %dma_start3A_114 = tpu.memref_squeeze %dma_start3A_113 : memref<1x80x128xf32, #tpu.memory_space<hbm>> -> memref<80x128xf32, #tpu.memory_space<hbm>>
      %dma_start3A_115 = arith.constant 0 : i32
      %dma_start3A_116 = tpu.memref_slice %arg6[%arg0, %add3A_87, %dma_start3A_115] : memref<2x10240x128xf32, #tpu.memory_space<hbm>> -> memref<1x80x128xf32, #tpu.memory_space<hbm>>
      %dma_start3A_117 = tpu.memref_squeeze %dma_start3A_116 : memref<1x80x128xf32, #tpu.memory_space<hbm>> -> memref<80x128xf32, #tpu.memory_space<hbm>>
      tpu.enqueue_dma source(%arg11 : memref<80x128xf32, #tpu.memory_space<vmem>>) target(%dma_start3A_117 : memref<80x128xf32, #tpu.memory_space<hbm>>) target_semaphore(%run_scoped3A : memref<!tpu.dma_semaphore, #tpu.memory_space<semaphore_mem>>)
      %dma_wait3A_118 = arith.constant 0 : i32
      %dma_wait3A_119 = tpu.memref_slice %arg6[%arg0, %add3A_87, %dma_wait3A_118] : memref<2x10240x128xf32, #tpu.memory_space<hbm>> -> memref<1x80x128xf32, #tpu.memory_space<hbm>>
      %dma_wait3A_120 = tpu.memref_squeeze %dma_wait3A_119 : memref<1x80x128xf32, #tpu.memory_space<hbm>> -> memref<80x128xf32, #tpu.memory_space<hbm>>
      %dma_wait3A_121 = arith.constant 0 : i32
      %dma_wait3A_122 = tpu.memref_slice %arg6[%arg0, %add3A_87, %dma_wait3A_121] : memref<2x10240x128xf32, #tpu.memory_space<hbm>> -> memref<1x80x128xf32, #tpu.memory_space<hbm>>
      %dma_wait3A_123 = tpu.memref_squeeze %dma_wait3A_122 : memref<1x80x128xf32, #tpu.memory_space<hbm>> -> memref<80x128xf32, #tpu.memory_space<hbm>>
      tpu.wait_dma2 semaphore(%run_scoped3A : memref<!tpu.dma_semaphore, #tpu.memory_space<semaphore_mem>>) src(%arg11 : memref<80x128xf32, #tpu.memory_space<vmem>>) dst(%dma_wait3A_123 : memref<80x128xf32, #tpu.memory_space<hbm>>)
      tpu.yield
    }) : () -> ()
    %add3A_88 = arith.constant 160 : i32
    %add3A_89 = arith.addi %mul3A_2, %add3A_88 : i32
    "tpu.region"() ({
      %run_scoped3A = tpu.sem_alloc : memref<!tpu.dma_semaphore, #tpu.memory_space<semaphore_mem>>
      %dma_start3A_112 = arith.constant 0 : i32
      %dma_start3A_113 = tpu.memref_slice %arg17[%add3A_89, %dma_start3A_112] : memref<10240x128xf32, #tpu.memory_space<vmem_shared>> -> memref<80x128xf32, #tpu.memory_space<vmem_shared>>
      %dma_start3A_114 = arith.constant 0 : i32
      %dma_start3A_115 = tpu.memref_slice %arg17[%add3A_89, %dma_start3A_114] : memref<10240x128xf32, #tpu.memory_space<vmem_shared>> -> memref<80x128xf32, #tpu.memory_space<vmem_shared>>
      tpu.enqueue_dma source(%dma_start3A_115 : memref<80x128xf32, #tpu.memory_space<vmem_shared>>) target(%arg11 : memref<80x128xf32, #tpu.memory_space<vmem>>) target_semaphore(%run_scoped3A : memref<!tpu.dma_semaphore, #tpu.memory_space<semaphore_mem>>)
      %dma_wait3A_116 = arith.constant 0 : i32
      %dma_wait3A_117 = tpu.memref_slice %arg17[%add3A_89, %dma_wait3A_116] : memref<10240x128xf32, #tpu.memory_space<vmem_shared>> -> memref<80x128xf32, #tpu.memory_space<vmem_shared>>
      %dma_wait3A_118 = arith.constant 0 : i32
      %dma_wait3A_119 = tpu.memref_slice %arg17[%add3A_89, %dma_wait3A_118] : memref<10240x128xf32, #tpu.memory_space<vmem_shared>> -> memref<80x128xf32, #tpu.memory_space<vmem_shared>>
      tpu.wait_dma2 semaphore(%run_scoped3A : memref<!tpu.dma_semaphore, #tpu.memory_space<semaphore_mem>>) src(%dma_wait3A_119 : memref<80x128xf32, #tpu.memory_space<vmem_shared>>) dst(%arg11 : memref<80x128xf32, #tpu.memory_space<vmem>>)
      tpu.yield
    }) : () -> ()
    %add3A_90 = arith.constant 160 : i32
    %add3A_91 = arith.addi %mul3A_2, %add3A_90 : i32
    "tpu.region"() ({
      %run_scoped3A = tpu.sem_alloc : memref<!tpu.dma_semaphore, #tpu.memory_space<semaphore_mem>>
      %dma_start3A_112 = arith.constant 0 : i32
      %dma_start3A_113 = tpu.memref_slice %arg6[%arg0, %add3A_91, %dma_start3A_112] : memref<2x10240x128xf32, #tpu.memory_space<hbm>> -> memref<1x80x128xf32, #tpu.memory_space<hbm>>
      %dma_start3A_114 = tpu.memref_squeeze %dma_start3A_113 : memref<1x80x128xf32, #tpu.memory_space<hbm>> -> memref<80x128xf32, #tpu.memory_space<hbm>>
      %dma_start3A_115 = arith.constant 0 : i32
      %dma_start3A_116 = tpu.memref_slice %arg6[%arg0, %add3A_91, %dma_start3A_115] : memref<2x10240x128xf32, #tpu.memory_space<hbm>> -> memref<1x80x128xf32, #tpu.memory_space<hbm>>
      %dma_start3A_117 = tpu.memref_squeeze %dma_start3A_116 : memref<1x80x128xf32, #tpu.memory_space<hbm>> -> memref<80x128xf32, #tpu.memory_space<hbm>>
      tpu.enqueue_dma source(%arg11 : memref<80x128xf32, #tpu.memory_space<vmem>>) target(%dma_start3A_117 : memref<80x128xf32, #tpu.memory_space<hbm>>) target_semaphore(%run_scoped3A : memref<!tpu.dma_semaphore, #tpu.memory_space<semaphore_mem>>)
      %dma_wait3A_118 = arith.constant 0 : i32
      %dma_wait3A_119 = tpu.memref_slice %arg6[%arg0, %add3A_91, %dma_wait3A_118] : memref<2x10240x128xf32, #tpu.memory_space<hbm>> -> memref<1x80x128xf32, #tpu.memory_space<hbm>>
      %dma_wait3A_120 = tpu.memref_squeeze %dma_wait3A_119 : memref<1x80x128xf32, #tpu.memory_space<hbm>> -> memref<80x128xf32, #tpu.memory_space<hbm>>
      %dma_wait3A_121 = arith.constant 0 : i32
      %dma_wait3A_122 = tpu.memref_slice %arg6[%arg0, %add3A_91, %dma_wait3A_121] : memref<2x10240x128xf32, #tpu.memory_space<hbm>> -> memref<1x80x128xf32, #tpu.memory_space<hbm>>
      %dma_wait3A_123 = tpu.memref_squeeze %dma_wait3A_122 : memref<1x80x128xf32, #tpu.memory_space<hbm>> -> memref<80x128xf32, #tpu.memory_space<hbm>>
      tpu.wait_dma2 semaphore(%run_scoped3A : memref<!tpu.dma_semaphore, #tpu.memory_space<semaphore_mem>>) src(%arg11 : memref<80x128xf32, #tpu.memory_space<vmem>>) dst(%dma_wait3A_123 : memref<80x128xf32, #tpu.memory_space<hbm>>)
      tpu.yield
    }) : () -> ()
    %add3A_92 = arith.constant 240 : i32
    %add3A_93 = arith.addi %mul3A_2, %add3A_92 : i32
    "tpu.region"() ({
      %run_scoped3A = tpu.sem_alloc : memref<!tpu.dma_semaphore, #tpu.memory_space<semaphore_mem>>
      %dma_start3A_112 = arith.constant 0 : i32
      %dma_start3A_113 = tpu.memref_slice %arg17[%add3A_93, %dma_start3A_112] : memref<10240x128xf32, #tpu.memory_space<vmem_shared>> -> memref<80x128xf32, #tpu.memory_space<vmem_shared>>
      %dma_start3A_114 = arith.constant 0 : i32
      %dma_start3A_115 = tpu.memref_slice %arg17[%add3A_93, %dma_start3A_114] : memref<10240x128xf32, #tpu.memory_space<vmem_shared>> -> memref<80x128xf32, #tpu.memory_space<vmem_shared>>
      tpu.enqueue_dma source(%dma_start3A_115 : memref<80x128xf32, #tpu.memory_space<vmem_shared>>) target(%arg11 : memref<80x128xf32, #tpu.memory_space<vmem>>) target_semaphore(%run_scoped3A : memref<!tpu.dma_semaphore, #tpu.memory_space<semaphore_mem>>)
      %dma_wait3A_116 = arith.constant 0 : i32
      %dma_wait3A_117 = tpu.memref_slice %arg17[%add3A_93, %dma_wait3A_116] : memref<10240x128xf32, #tpu.memory_space<vmem_shared>> -> memref<80x128xf32, #tpu.memory_space<vmem_shared>>
      %dma_wait3A_118 = arith.constant 0 : i32
      %dma_wait3A_119 = tpu.memref_slice %arg17[%add3A_93, %dma_wait3A_118] : memref<10240x128xf32, #tpu.memory_space<vmem_shared>> -> memref<80x128xf32, #tpu.memory_space<vmem_shared>>
      tpu.wait_dma2 semaphore(%run_scoped3A : memref<!tpu.dma_semaphore, #tpu.memory_space<semaphore_mem>>) src(%dma_wait3A_119 : memref<80x128xf32, #tpu.memory_space<vmem_shared>>) dst(%arg11 : memref<80x128xf32, #tpu.memory_space<vmem>>)
      tpu.yield
    }) : () -> ()
    %add3A_94 = arith.constant 240 : i32
    %add3A_95 = arith.addi %mul3A_2, %add3A_94 : i32
    "tpu.region"() ({
      %run_scoped3A = tpu.sem_alloc : memref<!tpu.dma_semaphore, #tpu.memory_space<semaphore_mem>>
      %dma_start3A_112 = arith.constant 0 : i32
      %dma_start3A_113 = tpu.memref_slice %arg6[%arg0, %add3A_95, %dma_start3A_112] : memref<2x10240x128xf32, #tpu.memory_space<hbm>> -> memref<1x80x128xf32, #tpu.memory_space<hbm>>
      %dma_start3A_114 = tpu.memref_squeeze %dma_start3A_113 : memref<1x80x128xf32, #tpu.memory_space<hbm>> -> memref<80x128xf32, #tpu.memory_space<hbm>>
      %dma_start3A_115 = arith.constant 0 : i32
      %dma_start3A_116 = tpu.memref_slice %arg6[%arg0, %add3A_95, %dma_start3A_115] : memref<2x10240x128xf32, #tpu.memory_space<hbm>> -> memref<1x80x128xf32, #tpu.memory_space<hbm>>
      %dma_start3A_117 = tpu.memref_squeeze %dma_start3A_116 : memref<1x80x128xf32, #tpu.memory_space<hbm>> -> memref<80x128xf32, #tpu.memory_space<hbm>>
      tpu.enqueue_dma source(%arg11 : memref<80x128xf32, #tpu.memory_space<vmem>>) target(%dma_start3A_117 : memref<80x128xf32, #tpu.memory_space<hbm>>) target_semaphore(%run_scoped3A : memref<!tpu.dma_semaphore, #tpu.memory_space<semaphore_mem>>)
      %dma_wait3A_118 = arith.constant 0 : i32
      %dma_wait3A_119 = tpu.memref_slice %arg6[%arg0, %add3A_95, %dma_wait3A_118] : memref<2x10240x128xf32, #tpu.memory_space<hbm>> -> memref<1x80x128xf32, #tpu.memory_space<hbm>>
      %dma_wait3A_120 = tpu.memref_squeeze %dma_wait3A_119 : memref<1x80x128xf32, #tpu.memory_space<hbm>> -> memref<80x128xf32, #tpu.memory_space<hbm>>
      %dma_wait3A_121 = arith.constant 0 : i32
      %dma_wait3A_122 = tpu.memref_slice %arg6[%arg0, %add3A_95, %dma_wait3A_121] : memref<2x10240x128xf32, #tpu.memory_space<hbm>> -> memref<1x80x128xf32, #tpu.memory_space<hbm>>
      %dma_wait3A_123 = tpu.memref_squeeze %dma_wait3A_122 : memref<1x80x128xf32, #tpu.memory_space<hbm>> -> memref<80x128xf32, #tpu.memory_space<hbm>>
      tpu.wait_dma2 semaphore(%run_scoped3A : memref<!tpu.dma_semaphore, #tpu.memory_space<semaphore_mem>>) src(%arg11 : memref<80x128xf32, #tpu.memory_space<vmem>>) dst(%dma_wait3A_123 : memref<80x128xf32, #tpu.memory_space<hbm>>)
      tpu.yield
    }) : () -> ()
    %add3A_96 = arith.constant 320 : i32
    %add3A_97 = arith.addi %mul3A_2, %add3A_96 : i32
    "tpu.region"() ({
      %run_scoped3A = tpu.sem_alloc : memref<!tpu.dma_semaphore, #tpu.memory_space<semaphore_mem>>
      %dma_start3A_112 = arith.constant 0 : i32
      %dma_start3A_113 = tpu.memref_slice %arg17[%add3A_97, %dma_start3A_112] : memref<10240x128xf32, #tpu.memory_space<vmem_shared>> -> memref<80x128xf32, #tpu.memory_space<vmem_shared>>
      %dma_start3A_114 = arith.constant 0 : i32
      %dma_start3A_115 = tpu.memref_slice %arg17[%add3A_97, %dma_start3A_114] : memref<10240x128xf32, #tpu.memory_space<vmem_shared>> -> memref<80x128xf32, #tpu.memory_space<vmem_shared>>
      tpu.enqueue_dma source(%dma_start3A_115 : memref<80x128xf32, #tpu.memory_space<vmem_shared>>) target(%arg11 : memref<80x128xf32, #tpu.memory_space<vmem>>) target_semaphore(%run_scoped3A : memref<!tpu.dma_semaphore, #tpu.memory_space<semaphore_mem>>)
      %dma_wait3A_116 = arith.constant 0 : i32
      %dma_wait3A_117 = tpu.memref_slice %arg17[%add3A_97, %dma_wait3A_116] : memref<10240x128xf32, #tpu.memory_space<vmem_shared>> -> memref<80x128xf32, #tpu.memory_space<vmem_shared>>
      %dma_wait3A_118 = arith.constant 0 : i32
      %dma_wait3A_119 = tpu.memref_slice %arg17[%add3A_97, %dma_wait3A_118] : memref<10240x128xf32, #tpu.memory_space<vmem_shared>> -> memref<80x128xf32, #tpu.memory_space<vmem_shared>>
      tpu.wait_dma2 semaphore(%run_scoped3A : memref<!tpu.dma_semaphore, #tpu.memory_space<semaphore_mem>>) src(%dma_wait3A_119 : memref<80x128xf32, #tpu.memory_space<vmem_shared>>) dst(%arg11 : memref<80x128xf32, #tpu.memory_space<vmem>>)
      tpu.yield
    }) : () -> ()
    %add3A_98 = arith.constant 320 : i32
    %add3A_99 = arith.addi %mul3A_2, %add3A_98 : i32
    "tpu.region"() ({
      %run_scoped3A = tpu.sem_alloc : memref<!tpu.dma_semaphore, #tpu.memory_space<semaphore_mem>>
      %dma_start3A_112 = arith.constant 0 : i32
      %dma_start3A_113 = tpu.memref_slice %arg6[%arg0, %add3A_99, %dma_start3A_112] : memref<2x10240x128xf32, #tpu.memory_space<hbm>> -> memref<1x80x128xf32, #tpu.memory_space<hbm>>
      %dma_start3A_114 = tpu.memref_squeeze %dma_start3A_113 : memref<1x80x128xf32, #tpu.memory_space<hbm>> -> memref<80x128xf32, #tpu.memory_space<hbm>>
      %dma_start3A_115 = arith.constant 0 : i32
      %dma_start3A_116 = tpu.memref_slice %arg6[%arg0, %add3A_99, %dma_start3A_115] : memref<2x10240x128xf32, #tpu.memory_space<hbm>> -> memref<1x80x128xf32, #tpu.memory_space<hbm>>
      %dma_start3A_117 = tpu.memref_squeeze %dma_start3A_116 : memref<1x80x128xf32, #tpu.memory_space<hbm>> -> memref<80x128xf32, #tpu.memory_space<hbm>>
      tpu.enqueue_dma source(%arg11 : memref<80x128xf32, #tpu.memory_space<vmem>>) target(%dma_start3A_117 : memref<80x128xf32, #tpu.memory_space<hbm>>) target_semaphore(%run_scoped3A : memref<!tpu.dma_semaphore, #tpu.memory_space<semaphore_mem>>)
      %dma_wait3A_118 = arith.constant 0 : i32
      %dma_wait3A_119 = tpu.memref_slice %arg6[%arg0, %add3A_99, %dma_wait3A_118] : memref<2x10240x128xf32, #tpu.memory_space<hbm>> -> memref<1x80x128xf32, #tpu.memory_space<hbm>>
      %dma_wait3A_120 = tpu.memref_squeeze %dma_wait3A_119 : memref<1x80x128xf32, #tpu.memory_space<hbm>> -> memref<80x128xf32, #tpu.memory_space<hbm>>
      %dma_wait3A_121 = arith.constant 0 : i32
      %dma_wait3A_122 = tpu.memref_slice %arg6[%arg0, %add3A_99, %dma_wait3A_121] : memref<2x10240x128xf32, #tpu.memory_space<hbm>> -> memref<1x80x128xf32, #tpu.memory_space<hbm>>
      %dma_wait3A_123 = tpu.memref_squeeze %dma_wait3A_122 : memref<1x80x128xf32, #tpu.memory_space<hbm>> -> memref<80x128xf32, #tpu.memory_space<hbm>>
      tpu.wait_dma2 semaphore(%run_scoped3A : memref<!tpu.dma_semaphore, #tpu.memory_space<semaphore_mem>>) src(%arg11 : memref<80x128xf32, #tpu.memory_space<vmem>>) dst(%dma_wait3A_123 : memref<80x128xf32, #tpu.memory_space<hbm>>)
      tpu.yield
    }) : () -> ()
    %add3A_100 = arith.constant 400 : i32
    %add3A_101 = arith.addi %mul3A_2, %add3A_100 : i32
    "tpu.region"() ({
      %run_scoped3A = tpu.sem_alloc : memref<!tpu.dma_semaphore, #tpu.memory_space<semaphore_mem>>
      %dma_start3A_112 = arith.constant 0 : i32
      %dma_start3A_113 = tpu.memref_slice %arg17[%add3A_101, %dma_start3A_112] : memref<10240x128xf32, #tpu.memory_space<vmem_shared>> -> memref<80x128xf32, #tpu.memory_space<vmem_shared>>
      %dma_start3A_114 = arith.constant 0 : i32
      %dma_start3A_115 = tpu.memref_slice %arg17[%add3A_101, %dma_start3A_114] : memref<10240x128xf32, #tpu.memory_space<vmem_shared>> -> memref<80x128xf32, #tpu.memory_space<vmem_shared>>
      tpu.enqueue_dma source(%dma_start3A_115 : memref<80x128xf32, #tpu.memory_space<vmem_shared>>) target(%arg11 : memref<80x128xf32, #tpu.memory_space<vmem>>) target_semaphore(%run_scoped3A : memref<!tpu.dma_semaphore, #tpu.memory_space<semaphore_mem>>)
      %dma_wait3A_116 = arith.constant 0 : i32
      %dma_wait3A_117 = tpu.memref_slice %arg17[%add3A_101, %dma_wait3A_116] : memref<10240x128xf32, #tpu.memory_space<vmem_shared>> -> memref<80x128xf32, #tpu.memory_space<vmem_shared>>
      %dma_wait3A_118 = arith.constant 0 : i32
      %dma_wait3A_119 = tpu.memref_slice %arg17[%add3A_101, %dma_wait3A_118] : memref<10240x128xf32, #tpu.memory_space<vmem_shared>> -> memref<80x128xf32, #tpu.memory_space<vmem_shared>>
      tpu.wait_dma2 semaphore(%run_scoped3A : memref<!tpu.dma_semaphore, #tpu.memory_space<semaphore_mem>>) src(%dma_wait3A_119 : memref<80x128xf32, #tpu.memory_space<vmem_shared>>) dst(%arg11 : memref<80x128xf32, #tpu.memory_space<vmem>>)
      tpu.yield
    }) : () -> ()
    %add3A_102 = arith.constant 400 : i32
    %add3A_103 = arith.addi %mul3A_2, %add3A_102 : i32
    "tpu.region"() ({
      %run_scoped3A = tpu.sem_alloc : memref<!tpu.dma_semaphore, #tpu.memory_space<semaphore_mem>>
      %dma_start3A_112 = arith.constant 0 : i32
      %dma_start3A_113 = tpu.memref_slice %arg6[%arg0, %add3A_103, %dma_start3A_112] : memref<2x10240x128xf32, #tpu.memory_space<hbm>> -> memref<1x80x128xf32, #tpu.memory_space<hbm>>
      %dma_start3A_114 = tpu.memref_squeeze %dma_start3A_113 : memref<1x80x128xf32, #tpu.memory_space<hbm>> -> memref<80x128xf32, #tpu.memory_space<hbm>>
      %dma_start3A_115 = arith.constant 0 : i32
      %dma_start3A_116 = tpu.memref_slice %arg6[%arg0, %add3A_103, %dma_start3A_115] : memref<2x10240x128xf32, #tpu.memory_space<hbm>> -> memref<1x80x128xf32, #tpu.memory_space<hbm>>
      %dma_start3A_117 = tpu.memref_squeeze %dma_start3A_116 : memref<1x80x128xf32, #tpu.memory_space<hbm>> -> memref<80x128xf32, #tpu.memory_space<hbm>>
      tpu.enqueue_dma source(%arg11 : memref<80x128xf32, #tpu.memory_space<vmem>>) target(%dma_start3A_117 : memref<80x128xf32, #tpu.memory_space<hbm>>) target_semaphore(%run_scoped3A : memref<!tpu.dma_semaphore, #tpu.memory_space<semaphore_mem>>)
      %dma_wait3A_118 = arith.constant 0 : i32
      %dma_wait3A_119 = tpu.memref_slice %arg6[%arg0, %add3A_103, %dma_wait3A_118] : memref<2x10240x128xf32, #tpu.memory_space<hbm>> -> memref<1x80x128xf32, #tpu.memory_space<hbm>>
      %dma_wait3A_120 = tpu.memref_squeeze %dma_wait3A_119 : memref<1x80x128xf32, #tpu.memory_space<hbm>> -> memref<80x128xf32, #tpu.memory_space<hbm>>
      %dma_wait3A_121 = arith.constant 0 : i32
      %dma_wait3A_122 = tpu.memref_slice %arg6[%arg0, %add3A_103, %dma_wait3A_121] : memref<2x10240x128xf32, #tpu.memory_space<hbm>> -> memref<1x80x128xf32, #tpu.memory_space<hbm>>
      %dma_wait3A_123 = tpu.memref_squeeze %dma_wait3A_122 : memref<1x80x128xf32, #tpu.memory_space<hbm>> -> memref<80x128xf32, #tpu.memory_space<hbm>>
      tpu.wait_dma2 semaphore(%run_scoped3A : memref<!tpu.dma_semaphore, #tpu.memory_space<semaphore_mem>>) src(%arg11 : memref<80x128xf32, #tpu.memory_space<vmem>>) dst(%dma_wait3A_123 : memref<80x128xf32, #tpu.memory_space<hbm>>)
      tpu.yield
    }) : () -> ()
    %add3A_104 = arith.constant 480 : i32
    %add3A_105 = arith.addi %mul3A_2, %add3A_104 : i32
    "tpu.region"() ({
      %run_scoped3A = tpu.sem_alloc : memref<!tpu.dma_semaphore, #tpu.memory_space<semaphore_mem>>
      %dma_start3A_112 = arith.constant 0 : i32
      %dma_start3A_113 = tpu.memref_slice %arg17[%add3A_105, %dma_start3A_112] : memref<10240x128xf32, #tpu.memory_space<vmem_shared>> -> memref<80x128xf32, #tpu.memory_space<vmem_shared>>
      %dma_start3A_114 = arith.constant 0 : i32
      %dma_start3A_115 = tpu.memref_slice %arg17[%add3A_105, %dma_start3A_114] : memref<10240x128xf32, #tpu.memory_space<vmem_shared>> -> memref<80x128xf32, #tpu.memory_space<vmem_shared>>
      tpu.enqueue_dma source(%dma_start3A_115 : memref<80x128xf32, #tpu.memory_space<vmem_shared>>) target(%arg11 : memref<80x128xf32, #tpu.memory_space<vmem>>) target_semaphore(%run_scoped3A : memref<!tpu.dma_semaphore, #tpu.memory_space<semaphore_mem>>)
      %dma_wait3A_116 = arith.constant 0 : i32
      %dma_wait3A_117 = tpu.memref_slice %arg17[%add3A_105, %dma_wait3A_116] : memref<10240x128xf32, #tpu.memory_space<vmem_shared>> -> memref<80x128xf32, #tpu.memory_space<vmem_shared>>
      %dma_wait3A_118 = arith.constant 0 : i32
      %dma_wait3A_119 = tpu.memref_slice %arg17[%add3A_105, %dma_wait3A_118] : memref<10240x128xf32, #tpu.memory_space<vmem_shared>> -> memref<80x128xf32, #tpu.memory_space<vmem_shared>>
      tpu.wait_dma2 semaphore(%run_scoped3A : memref<!tpu.dma_semaphore, #tpu.memory_space<semaphore_mem>>) src(%dma_wait3A_119 : memref<80x128xf32, #tpu.memory_space<vmem_shared>>) dst(%arg11 : memref<80x128xf32, #tpu.memory_space<vmem>>)
      tpu.yield
    }) : () -> ()
    %add3A_106 = arith.constant 480 : i32
    %add3A_107 = arith.addi %mul3A_2, %add3A_106 : i32
    "tpu.region"() ({
      %run_scoped3A = tpu.sem_alloc : memref<!tpu.dma_semaphore, #tpu.memory_space<semaphore_mem>>
      %dma_start3A_112 = arith.constant 0 : i32
      %dma_start3A_113 = tpu.memref_slice %arg6[%arg0, %add3A_107, %dma_start3A_112] : memref<2x10240x128xf32, #tpu.memory_space<hbm>> -> memref<1x80x128xf32, #tpu.memory_space<hbm>>
      %dma_start3A_114 = tpu.memref_squeeze %dma_start3A_113 : memref<1x80x128xf32, #tpu.memory_space<hbm>> -> memref<80x128xf32, #tpu.memory_space<hbm>>
      %dma_start3A_115 = arith.constant 0 : i32
      %dma_start3A_116 = tpu.memref_slice %arg6[%arg0, %add3A_107, %dma_start3A_115] : memref<2x10240x128xf32, #tpu.memory_space<hbm>> -> memref<1x80x128xf32, #tpu.memory_space<hbm>>
      %dma_start3A_117 = tpu.memref_squeeze %dma_start3A_116 : memref<1x80x128xf32, #tpu.memory_space<hbm>> -> memref<80x128xf32, #tpu.memory_space<hbm>>
      tpu.enqueue_dma source(%arg11 : memref<80x128xf32, #tpu.memory_space<vmem>>) target(%dma_start3A_117 : memref<80x128xf32, #tpu.memory_space<hbm>>) target_semaphore(%run_scoped3A : memref<!tpu.dma_semaphore, #tpu.memory_space<semaphore_mem>>)
      %dma_wait3A_118 = arith.constant 0 : i32
      %dma_wait3A_119 = tpu.memref_slice %arg6[%arg0, %add3A_107, %dma_wait3A_118] : memref<2x10240x128xf32, #tpu.memory_space<hbm>> -> memref<1x80x128xf32, #tpu.memory_space<hbm>>
      %dma_wait3A_120 = tpu.memref_squeeze %dma_wait3A_119 : memref<1x80x128xf32, #tpu.memory_space<hbm>> -> memref<80x128xf32, #tpu.memory_space<hbm>>
      %dma_wait3A_121 = arith.constant 0 : i32
      %dma_wait3A_122 = tpu.memref_slice %arg6[%arg0, %add3A_107, %dma_wait3A_121] : memref<2x10240x128xf32, #tpu.memory_space<hbm>> -> memref<1x80x128xf32, #tpu.memory_space<hbm>>
      %dma_wait3A_123 = tpu.memref_squeeze %dma_wait3A_122 : memref<1x80x128xf32, #tpu.memory_space<hbm>> -> memref<80x128xf32, #tpu.memory_space<hbm>>
      tpu.wait_dma2 semaphore(%run_scoped3A : memref<!tpu.dma_semaphore, #tpu.memory_space<semaphore_mem>>) src(%arg11 : memref<80x128xf32, #tpu.memory_space<vmem>>) dst(%dma_wait3A_123 : memref<80x128xf32, #tpu.memory_space<hbm>>)
      tpu.yield
    }) : () -> ()
    %add3A_108 = arith.constant 560 : i32
    %add3A_109 = arith.addi %mul3A_2, %add3A_108 : i32
    "tpu.region"() ({
      %run_scoped3A = tpu.sem_alloc : memref<!tpu.dma_semaphore, #tpu.memory_space<semaphore_mem>>
      %dma_start3A_112 = arith.constant 0 : i32
      %dma_start3A_113 = tpu.memref_slice %arg17[%add3A_109, %dma_start3A_112] : memref<10240x128xf32, #tpu.memory_space<vmem_shared>> -> memref<80x128xf32, #tpu.memory_space<vmem_shared>>
      %dma_start3A_114 = arith.constant 0 : i32
      %dma_start3A_115 = tpu.memref_slice %arg17[%add3A_109, %dma_start3A_114] : memref<10240x128xf32, #tpu.memory_space<vmem_shared>> -> memref<80x128xf32, #tpu.memory_space<vmem_shared>>
      tpu.enqueue_dma source(%dma_start3A_115 : memref<80x128xf32, #tpu.memory_space<vmem_shared>>) target(%arg11 : memref<80x128xf32, #tpu.memory_space<vmem>>) target_semaphore(%run_scoped3A : memref<!tpu.dma_semaphore, #tpu.memory_space<semaphore_mem>>)
      %dma_wait3A_116 = arith.constant 0 : i32
      %dma_wait3A_117 = tpu.memref_slice %arg17[%add3A_109, %dma_wait3A_116] : memref<10240x128xf32, #tpu.memory_space<vmem_shared>> -> memref<80x128xf32, #tpu.memory_space<vmem_shared>>
      %dma_wait3A_118 = arith.constant 0 : i32
      %dma_wait3A_119 = tpu.memref_slice %arg17[%add3A_109, %dma_wait3A_118] : memref<10240x128xf32, #tpu.memory_space<vmem_shared>> -> memref<80x128xf32, #tpu.memory_space<vmem_shared>>
      tpu.wait_dma2 semaphore(%run_scoped3A : memref<!tpu.dma_semaphore, #tpu.memory_space<semaphore_mem>>) src(%dma_wait3A_119 : memref<80x128xf32, #tpu.memory_space<vmem_shared>>) dst(%arg11 : memref<80x128xf32, #tpu.memory_space<vmem>>)
      tpu.yield
    }) : () -> ()
    %add3A_110 = arith.constant 560 : i32
    %add3A_111 = arith.addi %mul3A_2, %add3A_110 : i32
    "tpu.region"() ({
      %run_scoped3A = tpu.sem_alloc : memref<!tpu.dma_semaphore, #tpu.memory_space<semaphore_mem>>
      %dma_start3A_112 = arith.constant 0 : i32
      %dma_start3A_113 = tpu.memref_slice %arg6[%arg0, %add3A_111, %dma_start3A_112] : memref<2x10240x128xf32, #tpu.memory_space<hbm>> -> memref<1x80x128xf32, #tpu.memory_space<hbm>>
      %dma_start3A_114 = tpu.memref_squeeze %dma_start3A_113 : memref<1x80x128xf32, #tpu.memory_space<hbm>> -> memref<80x128xf32, #tpu.memory_space<hbm>>
      %dma_start3A_115 = arith.constant 0 : i32
      %dma_start3A_116 = tpu.memref_slice %arg6[%arg0, %add3A_111, %dma_start3A_115] : memref<2x10240x128xf32, #tpu.memory_space<hbm>> -> memref<1x80x128xf32, #tpu.memory_space<hbm>>
      %dma_start3A_117 = tpu.memref_squeeze %dma_start3A_116 : memref<1x80x128xf32, #tpu.memory_space<hbm>> -> memref<80x128xf32, #tpu.memory_space<hbm>>
      tpu.enqueue_dma source(%arg11 : memref<80x128xf32, #tpu.memory_space<vmem>>) target(%dma_start3A_117 : memref<80x128xf32, #tpu.memory_space<hbm>>) target_semaphore(%run_scoped3A : memref<!tpu.dma_semaphore, #tpu.memory_space<semaphore_mem>>)
      %dma_wait3A_118 = arith.constant 0 : i32
      %dma_wait3A_119 = tpu.memref_slice %arg6[%arg0, %add3A_111, %dma_wait3A_118] : memref<2x10240x128xf32, #tpu.memory_space<hbm>> -> memref<1x80x128xf32, #tpu.memory_space<hbm>>
      %dma_wait3A_120 = tpu.memref_squeeze %dma_wait3A_119 : memref<1x80x128xf32, #tpu.memory_space<hbm>> -> memref<80x128xf32, #tpu.memory_space<hbm>>
      %dma_wait3A_121 = arith.constant 0 : i32
      %dma_wait3A_122 = tpu.memref_slice %arg6[%arg0, %add3A_111, %dma_wait3A_121] : memref<2x10240x128xf32, #tpu.memory_space<hbm>> -> memref<1x80x128xf32, #tpu.memory_space<hbm>>
      %dma_wait3A_123 = tpu.memref_squeeze %dma_wait3A_122 : memref<1x80x128xf32, #tpu.memory_space<hbm>> -> memref<80x128xf32, #tpu.memory_space<hbm>>
      tpu.wait_dma2 semaphore(%run_scoped3A : memref<!tpu.dma_semaphore, #tpu.memory_space<semaphore_mem>>) src(%arg11 : memref<80x128xf32, #tpu.memory_space<vmem>>) dst(%dma_wait3A_123 : memref<80x128xf32, #tpu.memory_space<hbm>>)
      tpu.yield
    }) : () -> ()
    return
  }
}

module attributes {stable_mosaic.version = 14 : i64} {
  func.func @_embed_body(%arg0: memref<10000x9xi32, #tpu.memory_space<vmem>>, %arg1: memref<256x128xf32, #tpu.memory_space<vmem>>, %arg2: memref<10000x128xf32, #tpu.memory_space<vmem>>) attributes {dimension_semantics = [], scalar_prefetch = 0 : i64, scratch_operands = 0 : i64, tpu.core_type = #tpu.core_type<tc>} {
    %get3A = arith.constant 0 : index
    %get3A_0 = arith.constant 0 : index
    %get3A_1 = vector.load %arg0[%get3A, %get3A_0] : memref<10000x9xi32, #tpu.memory_space<vmem>>, vector<10000x9xi32>
    %iota3A = tpu.iota {dimensions = array<i32: 1>} : vector<10000x256xi32>
    %broadcast_in_dim3A = arith.constant 0.000000e+00 : f32
    %broadcast_in_dim3A_2 = vector.broadcast %broadcast_in_dim3A : f32 to vector<10000x256xf32>
    %slice3A = vector.extract_strided_slice %get3A_1 {offsets = [0, 0], sizes = [10000, 1], strides = [1, 1]} : vector<10000x9xi32> to vector<10000x1xi32>
    %add3A = arith.constant 0 : i32
    %add3A_3 = vector.broadcast %add3A : i32 to vector<10000x1xi32>
    %add3A_4 = arith.addi %slice3A, %add3A_3 : vector<10000x1xi32>
    %eq3A = vector.broadcast %add3A_4 : vector<10000x1xi32> to vector<10000x256xi32>
    %eq3A_5 = arith.cmpi eq, %eq3A, %iota3A : vector<10000x256xi32>
    %convert_element_type3A = arith.extui %eq3A_5 : vector<10000x256xi1> to vector<10000x256xi32>
    %convert_element_type3A_6 = arith.sitofp %convert_element_type3A : vector<10000x256xi32> to vector<10000x256xf32>
    %add3A_7 = arith.addf %broadcast_in_dim3A_2, %convert_element_type3A_6 : vector<10000x256xf32>
    %slice3A_8 = vector.extract_strided_slice %get3A_1 {offsets = [0, 1], sizes = [10000, 1], strides = [1, 1]} : vector<10000x9xi32> to vector<10000x1xi32>
    %add3A_9 = arith.constant 120 : i32
    %add3A_10 = vector.broadcast %add3A_9 : i32 to vector<10000x1xi32>
    %add3A_11 = arith.addi %slice3A_8, %add3A_10 : vector<10000x1xi32>
    %eq3A_12 = vector.broadcast %add3A_11 : vector<10000x1xi32> to vector<10000x256xi32>
    %eq3A_13 = arith.cmpi eq, %eq3A_12, %iota3A : vector<10000x256xi32>
    %convert_element_type3A_14 = arith.extui %eq3A_13 : vector<10000x256xi1> to vector<10000x256xi32>
    %convert_element_type3A_15 = arith.sitofp %convert_element_type3A_14 : vector<10000x256xi32> to vector<10000x256xf32>
    %add3A_16 = arith.addf %add3A_7, %convert_element_type3A_15 : vector<10000x256xf32>
    %slice3A_17 = vector.extract_strided_slice %get3A_1 {offsets = [0, 2], sizes = [10000, 1], strides = [1, 1]} : vector<10000x9xi32> to vector<10000x1xi32>
    %add3A_18 = arith.constant 126 : i32
    %add3A_19 = vector.broadcast %add3A_18 : i32 to vector<10000x1xi32>
    %add3A_20 = arith.addi %slice3A_17, %add3A_19 : vector<10000x1xi32>
    %eq3A_21 = vector.broadcast %add3A_20 : vector<10000x1xi32> to vector<10000x256xi32>
    %eq3A_22 = arith.cmpi eq, %eq3A_21, %iota3A : vector<10000x256xi32>
    %convert_element_type3A_23 = arith.extui %eq3A_22 : vector<10000x256xi1> to vector<10000x256xi32>
    %convert_element_type3A_24 = arith.sitofp %convert_element_type3A_23 : vector<10000x256xi32> to vector<10000x256xf32>
    %add3A_25 = arith.addf %add3A_16, %convert_element_type3A_24 : vector<10000x256xf32>
    %slice3A_26 = vector.extract_strided_slice %get3A_1 {offsets = [0, 3], sizes = [10000, 1], strides = [1, 1]} : vector<10000x9xi32> to vector<10000x1xi32>
    %add3A_27 = arith.constant 139 : i32
    %add3A_28 = vector.broadcast %add3A_27 : i32 to vector<10000x1xi32>
    %add3A_29 = arith.addi %slice3A_26, %add3A_28 : vector<10000x1xi32>
    %eq3A_30 = vector.broadcast %add3A_29 : vector<10000x1xi32> to vector<10000x256xi32>
    %eq3A_31 = arith.cmpi eq, %eq3A_30, %iota3A : vector<10000x256xi32>
    %convert_element_type3A_32 = arith.extui %eq3A_31 : vector<10000x256xi1> to vector<10000x256xi32>
    %convert_element_type3A_33 = arith.sitofp %convert_element_type3A_32 : vector<10000x256xi32> to vector<10000x256xf32>
    %add3A_34 = arith.addf %add3A_25, %convert_element_type3A_33 : vector<10000x256xf32>
    %slice3A_35 = vector.extract_strided_slice %get3A_1 {offsets = [0, 4], sizes = [10000, 1], strides = [1, 1]} : vector<10000x9xi32> to vector<10000x1xi32>
    %add3A_36 = arith.constant 152 : i32
    %add3A_37 = vector.broadcast %add3A_36 : i32 to vector<10000x1xi32>
    %add3A_38 = arith.addi %slice3A_35, %add3A_37 : vector<10000x1xi32>
    %eq3A_39 = vector.broadcast %add3A_38 : vector<10000x1xi32> to vector<10000x256xi32>
    %eq3A_40 = arith.cmpi eq, %eq3A_39, %iota3A : vector<10000x256xi32>
    %convert_element_type3A_41 = arith.extui %eq3A_40 : vector<10000x256xi1> to vector<10000x256xi32>
    %convert_element_type3A_42 = arith.sitofp %convert_element_type3A_41 : vector<10000x256xi32> to vector<10000x256xf32>
    %add3A_43 = arith.addf %add3A_34, %convert_element_type3A_42 : vector<10000x256xf32>
    %slice3A_44 = vector.extract_strided_slice %get3A_1 {offsets = [0, 5], sizes = [10000, 1], strides = [1, 1]} : vector<10000x9xi32> to vector<10000x1xi32>
    %add3A_45 = arith.constant 163 : i32
    %add3A_46 = vector.broadcast %add3A_45 : i32 to vector<10000x1xi32>
    %add3A_47 = arith.addi %slice3A_44, %add3A_46 : vector<10000x1xi32>
    %eq3A_48 = vector.broadcast %add3A_47 : vector<10000x1xi32> to vector<10000x256xi32>
    %eq3A_49 = arith.cmpi eq, %eq3A_48, %iota3A : vector<10000x256xi32>
    %convert_element_type3A_50 = arith.extui %eq3A_49 : vector<10000x256xi1> to vector<10000x256xi32>
    %convert_element_type3A_51 = arith.sitofp %convert_element_type3A_50 : vector<10000x256xi32> to vector<10000x256xf32>
    %add3A_52 = arith.addf %add3A_43, %convert_element_type3A_51 : vector<10000x256xf32>
    %slice3A_53 = vector.extract_strided_slice %get3A_1 {offsets = [0, 6], sizes = [10000, 1], strides = [1, 1]} : vector<10000x9xi32> to vector<10000x1xi32>
    %add3A_54 = arith.constant 170 : i32
    %add3A_55 = vector.broadcast %add3A_54 : i32 to vector<10000x1xi32>
    %add3A_56 = arith.addi %slice3A_53, %add3A_55 : vector<10000x1xi32>
    %eq3A_57 = vector.broadcast %add3A_56 : vector<10000x1xi32> to vector<10000x256xi32>
    %eq3A_58 = arith.cmpi eq, %eq3A_57, %iota3A : vector<10000x256xi32>
    %convert_element_type3A_59 = arith.extui %eq3A_58 : vector<10000x256xi1> to vector<10000x256xi32>
    %convert_element_type3A_60 = arith.sitofp %convert_element_type3A_59 : vector<10000x256xi32> to vector<10000x256xf32>
    %add3A_61 = arith.addf %add3A_52, %convert_element_type3A_60 : vector<10000x256xf32>
    %slice3A_62 = vector.extract_strided_slice %get3A_1 {offsets = [0, 7], sizes = [10000, 1], strides = [1, 1]} : vector<10000x9xi32> to vector<10000x1xi32>
    %add3A_63 = arith.constant 177 : i32
    %add3A_64 = vector.broadcast %add3A_63 : i32 to vector<10000x1xi32>
    %add3A_65 = arith.addi %slice3A_62, %add3A_64 : vector<10000x1xi32>
    %eq3A_66 = vector.broadcast %add3A_65 : vector<10000x1xi32> to vector<10000x256xi32>
    %eq3A_67 = arith.cmpi eq, %eq3A_66, %iota3A : vector<10000x256xi32>
    %convert_element_type3A_68 = arith.extui %eq3A_67 : vector<10000x256xi1> to vector<10000x256xi32>
    %convert_element_type3A_69 = arith.sitofp %convert_element_type3A_68 : vector<10000x256xi32> to vector<10000x256xf32>
    %add3A_70 = arith.addf %add3A_61, %convert_element_type3A_69 : vector<10000x256xf32>
    %slice3A_71 = vector.extract_strided_slice %get3A_1 {offsets = [0, 8], sizes = [10000, 1], strides = [1, 1]} : vector<10000x9xi32> to vector<10000x1xi32>
    %add3A_72 = arith.constant 180 : i32
    %add3A_73 = vector.broadcast %add3A_72 : i32 to vector<10000x1xi32>
    %add3A_74 = arith.addi %slice3A_71, %add3A_73 : vector<10000x1xi32>
    %eq3A_75 = vector.broadcast %add3A_74 : vector<10000x1xi32> to vector<10000x256xi32>
    %eq3A_76 = arith.cmpi eq, %eq3A_75, %iota3A : vector<10000x256xi32>
    %convert_element_type3A_77 = arith.extui %eq3A_76 : vector<10000x256xi1> to vector<10000x256xi32>
    %convert_element_type3A_78 = arith.sitofp %convert_element_type3A_77 : vector<10000x256xi32> to vector<10000x256xf32>
    %add3A_79 = arith.addf %add3A_70, %convert_element_type3A_78 : vector<10000x256xf32>
    %get3A_80 = arith.constant 0 : index
    %get3A_81 = arith.constant 0 : index
    %get3A_82 = vector.load %arg1[%get3A_80, %get3A_81] : memref<256x128xf32, #tpu.memory_space<vmem>>, vector<256x128xf32>
    %dot_general3A = arith.constant dense<0.000000e+00> : vector<10000x128xf32>
    %dot_general3A_83 = tpu.matmul %add3A_79, %get3A_82, %dot_general3A {dimension_numbers = #tpu.dot_dimension_numbers<[1], [0], [0], [1], [0, 0, 1, 1], [], []>, transpose_lhs_hint = false} : vector<10000x256xf32>, vector<256x128xf32>, vector<10000x128xf32> -> vector<10000x128xf32>
    %swap3A = arith.constant 0 : index
    %swap3A_84 = arith.constant 0 : index
    %swap3A_85 = vector.load %arg2[%swap3A, %swap3A_84] : memref<10000x128xf32, #tpu.memory_space<vmem>>, vector<10000x128xf32>
    tpu.vector_store %arg2[%swap3A, %swap3A_84], %dot_general3A_83 {strides = array<i32>} : memref<10000x128xf32, #tpu.memory_space<vmem>>, vector<10000x128xf32>,
    return
  }
}

module attributes {stable_mosaic.version = 14 : i64} {
  func.func @_layer0_body(%arg0: memref<10000x128xf32, #tpu.memory_space<vmem>>, %arg1: memref<2x10000x1xf32, #tpu.memory_space<vmem>>, %arg2: memref<128xf32, #tpu.memory_space<vmem>>, %arg3: memref<128xf32, #tpu.memory_space<vmem>>, %arg4: memref<128x128xf32, #tpu.memory_space<vmem>>, %arg5: memref<10000x128xf32, #tpu.memory_space<vmem>>, %arg6: memref<10000x1xf32, #tpu.memory_space<vmem>>) attributes {dimension_semantics = [], scalar_prefetch = 0 : i64, scratch_operands = 0 : i64, tpu.core_type = #tpu.core_type<tc>} {
    %get3A = arith.constant 0 : index
    %get3A_0 = arith.constant 0 : index
    %get3A_1 = arith.constant 0 : index
    %get3A_2 = vector.load %arg1[%get3A, %get3A_0, %get3A_1] : memref<2x10000x1xf32, #tpu.memory_space<vmem>>, vector<1x10000x1xf32>
    %get3A_3 = vector.shape_cast %get3A_2 : vector<1x10000x1xf32> to vector<10000x1xf32>
    %get3A_4 = arith.constant 1 : index
    %get3A_5 = arith.constant 0 : index
    %get3A_6 = arith.constant 0 : index
    %get3A_7 = vector.load %arg1[%get3A_4, %get3A_5, %get3A_6] : memref<2x10000x1xf32, #tpu.memory_space<vmem>>, vector<1x10000x1xf32>
    %get3A_8 = vector.shape_cast %get3A_7 : vector<1x10000x1xf32> to vector<10000x1xf32>
    %add3A = arith.addf %get3A_3, %get3A_8 : vector<10000x1xf32>
    %add3A_9 = arith.constant 1.000000e+00 : f32
    %add3A_10 = vector.broadcast %add3A_9 : f32 to vector<10000x1xf32>
    %add3A_11 = arith.addf %add3A, %add3A_10 : vector<10000x1xf32>
    %rsqrt3A = math.rsqrt %add3A_11 : vector<10000x1xf32>
    %swap3A = arith.constant 0 : index
    %swap3A_12 = arith.constant 0 : index
    %swap3A_13 = vector.load %arg6[%swap3A, %swap3A_12] : memref<10000x1xf32, #tpu.memory_space<vmem>>, vector<10000x1xf32>
    tpu.vector_store %arg6[%swap3A, %swap3A_12], %rsqrt3A {strides = array<i32>} : memref<10000x1xf32, #tpu.memory_space<vmem>>, vector<10000x1xf32>,
    %get3A_14 = arith.constant 0 : index
    %get3A_15 = arith.constant 0 : index
    %get3A_16 = vector.load %arg0[%get3A_14, %get3A_15] : memref<10000x128xf32, #tpu.memory_space<vmem>>, vector<10000x128xf32>
    %get3A_17 = arith.constant 0 : index
    %get3A_18 = vector.load %arg2[%get3A_17] : memref<128xf32, #tpu.memory_space<vmem>>, vector<128xf32>
    %get3A_19 = arith.constant 0 : index
    %get3A_20 = vector.load %arg3[%get3A_19] : memref<128xf32, #tpu.memory_space<vmem>>, vector<128xf32>
    %reduce_sum3A = arith.constant dense<0.000000e+00> : vector<128xf32>
    %reduce_sum3A_21 = vector.multi_reduction <add>, %get3A_16, %reduce_sum3A [0] : vector<10000x128xf32> to vector<128xf32>
    %broadcast_in_dim3A = vector.shape_cast %reduce_sum3A_21 : vector<128xf32> to vector<1x128xf32>
    %div3A = arith.constant 1.000000e+04 : f32
    %div3A_22 = vector.broadcast %div3A : f32 to vector<1x128xf32>
    %div3A_23 = arith.divf %broadcast_in_dim3A, %div3A_22 : vector<1x128xf32>
    %sub3A = vector.broadcast %div3A_23 : vector<1x128xf32> to vector<10000x128xf32>
    %sub3A_24 = arith.subf %get3A_16, %sub3A : vector<10000x128xf32>
    %sub3A_25 = vector.broadcast %div3A_23 : vector<1x128xf32> to vector<10000x128xf32>
    %sub3A_26 = arith.subf %get3A_16, %sub3A_25 : vector<10000x128xf32>
    %mul3A = arith.mulf %sub3A_24, %sub3A_26 : vector<10000x128xf32>
    %reduce_sum3A_27 = arith.constant dense<0.000000e+00> : vector<128xf32>
    %reduce_sum3A_28 = vector.multi_reduction <add>, %mul3A, %reduce_sum3A_27 [0] : vector<10000x128xf32> to vector<128xf32>
    %broadcast_in_dim3A_29 = vector.shape_cast %reduce_sum3A_28 : vector<128xf32> to vector<1x128xf32>
    %div3A_30 = arith.constant 1.000000e+04 : f32
    %div3A_31 = vector.broadcast %div3A_30 : f32 to vector<1x128xf32>
    %div3A_32 = arith.divf %broadcast_in_dim3A_29, %div3A_31 : vector<1x128xf32>
    %sub3A_33 = vector.broadcast %div3A_23 : vector<1x128xf32> to vector<10000x128xf32>
    %sub3A_34 = arith.subf %get3A_16, %sub3A_33 : vector<10000x128xf32>
    %add3A_35 = arith.constant 9.99999974E-6 : f32
    %add3A_36 = vector.broadcast %add3A_35 : f32 to vector<1x128xf32>
    %add3A_37 = arith.addf %div3A_32, %add3A_36 : vector<1x128xf32>
    %rsqrt3A_38 = math.rsqrt %add3A_37 : vector<1x128xf32>
    %mul3A_39 = vector.broadcast %rsqrt3A_38 : vector<1x128xf32> to vector<10000x128xf32>
    %mul3A_40 = arith.mulf %sub3A_34, %mul3A_39 : vector<10000x128xf32>
    %broadcast_in_dim3A_41 = vector.shape_cast %get3A_18 : vector<128xf32> to vector<1x128xf32>
    %mul3A_42 = vector.broadcast %broadcast_in_dim3A_41 : vector<1x128xf32> to vector<10000x128xf32>
    %mul3A_43 = arith.mulf %mul3A_40, %mul3A_42 : vector<10000x128xf32>
    %broadcast_in_dim3A_44 = vector.shape_cast %get3A_20 : vector<128xf32> to vector<1x128xf32>
    %add3A_45 = vector.broadcast %broadcast_in_dim3A_44 : vector<1x128xf32> to vector<10000x128xf32>
    %add3A_46 = arith.addf %mul3A_43, %add3A_45 : vector<10000x128xf32>
    %get3A_47 = arith.constant 0 : index
    %get3A_48 = arith.constant 0 : index
    %get3A_49 = vector.load %arg4[%get3A_47, %get3A_48] : memref<128x128xf32, #tpu.memory_space<vmem>>, vector<128x128xf32>
    %dot_general3A = arith.constant dense<0.000000e+00> : vector<10000x128xf32>
    %dot_general3A_50 = tpu.matmul %add3A_46, %get3A_49, %dot_general3A {dimension_numbers = #tpu.dot_dimension_numbers<[1], [0], [0], [1], [0, 0, 1, 1], [], []>, transpose_lhs_hint = false} : vector<10000x128xf32>, vector<128x128xf32>, vector<10000x128xf32> -> vector<10000x128xf32>
    %mul3A_51 = vector.broadcast %rsqrt3A : vector<10000x1xf32> to vector<10000x128xf32>
    %mul3A_52 = arith.mulf %dot_general3A_50, %mul3A_51 : vector<10000x128xf32>
    %swap3A_53 = arith.constant 0 : index
    %swap3A_54 = arith.constant 0 : index
    %swap3A_55 = vector.load %arg5[%swap3A_53, %swap3A_54] : memref<10000x128xf32, #tpu.memory_space<vmem>>, vector<10000x128xf32>
    tpu.vector_store %arg5[%swap3A_53, %swap3A_54], %mul3A_52 {strides = array<i32>} : memref<10000x128xf32, #tpu.memory_space<vmem>>, vector<10000x128xf32>,
    return
  }
}

module attributes {stable_mosaic.version = 14 : i64} {
  func.func @_layer_body(%arg0: memref<2x10000x128xf32, #tpu.memory_space<vmem>>, %arg1: memref<10000x128xf32, #tpu.memory_space<vmem>>, %arg2: memref<10000x1xf32, #tpu.memory_space<vmem>>, %arg3: memref<128xf32, #tpu.memory_space<vmem>>, %arg4: memref<128xf32, #tpu.memory_space<vmem>>, %arg5: memref<128xf32, #tpu.memory_space<vmem>>, %arg6: memref<128x128xf32, #tpu.memory_space<vmem>>, %arg7: memref<10000x128xf32, #tpu.memory_space<vmem>>) attributes {dimension_semantics = [], scalar_prefetch = 0 : i64, scratch_operands = 0 : i64, tpu.core_type = #tpu.core_type<tc>} {
    %get3A = arith.constant 0 : index
    %get3A_0 = arith.constant 0 : index
    %get3A_1 = vector.load %arg2[%get3A, %get3A_0] : memref<10000x1xf32, #tpu.memory_space<vmem>>, vector<10000x1xf32>
    %get3A_2 = arith.constant 0 : index
    %get3A_3 = arith.constant 0 : index
    %get3A_4 = arith.constant 0 : index
    %get3A_5 = vector.load %arg0[%get3A_2, %get3A_3, %get3A_4] : memref<2x10000x128xf32, #tpu.memory_space<vmem>>, vector<1x10000x128xf32>
    %get3A_6 = vector.shape_cast %get3A_5 : vector<1x10000x128xf32> to vector<10000x128xf32>
    %get3A_7 = arith.constant 1 : index
    %get3A_8 = arith.constant 0 : index
    %get3A_9 = arith.constant 0 : index
    %get3A_10 = vector.load %arg0[%get3A_7, %get3A_8, %get3A_9] : memref<2x10000x128xf32, #tpu.memory_space<vmem>>, vector<1x10000x128xf32>
    %get3A_11 = vector.shape_cast %get3A_10 : vector<1x10000x128xf32> to vector<10000x128xf32>
    %add3A = arith.addf %get3A_6, %get3A_11 : vector<10000x128xf32>
    %get3A_12 = arith.constant 0 : index
    %get3A_13 = arith.constant 0 : index
    %get3A_14 = vector.load %arg1[%get3A_12, %get3A_13] : memref<10000x128xf32, #tpu.memory_space<vmem>>, vector<10000x128xf32>
    %add3A_15 = arith.addf %add3A, %get3A_14 : vector<10000x128xf32>
    %mul3A = vector.broadcast %get3A_1 : vector<10000x1xf32> to vector<10000x128xf32>
    %mul3A_16 = arith.mulf %add3A_15, %mul3A : vector<10000x128xf32>
    %get3A_17 = arith.constant 0 : index
    %get3A_18 = vector.load %arg3[%get3A_17] : memref<128xf32, #tpu.memory_space<vmem>>, vector<128xf32>
    %broadcast_in_dim3A = vector.shape_cast %get3A_18 : vector<128xf32> to vector<1x128xf32>
    %add3A_19 = vector.broadcast %broadcast_in_dim3A : vector<1x128xf32> to vector<10000x128xf32>
    %add3A_20 = arith.addf %mul3A_16, %add3A_19 : vector<10000x128xf32>
    %max3A = arith.constant 0.000000e+00 : f32
    %max3A_21 = vector.broadcast %max3A : f32 to vector<10000x128xf32>
    %max3A_22 = arith.maximumf %add3A_20, %max3A_21 : vector<10000x128xf32>
    %get3A_23 = arith.constant 0 : index
    %get3A_24 = vector.load %arg4[%get3A_23] : memref<128xf32, #tpu.memory_space<vmem>>, vector<128xf32>
    %get3A_25 = arith.constant 0 : index
    %get3A_26 = vector.load %arg5[%get3A_25] : memref<128xf32, #tpu.memory_space<vmem>>, vector<128xf32>
    %reduce_sum3A = arith.constant dense<0.000000e+00> : vector<128xf32>
    %reduce_sum3A_27 = vector.multi_reduction <add>, %max3A_22, %reduce_sum3A [0] : vector<10000x128xf32> to vector<128xf32>
    %broadcast_in_dim3A_28 = vector.shape_cast %reduce_sum3A_27 : vector<128xf32> to vector<1x128xf32>
    %div3A = arith.constant 1.000000e+04 : f32
    %div3A_29 = vector.broadcast %div3A : f32 to vector<1x128xf32>
    %div3A_30 = arith.divf %broadcast_in_dim3A_28, %div3A_29 : vector<1x128xf32>
    %sub3A = vector.broadcast %div3A_30 : vector<1x128xf32> to vector<10000x128xf32>
    %sub3A_31 = arith.subf %max3A_22, %sub3A : vector<10000x128xf32>
    %sub3A_32 = vector.broadcast %div3A_30 : vector<1x128xf32> to vector<10000x128xf32>
    %sub3A_33 = arith.subf %max3A_22, %sub3A_32 : vector<10000x128xf32>
    %mul3A_34 = arith.mulf %sub3A_31, %sub3A_33 : vector<10000x128xf32>
    %reduce_sum3A_35 = arith.constant dense<0.000000e+00> : vector<128xf32>
    %reduce_sum3A_36 = vector.multi_reduction <add>, %mul3A_34, %reduce_sum3A_35 [0] : vector<10000x128xf32> to vector<128xf32>
    %broadcast_in_dim3A_37 = vector.shape_cast %reduce_sum3A_36 : vector<128xf32> to vector<1x128xf32>
    %div3A_38 = arith.constant 1.000000e+04 : f32
    %div3A_39 = vector.broadcast %div3A_38 : f32 to vector<1x128xf32>
    %div3A_40 = arith.divf %broadcast_in_dim3A_37, %div3A_39 : vector<1x128xf32>
    %sub3A_41 = vector.broadcast %div3A_30 : vector<1x128xf32> to vector<10000x128xf32>
    %sub3A_42 = arith.subf %max3A_22, %sub3A_41 : vector<10000x128xf32>
    %add3A_43 = arith.constant 9.99999974E-6 : f32
    %add3A_44 = vector.broadcast %add3A_43 : f32 to vector<1x128xf32>
    %add3A_45 = arith.addf %div3A_40, %add3A_44 : vector<1x128xf32>
    %rsqrt3A = math.rsqrt %add3A_45 : vector<1x128xf32>
    %mul3A_46 = vector.broadcast %rsqrt3A : vector<1x128xf32> to vector<10000x128xf32>
    %mul3A_47 = arith.mulf %sub3A_42, %mul3A_46 : vector<10000x128xf32>
    %broadcast_in_dim3A_48 = vector.shape_cast %get3A_24 : vector<128xf32> to vector<1x128xf32>
    %mul3A_49 = vector.broadcast %broadcast_in_dim3A_48 : vector<1x128xf32> to vector<10000x128xf32>
    %mul3A_50 = arith.mulf %mul3A_47, %mul3A_49 : vector<10000x128xf32>
    %broadcast_in_dim3A_51 = vector.shape_cast %get3A_26 : vector<128xf32> to vector<1x128xf32>
    %add3A_52 = vector.broadcast %broadcast_in_dim3A_51 : vector<1x128xf32> to vector<10000x128xf32>
    %add3A_53 = arith.addf %mul3A_50, %add3A_52 : vector<10000x128xf32>
    %get3A_54 = arith.constant 0 : index
    %get3A_55 = arith.constant 0 : index
    %get3A_56 = vector.load %arg6[%get3A_54, %get3A_55] : memref<128x128xf32, #tpu.memory_space<vmem>>, vector<128x128xf32>
    %dot_general3A = arith.constant dense<0.000000e+00> : vector<10000x128xf32>
    %dot_general3A_57 = tpu.matmul %add3A_53, %get3A_56, %dot_general3A {dimension_numbers = #tpu.dot_dimension_numbers<[1], [0], [0], [1], [0, 0, 1, 1], [], []>, transpose_lhs_hint = false} : vector<10000x128xf32>, vector<128x128xf32>, vector<10000x128xf32> -> vector<10000x128xf32>
    %mul3A_58 = vector.broadcast %get3A_1 : vector<10000x1xf32> to vector<10000x128xf32>
    %mul3A_59 = arith.mulf %dot_general3A_57, %mul3A_58 : vector<10000x128xf32>
    %swap3A = arith.constant 0 : index
    %swap3A_60 = arith.constant 0 : index
    %swap3A_61 = vector.load %arg7[%swap3A, %swap3A_60] : memref<10000x128xf32, #tpu.memory_space<vmem>>, vector<10000x128xf32>
    tpu.vector_store %arg7[%swap3A, %swap3A_60], %mul3A_59 {strides = array<i32>} : memref<10000x128xf32, #tpu.memory_space<vmem>>, vector<10000x128xf32>,
    return
  }
}

module attributes {stable_mosaic.version = 14 : i64} {
  func.func @_readout_body(%arg0: memref<2x10000x128xf32, #tpu.memory_space<vmem>>, %arg1: memref<10000x128xf32, #tpu.memory_space<vmem>>, %arg2: memref<10000x1xf32, #tpu.memory_space<vmem>>, %arg3: memref<128xf32, #tpu.memory_space<vmem>>, %arg4: memref<1x10000xi32, #tpu.memory_space<vmem>>, %arg5: memref<128xf32, #tpu.memory_space<vmem>>, %arg6: memref<128xf32, #tpu.memory_space<vmem>>, %arg7: memref<128x128xf32, #tpu.memory_space<vmem>>, %arg8: memref<128xf32, #tpu.memory_space<vmem>>, %arg9: memref<128xf32, #tpu.memory_space<vmem>>, %arg10: memref<128xf32, #tpu.memory_space<vmem>>, %arg11: memref<128x10xf32, #tpu.memory_space<vmem>>, %arg12: memref<10xf32, #tpu.memory_space<vmem>>, %arg13: memref<256x10xf32, #tpu.memory_space<vmem>>) attributes {dimension_semantics = [], scalar_prefetch = 0 : i64, scratch_operands = 0 : i64, tpu.core_type = #tpu.core_type<tc>} {
    %get3A = arith.constant 0 : index
    %get3A_0 = arith.constant 0 : index
    %get3A_1 = vector.load %arg2[%get3A, %get3A_0] : memref<10000x1xf32, #tpu.memory_space<vmem>>, vector<10000x1xf32>
    %get3A_2 = arith.constant 0 : index
    %get3A_3 = arith.constant 0 : index
    %get3A_4 = arith.constant 0 : index
    %get3A_5 = vector.load %arg0[%get3A_2, %get3A_3, %get3A_4] : memref<2x10000x128xf32, #tpu.memory_space<vmem>>, vector<1x10000x128xf32>
    %get3A_6 = vector.shape_cast %get3A_5 : vector<1x10000x128xf32> to vector<10000x128xf32>
    %get3A_7 = arith.constant 1 : index
    %get3A_8 = arith.constant 0 : index
    %get3A_9 = arith.constant 0 : index
    %get3A_10 = vector.load %arg0[%get3A_7, %get3A_8, %get3A_9] : memref<2x10000x128xf32, #tpu.memory_space<vmem>>, vector<1x10000x128xf32>
    %get3A_11 = vector.shape_cast %get3A_10 : vector<1x10000x128xf32> to vector<10000x128xf32>
    %add3A = arith.addf %get3A_6, %get3A_11 : vector<10000x128xf32>
    %get3A_12 = arith.constant 0 : index
    %get3A_13 = arith.constant 0 : index
    %get3A_14 = vector.load %arg1[%get3A_12, %get3A_13] : memref<10000x128xf32, #tpu.memory_space<vmem>>, vector<10000x128xf32>
    %add3A_15 = arith.addf %add3A, %get3A_14 : vector<10000x128xf32>
    %mul3A = vector.broadcast %get3A_1 : vector<10000x1xf32> to vector<10000x128xf32>
    %mul3A_16 = arith.mulf %add3A_15, %mul3A : vector<10000x128xf32>
    %get3A_17 = arith.constant 0 : index
    %get3A_18 = vector.load %arg3[%get3A_17] : memref<128xf32, #tpu.memory_space<vmem>>, vector<128xf32>
    %broadcast_in_dim3A = vector.shape_cast %get3A_18 : vector<128xf32> to vector<1x128xf32>
    %add3A_19 = vector.broadcast %broadcast_in_dim3A : vector<1x128xf32> to vector<10000x128xf32>
    %add3A_20 = arith.addf %mul3A_16, %add3A_19 : vector<10000x128xf32>
    %max3A = arith.constant 0.000000e+00 : f32
    %max3A_21 = vector.broadcast %max3A : f32 to vector<10000x128xf32>
    %max3A_22 = arith.maximumf %add3A_20, %max3A_21 : vector<10000x128xf32>
    %iota3A = tpu.iota {dimensions = array<i32: 0>} : vector<256x10000xi32>
    %get3A_23 = arith.constant 0 : index
    %get3A_24 = arith.constant 0 : index
    %get3A_25 = vector.load %arg4[%get3A_23, %get3A_24] : memref<1x10000xi32, #tpu.memory_space<vmem>>, vector<1x10000xi32>
    %eq3A = vector.broadcast %get3A_25 : vector<1x10000xi32> to vector<256x10000xi32>
    %eq3A_26 = arith.cmpi eq, %iota3A, %eq3A : vector<256x10000xi32>
    %convert_element_type3A = arith.extui %eq3A_26 : vector<256x10000xi1> to vector<256x10000xi32>
    %convert_element_type3A_27 = arith.sitofp %convert_element_type3A : vector<256x10000xi32> to vector<256x10000xf32>
    %dot_general3A = arith.constant dense<0.000000e+00> : vector<256x128xf32>
    %dot_general3A_28 = tpu.matmul %convert_element_type3A_27, %max3A_22, %dot_general3A {dimension_numbers = #tpu.dot_dimension_numbers<[1], [0], [0], [1], [0, 0, 1, 1], [], []>, transpose_lhs_hint = false} : vector<256x10000xf32>, vector<10000x128xf32>, vector<256x128xf32> -> vector<256x128xf32>
    %get3A_29 = arith.constant 0 : index
    %get3A_30 = vector.load %arg5[%get3A_29] : memref<128xf32, #tpu.memory_space<vmem>>, vector<128xf32>
    %get3A_31 = arith.constant 0 : index
    %get3A_32 = vector.load %arg6[%get3A_31] : memref<128xf32, #tpu.memory_space<vmem>>, vector<128xf32>
    %reduce_sum3A = arith.constant dense<0.000000e+00> : vector<128xf32>
    %reduce_sum3A_33 = vector.multi_reduction <add>, %dot_general3A_28, %reduce_sum3A [0] : vector<256x128xf32> to vector<128xf32>
    %broadcast_in_dim3A_34 = vector.shape_cast %reduce_sum3A_33 : vector<128xf32> to vector<1x128xf32>
    %div3A = arith.constant 2.560000e+02 : f32
    %div3A_35 = vector.broadcast %div3A : f32 to vector<1x128xf32>
    %div3A_36 = arith.divf %broadcast_in_dim3A_34, %div3A_35 : vector<1x128xf32>
    %sub3A = vector.broadcast %div3A_36 : vector<1x128xf32> to vector<256x128xf32>
    %sub3A_37 = arith.subf %dot_general3A_28, %sub3A : vector<256x128xf32>
    %sub3A_38 = vector.broadcast %div3A_36 : vector<1x128xf32> to vector<256x128xf32>
    %sub3A_39 = arith.subf %dot_general3A_28, %sub3A_38 : vector<256x128xf32>
    %mul3A_40 = arith.mulf %sub3A_37, %sub3A_39 : vector<256x128xf32>
    %reduce_sum3A_41 = arith.constant dense<0.000000e+00> : vector<128xf32>
    %reduce_sum3A_42 = vector.multi_reduction <add>, %mul3A_40, %reduce_sum3A_41 [0] : vector<256x128xf32> to vector<128xf32>
    %broadcast_in_dim3A_43 = vector.shape_cast %reduce_sum3A_42 : vector<128xf32> to vector<1x128xf32>
    %div3A_44 = arith.constant 2.560000e+02 : f32
    %div3A_45 = vector.broadcast %div3A_44 : f32 to vector<1x128xf32>
    %div3A_46 = arith.divf %broadcast_in_dim3A_43, %div3A_45 : vector<1x128xf32>
    %sub3A_47 = vector.broadcast %div3A_36 : vector<1x128xf32> to vector<256x128xf32>
    %sub3A_48 = arith.subf %dot_general3A_28, %sub3A_47 : vector<256x128xf32>
    %add3A_49 = arith.constant 9.99999974E-6 : f32
    %add3A_50 = vector.broadcast %add3A_49 : f32 to vector<1x128xf32>
    %add3A_51 = arith.addf %div3A_46, %add3A_50 : vector<1x128xf32>
    %rsqrt3A = math.rsqrt %add3A_51 : vector<1x128xf32>
    %mul3A_52 = vector.broadcast %rsqrt3A : vector<1x128xf32> to vector<256x128xf32>
    %mul3A_53 = arith.mulf %sub3A_48, %mul3A_52 : vector<256x128xf32>
    %broadcast_in_dim3A_54 = vector.shape_cast %get3A_30 : vector<128xf32> to vector<1x128xf32>
    %mul3A_55 = vector.broadcast %broadcast_in_dim3A_54 : vector<1x128xf32> to vector<256x128xf32>
    %mul3A_56 = arith.mulf %mul3A_53, %mul3A_55 : vector<256x128xf32>
    %broadcast_in_dim3A_57 = vector.shape_cast %get3A_32 : vector<128xf32> to vector<1x128xf32>
    %add3A_58 = vector.broadcast %broadcast_in_dim3A_57 : vector<1x128xf32> to vector<256x128xf32>
    %add3A_59 = arith.addf %mul3A_56, %add3A_58 : vector<256x128xf32>
    %get3A_60 = arith.constant 0 : index
    %get3A_61 = arith.constant 0 : index
    %get3A_62 = vector.load %arg7[%get3A_60, %get3A_61] : memref<128x128xf32, #tpu.memory_space<vmem>>, vector<128x128xf32>
    %dot_general3A_63 = arith.constant dense<0.000000e+00> : vector<256x128xf32>
    %dot_general3A_64 = tpu.matmul %add3A_59, %get3A_62, %dot_general3A_63 {dimension_numbers = #tpu.dot_dimension_numbers<[1], [0], [0], [1], [0, 0, 1, 1], [], []>, transpose_lhs_hint = false} : vector<256x128xf32>, vector<128x128xf32>, vector<256x128xf32> -> vector<256x128xf32>
    %get3A_65 = arith.constant 0 : index
    %get3A_66 = vector.load %arg8[%get3A_65] : memref<128xf32, #tpu.memory_space<vmem>>, vector<128xf32>
    %broadcast_in_dim3A_67 = vector.shape_cast %get3A_66 : vector<128xf32> to vector<1x128xf32>
    %add3A_68 = vector.broadcast %broadcast_in_dim3A_67 : vector<1x128xf32> to vector<256x128xf32>
    %add3A_69 = arith.addf %dot_general3A_64, %add3A_68 : vector<256x128xf32>
    %max3A_70 = arith.constant 0.000000e+00 : f32
    %max3A_71 = vector.broadcast %max3A_70 : f32 to vector<256x128xf32>
    %max3A_72 = arith.maximumf %add3A_69, %max3A_71 : vector<256x128xf32>
    %get3A_73 = arith.constant 0 : index
    %get3A_74 = vector.load %arg9[%get3A_73] : memref<128xf32, #tpu.memory_space<vmem>>, vector<128xf32>
    %get3A_75 = arith.constant 0 : index
    %get3A_76 = vector.load %arg10[%get3A_75] : memref<128xf32, #tpu.memory_space<vmem>>, vector<128xf32>
    %reduce_sum3A_77 = arith.constant dense<0.000000e+00> : vector<128xf32>
    %reduce_sum3A_78 = vector.multi_reduction <add>, %max3A_72, %reduce_sum3A_77 [0] : vector<256x128xf32> to vector<128xf32>
    %broadcast_in_dim3A_79 = vector.shape_cast %reduce_sum3A_78 : vector<128xf32> to vector<1x128xf32>
    %div3A_80 = arith.constant 2.560000e+02 : f32
    %div3A_81 = vector.broadcast %div3A_80 : f32 to vector<1x128xf32>
    %div3A_82 = arith.divf %broadcast_in_dim3A_79, %div3A_81 : vector<1x128xf32>
    %sub3A_83 = vector.broadcast %div3A_82 : vector<1x128xf32> to vector<256x128xf32>
    %sub3A_84 = arith.subf %max3A_72, %sub3A_83 : vector<256x128xf32>
    %sub3A_85 = vector.broadcast %div3A_82 : vector<1x128xf32> to vector<256x128xf32>
    %sub3A_86 = arith.subf %max3A_72, %sub3A_85 : vector<256x128xf32>
    %mul3A_87 = arith.mulf %sub3A_84, %sub3A_86 : vector<256x128xf32>
    %reduce_sum3A_88 = arith.constant dense<0.000000e+00> : vector<128xf32>
    %reduce_sum3A_89 = vector.multi_reduction <add>, %mul3A_87, %reduce_sum3A_88 [0] : vector<256x128xf32> to vector<128xf32>
    %broadcast_in_dim3A_90 = vector.shape_cast %reduce_sum3A_89 : vector<128xf32> to vector<1x128xf32>
    %div3A_91 = arith.constant 2.560000e+02 : f32
    %div3A_92 = vector.broadcast %div3A_91 : f32 to vector<1x128xf32>
    %div3A_93 = arith.divf %broadcast_in_dim3A_90, %div3A_92 : vector<1x128xf32>
    %sub3A_94 = vector.broadcast %div3A_82 : vector<1x128xf32> to vector<256x128xf32>
    %sub3A_95 = arith.subf %max3A_72, %sub3A_94 : vector<256x128xf32>
    %add3A_96 = arith.constant 9.99999974E-6 : f32
    %add3A_97 = vector.broadcast %add3A_96 : f32 to vector<1x128xf32>
    %add3A_98 = arith.addf %div3A_93, %add3A_97 : vector<1x128xf32>
    %rsqrt3A_99 = math.rsqrt %add3A_98 : vector<1x128xf32>
    %mul3A_100 = vector.broadcast %rsqrt3A_99 : vector<1x128xf32> to vector<256x128xf32>
    %mul3A_101 = arith.mulf %sub3A_95, %mul3A_100 : vector<256x128xf32>
    %broadcast_in_dim3A_102 = vector.shape_cast %get3A_74 : vector<128xf32> to vector<1x128xf32>
    %mul3A_103 = vector.broadcast %broadcast_in_dim3A_102 : vector<1x128xf32> to vector<256x128xf32>
    %mul3A_104 = arith.mulf %mul3A_101, %mul3A_103 : vector<256x128xf32>
    %broadcast_in_dim3A_105 = vector.shape_cast %get3A_76 : vector<128xf32> to vector<1x128xf32>
    %add3A_106 = vector.broadcast %broadcast_in_dim3A_105 : vector<1x128xf32> to vector<256x128xf32>
    %add3A_107 = arith.addf %mul3A_104, %add3A_106 : vector<256x128xf32>
    %get3A_108 = arith.constant 0 : index
    %get3A_109 = arith.constant 0 : index
    %get3A_110 = vector.load %arg11[%get3A_108, %get3A_109] : memref<128x10xf32, #tpu.memory_space<vmem>>, vector<128x10xf32>
    %dot_general3A_111 = arith.constant dense<0.000000e+00> : vector<256x10xf32>
    %dot_general3A_112 = tpu.matmul %add3A_107, %get3A_110, %dot_general3A_111 {dimension_numbers = #tpu.dot_dimension_numbers<[1], [0], [0], [1], [0, 0, 1, 1], [], []>, transpose_lhs_hint = false} : vector<256x128xf32>, vector<128x10xf32>, vector<256x10xf32> -> vector<256x10xf32>
    %get3A_113 = arith.constant 0 : index
    %get3A_114 = vector.load %arg12[%get3A_113] : memref<10xf32, #tpu.memory_space<vmem>>, vector<10xf32>
    %broadcast_in_dim3A_115 = vector.shape_cast %get3A_114 : vector<10xf32> to vector<1x10xf32>
    %add3A_116 = vector.broadcast %broadcast_in_dim3A_115 : vector<1x10xf32> to vector<256x10xf32>
    %add3A_117 = arith.addf %dot_general3A_112, %add3A_116 : vector<256x10xf32>
    %swap3A = arith.constant 0 : index
    %swap3A_118 = arith.constant 0 : index
    %swap3A_119 = vector.load %arg13[%swap3A, %swap3A_118] : memref<256x10xf32, #tpu.memory_space<vmem>>, vector<256x10xf32>
    tpu.vector_store %arg13[%swap3A, %swap3A_118], %add3A_117 {strides = array<i32>} : memref<256x10xf32, #tpu.memory_space<vmem>>, vector<256x10xf32>,
    return
  }
}

</mosaic_0001>

<sc_bundles>
// kernel: kernel.11.cloned.1.call-start
scs
__scs_entry_jumppad:
0x0: {  	(pc) =	sbr.rel $0x88, $3  }
0x1: {  	(tag) =	ssettag $0x0;
	lr =	simm.s32 $0x1  }
0x2: {  	[smem:$0x3F91] =	sst lr;
	_ =	strace $0xD0000000  }
0x3: {  	_ = 	snop  }
0x4: {  	_ = 	snop  }
0x5: {  	_ = 	snop  }
0x6: {  	_ = 	snop  }
0x7: {  	_ = 	snop  }
__scs_overlays_trampoline_lowered:
0x8: {  	[smem:$0x3FA0] =	sst s0  }
0x9: {  	[smem:$0x3FA1] =	sst s1  }
0xa: {  	[smem:$0x3FA2] =	sst s2  }
0xb: {  	[smem:$0x3FA3] =	sst s3  }
0xc: {  	[smem:$0x3FA4] =	sst s4  }
0xd: {  	[smem:$0x3FA5] =	sst s5  }
0xe: {  	[smem:$0x3FA6] =	sst s6  }
0xf: {  	[smem:$0x3FA7] =	sst s7  }
0x10: {  	[smem:$0x3FA8] =	sst s8  }
0x11: {  	[smem:$0x3FA9] =	sst s9;
	s0 =	simm.s32 @!p0 $0x0  }
0x12: {  	s1 =	sld [smem:$0x3F8F];
	s0 =	simm.s32 @p0 $0x1  }
0x13: {  	[smem:$0x3FAA] =	sst s0;
	s0 =	simm.s32 @!p1 $0x0  }
0x14: {  	s2 =	sld [smem:$0x3F8E];
	s0 =	simm.s32 @p1 $0x1  }
0x15: {  	[smem:$0x3FAB] =	sst s0;
	s0 =	simm.s32 @!p2 $0x0  }
0x16: {  	s3 =	sld [smem:$0x3FDB];
	s0 =	simm.s32 @p2 $0x1  }
0x17: {  	s4 =	simm.s32 $0x1BF5;
	[smem:$0x3FAD] =	sst s0  }
0x18: {  	s0 =	sld [smem:$0x3F90];
	_ =	swait.ge [sflag:s4], $0x0  }
0x19: {  	s7 =	sld [smem:$0x3F91]  }
0x1a: {  	s8 =	sadd.s32 $0xFFFFE003, lr  }
0x1b: {  	s9 =	sadd.s32 $0xFFFFFEF7, lr;
	s5 =	simm.s32 $0xFFFFFFFF;
	p2 =	slt.u32 s8, $0xFFFFF086  }
0x1c: {  	p1 =	slt.u32 s9, $0xF7A;
	s5 =	simm.s32 @!p2 $0x0  }
0x1d: {  	s5 =	simm.s32 @p1 $0x1;
	p0 =	seq.s32 s7, s2  }
0x1e: {  	s7 =	smul.u32 @!p0 $0xF7A, s2;
	p2 =	seq.s32 @!p0 s5, $0x0  }
0x1f: {  	s9 =	smul.u32 $0xF7A, s1;
	s8 =	simm.s32 @!p0 $0x1BF5;
	p2 =	por !p2, p0  }
0x20: {  	[sflag:s8] =	ssyncset.s32 @!p0 $0xFFFFF086;
	s6 =	sadd.s32 @!p0 s3, s7;
	s7 =	simm.s32 @!p0 $0x108  }
0x21: {  	s3 =	sadd.s32 s3, s9;
	s6 =	sadd.s32 @!p0 $0x88, s6;
	s7 =	simm.s32 @p2 $0x1082  }
0x22: {  	[simem:s7], [sflag:s8] =	dma.local @!p0 [hbm:s6], $0xF7A  }
0x23: {  	s9 =	sor.u32 $0xD0000000, s2;
	s6 =	simm.s32 $0x108;
	_ =	swait.ge @!p0 [sflag:s8], $0x0  }
0x24: {  	s3 =	sadd.s32 $0x88, s3;
	s6 =	simm.s32 @!p1 $0x1082;
	[sflag:s4] =	ssyncset.s32 $0xFFFFF086  }
0x25: {  	[simem:s6], [sflag:s4] =	dma.local [hbm:s3], $0xF7A  }
0x26: {  	[smem:$0x3F91] =	sst s1;
	(tag) =	ssettag s2;
	_ =	strace s9  }
0x27: {  	s1 =	sld [smem:$0x3FA1]  }
0x28: {  	s2 =	sld [smem:$0x3FA2]  }
0x29: {  	s4 =	sld [smem:$0x3FA4]  }
0x2a: {  	p0 =	seq.s32 s5, $0x0;
	s5 =	sld [smem:$0x3FA5]  }
0x2b: {  	s6 =	sld [smem:$0x3FA6]  }
0x2c: {  	s7 =	sld [smem:$0x3FA7]  }
0x2d: {  	s3 =	simm.s32 $0x108;
	s8 =	sld [smem:$0x3FA8]  }
0x2e: {  	s3 =	simm.s32 @!p0 $0x1082;
	s9 =	sld [smem:$0x3FA9]  }
0x2f: {  	lr =	sadd.s32 s0, s3;
	s0 =	sld [smem:$0x3FA0]  }
0x30: {  	s3 =	sld [smem:$0x3FA3]  }
0x31: {  	[smem:$0x3FAC] =	sst s10  }
0x32: {  	s10 =	sld [smem:$0x3FAA];
	_ =	sdelay $0x3  }
0x33: {  	p0 =	seq.s32 s10, $0x1;
	s10 =	sld [smem:$0x3FAC];
	_ =	sdelay $0x3  }
0x34: {  	[smem:$0x3FAC] =	sst s10  }
0x35: {  	s10 =	sld [smem:$0x3FAB];
	_ =	sdelay $0x3  }
0x36: {  	p1 =	seq.s32 s10, $0x1;
	s10 =	sld [smem:$0x3FAC];
	_ =	sdelay $0x3  }
0x37: {  	[smem:$0x3FAC] =	sst s10  }
0x38: {  	s10 =	sld [smem:$0x3FAD]  }
0x39: {  	_ = 	snop;
	(pc) =	sbr.ind lr, $3  }
0x3a: {  	_ = 	snop  }
0x3b: {  	_ = 	snop  }
0x3c: {  	p2 =	seq.s32 s10, $0x1;
	s10 =	sld [smem:$0x3FAC]  }
0x3d: {  	_ =	shalt  }
0x3e: {  	_ =	shalt  }
0x3f: {  	_ =	shalt  }
0x40: {  	_ =	shalt  }
0x41: {  	_ =	shalt  }
0x42: {  	_ =	shalt  }
0x43: {  	_ =	shalt  }
0x44: {  	_ =	shalt  }
0x45: {  	_ =	shalt  }
0x46: {  	_ =	shalt  }
0x47: {  	_ =	shalt  }
0x48: {  	_ =	shalt  }
0x49: {  	_ =	shalt  }
0x4a: {  	_ =	shalt  }
0x4b: {  	_ =	shalt  }
0x4c: {  	_ =	shalt  }
0x4d: {  	_ =	shalt  }
0x4e: {  	_ =	shalt  }
0x4f: {  	_ =	shalt  }
0x50: {  	_ =	shalt  }
0x51: {  	_ =	shalt  }
0x52: {  	_ =	shalt  }
0x53: {  	_ =	shalt  }
0x54: {  	_ =	shalt  }
0x55: {  	_ =	shalt  }
0x56: {  	_ =	shalt  }
0x57: {  	_ =	shalt  }
0x58: {  	_ =	shalt  }
0x59: {  	_ =	shalt  }
0x5a: {  	_ =	shalt  }
0x5b: {  	_ =	shalt  }
0x5c: {  	_ =	shalt  }
0x5d: {  	_ =	shalt  }
0x5e: {  	_ =	shalt  }
0x5f: {  	_ =	shalt  }
0x60: {  	_ =	shalt  }
0x61: {  	_ =	shalt  }
0x62: {  	_ =	shalt  }
0x63: {  	_ =	shalt  }
0x64: {  	_ =	shalt  }
0x65: {  	_ =	shalt  }
0x66: {  	_ =	shalt  }
0x67: {  	_ =	shalt  }
0x68: {  	_ =	shalt  }
0x69: {  	_ =	shalt  }
0x6a: {  	_ =	shalt  }
0x6b: {  	_ =	shalt  }
0x6c: {  	_ =	shalt  }
0x6d: {  	_ =	shalt  }
0x6e: {  	_ =	shalt  }
0x6f: {  	_ =	shalt  }
0x70: {  	_ =	shalt  }
0x71: {  	_ =	shalt  }
0x72: {  	_ =	shalt  }
0x73: {  	_ =	shalt  }
0x74: {  	_ =	shalt  }
0x75: {  	_ =	shalt  }
0x76: {  	_ =	shalt  }
0x77: {  	_ =	shalt  }
0x78: {  	_ =	shalt  }
0x79: {  	_ =	shalt  }
0x7a: {  	_ =	shalt  }
0x7b: {  	_ =	shalt  }
0x7c: {  	_ =	shalt  }
0x7d: {  	_ =	shalt  }
0x7e: {  	_ =	shalt  }
0x7f: {  	_ =	shalt  }
0x80: {  	_ =	shalt  }
0x81: {  	_ =	shalt  }
0x82: {  	_ =	shalt  }
0x83: {  	_ =	shalt  }
0x84: {  	_ =	shalt  }
0x85: {  	_ =	shalt  }
0x86: {  	_ =	shalt  }
0x87: {  	_ =	shalt  }
.Lfunc_end0:
.L_simem_size_0:
called_computation_lowered:
.L_overlay_start_0:
0x88: {  	s2 =	sld [smem:$0x3FD9]  }
0x89: {  	s3 =	sld [smem:$0x3FFE];
	_ =	sdelay $0x1  }
0x8a: {  	s1 =	srdreg.scid  }
0x8b: {  	s0 =	sand.u32 $0x1, s1  }
0x8c: {  	s16 =	sshll.u32 s0, $0xA;
	s2 =	sadd.s32 s3, s2  }
0x8d: {  	s2 =	sadd.s32 s2, s16  }
0x8e: {  	[smem:$0x3FB8] =	sst s2  }
0x8f: {  	_ = 	snop  }
0x90: {  	(tm) =	ssettm $0x1  }
0x91: {  	s17 =	sld [smem:$0x3FFB];
	_ =	sdelay $0x3  }
0x92: {  	_ =	strace s17  }
0x93: {  	s2 =	sld [smem:$0x3FFC];
	_ =	sdelay $0x3  }
0x94: {  	_ =	strace s2  }
0x95: {  	s2 =	sld [smem:$0x3FFD];
	_ =	sdelay $0x3  }
0x96: {  	_ =	strace s2  }
0x97: {  	_ =	strace $0x8FFFFFFF  }
0x98: {  	s18 =	sld [smem:$0x3FDB];
	_ =	sdelay $0x1  }
0x99: {  	s19 =	simm.s32 $_scs_section_size  }
0x9a: {  	s4 =	simm.s32 $_size__tile_overlayer_lowered;
	s5 =	simm.s32 $_tile_overlayer_lowered  }
0x9b: {  	s22 =	simm.s32 $0x1BFF;
	s21 =	sshll.u32 s5, $0x1;
	s2 =	sadd.s32 s19, s18  }
0x9c: {  	s6 =	simm.s32 $0x0;
	s20 =	sshll.u32 s4, $0x1;
	s4 =	sadd.s32 s21, s2  }
0x9d: {  	[timem:s6], [sflag:s22] =	dma.local [hbm:s4], s20  }
0x9e: {  	_ =	swait.ge [sflag:s22], s20  }
0x9f: {  	s3 =	ssub.s32 $0x0, s20;
	[sflag:s22] =	ssyncset.done $0x0  }
0xa0: {  	[sflag:s22] =	ssyncadd.s32 s3;
	_ =	sdelay $0x1  }
0xa1: {  	s23 =	simm.s32 $0x1B8B  }
0xa2: {  	_ =	swait.ge [sflag:s23], $0x1  }
0xa3: {  	[sflag:s23] =	ssyncset.done $0x0  }
0xa4: {  	s25 =	simm.s32 $0x1B8E;
	s24 =	sld [smem:$0x3FFE];
	[sflag:s23] =	ssyncadd.s32 $0xFFFFFFFF  }
0xa5: {  	s26 =	simm.s32 $execute0_lowered;
	[smem:$0x3FD2] =	sst s25  }
0xa6: {  	s4 =	sshll.u32 s26, $0x1;
	_ =	strace $0x80000046;
	[dreg:$0x1] =	wrdreg $0xFFFFFFFF  }
0xa7: {  	s28 =	simm.s32 $_size_execute0_lowered;
	s2 =	sadd.s32 s2, s4;
	[dreg:$0x0] =	wrdreg $0x0  }
0xa8: {  	s4 =	sshll.u32 s28, $0x1;
	[dreg:$0x2] =	wrdreg s2  }
0xa9: {  	[dreg:$0x3] =	wrdreg s4  }
0xaa: {  	[dreg:$0x4] =	wrdreg $0xC0  }
0xab: {  	_ =	task [dreg:s6], $0x5FFFF  }
0xac: {  	[dreg:$0x1] =	wrdreg $0xFFFFFFFF  }
0xad: {  	[dreg:$0x0] =	wrdreg $0x60  }
0xae: {  	[dreg:$0x2] =	wrdreg s24  }
0xaf: {  	[dreg:$0x3] =	wrdreg $0x29000  }
0xb0: {  	[dreg:$0x4] =	wrdreg $0x9  }
0xb1: {  	_ =	task.clear_ibuf [dreg:s6], $0x5FFFF;
	_ =	strace $0x90000046  }
0xb2: {  	s29 =	simm.s32 $0x9;
	_ =	strace $0x80000048  }
0xb3: {  	_ =	swait.ge [sflag:s29], $0x1  }
0xb4: {  	[sflag:s29] =	ssyncadd.s32 $0xFFFFFFFF  }
0xb5: {  	_ =	strace $0x90000048  }
0xb6: {  	_ =	sfence  }
0xb7: {  	s30 =	sld [smem:$0x0];
	_ =	sdelay $0x2  }
0xb8: {  	s31 =	sshll.u32 s1, $0xD;
	s1 =	sshrl.u32 s1, $0x2  }
0xb9: {  	s3 =	sand.u32 $0x4000, s31;
	s1 =	sadd.s32 s1, s30  }
0xba: {  	s0 =	sor.u32 s3, s0;
	s1 =	sshll.u32 s1, $0x11  }
0xbb: {  	s0 =	sor.u32 s1, s0  }
0xbc: {  	s0 =	sadd.s32 $0x8F2B, s0  }
0xbd: {  	[sflag:s0] =	ssyncadd.remote.s32 $0x1  }
0xbe: {  	_ =	sfence.sel $0xFFFF  }
0xbf: {  	[dreg:$0x0] =	wrdreg $0xFFFFFFFF;
	(pc) =	sbr.abs _section_cstart, $3  }
0xc0: {  	[dreg:$0x1] =	wrdreg $0xFFFFFFFF  }
0xc1: {  	_ =	task.clear_ibuf [dreg:s6], $0x2FFFF;
	_ =	strace $0x9FFFFFFF  }
0xc2: {  	(tm) =	ssettm $0x7FFFFFFF  }
0xc3: {  	_ =	shalt  }
tec
execute0_lowered:
.L_overlay_start_1:
0x0: {  	(tag) =	ssettag $0x1  }
0x1: {  	s0 =	rddreg [dreg:$0x0]  }
0x2: {  	s1 =	rddreg [dreg:$0x1];
	s2 =	srdreg.scid  }
0x3: {  	s3 =	simm.s32 $0x0;
	s14 =	stileid.u32;
	s30 =	simm.s32 $0x100  }
0x4: {  	s31 =	simm.s32 $0x3;
	s2 =	sand.u32 $0x1, s2;
	[smem:$0x7FF] =	sst s3  }
0x5: {  	s7 =	smul.u32 $0x14000, s14;
	s4 =	sadd.s32 $0x4600, s0;
	s8 =	sadd.s32 $0x18E00, s0  }
0x6: {  	s5 =	ssub.s32 $0x2, s2;
	_ =	strace $0x80000047;
	s11 =	smul.u32 $0x140000, s2  }
0x7: {  	s6 =	sshrl.u32 s5, $0x1;
	s9 =	sor.u32 $0x2800, s7;
	s10 =	sadd.s32 $0x5000, s7  }
0x8: {  	s18 =	sadd.s32 $0x7800, s7;
	s19 =	sadd.s32 $0xA000, s7;
	s20 =	sadd.s32 $0xC800, s7  }
0x9: {  	s21 =	sadd.s32 $0xF000, s7;
	s22 =	sadd.s32 $0x11800, s7;
	s5 =	ssub.s32 s5, s6  }
0xa: {  	s6 =	sshll.u32 s2, $0x4;
	s7 =	sadd.s32 s7, s11;
	s12 =	sadd.s32 s11, s9  }
0xb: {  	s13 =	sadd.s32 s11, s10;
	s23 =	sadd.s32 s11, s18;
	s24 =	sadd.s32 s11, s19  }
0xc: {  	s25 =	sadd.s32 s11, s20;
	s2 =	smul.u32 $0x27100, s2;
	s18 =	sadd.s32 s18, s1  }
0xd: {  	s19 =	sadd.s32 s19, s1;
	s20 =	sadd.s32 s20, s1;
	s7 =	sshrl.u32 s7, $0x3  }
0xe: {  	s12 =	sshrl.u32 s12, $0x3;
	s13 =	sshrl.u32 s13, $0x3;
	s7 =	sadd.s32 s8, s7  }
0xf: {  	s6 =	sor.u32 s14, s6;
	s16 =	sadd.s32 s8, s12;
	[dreg:$0x3] =	wrdreg s7  }
0x10: {  	s17 =	sadd.s32 s8, s13;
	s12 =	sshrl.u32 s24, $0x3;
	[dreg:$0x4] =	wrdreg s16  }
0x11: {  	s13 =	sshrl.u32 s25, $0x3;
	[dreg:$0x5] =	wrdreg s17;
	s7 =	sshrl.u32 s23, $0x3  }
0x12: {  	s26 =	sadd.s32 s8, s12;
	s12 =	sadd.s32 s8, s13;
	s16 =	smul.u32 $0x2710, s14  }
0x13: {  	s13 =	sadd.s32 s11, s21;
	s11 =	sadd.s32 s11, s22;
	s17 =	smul.u32 $0x50000, s14  }
0x14: {  	s14 =	sadd.s32 $0x18800, s0;
	s23 =	smul.u32 $0x2710, s6;
	s21 =	sadd.s32 s21, s1  }
0x15: {  	s22 =	sadd.s32 s22, s1;
	s6 =	simm.s32 $0x2;
	[dreg:$0x7] =	wrdreg s26  }
0x16: {  	s7 =	sadd.s32 s8, s7;
	[dreg:$0x8] =	wrdreg s12;
	s15 =	sshrl.u32 s11, $0x3  }
0x17: {  	[dreg:$0x6] =	wrdreg s7;
	s7 =	sshrl.u32 s13, $0x3;
	s12 =	sadd.s32 s8, s15  }
0x18: {  	s2 =	sadd.s32 s16, s2;
	s13 =	sadd.s32 $0x18200, s0;
	s24 =	sshrl.u32 s17, $0x2  }
0x19: {  	s16 =	sadd.s32 s9, s1;
	s17 =	sadd.s32 s10, s1;
	s0 =	sshrl.u32 s23, $0x3  }
0x1a: {  	s7 =	sadd.s32 s8, s7;
	s15 =	sadd.s32 s24, s1;
	s25 =	sadd.s32 $0xF0, s2  }
0x1b: {  	s23 =	sadd.s32 s4, s0;
	s24 =	smax.u32 s5, $0x1;
	s0 =	simm.s32 $0x80  }
0x1c: {  	s5 =	simm.s32 $0x50;
	[dreg:$0x9] =	wrdreg s7;
	s26 =	sshrl.u32 s25, $0x3  }
0x1d: {  	s28 =	sadd.s32 $0xA, s23;
	s29 =	sadd.s32 $0x4D8, s23;
	s7 =	simm.s32 $0x0  }
0x1e: {  	s25 =	sadd.s32 s26, s4;
	s26 =	sadd.s32 $0xA0, s2;
	s2 =	simm.s32 $0x1  }
.LBB2_1:
0x1f: {  	[tilespmem:s30], [sflag:$0x3] =	stream.linear.gather [hbm4b:s14+s3], $0x2800, $0x38;
	[tilespmem:$0x5100] =	vst v63  }
0x20: {  	_ =	swait.ge [sflag:s31], $0x2800  }
0x21: {  	[sflag:s31] =	ssyncset.done $0x0  }
0x22: {  	[sflag:s31] =	ssyncadd.s32 $0xFFFFD800  }
0x23: {  	[spmem:s15] =	stream.linear.scatter [tilespmem:s30], [sflag:$0x3], $0x2800, $0x38;
	[tilespmem:$0x5100] =	vst v63  }
0x24: {  	_ =	swait.ge [sflag:s31], $0x2800  }
0x25: {  	[sflag:s31] =	ssyncset.done $0x0  }
0x26: {  	[sflag:s31] =	ssyncadd.s32 $0xFFFFD800  }
0x27: {  	[spmem:s16] =	stream.linear.scatter [tilespmem:s30], [sflag:$0x3], $0x2800, $0x38;
	[tilespmem:$0x5100] =	vst v63  }
0x28: {  	_ =	swait.ge [sflag:s31], $0x2800  }
0x29: {  	[sflag:s31] =	ssyncset.done $0x0  }
0x2a: {  	[sflag:s31] =	ssyncadd.s32 $0xFFFFD800  }
0x2b: {  	[spmem:s17] =	stream.linear.scatter [tilespmem:s30], [sflag:$0x3], $0x2800, $0x38;
	[tilespmem:$0x5100] =	vst v63  }
0x2c: {  	_ =	swait.ge [sflag:s31], $0x2800  }
0x2d: {  	[sflag:s31] =	ssyncset.done $0x0  }
0x2e: {  	[sflag:s31] =	ssyncadd.s32 $0xFFFFD800  }
0x2f: {  	[spmem:s18] =	stream.linear.scatter [tilespmem:s30], [sflag:$0x3], $0x2800, $0x38;
	[tilespmem:$0x5100] =	vst v63  }
0x30: {  	_ =	swait.ge [sflag:s31], $0x2800  }
0x31: {  	[sflag:s31] =	ssyncset.done $0x0  }
0x32: {  	[sflag:s31] =	ssyncadd.s32 $0xFFFFD800  }
0x33: {  	[spmem:s19] =	stream.linear.scatter [tilespmem:s30], [sflag:$0x3], $0x2800, $0x38;
	[tilespmem:$0x5100] =	vst v63  }
0x34: {  	_ =	swait.ge [sflag:s31], $0x2800  }
0x35: {  	[sflag:s31] =	ssyncset.done $0x0  }
0x36: {  	[sflag:s31] =	ssyncadd.s32 $0xFFFFD800  }
0x37: {  	[spmem:s20] =	stream.linear.scatter [tilespmem:s30], [sflag:$0x3], $0x2800, $0x38;
	[tilespmem:$0x5100] =	vst v63  }
0x38: {  	_ =	swait.ge [sflag:s31], $0x2800  }
0x39: {  	[sflag:s31] =	ssyncset.done $0x0  }
0x3a: {  	[sflag:s31] =	ssyncadd.s32 $0xFFFFD800  }
0x3b: {  	[spmem:s21] =	stream.linear.scatter [tilespmem:s30], [sflag:$0x3], $0x2800, $0x38;
	[tilespmem:$0x5100] =	vst v63  }
0x3c: {  	_ =	swait.ge [sflag:s31], $0x2800  }
0x3d: {  	[sflag:s31] =	ssyncset.done $0x0  }
0x3e: {  	[sflag:s31] =	ssyncadd.s32 $0xFFFFD800  }
0x3f: {  	[spmem:s22] =	stream.linear.scatter [tilespmem:s30], [sflag:$0x3], $0x2800, $0x38;
	[tilespmem:$0x5100] =	vst v63  }
0x40: {  	_ =	swait.ge [sflag:s31], $0x2800  }
0x41: {  	[sflag:s31] =	ssyncset.done $0x0  }
0x42: {  	[sflag:s31] =	ssyncadd.s32 $0xFFFFD800  }
0x43: {  	[tilespmem:s30], [sflag:$0x3] =	stream.linear.gather [hbm4b:s13+s3], $0x2800, $0x38;
	[tilespmem:$0x5100] =	vst v63  }
0x44: {  	_ =	swait.ge [sflag:s31], $0x2800  }
0x45: {  	[sflag:s31] =	ssyncset.done $0x0  }
0x46: {  	[sflag:s31] =	ssyncadd.s32 $0xFFFFD800  }
0x47: {  	[bflag:$0x0] =	sbarrier.arrive $0xFFFF  }
0x48: {  	[tilespmem:s3], [sflag:$0x1] =	stream.linear.gather [hbm4b:s23+s3], $0x50, $0x38;
	[tilespmem:$0x5100] =	vst v63  }
0x49: {  	_ = 	snop  }
0x4a: {  	[tilespmem:s0], [sflag:$0x2] =	stream.linear.gather [hbm4b:s28+s3], $0x50, $0x38;
	[tilespmem:$0x5100] =	vst v63  }
0x4b: {  	_ =	swait.ge [sflag:s2], $0x50  }
0x4c: {  	[sflag:s2] =	ssyncset.done $0x0  }
0x4d: {  	[sflag:s2] =	ssyncadd.s32 $0xFFFFFFB0  }
0x4e: {  	[spmem:s1] =	stream.indirect.scatter.add.f32 [tilespmem:s30], [sflag:$0x3], $0x10, s3, s5, $0xb8;
	[tilespmem:$0x5100] =	vst v63  }
0x4f: {  	_ =	swait.ge [sflag:s31], $0x500  }
0x50: {  	s8 =	sshrl.u32 s26, $0x3;
	[sflag:s31] =	ssyncset.done $0x0  }
0x51: {  	s8 =	sadd.s32 s4, s8;
	[sflag:s31] =	ssyncadd.s32 $0xFFFFFB00  }
0x52: {  	[tilespmem:s3], [sflag:$0x1] =	stream.linear.gather [hbm4b:s8+s3], $0x50, $0x38;
	[tilespmem:$0x5100] =	vst v63  }
0x53: {  	_ =	swait.ge [sflag:s6], $0x50  }
0x54: {  	[sflag:s6] =	ssyncset.done $0x0  }
0x55: {  	[sflag:s6] =	ssyncadd.s32 $0xFFFFFFB0  }
0x56: {  	[spmem:s1] =	stream.indirect.scatter.add.f32 [tilespmem:s30], [sflag:$0x3], $0x10, s0, s5, $0xb8;
	[tilespmem:$0x5100] =	vst v63  }
0x57: {  	_ =	swait.ge [sflag:s31], $0x500  }
0x58: {  	s10 =	sadd.s32 $0x0, s25;
	[sflag:s31] =	ssyncset.done $0x0  }
0x59: {  	s9 =	sadd.s32 $0xA0, s26;
	s8 =	simm.s32 $0x14;
	[sflag:s31] =	ssyncadd.s32 $0xFFFFFB00  }
.LBB2_2:
0x5a: {  	[tilespmem:s0], [sflag:$0x2] =	stream.linear.gather [hbm4b:s10+s3], $0x50, $0x38;
	[tilespmem:$0x5100] =	vst v63  }
0x5b: {  	s10 =	smov.u32 s8  }
0x5c: {  	p0 =	sne.s32 s8, $0x4B0;
	s8 =	sadd.s32 $0x14, s8;
	_ =	swait.ge [sflag:s2], $0x50  }
0x5d: {  	[sflag:s2] =	ssyncset.done $0x0  }
0x5e: {  	[sflag:s2] =	ssyncadd.s32 $0xFFFFFFB0  }
0x5f: {  	[spmem:s1] =	stream.indirect.scatter.add.f32 [tilespmem:s30], [sflag:$0x3], $0x10, s3, s5, $0xb8;
	[tilespmem:$0x5100] =	vst v63  }
0x60: {  	_ =	swait.ge [sflag:s31], $0x500  }
0x61: {  	s11 =	sshrl.u32 s9, $0x3;
	[sflag:s31] =	ssyncset.done $0x0  }
0x62: {  	s11 =	sadd.s32 s4, s11;
	[sflag:s31] =	ssyncadd.s32 $0xFFFFFB00  }
0x63: {  	[tilespmem:s3], [sflag:$0x1] =	stream.linear.gather [hbm4b:s11+s3], $0x50, $0x38;
	[tilespmem:$0x5100] =	vst v63  }
0x64: {  	_ =	swait.ge [sflag:s6], $0x50  }
0x65: {  	[sflag:s6] =	ssyncset.done $0x0  }
.Ltmp0:
0x66: {  	[sflag:s6] =	ssyncadd.s32 $0xFFFFFFB0;
	(pc) =	sbr.rel @p0 .LBB2_2-.Ltmp0, $4  }
0x67: {  	[spmem:s1] =	stream.indirect.scatter.add.f32 [tilespmem:s30], [sflag:$0x3], $0x10, s0, s5, $0xb8;
	[tilespmem:$0x5100] =	vst v63  }
0x68: {  	_ =	swait.ge [sflag:s31], $0x500  }
0x69: {  	[sflag:s31] =	ssyncset.done $0x0  }
0x6a: {  	s9 =	sadd.s32 $0xA0, s9;
	s10 =	sadd.s32 s10, s25;
	[sflag:s31] =	ssyncadd.s32 $0xFFFFFB00  }
0x6b: {  	[tilespmem:s0], [sflag:$0x2] =	stream.linear.gather [hbm4b:s10+s3], $0x50, $0x38;
	[tilespmem:$0x5100] =	vst v63  }
0x6c: {  	_ =	swait.ge [sflag:s2], $0x50  }
0x6d: {  	[sflag:s2] =	ssyncset.done $0x0  }
0x6e: {  	[sflag:s2] =	ssyncadd.s32 $0xFFFFFFB0  }
0x6f: {  	[spmem:s1] =	stream.indirect.scatter.add.f32 [tilespmem:s30], [sflag:$0x3], $0x10, s3, s5, $0xb8;
	[tilespmem:$0x5100] =	vst v63  }
0x70: {  	_ =	swait.ge [sflag:s31], $0x500  }
0x71: {  	[sflag:s31] =	ssyncset.done $0x0  }
0x72: {  	[sflag:s31] =	ssyncadd.s32 $0xFFFFFB00  }
0x73: {  	[tilespmem:s3], [sflag:$0x1] =	stream.linear.gather [hbm4b:s29+s3], $0x50, $0x38;
	[tilespmem:$0x5100] =	vst v63  }
0x74: {  	_ =	swait.ge [sflag:s6], $0x50  }
0x75: {  	[sflag:s6] =	ssyncset.done $0x0  }
0x76: {  	[sflag:s6] =	ssyncadd.s32 $0xFFFFFFB0  }
0x77: {  	[spmem:s1] =	stream.indirect.scatter.add.f32 [tilespmem:s30], [sflag:$0x3], $0x10, s0, s5, $0xb8;
	[tilespmem:$0x5100] =	vst v63  }
0x78: {  	_ =	swait.ge [sflag:s31], $0x500  }
0x79: {  	[sflag:s31] =	ssyncset.done $0x0  }
0x7a: {  	[sflag:s31] =	ssyncadd.s32 $0xFFFFFB00  }
0x7b: {  	_ =	swait.ge [sflag:s2], $0x50  }
0x7c: {  	[sflag:s2] =	ssyncset.done $0x0  }
0x7d: {  	[sflag:s2] =	ssyncadd.s32 $0xFFFFFFB0  }
0x7e: {  	[spmem:s1] =	stream.indirect.scatter.add.f32 [tilespmem:s30], [sflag:$0x3], $0x10, s3, s5, $0xb8;
	[tilespmem:$0x5100] =	vst v63  }
0x7f: {  	_ =	swait.ge [sflag:s31], $0x500  }
0x80: {  	[sflag:s31] =	ssyncset.done $0x0  }
0x81: {  	[sflag:s31] =	ssyncadd.s32 $0xFFFFFB00  }
0x82: {  	[bflag:$0x0] =	sbarrier.arrive $0xFFFF  }
0x83: {  	[tilespmem:s30], [sflag:$0x3] =	stream.linear.gather [spmem:s15], $0x2800, $0x38;
	[tilespmem:$0x5100] =	vst v63  }
0x84: {  	_ =	swait.ge [sflag:s31], $0x2800  }
0x85: {  	[sflag:s31] =	ssyncset.done $0x0  }
0x86: {  	s8 =	rddreg [dreg:$0x3];
	[sflag:s31] =	ssyncadd.s32 $0xFFFFD800  }
0x87: {  	[hbm4b:s8+s3] =	stream.linear.scatter [tilespmem:s30], [sflag:$0x3], $0x2800, $0x38;
	[tilespmem:$0x5100] =	vst v63  }
0x88: {  	_ =	swait.ge [sflag:s31], $0x2800  }
0x89: {  	[sflag:s31] =	ssyncset.done $0x0  }
0x8a: {  	[sflag:s31] =	ssyncadd.s32 $0xFFFFD800  }
0x8b: {  	[tilespmem:s30], [sflag:$0x3] =	stream.linear.gather [spmem:s16], $0x2800, $0x38;
	[tilespmem:$0x5100] =	vst v63  }
0x8c: {  	_ =	swait.ge [sflag:s31], $0x2800  }
0x8d: {  	[sflag:s31] =	ssyncset.done $0x0  }
0x8e: {  	s9 =	rddreg [dreg:$0x4];
	[sflag:s31] =	ssyncadd.s32 $0xFFFFD800  }
0x8f: {  	[hbm4b:s9+s3] =	stream.linear.scatter [tilespmem:s30], [sflag:$0x3], $0x2800, $0x38;
	[tilespmem:$0x5100] =	vst v63  }
0x90: {  	_ =	swait.ge [sflag:s31], $0x2800  }
0x91: {  	[sflag:s31] =	ssyncset.done $0x0  }
0x92: {  	[sflag:s31] =	ssyncadd.s32 $0xFFFFD800  }
0x93: {  	[tilespmem:s30], [sflag:$0x3] =	stream.linear.gather [spmem:s17], $0x2800, $0x38;
	[tilespmem:$0x5100] =	vst v63  }
0x94: {  	_ =	swait.ge [sflag:s31], $0x2800  }
0x95: {  	[sflag:s31] =	ssyncset.done $0x0  }
0x96: {  	s10 =	rddreg [dreg:$0x5];
	[sflag:s31] =	ssyncadd.s32 $0xFFFFD800  }
0x97: {  	[hbm4b:s10+s3] =	stream.linear.scatter [tilespmem:s30], [sflag:$0x3], $0x2800, $0x38;
	[tilespmem:$0x5100] =	vst v63  }
0x98: {  	_ =	swait.ge [sflag:s31], $0x2800  }
0x99: {  	[sflag:s31] =	ssyncset.done $0x0  }
0x9a: {  	[sflag:s31] =	ssyncadd.s32 $0xFFFFD800  }
0x9b: {  	[tilespmem:s30], [sflag:$0x3] =	stream.linear.gather [spmem:s18], $0x2800, $0x38;
	[tilespmem:$0x5100] =	vst v63  }
0x9c: {  	_ =	swait.ge [sflag:s31], $0x2800  }
0x9d: {  	[sflag:s31] =	ssyncset.done $0x0  }
0x9e: {  	s11 =	rddreg [dreg:$0x6];
	[sflag:s31] =	ssyncadd.s32 $0xFFFFD800  }
0x9f: {  	[hbm4b:s11+s3] =	stream.linear.scatter [tilespmem:s30], [sflag:$0x3], $0x2800, $0x38;
	[tilespmem:$0x5100] =	vst v63  }
0xa0: {  	_ =	swait.ge [sflag:s31], $0x2800  }
0xa1: {  	[sflag:s31] =	ssyncset.done $0x0  }
0xa2: {  	[sflag:s31] =	ssyncadd.s32 $0xFFFFD800  }
0xa3: {  	[tilespmem:s30], [sflag:$0x3] =	stream.linear.gather [spmem:s19], $0x2800, $0x38;
	[tilespmem:$0x5100] =	vst v63  }
0xa4: {  	_ =	swait.ge [sflag:s31], $0x2800  }
0xa5: {  	[sflag:s31] =	ssyncset.done $0x0  }
0xa6: {  	s9 =	rddreg [dreg:$0x7];
	[sflag:s31] =	ssyncadd.s32 $0xFFFFD800  }
0xa7: {  	[hbm4b:s9+s3] =	stream.linear.scatter [tilespmem:s30], [sflag:$0x3], $0x2800, $0x38;
	[tilespmem:$0x5100] =	vst v63  }
0xa8: {  	_ =	swait.ge [sflag:s31], $0x2800  }
0xa9: {  	[sflag:s31] =	ssyncset.done $0x0  }
0xaa: {  	[sflag:s31] =	ssyncadd.s32 $0xFFFFD800  }
0xab: {  	[tilespmem:s30], [sflag:$0x3] =	stream.linear.gather [spmem:s20], $0x2800, $0x38;
	[tilespmem:$0x5100] =	vst v63  }
0xac: {  	_ =	swait.ge [sflag:s31], $0x2800  }
0xad: {  	[sflag:s31] =	ssyncset.done $0x0  }
0xae: {  	s10 =	rddreg [dreg:$0x8];
	[sflag:s31] =	ssyncadd.s32 $0xFFFFD800  }
0xaf: {  	[hbm4b:s10+s3] =	stream.linear.scatter [tilespmem:s30], [sflag:$0x3], $0x2800, $0x38;
	[tilespmem:$0x5100] =	vst v63  }
0xb0: {  	_ =	swait.ge [sflag:s31], $0x2800  }
0xb1: {  	[sflag:s31] =	ssyncset.done $0x0  }
0xb2: {  	[sflag:s31] =	ssyncadd.s32 $0xFFFFD800  }
0xb3: {  	[tilespmem:s30], [sflag:$0x3] =	stream.linear.gather [spmem:s21], $0x2800, $0x38;
	[tilespmem:$0x5100] =	vst v63  }
0xb4: {  	_ =	swait.ge [sflag:s31], $0x2800  }
0xb5: {  	[sflag:s31] =	ssyncset.done $0x0  }
0xb6: {  	s11 =	rddreg [dreg:$0x9];
	[sflag:s31] =	ssyncadd.s32 $0xFFFFD800  }
0xb7: {  	[hbm4b:s11+s3] =	stream.linear.scatter [tilespmem:s30], [sflag:$0x3], $0x2800, $0x38;
	[tilespmem:$0x5100] =	vst v63  }
0xb8: {  	_ =	swait.ge [sflag:s31], $0x2800  }
0xb9: {  	[sflag:s31] =	ssyncset.done $0x0  }
0xba: {  	[sflag:s31] =	ssyncadd.s32 $0xFFFFD800  }
0xbb: {  	[tilespmem:s30], [sflag:$0x3] =	stream.linear.gather [spmem:s22], $0x2800, $0x38;
	[tilespmem:$0x5100] =	vst v63  }
0xbc: {  	s7 =	sadd.s32 $0x1, s7;
	_ =	swait.ge [sflag:s31], $0x2800  }
0xbd: {  	p0 =	sne.s32 s7, s24;
	[sflag:s31] =	ssyncset.done $0x0  }
.Ltmp1:
0xbe: {  	[sflag:s31] =	ssyncadd.s32 $0xFFFFD800;
	(pc) =	sbr.rel @p0 .LBB2_1-.Ltmp1, $4  }
0xbf: {  	[hbm4b:s12+s3] =	stream.linear.scatter [tilespmem:s30], [sflag:$0x3], $0x2800, $0x38;
	[tilespmem:$0x5100] =	vst v63  }
0xc0: {  	_ =	swait.ge [sflag:s31], $0x2800  }
0xc1: {  	[sflag:s31] =	ssyncset.done $0x0  }
0xc2: {  	[sflag:s31] =	ssyncadd.s32 $0xFFFFD800  }
0xc3: {  	_ =	sfence.sel $0x180000  }
0xc4: {  	[bflag:$0x0] =	sbarrier.arrive $0xFFFF  }
0xc5: {  	_ =	strace $0x90000047  }
0xc6: {  	s0 =	stileid.u32;
	[bflag:$0x2] =	sbarrier.arrive $0xFFFF  }
0xc7: {  	p0 =	sne.s32 s0, $0x0;
	s0 =	rddreg [dreg:$0x2]  }
0xc8: {  	s0 =	sadd.s32 @!p0 $0x100000, s0  }
0xc9: {  	[sflag:s0] =	ssyncadd.tile.s32 @!p0 $0x1;
	_ =	shalt  }
.Lfunc_end2:
_tile_overlayer_lowered:
.L_overlay_start_2:
0xca: {  	(tag) =	ssettag $0x2  }
0xcb: {  	s0 =	rddreg [dreg:$0x0];
	s2 =	stileid.u32  }
0xcc: {  	s1 =	rddreg [dreg:$0x1];
	p0 =	sne.s32 s2, $0x0  }
0xcd: {  	s3 =	rddreg [dreg:$0x2];
	[bflag:$0x3] =	sbarrier.arrive $0xFFFF;
	s2 =	simm.s32 @!p0 $0x1C03  }
0xce: {  	[timem:s3], [sflag:s2] =	dma.local @!p0 [hbm:s0], s1  }
0xcf: {  	s0 =	simm.s32 @!p0 $0x3  }
0xd0: {  	_ =	swait.ge @!p0 [sflag:s0], s1  }
0xd1: {  	s1 =	ssub.s32 @!p0 $0x0, s1;
	[sflag:s0] =	ssyncset.done @!p0 $0x0  }
0xd2: {  	[sflag:s0] =	ssyncadd.s32 @!p0 s1  }
0xd3: {  	[bflag:$0x3] =	sbarrier.arrive $0xFFFF  }
0xd4: {  	_ =	shalt  }

// kernel: kernel.14.cloned.1.call-start
scs
__scs_entry_jumppad:
0x0: {  	(pc) =	sbr.rel $0x88, $3  }
0x1: {  	(tag) =	ssettag $0x0;
	lr =	simm.s32 $0x1  }
0x2: {  	[smem:$0x3F91] =	sst lr;
	_ =	strace $0xD0000000  }
0x3: {  	_ = 	snop  }
0x4: {  	_ = 	snop  }
0x5: {  	_ = 	snop  }
0x6: {  	_ = 	snop  }
0x7: {  	_ = 	snop  }
__scs_overlays_trampoline_lowered:
0x8: {  	[smem:$0x3FA0] =	sst s0  }
0x9: {  	[smem:$0x3FA1] =	sst s1  }
0xa: {  	[smem:$0x3FA2] =	sst s2  }
0xb: {  	[smem:$0x3FA3] =	sst s3  }
0xc: {  	[smem:$0x3FA4] =	sst s4  }
0xd: {  	[smem:$0x3FA5] =	sst s5  }
0xe: {  	[smem:$0x3FA6] =	sst s6  }
0xf: {  	[smem:$0x3FA7] =	sst s7  }
0x10: {  	[smem:$0x3FA8] =	sst s8  }
0x11: {  	[smem:$0x3FA9] =	sst s9;
	s0 =	simm.s32 @!p0 $0x0  }
0x12: {  	s1 =	sld [smem:$0x3F8F];
	s0 =	simm.s32 @p0 $0x1  }
0x13: {  	[smem:$0x3FAA] =	sst s0;
	s0 =	simm.s32 @!p1 $0x0  }
0x14: {  	s2 =	sld [smem:$0x3F8E];
	s0 =	simm.s32 @p1 $0x1  }
0x15: {  	[smem:$0x3FAB] =	sst s0;
	s0 =	simm.s32 @!p2 $0x0  }
0x16: {  	s3 =	sld [smem:$0x3FDB];
	s0 =	simm.s32 @p2 $0x1  }
0x17: {  	s4 =	simm.s32 $0x1BF5;
	[smem:$0x3FAD] =	sst s0  }
0x18: {  	s0 =	sld [smem:$0x3F90];
	_ =	swait.ge [sflag:s4], $0x0  }
0x19: {  	s7 =	sld [smem:$0x3F91]  }
0x1a: {  	s8 =	sadd.s32 $0xFFFFE003, lr  }
0x1b: {  	s9 =	sadd.s32 $0xFFFFFEF7, lr;
	s5 =	simm.s32 $0xFFFFFFFF;
	p2 =	slt.u32 s8, $0xFFFFF086  }
0x1c: {  	p1 =	slt.u32 s9, $0xF7A;
	s5 =	simm.s32 @!p2 $0x0  }
0x1d: {  	s5 =	simm.s32 @p1 $0x1;
	p0 =	seq.s32 s7, s2  }
0x1e: {  	s7 =	smul.u32 @!p0 $0xF7A, s2;
	p2 =	seq.s32 @!p0 s5, $0x0  }
0x1f: {  	s9 =	smul.u32 $0xF7A, s1;
	s8 =	simm.s32 @!p0 $0x1BF5;
	p2 =	por !p2, p0  }
0x20: {  	[sflag:s8] =	ssyncset.s32 @!p0 $0xFFFFF086;
	s6 =	sadd.s32 @!p0 s3, s7;
	s7 =	simm.s32 @!p0 $0x108  }
0x21: {  	s3 =	sadd.s32 s3, s9;
	s6 =	sadd.s32 @!p0 $0x88, s6;
	s7 =	simm.s32 @p2 $0x1082  }
0x22: {  	[simem:s7], [sflag:s8] =	dma.local @!p0 [hbm:s6], $0xF7A  }
0x23: {  	s9 =	sor.u32 $0xD0000000, s2;
	s6 =	simm.s32 $0x108;
	_ =	swait.ge @!p0 [sflag:s8], $0x0  }
0x24: {  	s3 =	sadd.s32 $0x88, s3;
	s6 =	simm.s32 @!p1 $0x1082;
	[sflag:s4] =	ssyncset.s32 $0xFFFFF086  }
0x25: {  	[simem:s6], [sflag:s4] =	dma.local [hbm:s3], $0xF7A  }
0x26: {  	[smem:$0x3F91] =	sst s1;
	(tag) =	ssettag s2;
	_ =	strace s9  }
0x27: {  	s1 =	sld [smem:$0x3FA1]  }
0x28: {  	s2 =	sld [smem:$0x3FA2]  }
0x29: {  	s4 =	sld [smem:$0x3FA4]  }
0x2a: {  	p0 =	seq.s32 s5, $0x0;
	s5 =	sld [smem:$0x3FA5]  }
0x2b: {  	s6 =	sld [smem:$0x3FA6]  }
0x2c: {  	s7 =	sld [smem:$0x3FA7]  }
0x2d: {  	s3 =	simm.s32 $0x108;
	s8 =	sld [smem:$0x3FA8]  }
0x2e: {  	s3 =	simm.s32 @!p0 $0x1082;
	s9 =	sld [smem:$0x3FA9]  }
0x2f: {  	lr =	sadd.s32 s0, s3;
	s0 =	sld [smem:$0x3FA0]  }
0x30: {  	s3 =	sld [smem:$0x3FA3]  }
0x31: {  	[smem:$0x3FAC] =	sst s10  }
0x32: {  	s10 =	sld [smem:$0x3FAA];
	_ =	sdelay $0x3  }
0x33: {  	p0 =	seq.s32 s10, $0x1;
	s10 =	sld [smem:$0x3FAC];
	_ =	sdelay $0x3  }
0x34: {  	[smem:$0x3FAC] =	sst s10  }
0x35: {  	s10 =	sld [smem:$0x3FAB];
	_ =	sdelay $0x3  }
0x36: {  	p1 =	seq.s32 s10, $0x1;
	s10 =	sld [smem:$0x3FAC];
	_ =	sdelay $0x3  }
0x37: {  	[smem:$0x3FAC] =	sst s10  }
0x38: {  	s10 =	sld [smem:$0x3FAD]  }
0x39: {  	_ = 	snop;
	(pc) =	sbr.ind lr, $3  }
0x3a: {  	_ = 	snop  }
0x3b: {  	_ = 	snop  }
0x3c: {  	p2 =	seq.s32 s10, $0x1;
	s10 =	sld [smem:$0x3FAC]  }
0x3d: {  	_ =	shalt  }
0x3e: {  	_ =	shalt  }
0x3f: {  	_ =	shalt  }
0x40: {  	_ =	shalt  }
0x41: {  	_ =	shalt  }
0x42: {  	_ =	shalt  }
0x43: {  	_ =	shalt  }
0x44: {  	_ =	shalt  }
0x45: {  	_ =	shalt  }
0x46: {  	_ =	shalt  }
0x47: {  	_ =	shalt  }
0x48: {  	_ =	shalt  }
0x49: {  	_ =	shalt  }
0x4a: {  	_ =	shalt  }
0x4b: {  	_ =	shalt  }
0x4c: {  	_ =	shalt  }
0x4d: {  	_ =	shalt  }
0x4e: {  	_ =	shalt  }
0x4f: {  	_ =	shalt  }
0x50: {  	_ =	shalt  }
0x51: {  	_ =	shalt  }
0x52: {  	_ =	shalt  }
0x53: {  	_ =	shalt  }
0x54: {  	_ =	shalt  }
0x55: {  	_ =	shalt  }
0x56: {  	_ =	shalt  }
0x57: {  	_ =	shalt  }
0x58: {  	_ =	shalt  }
0x59: {  	_ =	shalt  }
0x5a: {  	_ =	shalt  }
0x5b: {  	_ =	shalt  }
0x5c: {  	_ =	shalt  }
0x5d: {  	_ =	shalt  }
0x5e: {  	_ =	shalt  }
0x5f: {  	_ =	shalt  }
0x60: {  	_ =	shalt  }
0x61: {  	_ =	shalt  }
0x62: {  	_ =	shalt  }
0x63: {  	_ =	shalt  }
0x64: {  	_ =	shalt  }
0x65: {  	_ =	shalt  }
0x66: {  	_ =	shalt  }
0x67: {  	_ =	shalt  }
0x68: {  	_ =	shalt  }
0x69: {  	_ =	shalt  }
0x6a: {  	_ =	shalt  }
0x6b: {  	_ =	shalt  }
0x6c: {  	_ =	shalt  }
0x6d: {  	_ =	shalt  }
0x6e: {  	_ =	shalt  }
0x6f: {  	_ =	shalt  }
0x70: {  	_ =	shalt  }
0x71: {  	_ =	shalt  }
0x72: {  	_ =	shalt  }
0x73: {  	_ =	shalt  }
0x74: {  	_ =	shalt  }
0x75: {  	_ =	shalt  }
0x76: {  	_ =	shalt  }
0x77: {  	_ =	shalt  }
0x78: {  	_ =	shalt  }
0x79: {  	_ =	shalt  }
0x7a: {  	_ =	shalt  }
0x7b: {  	_ =	shalt  }
0x7c: {  	_ =	shalt  }
0x7d: {  	_ =	shalt  }
0x7e: {  	_ =	shalt  }
0x7f: {  	_ =	shalt  }
0x80: {  	_ =	shalt  }
0x81: {  	_ =	shalt  }
0x82: {  	_ =	shalt  }
0x83: {  	_ =	shalt  }
0x84: {  	_ =	shalt  }
0x85: {  	_ =	shalt  }
0x86: {  	_ =	shalt  }
0x87: {  	_ =	shalt  }
.Lfunc_end0:
.L_simem_size_0:
called_computation.1_lowered:
.L_overlay_start_0:
0x88: {  	s2 =	sld [smem:$0x3FD9]  }
0x89: {  	s3 =	sld [smem:$0x3FFE];
	_ =	sdelay $0x1  }
0x8a: {  	s1 =	srdreg.scid  }
0x8b: {  	s0 =	sand.u32 $0x1, s1  }
0x8c: {  	s16 =	sshll.u32 s0, $0xA;
	s2 =	sadd.s32 s3, s2  }
0x8d: {  	s2 =	sadd.s32 s2, s16  }
0x8e: {  	[smem:$0x3FB8] =	sst s2  }
0x8f: {  	_ = 	snop  }
0x90: {  	(tm) =	ssettm $0x1  }
0x91: {  	s17 =	sld [smem:$0x3FFB];
	_ =	sdelay $0x3  }
0x92: {  	_ =	strace s17  }
0x93: {  	s2 =	sld [smem:$0x3FFC];
	_ =	sdelay $0x3  }
0x94: {  	_ =	strace s2  }
0x95: {  	s2 =	sld [smem:$0x3FFD];
	_ =	sdelay $0x3  }
0x96: {  	_ =	strace s2  }
0x97: {  	_ =	strace $0x8FFFFFFF  }
0x98: {  	s18 =	sld [smem:$0x3FDB];
	_ =	sdelay $0x1  }
0x99: {  	s19 =	simm.s32 $_scs_section_size  }
0x9a: {  	s4 =	simm.s32 $_size__tile_overlayer_lowered;
	s5 =	simm.s32 $_tile_overlayer_lowered  }
0x9b: {  	s22 =	simm.s32 $0x1BFF;
	s21 =	sshll.u32 s5, $0x1;
	s2 =	sadd.s32 s19, s18  }
0x9c: {  	s6 =	simm.s32 $0x0;
	s20 =	sshll.u32 s4, $0x1;
	s4 =	sadd.s32 s21, s2  }
0x9d: {  	[timem:s6], [sflag:s22] =	dma.local [hbm:s4], s20  }
0x9e: {  	_ =	swait.ge [sflag:s22], s20  }
0x9f: {  	s3 =	ssub.s32 $0x0, s20;
	[sflag:s22] =	ssyncset.done $0x0  }
0xa0: {  	[sflag:s22] =	ssyncadd.s32 s3;
	_ =	sdelay $0x1  }
0xa1: {  	s23 =	simm.s32 $0x1B8B  }
0xa2: {  	_ =	swait.ge [sflag:s23], $0x1  }
0xa3: {  	[sflag:s23] =	ssyncset.done $0x0  }
0xa4: {  	s25 =	simm.s32 $0x1B8E;
	s24 =	sld [smem:$0x3FFE];
	[sflag:s23] =	ssyncadd.s32 $0xFFFFFFFF  }
0xa5: {  	s26 =	simm.s32 $execute0_lowered;
	[smem:$0x3FD2] =	sst s25  }
0xa6: {  	s4 =	sshll.u32 s26, $0x1;
	_ =	strace $0x80000049;
	[dreg:$0x1] =	wrdreg $0xFFFFFFFF  }
0xa7: {  	s28 =	simm.s32 $_size_execute0_lowered;
	s2 =	sadd.s32 s2, s4;
	[dreg:$0x0] =	wrdreg $0x0  }
0xa8: {  	s4 =	sshll.u32 s28, $0x1;
	[dreg:$0x2] =	wrdreg s2  }
0xa9: {  	[dreg:$0x3] =	wrdreg s4  }
0xaa: {  	[dreg:$0x4] =	wrdreg $0xC0  }
0xab: {  	_ =	task [dreg:s6], $0x5FFFF  }
0xac: {  	[dreg:$0x1] =	wrdreg $0xFFFFFFFF  }
0xad: {  	[dreg:$0x0] =	wrdreg $0x60  }
0xae: {  	[dreg:$0x2] =	wrdreg s24  }
0xaf: {  	[dreg:$0x3] =	wrdreg $0x52000  }
0xb0: {  	[dreg:$0x4] =	wrdreg $0x9  }
0xb1: {  	_ =	task.clear_ibuf [dreg:s6], $0x5FFFF;
	_ =	strace $0x90000049  }
0xb2: {  	s29 =	simm.s32 $0x9;
	_ =	strace $0x8000004B  }
0xb3: {  	_ =	swait.ge [sflag:s29], $0x1  }
0xb4: {  	[sflag:s29] =	ssyncadd.s32 $0xFFFFFFFF  }
0xb5: {  	_ =	strace $0x9000004B  }
0xb6: {  	_ =	sfence  }
0xb7: {  	s30 =	sld [smem:$0x0];
	_ =	sdelay $0x2  }
0xb8: {  	s31 =	sshll.u32 s1, $0xD;
	s1 =	sshrl.u32 s1, $0x2  }
0xb9: {  	s3 =	sand.u32 $0x4000, s31;
	s1 =	sadd.s32 s1, s30  }
0xba: {  	s0 =	sor.u32 s3, s0;
	s1 =	sshll.u32 s1, $0x11  }
0xbb: {  	s0 =	sor.u32 s1, s0  }
0xbc: {  	s0 =	sadd.s32 $0x8F2B, s0  }
0xbd: {  	[sflag:s0] =	ssyncadd.remote.s32 $0x1  }
0xbe: {  	_ =	sfence.sel $0xFFFF  }
0xbf: {  	[dreg:$0x0] =	wrdreg $0xFFFFFFFF;
	(pc) =	sbr.abs _section_cstart, $3  }
0xc0: {  	[dreg:$0x1] =	wrdreg $0xFFFFFFFF  }
0xc1: {  	_ =	task.clear_ibuf [dreg:s6], $0x2FFFF;
	_ =	strace $0x9FFFFFFF  }
0xc2: {  	(tm) =	ssettm $0x7FFFFFFF  }
0xc3: {  	_ =	shalt  }
tec
execute0_lowered:
.L_overlay_start_1:
0x0: {  	(tag) =	ssettag $0x1  }
0x1: {  	s0 =	rddreg [dreg:$0x0]  }
0x2: {  	s1 =	rddreg [dreg:$0x1];
	s2 =	srdreg.scid  }
0x3: {  	s3 =	simm.s32 $0x0;
	s18 =	stileid.u32;
	s28 =	simm.s32 $0x0  }
0x4: {  	s2 =	sand.u32 $0x1, s2;
	[smem:$0x7FF] =	sst s3;
	s7 =	smul.u32 $0x14000, s18  }
0x5: {  	s4 =	sadd.s32 $0xE400, s0;
	s8 =	sadd.s32 $0x3FA00, s0;
	s10 =	smul.u32 $0x140000, s2  }
0x6: {  	s5 =	ssub.s32 $0x2, s2;
	_ =	strace $0x8000004A;
	s23 =	smul.u32 $0x27100, s2  }
0x7: {  	s2 =	sshll.u32 s2, $0x4;
	s6 =	sshrl.u32 s5, $0x1;
	s9 =	sadd.s32 $0x5000, s7  }
0x8: {  	s11 =	sadd.s32 $0x7800, s7;
	s12 =	sadd.s32 $0xA000, s7;
	s15 =	sadd.s32 $0xC800, s7  }
0x9: {  	s22 =	sadd.s32 $0xF000, s7;
	s2 =	sor.u32 s18, s2;
	s5 =	ssub.s32 s5, s6  }
0xa: {  	s6 =	sor.u32 $0x2800, s7;
	s13 =	sadd.s32 s7, s10;
	s7 =	sadd.s32 $0x11800, s7  }
0xb: {  	s25 =	sadd.s32 s10, s9;
	s26 =	sadd.s32 s10, s11;
	s16 =	sadd.s32 s10, s12  }
0xc: {  	s20 =	sadd.s32 s10, s15;
	s21 =	sadd.s32 s10, s22;
	s30 =	sadd.s32 s9, s1  }
0xd: {  	s31 =	sadd.s32 s11, s1;
	s9 =	simm.s32 $0x100;
	s11 =	simm.s32 $0x1  }
0xe: {  	s14 =	sadd.s32 s10, s6;
	s13 =	sshrl.u32 s13, $0x3;
	s17 =	sshrl.u32 s16, $0x3  }
0xf: {  	s10 =	sadd.s32 s10, s7;
	s29 =	sadd.s32 s6, s1;
	s6 =	simm.s32 $0x200  }
0x10: {  	s14 =	sshrl.u32 s14, $0x3;
	s13 =	sadd.s32 s8, s13;
	s19 =	sadd.s32 s8, s17  }
0x11: {  	s17 =	smul.u32 $0x2710, s18;
	s10 =	sshrl.u32 s10, $0x3;
	[dreg:$0x3] =	wrdreg s13  }
0x12: {  	s24 =	sadd.s32 s8, s14;
	s13 =	sshrl.u32 s25, $0x3;
	s14 =	sshrl.u32 s26, $0x3  }
0x13: {  	[dreg:$0x7] =	wrdreg s19;
	s25 =	smul.u32 $0x50000, s18;
	s18 =	sadd.s32 s12, s1  }
0x14: {  	s19 =	sadd.s32 s22, s1;
	s22 =	sadd.s32 s7, s1;
	[dreg:$0x4] =	wrdreg s24  }
0x15: {  	s7 =	simm.s32 $0x5;
	s13 =	sadd.s32 s8, s13;
	[dreg:$0xc] =	wrdreg s19  }
0x16: {  	s26 =	sadd.s32 s17, s23;
	s23 =	sadd.s32 s15, s1;
	[dreg:$0x5] =	wrdreg s13  }
0x17: {  	s13 =	sadd.s32 s8, s14;
	s14 =	sshrl.u32 s21, $0x3;
	[dreg:$0xd] =	wrdreg s23  }
0x18: {  	[dreg:$0x6] =	wrdreg s13;
	s13 =	sshrl.u32 s20, $0x3;
	s24 =	sadd.s32 s8, s14  }
0x19: {  	s14 =	sadd.s32 $0x18200, s0;
	s13 =	sadd.s32 s8, s13;
	[dreg:$0x9] =	wrdreg s24  }
0x1a: {  	s8 =	sadd.s32 s8, s10;
	s24 =	sadd.s32 $0xF0, s26;
	s26 =	sadd.s32 $0xA0, s26  }
0x1b: {  	[dreg:$0x8] =	wrdreg s13;
	s13 =	sadd.s32 $0x4600, s0;
	s0 =	sadd.s32 $0x3F400, s0  }
0x1c: {  	s10 =	simm.s32 $0x180;
	[dreg:$0xb] =	wrdreg s0;
	s0 =	smul.u32 $0x2710, s2  }
0x1d: {  	[dreg:$0xa] =	wrdreg s8;
	s8 =	sshrl.u32 s25, $0x2;
	s25 =	smax.u32 s5, $0x1  }
0x1e: {  	[dreg:$0x15] =	wrdreg s26;
	s26 =	simm.s32 $0x4;
	s0 =	sshrl.u32 s0, $0x3  }
0x1f: {  	s17 =	sadd.s32 s8, s1;
	[dreg:$0x14] =	wrdreg s25;
	s12 =	sadd.s32 s4, s0  }
0x20: {  	s15 =	sadd.s32 $0xA, s0;
	s16 =	sadd.s32 s13, s0;
	[dreg:$0xe] =	wrdreg s12  }
0x21: {  	s8 =	simm.s32 $0x80;
	[dreg:$0xf] =	wrdreg s16;
	s20 =	sadd.s32 s4, s15  }
0x22: {  	s0 =	sadd.s32 $0x4D8, s0;
	s2 =	sadd.s32 s13, s15;
	[dreg:$0x10] =	wrdreg s20  }
0x23: {  	s25 =	simm.s32 $0x2A00;
	s21 =	sadd.s32 s4, s0;
	[dreg:$0x11] =	wrdreg s2  }
0x24: {  	s0 =	sadd.s32 s13, s0;
	s12 =	simm.s32 $0x50;
	[dreg:$0x12] =	wrdreg s21  }
0x25: {  	s15 =	simm.s32 $0x3;
	[dreg:$0x13] =	wrdreg s0;
	s2 =	sshrl.u32 s24, $0x3  }
0x26: {  	s24 =	simm.s32 $0x2;
	s0 =	sadd.s32 s2, s13;
	s2 =	sadd.s32 s2, s4  }
.LBB2_1:
0x27: {  	s16 =	rddreg [dreg:$0xb]  }
0x28: {  	[tilespmem:s6], [sflag:$0x5] =	stream.linear.gather [hbm4b:s16+s3], $0x2800, $0x38;
	[tilespmem:$0x19200] =	vst v63  }
0x29: {  	_ =	swait.ge [sflag:s7], $0x2800  }
0x2a: {  	[sflag:s7] =	ssyncset.done $0x0  }
0x2b: {  	[sflag:s7] =	ssyncadd.s32 $0xFFFFD800  }
0x2c: {  	[spmem:s17] =	stream.linear.scatter [tilespmem:s6], [sflag:$0x5], $0x2800, $0x38;
	[tilespmem:$0x19200] =	vst v63  }
0x2d: {  	_ =	swait.ge [sflag:s7], $0x2800  }
0x2e: {  	[sflag:s7] =	ssyncset.done $0x0  }
0x2f: {  	[sflag:s7] =	ssyncadd.s32 $0xFFFFD800  }
0x30: {  	[spmem:s29] =	stream.linear.scatter [tilespmem:s6], [sflag:$0x5], $0x2800, $0x38;
	[tilespmem:$0x19200] =	vst v63  }
0x31: {  	_ =	swait.ge [sflag:s7], $0x2800  }
0x32: {  	[sflag:s7] =	ssyncset.done $0x0  }
0x33: {  	[sflag:s7] =	ssyncadd.s32 $0xFFFFD800  }
0x34: {  	[spmem:s30] =	stream.linear.scatter [tilespmem:s6], [sflag:$0x5], $0x2800, $0x38;
	[tilespmem:$0x19200] =	vst v63  }
0x35: {  	_ =	swait.ge [sflag:s7], $0x2800  }
0x36: {  	[sflag:s7] =	ssyncset.done $0x0  }
0x37: {  	[sflag:s7] =	ssyncadd.s32 $0xFFFFD800  }
0x38: {  	[spmem:s31] =	stream.linear.scatter [tilespmem:s6], [sflag:$0x5], $0x2800, $0x38;
	[tilespmem:$0x19200] =	vst v63  }
0x39: {  	_ =	swait.ge [sflag:s7], $0x2800  }
0x3a: {  	[sflag:s7] =	ssyncset.done $0x0  }
0x3b: {  	s16 =	smov.u32 s18;
	[sflag:s7] =	ssyncadd.s32 $0xFFFFD800  }
0x3c: {  	[spmem:s16] =	stream.linear.scatter [tilespmem:s6], [sflag:$0x5], $0x2800, $0x38;
	[tilespmem:$0x19200] =	vst v63  }
0x3d: {  	_ =	swait.ge [sflag:s7], $0x2800  }
0x3e: {  	[sflag:s7] =	ssyncset.done $0x0  }
0x3f: {  	s18 =	smov.u32 s17;
	s17 =	smov.u32 s23;
	[sflag:s7] =	ssyncadd.s32 $0xFFFFD800  }
0x40: {  	[spmem:s17] =	stream.linear.scatter [tilespmem:s6], [sflag:$0x5], $0x2800, $0x38;
	[tilespmem:$0x19200] =	vst v63  }
0x41: {  	_ =	swait.ge [sflag:s7], $0x2800  }
0x42: {  	[sflag:s7] =	ssyncset.done $0x0  }
0x43: {  	s5 =	smov.u32 s19;
	[sflag:s7] =	ssyncadd.s32 $0xFFFFD800  }
0x44: {  	[spmem:s5] =	stream.linear.scatter [tilespmem:s6], [sflag:$0x5], $0x2800, $0x38;
	[tilespmem:$0x19200] =	vst v63  }
0x45: {  	_ =	swait.ge [sflag:s7], $0x2800  }
0x46: {  	[sflag:s7] =	ssyncset.done $0x0  }
0x47: {  	[sflag:s7] =	ssyncadd.s32 $0xFFFFD800  }
0x48: {  	[spmem:s22] =	stream.linear.scatter [tilespmem:s6], [sflag:$0x5], $0x2800, $0x38;
	[tilespmem:$0x19200] =	vst v63  }
0x49: {  	_ =	swait.ge [sflag:s7], $0x2800  }
0x4a: {  	[sflag:s7] =	ssyncset.done $0x0  }
0x4b: {  	[sflag:s7] =	ssyncadd.s32 $0xFFFFD800  }
0x4c: {  	[bflag:$0x0] =	sbarrier.arrive $0xFFFF  }
0x4d: {  	s17 =	rddreg [dreg:$0xe]  }
0x4e: {  	[tilespmem:s3], [sflag:$0x1] =	stream.linear.gather [hbm4b:s17+s3], $0x50, $0x38;
	[tilespmem:$0x19200] =	vst v63  }
0x4f: {  	s23 =	smov.u32 s16;
	s16 =	rddreg [dreg:$0xf]  }
0x50: {  	[tilespmem:s8], [sflag:$0x1] =	stream.linear.gather [hbm4b:s16+s3], $0x50, $0x38;
	[tilespmem:$0x19200] =	vst v63  }
0x51: {  	s17 =	rddreg [dreg:$0x10]  }
0x52: {  	[tilespmem:s9], [sflag:$0x2] =	stream.linear.gather [hbm4b:s17+s3], $0x50, $0x38;
	[tilespmem:$0x19200] =	vst v63  }
0x53: {  	s16 =	rddreg [dreg:$0x11]  }
0x54: {  	[tilespmem:s10], [sflag:$0x2] =	stream.linear.gather [hbm4b:s16+s3], $0x50, $0x38;
	[tilespmem:$0x19200] =	vst v63  }
0x55: {  	_ =	swait.ge [sflag:s11], $0x50  }
0x56: {  	[sflag:s11] =	ssyncset.done $0x0  }
0x57: {  	[sflag:s11] =	ssyncadd.s32 $0xFFFFFFB0  }
0x58: {  	_ =	swait.ge [sflag:s11], $0x50  }
0x59: {  	[sflag:s11] =	ssyncset.done $0x0  }
0x5a: {  	[sflag:s11] =	ssyncadd.s32 $0xFFFFFFB0  }
0x5b: {  	[tilespmem:s6], [sflag:$0x3] =	stream.indirect.gather [hbm4b:s14+s12], $0x80, s3, s12, $0xb8;
	[tilespmem:$0x19200] =	vst v63  }
0x5c: {  	_ =	swait.ge [sflag:s15], $0x2800  }
0x5d: {  	[sflag:s15] =	ssyncset.done $0x0  }
0x5e: {  	[sflag:s15] =	ssyncadd.s32 $0xFFFFD800  }
0x5f: {  	[spmem:s1] =	stream.indirect.scatter.add.f32 [tilespmem:s6], [sflag:$0x5], $0x80, s8, s12, $0xb8;
	[tilespmem:$0x19200] =	vst v63  }
0x60: {  	_ =	swait.ge [sflag:s7], $0x2800  }
0x61: {  	s17 =	rddreg [dreg:$0x15]  }
0x62: {  	s19 =	smov.u32 s29;
	[sflag:s7] =	ssyncset.done $0x0;
	s29 =	sshrl.u32 s17, $0x3  }
0x63: {  	s20 =	smov.u32 s30;
	[sflag:s7] =	ssyncadd.s32 $0xFFFFD800;
	s30 =	sadd.s32 s4, s29  }
0x64: {  	[tilespmem:s3], [sflag:$0x1] =	stream.linear.gather [hbm4b:s30+s3], $0x50, $0x38;
	[tilespmem:$0x19200] =	vst v63  }
0x65: {  	s29 =	sadd.s32 s13, s29  }
0x66: {  	[tilespmem:s8], [sflag:$0x1] =	stream.linear.gather [hbm4b:s29+s3], $0x50, $0x38;
	[tilespmem:$0x19200] =	vst v63  }
0x67: {  	_ =	swait.ge [sflag:s24], $0x50  }
0x68: {  	[sflag:s24] =	ssyncset.done $0x0  }
0x69: {  	[sflag:s24] =	ssyncadd.s32 $0xFFFFFFB0  }
0x6a: {  	_ =	swait.ge [sflag:s24], $0x50  }
0x6b: {  	[sflag:s24] =	ssyncset.done $0x0  }
0x6c: {  	[sflag:s24] =	ssyncadd.s32 $0xFFFFFFB0  }
0x6d: {  	[tilespmem:s25], [sflag:$0x4] =	stream.indirect.gather [hbm4b:s14+s12], $0x80, s9, s12, $0xb8;
	[tilespmem:$0x19200] =	vst v63  }
0x6e: {  	_ =	swait.ge [sflag:s26], $0x2800  }
0x6f: {  	[sflag:s26] =	ssyncset.done $0x0  }
0x70: {  	[sflag:s26] =	ssyncadd.s32 $0xFFFFD800  }
0x71: {  	[spmem:s1] =	stream.indirect.scatter.add.f32 [tilespmem:s25], [sflag:$0x5], $0x80, s10, s12, $0xb8;
	[tilespmem:$0x19200] =	vst v63  }
0x72: {  	_ =	swait.ge [sflag:s7], $0x2800  }
0x73: {  	[sflag:s7] =	ssyncset.done $0x0  }
0x74: {  	s21 =	smov.u32 s31;
	s29 =	sadd.s32 $0x0, s2;
	[sflag:s7] =	ssyncadd.s32 $0xFFFFD800  }
0x75: {  	[tilespmem:s9], [sflag:$0x2] =	stream.linear.gather [hbm4b:s29+s3], $0x50, $0x38;
	[tilespmem:$0x19200] =	vst v63  }
0x76: {  	s31 =	sadd.s32 $0x0, s0;
	s30 =	sadd.s32 $0xA0, s17;
	s29 =	simm.s32 $0x14  }
.LBB2_2:
0x77: {  	[tilespmem:s10], [sflag:$0x2] =	stream.linear.gather [hbm4b:s31+s3], $0x50, $0x38;
	[tilespmem:$0x19200] =	vst v63  }
0x78: {  	s31 =	smov.u32 s29  }
0x79: {  	p0 =	sne.s32 s29, $0x4B0;
	s29 =	sadd.s32 $0x14, s29;
	_ =	swait.ge [sflag:s11], $0x50  }
0x7a: {  	[sflag:s11] =	ssyncset.done $0x0  }
0x7b: {  	[sflag:s11] =	ssyncadd.s32 $0xFFFFFFB0  }
0x7c: {  	_ =	swait.ge [sflag:s11], $0x50  }
0x7d: {  	[sflag:s11] =	ssyncset.done $0x0  }
0x7e: {  	[sflag:s11] =	ssyncadd.s32 $0xFFFFFFB0  }
0x7f: {  	[tilespmem:s6], [sflag:$0x3] =	stream.indirect.gather [hbm4b:s14+s12], $0x80, s3, s12, $0xb8;
	[tilespmem:$0x19200] =	vst v63  }
0x80: {  	_ =	swait.ge [sflag:s15], $0x2800  }
0x81: {  	[sflag:s15] =	ssyncset.done $0x0  }
0x82: {  	[sflag:s15] =	ssyncadd.s32 $0xFFFFD800  }
0x83: {  	[spmem:s1] =	stream.indirect.scatter.add.f32 [tilespmem:s6], [sflag:$0x5], $0x80, s8, s12, $0xb8;
	[tilespmem:$0x19200] =	vst v63  }
0x84: {  	_ =	swait.ge [sflag:s7], $0x2800  }
0x85: {  	s16 =	sshrl.u32 s30, $0x3;
	[sflag:s7] =	ssyncset.done $0x0  }
0x86: {  	s17 =	sadd.s32 s4, s16;
	[sflag:s7] =	ssyncadd.s32 $0xFFFFD800  }
0x87: {  	[tilespmem:s3], [sflag:$0x1] =	stream.linear.gather [hbm4b:s17+s3], $0x50, $0x38;
	[tilespmem:$0x19200] =	vst v63  }
0x88: {  	s16 =	sadd.s32 s13, s16  }
0x89: {  	[tilespmem:s8], [sflag:$0x1] =	stream.linear.gather [hbm4b:s16+s3], $0x50, $0x38;
	[tilespmem:$0x19200] =	vst v63  }
0x8a: {  	_ =	swait.ge [sflag:s24], $0x50  }
0x8b: {  	[sflag:s24] =	ssyncset.done $0x0  }
0x8c: {  	[sflag:s24] =	ssyncadd.s32 $0xFFFFFFB0  }
0x8d: {  	_ =	swait.ge [sflag:s24], $0x50  }
0x8e: {  	[sflag:s24] =	ssyncset.done $0x0  }
0x8f: {  	[sflag:s24] =	ssyncadd.s32 $0xFFFFFFB0  }
0x90: {  	[tilespmem:s25], [sflag:$0x4] =	stream.indirect.gather [hbm4b:s14+s12], $0x80, s9, s12, $0xb8;
	[tilespmem:$0x19200] =	vst v63  }
0x91: {  	_ =	swait.ge [sflag:s26], $0x2800  }
0x92: {  	[sflag:s26] =	ssyncset.done $0x0  }
0x93: {  	[sflag:s26] =	ssyncadd.s32 $0xFFFFD800  }
0x94: {  	[spmem:s1] =	stream.indirect.scatter.add.f32 [tilespmem:s25], [sflag:$0x5], $0x80, s10, s12, $0xb8;
	[tilespmem:$0x19200] =	vst v63  }
.Ltmp0:
0x95: {  	_ =	swait.ge [sflag:s7], $0x2800;
	(pc) =	sbr.rel @p0 .LBB2_2-.Ltmp0, $4  }
0x96: {  	[sflag:s7] =	ssyncset.done $0x0  }
0x97: {  	s16 =	sadd.s32 s31, s2;
	[sflag:s7] =	ssyncadd.s32 $0xFFFFD800  }
0x98: {  	[tilespmem:s9], [sflag:$0x2] =	stream.linear.gather [hbm4b:s16+s3], $0x50, $0x38;
	[tilespmem:$0x19200] =	vst v63  }
0x99: {  	s30 =	sadd.s32 $0xA0, s30;
	s31 =	sadd.s32 s31, s0  }
0x9a: {  	[tilespmem:s10], [sflag:$0x2] =	stream.linear.gather [hbm4b:s31+s3], $0x50, $0x38;
	[tilespmem:$0x19200] =	vst v63  }
0x9b: {  	_ =	swait.ge [sflag:s11], $0x50  }
0x9c: {  	[sflag:s11] =	ssyncset.done $0x0  }
0x9d: {  	[sflag:s11] =	ssyncadd.s32 $0xFFFFFFB0  }
0x9e: {  	_ =	swait.ge [sflag:s11], $0x50  }
0x9f: {  	[sflag:s11] =	ssyncset.done $0x0  }
0xa0: {  	[sflag:s11] =	ssyncadd.s32 $0xFFFFFFB0  }
0xa1: {  	[tilespmem:s6], [sflag:$0x3] =	stream.indirect.gather [hbm4b:s14+s12], $0x80, s3, s12, $0xb8;
	[tilespmem:$0x19200] =	vst v63  }
0xa2: {  	_ =	swait.ge [sflag:s15], $0x2800  }
0xa3: {  	[sflag:s15] =	ssyncset.done $0x0  }
0xa4: {  	[sflag:s15] =	ssyncadd.s32 $0xFFFFD800  }
0xa5: {  	[spmem:s1] =	stream.indirect.scatter.add.f32 [tilespmem:s6], [sflag:$0x5], $0x80, s8, s12, $0xb8;
	[tilespmem:$0x19200] =	vst v63  }
0xa6: {  	_ =	swait.ge [sflag:s7], $0x2800  }
0xa7: {  	[sflag:s7] =	ssyncset.done $0x0  }
0xa8: {  	s16 =	rddreg [dreg:$0x12];
	[sflag:s7] =	ssyncadd.s32 $0xFFFFD800  }
0xa9: {  	[tilespmem:s3], [sflag:$0x1] =	stream.linear.gather [hbm4b:s16+s3], $0x50, $0x38;
	[tilespmem:$0x19200] =	vst v63  }
0xaa: {  	s17 =	rddreg [dreg:$0x13]  }
0xab: {  	[tilespmem:s8], [sflag:$0x1] =	stream.linear.gather [hbm4b:s17+s3], $0x50, $0x38;
	[tilespmem:$0x19200] =	vst v63  }
0xac: {  	_ =	swait.ge [sflag:s24], $0x50  }
0xad: {  	[sflag:s24] =	ssyncset.done $0x0  }
0xae: {  	[sflag:s24] =	ssyncadd.s32 $0xFFFFFFB0  }
0xaf: {  	_ =	swait.ge [sflag:s24], $0x50  }
0xb0: {  	[sflag:s24] =	ssyncset.done $0x0  }
0xb1: {  	[sflag:s24] =	ssyncadd.s32 $0xFFFFFFB0  }
0xb2: {  	[tilespmem:s25], [sflag:$0x4] =	stream.indirect.gather [hbm4b:s14+s12], $0x80, s9, s12, $0xb8;
	[tilespmem:$0x19200] =	vst v63  }
0xb3: {  	_ =	swait.ge [sflag:s26], $0x2800  }
0xb4: {  	[sflag:s26] =	ssyncset.done $0x0  }
0xb5: {  	[sflag:s26] =	ssyncadd.s32 $0xFFFFD800  }
0xb6: {  	[spmem:s1] =	stream.indirect.scatter.add.f32 [tilespmem:s25], [sflag:$0x5], $0x80, s10, s12, $0xb8;
	[tilespmem:$0x19200] =	vst v63  }
0xb7: {  	_ =	swait.ge [sflag:s7], $0x2800  }
0xb8: {  	[sflag:s7] =	ssyncset.done $0x0  }
0xb9: {  	[sflag:s7] =	ssyncadd.s32 $0xFFFFD800  }
0xba: {  	_ =	swait.ge [sflag:s11], $0x50  }
0xbb: {  	[sflag:s11] =	ssyncset.done $0x0  }
0xbc: {  	[sflag:s11] =	ssyncadd.s32 $0xFFFFFFB0  }
0xbd: {  	_ =	swait.ge [sflag:s11], $0x50  }
0xbe: {  	[sflag:s11] =	ssyncset.done $0x0  }
0xbf: {  	[sflag:s11] =	ssyncadd.s32 $0xFFFFFFB0  }
0xc0: {  	[tilespmem:s6], [sflag:$0x3] =	stream.indirect.gather [hbm4b:s14+s12], $0x80, s3, s12, $0xb8;
	[tilespmem:$0x19200] =	vst v63  }
0xc1: {  	_ =	swait.ge [sflag:s15], $0x2800  }
0xc2: {  	[sflag:s15] =	ssyncset.done $0x0  }
0xc3: {  	[sflag:s15] =	ssyncadd.s32 $0xFFFFD800  }
0xc4: {  	[spmem:s1] =	stream.indirect.scatter.add.f32 [tilespmem:s6], [sflag:$0x5], $0x80, s8, s12, $0xb8;
	[tilespmem:$0x19200] =	vst v63  }
0xc5: {  	_ =	swait.ge [sflag:s7], $0x2800  }
0xc6: {  	[sflag:s7] =	ssyncset.done $0x0  }
0xc7: {  	[sflag:s7] =	ssyncadd.s32 $0xFFFFD800  }
0xc8: {  	[bflag:$0x0] =	sbarrier.arrive $0xFFFF  }
0xc9: {  	[tilespmem:s6], [sflag:$0x5] =	stream.linear.gather [spmem:s18], $0x2800, $0x38;
	[tilespmem:$0x19200] =	vst v63  }
0xca: {  	_ =	swait.ge [sflag:s7], $0x2800  }
0xcb: {  	[sflag:s7] =	ssyncset.done $0x0  }
0xcc: {  	s17 =	smov.u32 s18;
	s18 =	rddreg [dreg:$0x3];
	[sflag:s7] =	ssyncadd.s32 $0xFFFFD800  }
0xcd: {  	[hbm4b:s18+s3] =	stream.linear.scatter [tilespmem:s6], [sflag:$0x5], $0x2800, $0x38;
	[tilespmem:$0x19200] =	vst v63  }
0xce: {  	_ =	swait.ge [sflag:s7], $0x2800  }
0xcf: {  	[sflag:s7] =	ssyncset.done $0x0  }
0xd0: {  	[sflag:s7] =	ssyncadd.s32 $0xFFFFD800  }
0xd1: {  	[tilespmem:s6], [sflag:$0x5] =	stream.linear.gather [spmem:s19], $0x2800, $0x38;
	[tilespmem:$0x19200] =	vst v63  }
0xd2: {  	_ =	swait.ge [sflag:s7], $0x2800  }
0xd3: {  	[sflag:s7] =	ssyncset.done $0x0  }
0xd4: {  	s5 =	rddreg [dreg:$0x4];
	[sflag:s7] =	ssyncadd.s32 $0xFFFFD800  }
0xd5: {  	[hbm4b:s5+s3] =	stream.linear.scatter [tilespmem:s6], [sflag:$0x5], $0x2800, $0x38;
	[tilespmem:$0x19200] =	vst v63  }
0xd6: {  	_ =	swait.ge [sflag:s7], $0x2800  }
0xd7: {  	[sflag:s7] =	ssyncset.done $0x0  }
0xd8: {  	[sflag:s7] =	ssyncadd.s32 $0xFFFFD800  }
0xd9: {  	[tilespmem:s6], [sflag:$0x5] =	stream.linear.gather [spmem:s20], $0x2800, $0x38;
	[tilespmem:$0x19200] =	vst v63  }
0xda: {  	_ =	swait.ge [sflag:s7], $0x2800  }
0xdb: {  	[sflag:s7] =	ssyncset.done $0x0  }
0xdc: {  	s18 =	rddreg [dreg:$0x5];
	[sflag:s7] =	ssyncadd.s32 $0xFFFFD800  }
0xdd: {  	[hbm4b:s18+s3] =	stream.linear.scatter [tilespmem:s6], [sflag:$0x5], $0x2800, $0x38;
	[tilespmem:$0x19200] =	vst v63  }
0xde: {  	_ =	swait.ge [sflag:s7], $0x2800  }
0xdf: {  	[sflag:s7] =	ssyncset.done $0x0  }
0xe0: {  	[sflag:s7] =	ssyncadd.s32 $0xFFFFD800  }
0xe1: {  	[tilespmem:s6], [sflag:$0x5] =	stream.linear.gather [spmem:s21], $0x2800, $0x38;
	[tilespmem:$0x19200] =	vst v63  }
0xe2: {  	_ =	swait.ge [sflag:s7], $0x2800  }
0xe3: {  	[sflag:s7] =	ssyncset.done $0x0  }
0xe4: {  	s29 =	smov.u32 s19;
	s19 =	rddreg [dreg:$0x6];
	[sflag:s7] =	ssyncadd.s32 $0xFFFFD800  }
0xe5: {  	[hbm4b:s19+s3] =	stream.linear.scatter [tilespmem:s6], [sflag:$0x5], $0x2800, $0x38;
	[tilespmem:$0x19200] =	vst v63  }
0xe6: {  	_ =	swait.ge [sflag:s7], $0x2800  }
0xe7: {  	[sflag:s7] =	ssyncset.done $0x0  }
0xe8: {  	[sflag:s7] =	ssyncadd.s32 $0xFFFFD800  }
0xe9: {  	[tilespmem:s6], [sflag:$0x5] =	stream.linear.gather [spmem:s23], $0x2800, $0x38;
	[tilespmem:$0x19200] =	vst v63  }
0xea: {  	_ =	swait.ge [sflag:s7], $0x2800  }
0xeb: {  	[sflag:s7] =	ssyncset.done $0x0  }
0xec: {  	s30 =	smov.u32 s20;
	s20 =	rddreg [dreg:$0x7];
	[sflag:s7] =	ssyncadd.s32 $0xFFFFD800  }
0xed: {  	[hbm4b:s20+s3] =	stream.linear.scatter [tilespmem:s6], [sflag:$0x5], $0x2800, $0x38;
	[tilespmem:$0x19200] =	vst v63  }
0xee: {  	_ =	swait.ge [sflag:s7], $0x2800  }
0xef: {  	[sflag:s7] =	ssyncset.done $0x0  }
0xf0: {  	s18 =	smov.u32 s23;
	s23 =	rddreg [dreg:$0xd];
	[sflag:s7] =	ssyncadd.s32 $0xFFFFD800  }
0xf1: {  	[tilespmem:s6], [sflag:$0x5] =	stream.linear.gather [spmem:s23], $0x2800, $0x38;
	[tilespmem:$0x19200] =	vst v63  }
0xf2: {  	_ =	swait.ge [sflag:s7], $0x2800  }
0xf3: {  	[sflag:s7] =	ssyncset.done $0x0  }
0xf4: {  	s31 =	smov.u32 s21;
	s21 =	rddreg [dreg:$0x8];
	[sflag:s7] =	ssyncadd.s32 $0xFFFFD800  }
0xf5: {  	[hbm4b:s21+s3] =	stream.linear.scatter [tilespmem:s6], [sflag:$0x5], $0x2800, $0x38;
	[tilespmem:$0x19200] =	vst v63  }
0xf6: {  	_ =	swait.ge [sflag:s7], $0x2800  }
0xf7: {  	[sflag:s7] =	ssyncset.done $0x0  }
0xf8: {  	s19 =	rddreg [dreg:$0xc];
	[sflag:s7] =	ssyncadd.s32 $0xFFFFD800  }
0xf9: {  	[tilespmem:s6], [sflag:$0x5] =	stream.linear.gather [spmem:s19], $0x2800, $0x38;
	[tilespmem:$0x19200] =	vst v63  }
0xfa: {  	_ =	swait.ge [sflag:s7], $0x2800  }
0xfb: {  	[sflag:s7] =	ssyncset.done $0x0  }
0xfc: {  	s5 =	rddreg [dreg:$0x9];
	[sflag:s7] =	ssyncadd.s32 $0xFFFFD800  }
0xfd: {  	[hbm4b:s5+s3] =	stream.linear.scatter [tilespmem:s6], [sflag:$0x5], $0x2800, $0x38;
	[tilespmem:$0x19200] =	vst v63  }
0xfe: {  	_ =	swait.ge [sflag:s7], $0x2800  }
0xff: {  	[sflag:s7] =	ssyncset.done $0x0  }
0x100: {  	[sflag:s7] =	ssyncadd.s32 $0xFFFFD800  }
0x101: {  	[tilespmem:s6], [sflag:$0x5] =	stream.linear.gather [spmem:s22], $0x2800, $0x38;
	[tilespmem:$0x19200] =	vst v63  }
0x102: {  	_ =	swait.ge [sflag:s7], $0x2800  }
0x103: {  	[sflag:s7] =	ssyncset.done $0x0  }
0x104: {  	s20 =	rddreg [dreg:$0xa];
	[sflag:s7] =	ssyncadd.s32 $0xFFFFD800  }
0x105: {  	[hbm4b:s20+s3] =	stream.linear.scatter [tilespmem:s6], [sflag:$0x5], $0x2800, $0x38;
	[tilespmem:$0x19200] =	vst v63  }
0x106: {  	_ =	swait.ge [sflag:s7], $0x2800  }
0x107: {  	s28 =	sadd.s32 $0x1, s28;
	s21 =	rddreg [dreg:$0x14]  }
0x108: {  	p0 =	sne.s32 s28, s21  }
.Ltmp1:
0x109: {  	_ = 	snop;
	(pc) =	sbr.rel @p0 .LBB2_1-.Ltmp1, $3  }
0x10a: {  	_ =	sdelay $0x1  }
0x10b: {  	[sflag:s7] =	ssyncset.done $0x0  }
0x10c: {  	[sflag:s7] =	ssyncadd.s32 $0xFFFFD800  }
0x10d: {  	_ =	sfence.sel $0x180000  }
0x10e: {  	[bflag:$0x0] =	sbarrier.arrive $0xFFFF  }
0x10f: {  	_ =	strace $0x9000004A  }
0x110: {  	s0 =	stileid.u32;
	[bflag:$0x2] =	sbarrier.arrive $0xFFFF  }
0x111: {  	p0 =	sne.s32 s0, $0x0;
	s0 =	rddreg [dreg:$0x2]  }
0x112: {  	s0 =	sadd.s32 @!p0 $0x100000, s0  }
0x113: {  	[sflag:s0] =	ssyncadd.tile.s32 @!p0 $0x1;
	_ =	shalt  }
.Lfunc_end2:
_tile_overlayer_lowered:
.L_overlay_start_2:
0x114: {  	(tag) =	ssettag $0x2  }
0x115: {  	s0 =	rddreg [dreg:$0x0];
	s2 =	stileid.u32  }
0x116: {  	s1 =	rddreg [dreg:$0x1];
	p0 =	sne.s32 s2, $0x0  }
0x117: {  	s3 =	rddreg [dreg:$0x2];
	[bflag:$0x3] =	sbarrier.arrive $0xFFFF;
	s2 =	simm.s32 @!p0 $0x1C05  }
0x118: {  	[timem:s3], [sflag:s2] =	dma.local @!p0 [hbm:s0], s1  }
0x119: {  	s0 =	simm.s32 @!p0 $0x5  }
0x11a: {  	_ =	swait.ge @!p0 [sflag:s0], s1  }
0x11b: {  	s1 =	ssub.s32 @!p0 $0x0, s1;
	[sflag:s0] =	ssyncset.done @!p0 $0x0  }
0x11c: {  	[sflag:s0] =	ssyncadd.s32 @!p0 s1  }
0x11d: {  	[bflag:$0x3] =	sbarrier.arrive $0xFFFF  }
0x11e: {  	_ =	shalt  }

// kernel: kernel.17.cloned.1.call-start
scs
__scs_entry_jumppad:
0x0: {  	(pc) =	sbr.rel $0x88, $3  }
0x1: {  	(tag) =	ssettag $0x0;
	lr =	simm.s32 $0x1  }
0x2: {  	[smem:$0x3F91] =	sst lr;
	_ =	strace $0xD0000000  }
0x3: {  	_ = 	snop  }
0x4: {  	_ = 	snop  }
0x5: {  	_ = 	snop  }
0x6: {  	_ = 	snop  }
0x7: {  	_ = 	snop  }
__scs_overlays_trampoline_lowered:
0x8: {  	[smem:$0x3FA0] =	sst s0  }
0x9: {  	[smem:$0x3FA1] =	sst s1  }
0xa: {  	[smem:$0x3FA2] =	sst s2  }
0xb: {  	[smem:$0x3FA3] =	sst s3  }
0xc: {  	[smem:$0x3FA4] =	sst s4  }
0xd: {  	[smem:$0x3FA5] =	sst s5  }
0xe: {  	[smem:$0x3FA6] =	sst s6  }
0xf: {  	[smem:$0x3FA7] =	sst s7  }
0x10: {  	[smem:$0x3FA8] =	sst s8  }
0x11: {  	[smem:$0x3FA9] =	sst s9;
	s0 =	simm.s32 @!p0 $0x0  }
0x12: {  	s1 =	sld [smem:$0x3F8F];
	s0 =	simm.s32 @p0 $0x1  }
0x13: {  	[smem:$0x3FAA] =	sst s0;
	s0 =	simm.s32 @!p1 $0x0  }
0x14: {  	s2 =	sld [smem:$0x3F8E];
	s0 =	simm.s32 @p1 $0x1  }
0x15: {  	[smem:$0x3FAB] =	sst s0;
	s0 =	simm.s32 @!p2 $0x0  }
0x16: {  	s3 =	sld [smem:$0x3FDB];
	s0 =	simm.s32 @p2 $0x1  }
0x17: {  	s4 =	simm.s32 $0x1BF5;
	[smem:$0x3FAD] =	sst s0  }
0x18: {  	s0 =	sld [smem:$0x3F90];
	_ =	swait.ge [sflag:s4], $0x0  }
0x19: {  	s7 =	sld [smem:$0x3F91]  }
0x1a: {  	s8 =	sadd.s32 $0xFFFFE003, lr  }
0x1b: {  	s9 =	sadd.s32 $0xFFFFFEF7, lr;
	s5 =	simm.s32 $0xFFFFFFFF;
	p2 =	slt.u32 s8, $0xFFFFF086  }
0x1c: {  	p1 =	slt.u32 s9, $0xF7A;
	s5 =	simm.s32 @!p2 $0x0  }
0x1d: {  	s5 =	simm.s32 @p1 $0x1;
	p0 =	seq.s32 s7, s2  }
0x1e: {  	s7 =	smul.u32 @!p0 $0xF7A, s2;
	p2 =	seq.s32 @!p0 s5, $0x0  }
0x1f: {  	s9 =	smul.u32 $0xF7A, s1;
	s8 =	simm.s32 @!p0 $0x1BF5;
	p2 =	por !p2, p0  }
0x20: {  	[sflag:s8] =	ssyncset.s32 @!p0 $0xFFFFF086;
	s6 =	sadd.s32 @!p0 s3, s7;
	s7 =	simm.s32 @!p0 $0x108  }
0x21: {  	s3 =	sadd.s32 s3, s9;
	s6 =	sadd.s32 @!p0 $0x88, s6;
	s7 =	simm.s32 @p2 $0x1082  }
0x22: {  	[simem:s7], [sflag:s8] =	dma.local @!p0 [hbm:s6], $0xF7A  }
0x23: {  	s9 =	sor.u32 $0xD0000000, s2;
	s6 =	simm.s32 $0x108;
	_ =	swait.ge @!p0 [sflag:s8], $0x0  }
0x24: {  	s3 =	sadd.s32 $0x88, s3;
	s6 =	simm.s32 @!p1 $0x1082;
	[sflag:s4] =	ssyncset.s32 $0xFFFFF086  }
0x25: {  	[simem:s6], [sflag:s4] =	dma.local [hbm:s3], $0xF7A  }
0x26: {  	[smem:$0x3F91] =	sst s1;
	(tag) =	ssettag s2;
	_ =	strace s9  }
0x27: {  	s1 =	sld [smem:$0x3FA1]  }
0x28: {  	s2 =	sld [smem:$0x3FA2]  }
0x29: {  	s4 =	sld [smem:$0x3FA4]  }
0x2a: {  	p0 =	seq.s32 s5, $0x0;
	s5 =	sld [smem:$0x3FA5]  }
0x2b: {  	s6 =	sld [smem:$0x3FA6]  }
0x2c: {  	s7 =	sld [smem:$0x3FA7]  }
0x2d: {  	s3 =	simm.s32 $0x108;
	s8 =	sld [smem:$0x3FA8]  }
0x2e: {  	s3 =	simm.s32 @!p0 $0x1082;
	s9 =	sld [smem:$0x3FA9]  }
0x2f: {  	lr =	sadd.s32 s0, s3;
	s0 =	sld [smem:$0x3FA0]  }
0x30: {  	s3 =	sld [smem:$0x3FA3]  }
0x31: {  	[smem:$0x3FAC] =	sst s10  }
0x32: {  	s10 =	sld [smem:$0x3FAA];
	_ =	sdelay $0x3  }
0x33: {  	p0 =	seq.s32 s10, $0x1;
	s10 =	sld [smem:$0x3FAC];
	_ =	sdelay $0x3  }
0x34: {  	[smem:$0x3FAC] =	sst s10  }
0x35: {  	s10 =	sld [smem:$0x3FAB];
	_ =	sdelay $0x3  }
0x36: {  	p1 =	seq.s32 s10, $0x1;
	s10 =	sld [smem:$0x3FAC];
	_ =	sdelay $0x3  }
0x37: {  	[smem:$0x3FAC] =	sst s10  }
0x38: {  	s10 =	sld [smem:$0x3FAD]  }
0x39: {  	_ = 	snop;
	(pc) =	sbr.ind lr, $3  }
0x3a: {  	_ = 	snop  }
0x3b: {  	_ = 	snop  }
0x3c: {  	p2 =	seq.s32 s10, $0x1;
	s10 =	sld [smem:$0x3FAC]  }
0x3d: {  	_ =	shalt  }
0x3e: {  	_ =	shalt  }
0x3f: {  	_ =	shalt  }
0x40: {  	_ =	shalt  }
0x41: {  	_ =	shalt  }
0x42: {  	_ =	shalt  }
0x43: {  	_ =	shalt  }
0x44: {  	_ =	shalt  }
0x45: {  	_ =	shalt  }
0x46: {  	_ =	shalt  }
0x47: {  	_ =	shalt  }
0x48: {  	_ =	shalt  }
0x49: {  	_ =	shalt  }
0x4a: {  	_ =	shalt  }
0x4b: {  	_ =	shalt  }
0x4c: {  	_ =	shalt  }
0x4d: {  	_ =	shalt  }
0x4e: {  	_ =	shalt  }
0x4f: {  	_ =	shalt  }
0x50: {  	_ =	shalt  }
0x51: {  	_ =	shalt  }
0x52: {  	_ =	shalt  }
0x53: {  	_ =	shalt  }
0x54: {  	_ =	shalt  }
0x55: {  	_ =	shalt  }
0x56: {  	_ =	shalt  }
0x57: {  	_ =	shalt  }
0x58: {  	_ =	shalt  }
0x59: {  	_ =	shalt  }
0x5a: {  	_ =	shalt  }
0x5b: {  	_ =	shalt  }
0x5c: {  	_ =	shalt  }
0x5d: {  	_ =	shalt  }
0x5e: {  	_ =	shalt  }
0x5f: {  	_ =	shalt  }
0x60: {  	_ =	shalt  }
0x61: {  	_ =	shalt  }
0x62: {  	_ =	shalt  }
0x63: {  	_ =	shalt  }
0x64: {  	_ =	shalt  }
0x65: {  	_ =	shalt  }
0x66: {  	_ =	shalt  }
0x67: {  	_ =	shalt  }
0x68: {  	_ =	shalt  }
0x69: {  	_ =	shalt  }
0x6a: {  	_ =	shalt  }
0x6b: {  	_ =	shalt  }
0x6c: {  	_ =	shalt  }
0x6d: {  	_ =	shalt  }
0x6e: {  	_ =	shalt  }
0x6f: {  	_ =	shalt  }
0x70: {  	_ =	shalt  }
0x71: {  	_ =	shalt  }
0x72: {  	_ =	shalt  }
0x73: {  	_ =	shalt  }
0x74: {  	_ =	shalt  }
0x75: {  	_ =	shalt  }
0x76: {  	_ =	shalt  }
0x77: {  	_ =	shalt  }
0x78: {  	_ =	shalt  }
0x79: {  	_ =	shalt  }
0x7a: {  	_ =	shalt  }
0x7b: {  	_ =	shalt  }
0x7c: {  	_ =	shalt  }
0x7d: {  	_ =	shalt  }
0x7e: {  	_ =	shalt  }
0x7f: {  	_ =	shalt  }
0x80: {  	_ =	shalt  }
0x81: {  	_ =	shalt  }
0x82: {  	_ =	shalt  }
0x83: {  	_ =	shalt  }
0x84: {  	_ =	shalt  }
0x85: {  	_ =	shalt  }
0x86: {  	_ =	shalt  }
0x87: {  	_ =	shalt  }
.Lfunc_end0:
.L_simem_size_0:
called_computation.2_lowered:
.L_overlay_start_0:
0x88: {  	s2 =	sld [smem:$0x3FD9]  }
0x89: {  	s3 =	sld [smem:$0x3FFE];
	_ =	sdelay $0x1  }
0x8a: {  	s1 =	srdreg.scid  }
0x8b: {  	s0 =	sand.u32 $0x1, s1  }
0x8c: {  	s16 =	sshll.u32 s0, $0xA;
	s2 =	sadd.s32 s3, s2  }
0x8d: {  	s2 =	sadd.s32 s2, s16  }
0x8e: {  	[smem:$0x3FB8] =	sst s2  }
0x8f: {  	_ = 	snop  }
0x90: {  	(tm) =	ssettm $0x1  }
0x91: {  	s17 =	sld [smem:$0x3FFB];
	_ =	sdelay $0x3  }
0x92: {  	_ =	strace s17  }
0x93: {  	s2 =	sld [smem:$0x3FFC];
	_ =	sdelay $0x3  }
0x94: {  	_ =	strace s2  }
0x95: {  	s2 =	sld [smem:$0x3FFD];
	_ =	sdelay $0x3  }
0x96: {  	_ =	strace s2  }
0x97: {  	_ =	strace $0x8FFFFFFF  }
0x98: {  	s18 =	sld [smem:$0x3FDB];
	_ =	sdelay $0x1  }
0x99: {  	s19 =	simm.s32 $_scs_section_size  }
0x9a: {  	s4 =	simm.s32 $_size__tile_overlayer_lowered;
	s5 =	simm.s32 $_tile_overlayer_lowered  }
0x9b: {  	s22 =	simm.s32 $0x1BFF;
	s21 =	sshll.u32 s5, $0x1;
	s2 =	sadd.s32 s19, s18  }
0x9c: {  	s6 =	simm.s32 $0x0;
	s20 =	sshll.u32 s4, $0x1;
	s4 =	sadd.s32 s21, s2  }
0x9d: {  	[timem:s6], [sflag:s22] =	dma.local [hbm:s4], s20  }
0x9e: {  	_ =	swait.ge [sflag:s22], s20  }
0x9f: {  	s3 =	ssub.s32 $0x0, s20;
	[sflag:s22] =	ssyncset.done $0x0  }
0xa0: {  	[sflag:s22] =	ssyncadd.s32 s3;
	_ =	sdelay $0x1  }
0xa1: {  	s23 =	simm.s32 $0x1B8B  }
0xa2: {  	_ =	swait.ge [sflag:s23], $0x1  }
0xa3: {  	[sflag:s23] =	ssyncset.done $0x0  }
0xa4: {  	s25 =	simm.s32 $0x1B8E;
	s24 =	sld [smem:$0x3FFE];
	[sflag:s23] =	ssyncadd.s32 $0xFFFFFFFF  }
0xa5: {  	s26 =	simm.s32 $execute0_lowered;
	[smem:$0x3FD2] =	sst s25  }
0xa6: {  	s4 =	sshll.u32 s26, $0x1;
	_ =	strace $0x8000004C;
	[dreg:$0x1] =	wrdreg $0xFFFFFFFF  }
0xa7: {  	s28 =	simm.s32 $_size_execute0_lowered;
	s2 =	sadd.s32 s2, s4;
	[dreg:$0x0] =	wrdreg $0x0  }
0xa8: {  	s4 =	sshll.u32 s28, $0x1;
	[dreg:$0x2] =	wrdreg s2  }
0xa9: {  	[dreg:$0x3] =	wrdreg s4  }
0xaa: {  	[dreg:$0x4] =	wrdreg $0xC0  }
0xab: {  	_ =	task [dreg:s6], $0x5FFFF  }
0xac: {  	[dreg:$0x1] =	wrdreg $0xFFFFFFFF  }
0xad: {  	[dreg:$0x0] =	wrdreg $0x60  }
0xae: {  	[dreg:$0x2] =	wrdreg s24  }
0xaf: {  	[dreg:$0x3] =	wrdreg $0x52000  }
0xb0: {  	[dreg:$0x4] =	wrdreg $0x9  }
0xb1: {  	_ =	task.clear_ibuf [dreg:s6], $0x5FFFF;
	_ =	strace $0x9000004C  }
0xb2: {  	s29 =	simm.s32 $0x9;
	_ =	strace $0x8000004E  }
0xb3: {  	_ =	swait.ge [sflag:s29], $0x1  }
0xb4: {  	[sflag:s29] =	ssyncadd.s32 $0xFFFFFFFF  }
0xb5: {  	_ =	strace $0x9000004E  }
0xb6: {  	_ =	sfence  }
0xb7: {  	s30 =	sld [smem:$0x0];
	_ =	sdelay $0x2  }
0xb8: {  	s31 =	sshll.u32 s1, $0xD;
	s1 =	sshrl.u32 s1, $0x2  }
0xb9: {  	s3 =	sand.u32 $0x4000, s31;
	s1 =	sadd.s32 s1, s30  }
0xba: {  	s0 =	sor.u32 s3, s0;
	s1 =	sshll.u32 s1, $0x11  }
0xbb: {  	s0 =	sor.u32 s1, s0  }
0xbc: {  	s0 =	sadd.s32 $0x8F2B, s0  }
0xbd: {  	[sflag:s0] =	ssyncadd.remote.s32 $0x1  }
0xbe: {  	_ =	sfence.sel $0xFFFF  }
0xbf: {  	[dreg:$0x0] =	wrdreg $0xFFFFFFFF;
	(pc) =	sbr.abs _section_cstart, $3  }
0xc0: {  	[dreg:$0x1] =	wrdreg $0xFFFFFFFF  }
0xc1: {  	_ =	task.clear_ibuf [dreg:s6], $0x2FFFF;
	_ =	strace $0x9FFFFFFF  }
0xc2: {  	(tm) =	ssettm $0x7FFFFFFF  }
0xc3: {  	_ =	shalt  }
tec
execute0_lowered:
.L_overlay_start_1:
0x0: {  	(tag) =	ssettag $0x1  }
0x1: {  	s0 =	rddreg [dreg:$0x0]  }
0x2: {  	s1 =	rddreg [dreg:$0x1];
	s2 =	srdreg.scid  }
0x3: {  	s3 =	simm.s32 $0x0;
	s18 =	stileid.u32;
	s28 =	simm.s32 $0x0  }
0x4: {  	s2 =	sand.u32 $0x1, s2;
	[smem:$0x7FF] =	sst s3;
	s7 =	smul.u32 $0x14000, s18  }
0x5: {  	s4 =	sadd.s32 $0xE400, s0;
	s8 =	sadd.s32 $0x3FA00, s0;
	s10 =	smul.u32 $0x140000, s2  }
0x6: {  	s5 =	ssub.s32 $0x2, s2;
	_ =	strace $0x8000004D;
	s23 =	smul.u32 $0x27100, s2  }
0x7: {  	s2 =	sshll.u32 s2, $0x4;
	s6 =	sshrl.u32 s5, $0x1;
	s9 =	sadd.s32 $0x5000, s7  }
0x8: {  	s11 =	sadd.s32 $0x7800, s7;
	s12 =	sadd.s32 $0xA000, s7;
	s15 =	sadd.s32 $0xC800, s7  }
0x9: {  	s22 =	sadd.s32 $0xF000, s7;
	s2 =	sor.u32 s18, s2;
	s5 =	ssub.s32 s5, s6  }
0xa: {  	s6 =	sor.u32 $0x2800, s7;
	s13 =	sadd.s32 s7, s10;
	s7 =	sadd.s32 $0x11800, s7  }
0xb: {  	s25 =	sadd.s32 s10, s9;
	s26 =	sadd.s32 s10, s11;
	s16 =	sadd.s32 s10, s12  }
0xc: {  	s20 =	sadd.s32 s10, s15;
	s21 =	sadd.s32 s10, s22;
	s30 =	sadd.s32 s9, s1  }
0xd: {  	s31 =	sadd.s32 s11, s1;
	s9 =	simm.s32 $0x100;
	s11 =	simm.s32 $0x1  }
0xe: {  	s14 =	sadd.s32 s10, s6;
	s13 =	sshrl.u32 s13, $0x3;
	s17 =	sshrl.u32 s16, $0x3  }
0xf: {  	s10 =	sadd.s32 s10, s7;
	s29 =	sadd.s32 s6, s1;
	s6 =	simm.s32 $0x200  }
0x10: {  	s14 =	sshrl.u32 s14, $0x3;
	s13 =	sadd.s32 s8, s13;
	s19 =	sadd.s32 s8, s17  }
0x11: {  	s17 =	smul.u32 $0x2710, s18;
	s10 =	sshrl.u32 s10, $0x3;
	[dreg:$0x3] =	wrdreg s13  }
0x12: {  	s24 =	sadd.s32 s8, s14;
	s13 =	sshrl.u32 s25, $0x3;
	s14 =	sshrl.u32 s26, $0x3  }
0x13: {  	[dreg:$0x7] =	wrdreg s19;
	s25 =	smul.u32 $0x50000, s18;
	s18 =	sadd.s32 s12, s1  }
0x14: {  	s19 =	sadd.s32 s22, s1;
	s22 =	sadd.s32 s7, s1;
	[dreg:$0x4] =	wrdreg s24  }
0x15: {  	s7 =	simm.s32 $0x5;
	s13 =	sadd.s32 s8, s13;
	[dreg:$0xc] =	wrdreg s19  }
0x16: {  	s26 =	sadd.s32 s17, s23;
	s23 =	sadd.s32 s15, s1;
	[dreg:$0x5] =	wrdreg s13  }
0x17: {  	s13 =	sadd.s32 s8, s14;
	s14 =	sshrl.u32 s21, $0x3;
	[dreg:$0xd] =	wrdreg s23  }
0x18: {  	[dreg:$0x6] =	wrdreg s13;
	s13 =	sshrl.u32 s20, $0x3;
	s24 =	sadd.s32 s8, s14  }
0x19: {  	s14 =	sadd.s32 $0x18200, s0;
	s13 =	sadd.s32 s8, s13;
	[dreg:$0x9] =	wrdreg s24  }
0x1a: {  	s8 =	sadd.s32 s8, s10;
	s24 =	sadd.s32 $0xF0, s26;
	s26 =	sadd.s32 $0xA0, s26  }
0x1b: {  	[dreg:$0x8] =	wrdreg s13;
	s13 =	sadd.s32 $0x4600, s0;
	s0 =	sadd.s32 $0x3F400, s0  }
0x1c: {  	s10 =	simm.s32 $0x180;
	[dreg:$0xb] =	wrdreg s0;
	s0 =	smul.u32 $0x2710, s2  }
0x1d: {  	[dreg:$0xa] =	wrdreg s8;
	s8 =	sshrl.u32 s25, $0x2;
	s25 =	smax.u32 s5, $0x1  }
0x1e: {  	[dreg:$0x15] =	wrdreg s26;
	s26 =	simm.s32 $0x4;
	s0 =	sshrl.u32 s0, $0x3  }
0x1f: {  	s17 =	sadd.s32 s8, s1;
	[dreg:$0x14] =	wrdreg s25;
	s12 =	sadd.s32 s4, s0  }
0x20: {  	s15 =	sadd.s32 $0xA, s0;
	s16 =	sadd.s32 s13, s0;
	[dreg:$0xe] =	wrdreg s12  }
0x21: {  	s8 =	simm.s32 $0x80;
	[dreg:$0xf] =	wrdreg s16;
	s20 =	sadd.s32 s4, s15  }
0x22: {  	s0 =	sadd.s32 $0x4D8, s0;
	s2 =	sadd.s32 s13, s15;
	[dreg:$0x10] =	wrdreg s20  }
0x23: {  	s25 =	simm.s32 $0x2A00;
	s21 =	sadd.s32 s4, s0;
	[dreg:$0x11] =	wrdreg s2  }
0x24: {  	s0 =	sadd.s32 s13, s0;
	s12 =	simm.s32 $0x50;
	[dreg:$0x12] =	wrdreg s21  }
0x25: {  	s15 =	simm.s32 $0x3;
	[dreg:$0x13] =	wrdreg s0;
	s2 =	sshrl.u32 s24, $0x3  }
0x26: {  	s24 =	simm.s32 $0x2;
	s0 =	sadd.s32 s2, s13;
	s2 =	sadd.s32 s2, s4  }
.LBB2_1:
0x27: {  	s16 =	rddreg [dreg:$0xb]  }
0x28: {  	[tilespmem:s6], [sflag:$0x5] =	stream.linear.gather [hbm4b:s16+s3], $0x2800, $0x38;
	[tilespmem:$0x19200] =	vst v63  }
0x29: {  	_ =	swait.ge [sflag:s7], $0x2800  }
0x2a: {  	[sflag:s7] =	ssyncset.done $0x0  }
0x2b: {  	[sflag:s7] =	ssyncadd.s32 $0xFFFFD800  }
0x2c: {  	[spmem:s17] =	stream.linear.scatter [tilespmem:s6], [sflag:$0x5], $0x2800, $0x38;
	[tilespmem:$0x19200] =	vst v63  }
0x2d: {  	_ =	swait.ge [sflag:s7], $0x2800  }
0x2e: {  	[sflag:s7] =	ssyncset.done $0x0  }
0x2f: {  	[sflag:s7] =	ssyncadd.s32 $0xFFFFD800  }
0x30: {  	[spmem:s29] =	stream.linear.scatter [tilespmem:s6], [sflag:$0x5], $0x2800, $0x38;
	[tilespmem:$0x19200] =	vst v63  }
0x31: {  	_ =	swait.ge [sflag:s7], $0x2800  }
0x32: {  	[sflag:s7] =	ssyncset.done $0x0  }
0x33: {  	[sflag:s7] =	ssyncadd.s32 $0xFFFFD800  }
0x34: {  	[spmem:s30] =	stream.linear.scatter [tilespmem:s6], [sflag:$0x5], $0x2800, $0x38;
	[tilespmem:$0x19200] =	vst v63  }
0x35: {  	_ =	swait.ge [sflag:s7], $0x2800  }
0x36: {  	[sflag:s7] =	ssyncset.done $0x0  }
0x37: {  	[sflag:s7] =	ssyncadd.s32 $0xFFFFD800  }
0x38: {  	[spmem:s31] =	stream.linear.scatter [tilespmem:s6], [sflag:$0x5], $0x2800, $0x38;
	[tilespmem:$0x19200] =	vst v63  }
0x39: {  	_ =	swait.ge [sflag:s7], $0x2800  }
0x3a: {  	[sflag:s7] =	ssyncset.done $0x0  }
0x3b: {  	s16 =	smov.u32 s18;
	[sflag:s7] =	ssyncadd.s32 $0xFFFFD800  }
0x3c: {  	[spmem:s16] =	stream.linear.scatter [tilespmem:s6], [sflag:$0x5], $0x2800, $0x38;
	[tilespmem:$0x19200] =	vst v63  }
0x3d: {  	_ =	swait.ge [sflag:s7], $0x2800  }
0x3e: {  	[sflag:s7] =	ssyncset.done $0x0  }
0x3f: {  	s18 =	smov.u32 s17;
	s17 =	smov.u32 s23;
	[sflag:s7] =	ssyncadd.s32 $0xFFFFD800  }
0x40: {  	[spmem:s17] =	stream.linear.scatter [tilespmem:s6], [sflag:$0x5], $0x2800, $0x38;
	[tilespmem:$0x19200] =	vst v63  }
0x41: {  	_ =	swait.ge [sflag:s7], $0x2800  }
0x42: {  	[sflag:s7] =	ssyncset.done $0x0  }
0x43: {  	s5 =	smov.u32 s19;
	[sflag:s7] =	ssyncadd.s32 $0xFFFFD800  }
0x44: {  	[spmem:s5] =	stream.linear.scatter [tilespmem:s6], [sflag:$0x5], $0x2800, $0x38;
	[tilespmem:$0x19200] =	vst v63  }
0x45: {  	_ =	swait.ge [sflag:s7], $0x2800  }
0x46: {  	[sflag:s7] =	ssyncset.done $0x0  }
0x47: {  	[sflag:s7] =	ssyncadd.s32 $0xFFFFD800  }
0x48: {  	[spmem:s22] =	stream.linear.scatter [tilespmem:s6], [sflag:$0x5], $0x2800, $0x38;
	[tilespmem:$0x19200] =	vst v63  }
0x49: {  	_ =	swait.ge [sflag:s7], $0x2800  }
0x4a: {  	[sflag:s7] =	ssyncset.done $0x0  }
0x4b: {  	[sflag:s7] =	ssyncadd.s32 $0xFFFFD800  }
0x4c: {  	[bflag:$0x0] =	sbarrier.arrive $0xFFFF  }
0x4d: {  	s17 =	rddreg [dreg:$0xe]  }
0x4e: {  	[tilespmem:s3], [sflag:$0x1] =	stream.linear.gather [hbm4b:s17+s3], $0x50, $0x38;
	[tilespmem:$0x19200] =	vst v63  }
0x4f: {  	s23 =	smov.u32 s16;
	s16 =	rddreg [dreg:$0xf]  }
0x50: {  	[tilespmem:s8], [sflag:$0x1] =	stream.linear.gather [hbm4b:s16+s3], $0x50, $0x38;
	[tilespmem:$0x19200] =	vst v63  }
0x51: {  	s17 =	rddreg [dreg:$0x10]  }
0x52: {  	[tilespmem:s9], [sflag:$0x2] =	stream.linear.gather [hbm4b:s17+s3], $0x50, $0x38;
	[tilespmem:$0x19200] =	vst v63  }
0x53: {  	s16 =	rddreg [dreg:$0x11]  }
0x54: {  	[tilespmem:s10], [sflag:$0x2] =	stream.linear.gather [hbm4b:s16+s3], $0x50, $0x38;
	[tilespmem:$0x19200] =	vst v63  }
0x55: {  	_ =	swait.ge [sflag:s11], $0x50  }
0x56: {  	[sflag:s11] =	ssyncset.done $0x0  }
0x57: {  	[sflag:s11] =	ssyncadd.s32 $0xFFFFFFB0  }
0x58: {  	_ =	swait.ge [sflag:s11], $0x50  }
0x59: {  	[sflag:s11] =	ssyncset.done $0x0  }
0x5a: {  	[sflag:s11] =	ssyncadd.s32 $0xFFFFFFB0  }
0x5b: {  	[tilespmem:s6], [sflag:$0x3] =	stream.indirect.gather [hbm4b:s14+s12], $0x80, s3, s12, $0xb8;
	[tilespmem:$0x19200] =	vst v63  }
0x5c: {  	_ =	swait.ge [sflag:s15], $0x2800  }
0x5d: {  	[sflag:s15] =	ssyncset.done $0x0  }
0x5e: {  	[sflag:s15] =	ssyncadd.s32 $0xFFFFD800  }
0x5f: {  	[spmem:s1] =	stream.indirect.scatter.add.f32 [tilespmem:s6], [sflag:$0x5], $0x80, s8, s12, $0xb8;
	[tilespmem:$0x19200] =	vst v63  }
0x60: {  	_ =	swait.ge [sflag:s7], $0x2800  }
0x61: {  	s17 =	rddreg [dreg:$0x15]  }
0x62: {  	s19 =	smov.u32 s29;
	[sflag:s7] =	ssyncset.done $0x0;
	s29 =	sshrl.u32 s17, $0x3  }
0x63: {  	s20 =	smov.u32 s30;
	[sflag:s7] =	ssyncadd.s32 $0xFFFFD800;
	s30 =	sadd.s32 s4, s29  }
0x64: {  	[tilespmem:s3], [sflag:$0x1] =	stream.linear.gather [hbm4b:s30+s3], $0x50, $0x38;
	[tilespmem:$0x19200] =	vst v63  }
0x65: {  	s29 =	sadd.s32 s13, s29  }
0x66: {  	[tilespmem:s8], [sflag:$0x1] =	stream.linear.gather [hbm4b:s29+s3], $0x50, $0x38;
	[tilespmem:$0x19200] =	vst v63  }
0x67: {  	_ =	swait.ge [sflag:s24], $0x50  }
0x68: {  	[sflag:s24] =	ssyncset.done $0x0  }
0x69: {  	[sflag:s24] =	ssyncadd.s32 $0xFFFFFFB0  }
0x6a: {  	_ =	swait.ge [sflag:s24], $0x50  }
0x6b: {  	[sflag:s24] =	ssyncset.done $0x0  }
0x6c: {  	[sflag:s24] =	ssyncadd.s32 $0xFFFFFFB0  }
0x6d: {  	[tilespmem:s25], [sflag:$0x4] =	stream.indirect.gather [hbm4b:s14+s12], $0x80, s9, s12, $0xb8;
	[tilespmem:$0x19200] =	vst v63  }
0x6e: {  	_ =	swait.ge [sflag:s26], $0x2800  }
0x6f: {  	[sflag:s26] =	ssyncset.done $0x0  }
0x70: {  	[sflag:s26] =	ssyncadd.s32 $0xFFFFD800  }
0x71: {  	[spmem:s1] =	stream.indirect.scatter.add.f32 [tilespmem:s25], [sflag:$0x5], $0x80, s10, s12, $0xb8;
	[tilespmem:$0x19200] =	vst v63  }
0x72: {  	_ =	swait.ge [sflag:s7], $0x2800  }
0x73: {  	[sflag:s7] =	ssyncset.done $0x0  }
0x74: {  	s21 =	smov.u32 s31;
	s29 =	sadd.s32 $0x0, s2;
	[sflag:s7] =	ssyncadd.s32 $0xFFFFD800  }
0x75: {  	[tilespmem:s9], [sflag:$0x2] =	stream.linear.gather [hbm4b:s29+s3], $0x50, $0x38;
	[tilespmem:$0x19200] =	vst v63  }
0x76: {  	s31 =	sadd.s32 $0x0, s0;
	s30 =	sadd.s32 $0xA0, s17;
	s29 =	simm.s32 $0x14  }
.LBB2_2:
0x77: {  	[tilespmem:s10], [sflag:$0x2] =	stream.linear.gather [hbm4b:s31+s3], $0x50, $0x38;
	[tilespmem:$0x19200] =	vst v63  }
0x78: {  	s31 =	smov.u32 s29  }
0x79: {  	p0 =	sne.s32 s29, $0x4B0;
	s29 =	sadd.s32 $0x14, s29;
	_ =	swait.ge [sflag:s11], $0x50  }
0x7a: {  	[sflag:s11] =	ssyncset.done $0x0  }
0x7b: {  	[sflag:s11] =	ssyncadd.s32 $0xFFFFFFB0  }
0x7c: {  	_ =	swait.ge [sflag:s11], $0x50  }
0x7d: {  	[sflag:s11] =	ssyncset.done $0x0  }
0x7e: {  	[sflag:s11] =	ssyncadd.s32 $0xFFFFFFB0  }
0x7f: {  	[tilespmem:s6], [sflag:$0x3] =	stream.indirect.gather [hbm4b:s14+s12], $0x80, s3, s12, $0xb8;
	[tilespmem:$0x19200] =	vst v63  }
0x80: {  	_ =	swait.ge [sflag:s15], $0x2800  }
0x81: {  	[sflag:s15] =	ssyncset.done $0x0  }
0x82: {  	[sflag:s15] =	ssyncadd.s32 $0xFFFFD800  }
0x83: {  	[spmem:s1] =	stream.indirect.scatter.add.f32 [tilespmem:s6], [sflag:$0x5], $0x80, s8, s12, $0xb8;
	[tilespmem:$0x19200] =	vst v63  }
0x84: {  	_ =	swait.ge [sflag:s7], $0x2800  }
0x85: {  	s16 =	sshrl.u32 s30, $0x3;
	[sflag:s7] =	ssyncset.done $0x0  }
0x86: {  	s17 =	sadd.s32 s4, s16;
	[sflag:s7] =	ssyncadd.s32 $0xFFFFD800  }
0x87: {  	[tilespmem:s3], [sflag:$0x1] =	stream.linear.gather [hbm4b:s17+s3], $0x50, $0x38;
	[tilespmem:$0x19200] =	vst v63  }
0x88: {  	s16 =	sadd.s32 s13, s16  }
0x89: {  	[tilespmem:s8], [sflag:$0x1] =	stream.linear.gather [hbm4b:s16+s3], $0x50, $0x38;
	[tilespmem:$0x19200] =	vst v63  }
0x8a: {  	_ =	swait.ge [sflag:s24], $0x50  }
0x8b: {  	[sflag:s24] =	ssyncset.done $0x0  }
0x8c: {  	[sflag:s24] =	ssyncadd.s32 $0xFFFFFFB0  }
0x8d: {  	_ =	swait.ge [sflag:s24], $0x50  }
0x8e: {  	[sflag:s24] =	ssyncset.done $0x0  }
0x8f: {  	[sflag:s24] =	ssyncadd.s32 $0xFFFFFFB0  }
0x90: {  	[tilespmem:s25], [sflag:$0x4] =	stream.indirect.gather [hbm4b:s14+s12], $0x80, s9, s12, $0xb8;
	[tilespmem:$0x19200] =	vst v63  }
0x91: {  	_ =	swait.ge [sflag:s26], $0x2800  }
0x92: {  	[sflag:s26] =	ssyncset.done $0x0  }
0x93: {  	[sflag:s26] =	ssyncadd.s32 $0xFFFFD800  }
0x94: {  	[spmem:s1] =	stream.indirect.scatter.add.f32 [tilespmem:s25], [sflag:$0x5], $0x80, s10, s12, $0xb8;
	[tilespmem:$0x19200] =	vst v63  }
.Ltmp0:
0x95: {  	_ =	swait.ge [sflag:s7], $0x2800;
	(pc) =	sbr.rel @p0 .LBB2_2-.Ltmp0, $4  }
0x96: {  	[sflag:s7] =	ssyncset.done $0x0  }
0x97: {  	s16 =	sadd.s32 s31, s2;
	[sflag:s7] =	ssyncadd.s32 $0xFFFFD800  }
0x98: {  	[tilespmem:s9], [sflag:$0x2] =	stream.linear.gather [hbm4b:s16+s3], $0x50, $0x38;
	[tilespmem:$0x19200] =	vst v63  }
0x99: {  	s30 =	sadd.s32 $0xA0, s30;
	s31 =	sadd.s32 s31, s0  }
0x9a: {  	[tilespmem:s10], [sflag:$0x2] =	stream.linear.gather [hbm4b:s31+s3], $0x50, $0x38;
	[tilespmem:$0x19200] =	vst v63  }
0x9b: {  	_ =	swait.ge [sflag:s11], $0x50  }
0x9c: {  	[sflag:s11] =	ssyncset.done $0x0  }
0x9d: {  	[sflag:s11] =	ssyncadd.s32 $0xFFFFFFB0  }
0x9e: {  	_ =	swait.ge [sflag:s11], $0x50  }
0x9f: {  	[sflag:s11] =	ssyncset.done $0x0  }
0xa0: {  	[sflag:s11] =	ssyncadd.s32 $0xFFFFFFB0  }
0xa1: {  	[tilespmem:s6], [sflag:$0x3] =	stream.indirect.gather [hbm4b:s14+s12], $0x80, s3, s12, $0xb8;
	[tilespmem:$0x19200] =	vst v63  }
0xa2: {  	_ =	swait.ge [sflag:s15], $0x2800  }
0xa3: {  	[sflag:s15] =	ssyncset.done $0x0  }
0xa4: {  	[sflag:s15] =	ssyncadd.s32 $0xFFFFD800  }
0xa5: {  	[spmem:s1] =	stream.indirect.scatter.add.f32 [tilespmem:s6], [sflag:$0x5], $0x80, s8, s12, $0xb8;
	[tilespmem:$0x19200] =	vst v63  }
0xa6: {  	_ =	swait.ge [sflag:s7], $0x2800  }
0xa7: {  	[sflag:s7] =	ssyncset.done $0x0  }
0xa8: {  	s16 =	rddreg [dreg:$0x12];
	[sflag:s7] =	ssyncadd.s32 $0xFFFFD800  }
0xa9: {  	[tilespmem:s3], [sflag:$0x1] =	stream.linear.gather [hbm4b:s16+s3], $0x50, $0x38;
	[tilespmem:$0x19200] =	vst v63  }
0xaa: {  	s17 =	rddreg [dreg:$0x13]  }
0xab: {  	[tilespmem:s8], [sflag:$0x1] =	stream.linear.gather [hbm4b:s17+s3], $0x50, $0x38;
	[tilespmem:$0x19200] =	vst v63  }
0xac: {  	_ =	swait.ge [sflag:s24], $0x50  }
0xad: {  	[sflag:s24] =	ssyncset.done $0x0  }
0xae: {  	[sflag:s24] =	ssyncadd.s32 $0xFFFFFFB0  }
0xaf: {  	_ =	swait.ge [sflag:s24], $0x50  }
0xb0: {  	[sflag:s24] =	ssyncset.done $0x0  }
0xb1: {  	[sflag:s24] =	ssyncadd.s32 $0xFFFFFFB0  }
0xb2: {  	[tilespmem:s25], [sflag:$0x4] =	stream.indirect.gather [hbm4b:s14+s12], $0x80, s9, s12, $0xb8;
	[tilespmem:$0x19200] =	vst v63  }
0xb3: {  	_ =	swait.ge [sflag:s26], $0x2800  }
0xb4: {  	[sflag:s26] =	ssyncset.done $0x0  }
0xb5: {  	[sflag:s26] =	ssyncadd.s32 $0xFFFFD800  }
0xb6: {  	[spmem:s1] =	stream.indirect.scatter.add.f32 [tilespmem:s25], [sflag:$0x5], $0x80, s10, s12, $0xb8;
	[tilespmem:$0x19200] =	vst v63  }
0xb7: {  	_ =	swait.ge [sflag:s7], $0x2800  }
0xb8: {  	[sflag:s7] =	ssyncset.done $0x0  }
0xb9: {  	[sflag:s7] =	ssyncadd.s32 $0xFFFFD800  }
0xba: {  	_ =	swait.ge [sflag:s11], $0x50  }
0xbb: {  	[sflag:s11] =	ssyncset.done $0x0  }
0xbc: {  	[sflag:s11] =	ssyncadd.s32 $0xFFFFFFB0  }
0xbd: {  	_ =	swait.ge [sflag:s11], $0x50  }
0xbe: {  	[sflag:s11] =	ssyncset.done $0x0  }
0xbf: {  	[sflag:s11] =	ssyncadd.s32 $0xFFFFFFB0  }
0xc0: {  	[tilespmem:s6], [sflag:$0x3] =	stream.indirect.gather [hbm4b:s14+s12], $0x80, s3, s12, $0xb8;
	[tilespmem:$0x19200] =	vst v63  }
0xc1: {  	_ =	swait.ge [sflag:s15], $0x2800  }
0xc2: {  	[sflag:s15] =	ssyncset.done $0x0  }
0xc3: {  	[sflag:s15] =	ssyncadd.s32 $0xFFFFD800  }
0xc4: {  	[spmem:s1] =	stream.indirect.scatter.add.f32 [tilespmem:s6], [sflag:$0x5], $0x80, s8, s12, $0xb8;
	[tilespmem:$0x19200] =	vst v63  }
0xc5: {  	_ =	swait.ge [sflag:s7], $0x2800  }
0xc6: {  	[sflag:s7] =	ssyncset.done $0x0  }
0xc7: {  	[sflag:s7] =	ssyncadd.s32 $0xFFFFD800  }
0xc8: {  	[bflag:$0x0] =	sbarrier.arrive $0xFFFF  }
0xc9: {  	[tilespmem:s6], [sflag:$0x5] =	stream.linear.gather [spmem:s18], $0x2800, $0x38;
	[tilespmem:$0x19200] =	vst v63  }
0xca: {  	_ =	swait.ge [sflag:s7], $0x2800  }
0xcb: {  	[sflag:s7] =	ssyncset.done $0x0  }
0xcc: {  	s17 =	smov.u32 s18;
	s18 =	rddreg [dreg:$0x3];
	[sflag:s7] =	ssyncadd.s32 $0xFFFFD800  }
0xcd: {  	[hbm4b:s18+s3] =	stream.linear.scatter [tilespmem:s6], [sflag:$0x5], $0x2800, $0x38;
	[tilespmem:$0x19200] =	vst v63  }
0xce: {  	_ =	swait.ge [sflag:s7], $0x2800  }
0xcf: {  	[sflag:s7] =	ssyncset.done $0x0  }
0xd0: {  	[sflag:s7] =	ssyncadd.s32 $0xFFFFD800  }
0xd1: {  	[tilespmem:s6], [sflag:$0x5] =	stream.linear.gather [spmem:s19], $0x2800, $0x38;
	[tilespmem:$0x19200] =	vst v63  }
0xd2: {  	_ =	swait.ge [sflag:s7], $0x2800  }
0xd3: {  	[sflag:s7] =	ssyncset.done $0x0  }
0xd4: {  	s5 =	rddreg [dreg:$0x4];
	[sflag:s7] =	ssyncadd.s32 $0xFFFFD800  }
0xd5: {  	[hbm4b:s5+s3] =	stream.linear.scatter [tilespmem:s6], [sflag:$0x5], $0x2800, $0x38;
	[tilespmem:$0x19200] =	vst v63  }
0xd6: {  	_ =	swait.ge [sflag:s7], $0x2800  }
0xd7: {  	[sflag:s7] =	ssyncset.done $0x0  }
0xd8: {  	[sflag:s7] =	ssyncadd.s32 $0xFFFFD800  }
0xd9: {  	[tilespmem:s6], [sflag:$0x5] =	stream.linear.gather [spmem:s20], $0x2800, $0x38;
	[tilespmem:$0x19200] =	vst v63  }
0xda: {  	_ =	swait.ge [sflag:s7], $0x2800  }
0xdb: {  	[sflag:s7] =	ssyncset.done $0x0  }
0xdc: {  	s18 =	rddreg [dreg:$0x5];
	[sflag:s7] =	ssyncadd.s32 $0xFFFFD800  }
0xdd: {  	[hbm4b:s18+s3] =	stream.linear.scatter [tilespmem:s6], [sflag:$0x5], $0x2800, $0x38;
	[tilespmem:$0x19200] =	vst v63  }
0xde: {  	_ =	swait.ge [sflag:s7], $0x2800  }
0xdf: {  	[sflag:s7] =	ssyncset.done $0x0  }
0xe0: {  	[sflag:s7] =	ssyncadd.s32 $0xFFFFD800  }
0xe1: {  	[tilespmem:s6], [sflag:$0x5] =	stream.linear.gather [spmem:s21], $0x2800, $0x38;
	[tilespmem:$0x19200] =	vst v63  }
0xe2: {  	_ =	swait.ge [sflag:s7], $0x2800  }
0xe3: {  	[sflag:s7] =	ssyncset.done $0x0  }
0xe4: {  	s29 =	smov.u32 s19;
	s19 =	rddreg [dreg:$0x6];
	[sflag:s7] =	ssyncadd.s32 $0xFFFFD800  }
0xe5: {  	[hbm4b:s19+s3] =	stream.linear.scatter [tilespmem:s6], [sflag:$0x5], $0x2800, $0x38;
	[tilespmem:$0x19200] =	vst v63  }
0xe6: {  	_ =	swait.ge [sflag:s7], $0x2800  }
0xe7: {  	[sflag:s7] =	ssyncset.done $0x0  }
0xe8: {  	[sflag:s7] =	ssyncadd.s32 $0xFFFFD800  }
0xe9: {  	[tilespmem:s6], [sflag:$0x5] =	stream.linear.gather [spmem:s23], $0x2800, $0x38;
	[tilespmem:$0x19200] =	vst v63  }
0xea: {  	_ =	swait.ge [sflag:s7], $0x2800  }
0xeb: {  	[sflag:s7] =	ssyncset.done $0x0  }
0xec: {  	s30 =	smov.u32 s20;
	s20 =	rddreg [dreg:$0x7];
	[sflag:s7] =	ssyncadd.s32 $0xFFFFD800  }
0xed: {  	[hbm4b:s20+s3] =	stream.linear.scatter [tilespmem:s6], [sflag:$0x5], $0x2800, $0x38;
	[tilespmem:$0x19200] =	vst v63  }
0xee: {  	_ =	swait.ge [sflag:s7], $0x2800  }
0xef: {  	[sflag:s7] =	ssyncset.done $0x0  }
0xf0: {  	s18 =	smov.u32 s23;
	s23 =	rddreg [dreg:$0xd];
	[sflag:s7] =	ssyncadd.s32 $0xFFFFD800  }
0xf1: {  	[tilespmem:s6], [sflag:$0x5] =	stream.linear.gather [spmem:s23], $0x2800, $0x38;
	[tilespmem:$0x19200] =	vst v63  }
0xf2: {  	_ =	swait.ge [sflag:s7], $0x2800  }
0xf3: {  	[sflag:s7] =	ssyncset.done $0x0  }
0xf4: {  	s31 =	smov.u32 s21;
	s21 =	rddreg [dreg:$0x8];
	[sflag:s7] =	ssyncadd.s32 $0xFFFFD800  }
0xf5: {  	[hbm4b:s21+s3] =	stream.linear.scatter [tilespmem:s6], [sflag:$0x5], $0x2800, $0x38;
	[tilespmem:$0x19200] =	vst v63  }
0xf6: {  	_ =	swait.ge [sflag:s7], $0x2800  }
0xf7: {  	[sflag:s7] =	ssyncset.done $0x0  }
0xf8: {  	s19 =	rddreg [dreg:$0xc];
	[sflag:s7] =	ssyncadd.s32 $0xFFFFD800  }
0xf9: {  	[tilespmem:s6], [sflag:$0x5] =	stream.linear.gather [spmem:s19], $0x2800, $0x38;
	[tilespmem:$0x19200] =	vst v63  }
0xfa: {  	_ =	swait.ge [sflag:s7], $0x2800  }
0xfb: {  	[sflag:s7] =	ssyncset.done $0x0  }
0xfc: {  	s5 =	rddreg [dreg:$0x9];
	[sflag:s7] =	ssyncadd.s32 $0xFFFFD800  }
0xfd: {  	[hbm4b:s5+s3] =	stream.linear.scatter [tilespmem:s6], [sflag:$0x5], $0x2800, $0x38;
	[tilespmem:$0x19200] =	vst v63  }
0xfe: {  	_ =	swait.ge [sflag:s7], $0x2800  }
0xff: {  	[sflag:s7] =	ssyncset.done $0x0  }
0x100: {  	[sflag:s7] =	ssyncadd.s32 $0xFFFFD800  }
0x101: {  	[tilespmem:s6], [sflag:$0x5] =	stream.linear.gather [spmem:s22], $0x2800, $0x38;
	[tilespmem:$0x19200] =	vst v63  }
0x102: {  	_ =	swait.ge [sflag:s7], $0x2800  }
0x103: {  	[sflag:s7] =	ssyncset.done $0x0  }
0x104: {  	s20 =	rddreg [dreg:$0xa];
	[sflag:s7] =	ssyncadd.s32 $0xFFFFD800  }
0x105: {  	[hbm4b:s20+s3] =	stream.linear.scatter [tilespmem:s6], [sflag:$0x5], $0x2800, $0x38;
	[tilespmem:$0x19200] =	vst v63  }
0x106: {  	_ =	swait.ge [sflag:s7], $0x2800  }
0x107: {  	s28 =	sadd.s32 $0x1, s28;
	s21 =	rddreg [dreg:$0x14]  }
0x108: {  	p0 =	sne.s32 s28, s21  }
.Ltmp1:
0x109: {  	_ = 	snop;
	(pc) =	sbr.rel @p0 .LBB2_1-.Ltmp1, $3  }
0x10a: {  	_ =	sdelay $0x1  }
0x10b: {  	[sflag:s7] =	ssyncset.done $0x0  }
0x10c: {  	[sflag:s7] =	ssyncadd.s32 $0xFFFFD800  }
0x10d: {  	_ =	sfence.sel $0x180000  }
0x10e: {  	[bflag:$0x0] =	sbarrier.arrive $0xFFFF  }
0x10f: {  	_ =	strace $0x9000004D  }
0x110: {  	s0 =	stileid.u32;
	[bflag:$0x2] =	sbarrier.arrive $0xFFFF  }
0x111: {  	p0 =	sne.s32 s0, $0x0;
	s0 =	rddreg [dreg:$0x2]  }
0x112: {  	s0 =	sadd.s32 @!p0 $0x100000, s0  }
0x113: {  	[sflag:s0] =	ssyncadd.tile.s32 @!p0 $0x1;
	_ =	shalt  }
.Lfunc_end2:
_tile_overlayer_lowered:
.L_overlay_start_2:
0x114: {  	(tag) =	ssettag $0x2  }
0x115: {  	s0 =	rddreg [dreg:$0x0];
	s2 =	stileid.u32  }
0x116: {  	s1 =	rddreg [dreg:$0x1];
	p0 =	sne.s32 s2, $0x0  }
0x117: {  	s3 =	rddreg [dreg:$0x2];
	[bflag:$0x3] =	sbarrier.arrive $0xFFFF;
	s2 =	simm.s32 @!p0 $0x1C05  }
0x118: {  	[timem:s3], [sflag:s2] =	dma.local @!p0 [hbm:s0], s1  }
0x119: {  	s0 =	simm.s32 @!p0 $0x5  }
0x11a: {  	_ =	swait.ge @!p0 [sflag:s0], s1  }
0x11b: {  	s1 =	ssub.s32 @!p0 $0x0, s1;
	[sflag:s0] =	ssyncset.done @!p0 $0x0  }
0x11c: {  	[sflag:s0] =	ssyncadd.s32 @!p0 s1  }
0x11d: {  	[bflag:$0x3] =	sbarrier.arrive $0xFFFF  }
0x11e: {  	_ =	shalt  }

// kernel: kernel.20.cloned.1.call-start
scs
__scs_entry_jumppad:
0x0: {  	(pc) =	sbr.rel $0x88, $3  }
0x1: {  	(tag) =	ssettag $0x0;
	lr =	simm.s32 $0x1  }
0x2: {  	[smem:$0x3F91] =	sst lr;
	_ =	strace $0xD0000000  }
0x3: {  	_ = 	snop  }
0x4: {  	_ = 	snop  }
0x5: {  	_ = 	snop  }
0x6: {  	_ = 	snop  }
0x7: {  	_ = 	snop  }
__scs_overlays_trampoline_lowered:
0x8: {  	[smem:$0x3FA0] =	sst s0  }
0x9: {  	[smem:$0x3FA1] =	sst s1  }
0xa: {  	[smem:$0x3FA2] =	sst s2  }
0xb: {  	[smem:$0x3FA3] =	sst s3  }
0xc: {  	[smem:$0x3FA4] =	sst s4  }
0xd: {  	[smem:$0x3FA5] =	sst s5  }
0xe: {  	[smem:$0x3FA6] =	sst s6  }
0xf: {  	[smem:$0x3FA7] =	sst s7  }
0x10: {  	[smem:$0x3FA8] =	sst s8  }
0x11: {  	[smem:$0x3FA9] =	sst s9;
	s0 =	simm.s32 @!p0 $0x0  }
0x12: {  	s1 =	sld [smem:$0x3F8F];
	s0 =	simm.s32 @p0 $0x1  }
0x13: {  	[smem:$0x3FAA] =	sst s0;
	s0 =	simm.s32 @!p1 $0x0  }
0x14: {  	s2 =	sld [smem:$0x3F8E];
	s0 =	simm.s32 @p1 $0x1  }
0x15: {  	[smem:$0x3FAB] =	sst s0;
	s0 =	simm.s32 @!p2 $0x0  }
0x16: {  	s3 =	sld [smem:$0x3FDB];
	s0 =	simm.s32 @p2 $0x1  }
0x17: {  	s4 =	simm.s32 $0x1BF5;
	[smem:$0x3FAD] =	sst s0  }
0x18: {  	s0 =	sld [smem:$0x3F90];
	_ =	swait.ge [sflag:s4], $0x0  }
0x19: {  	s7 =	sld [smem:$0x3F91]  }
0x1a: {  	s8 =	sadd.s32 $0xFFFFE003, lr  }
0x1b: {  	s9 =	sadd.s32 $0xFFFFFEF7, lr;
	s5 =	simm.s32 $0xFFFFFFFF;
	p2 =	slt.u32 s8, $0xFFFFF086  }
0x1c: {  	p1 =	slt.u32 s9, $0xF7A;
	s5 =	simm.s32 @!p2 $0x0  }
0x1d: {  	s5 =	simm.s32 @p1 $0x1;
	p0 =	seq.s32 s7, s2  }
0x1e: {  	s7 =	smul.u32 @!p0 $0xF7A, s2;
	p2 =	seq.s32 @!p0 s5, $0x0  }
0x1f: {  	s9 =	smul.u32 $0xF7A, s1;
	s8 =	simm.s32 @!p0 $0x1BF5;
	p2 =	por !p2, p0  }
0x20: {  	[sflag:s8] =	ssyncset.s32 @!p0 $0xFFFFF086;
	s6 =	sadd.s32 @!p0 s3, s7;
	s7 =	simm.s32 @!p0 $0x108  }
0x21: {  	s3 =	sadd.s32 s3, s9;
	s6 =	sadd.s32 @!p0 $0x88, s6;
	s7 =	simm.s32 @p2 $0x1082  }
0x22: {  	[simem:s7], [sflag:s8] =	dma.local @!p0 [hbm:s6], $0xF7A  }
0x23: {  	s9 =	sor.u32 $0xD0000000, s2;
	s6 =	simm.s32 $0x108;
	_ =	swait.ge @!p0 [sflag:s8], $0x0  }
0x24: {  	s3 =	sadd.s32 $0x88, s3;
	s6 =	simm.s32 @!p1 $0x1082;
	[sflag:s4] =	ssyncset.s32 $0xFFFFF086  }
0x25: {  	[simem:s6], [sflag:s4] =	dma.local [hbm:s3], $0xF7A  }
0x26: {  	[smem:$0x3F91] =	sst s1;
	(tag) =	ssettag s2;
	_ =	strace s9  }
0x27: {  	s1 =	sld [smem:$0x3FA1]  }
0x28: {  	s2 =	sld [smem:$0x3FA2]  }
0x29: {  	s4 =	sld [smem:$0x3FA4]  }
0x2a: {  	p0 =	seq.s32 s5, $0x0;
	s5 =	sld [smem:$0x3FA5]  }
0x2b: {  	s6 =	sld [smem:$0x3FA6]  }
0x2c: {  	s7 =	sld [smem:$0x3FA7]  }
0x2d: {  	s3 =	simm.s32 $0x108;
	s8 =	sld [smem:$0x3FA8]  }
0x2e: {  	s3 =	simm.s32 @!p0 $0x1082;
	s9 =	sld [smem:$0x3FA9]  }
0x2f: {  	lr =	sadd.s32 s0, s3;
	s0 =	sld [smem:$0x3FA0]  }
0x30: {  	s3 =	sld [smem:$0x3FA3]  }
0x31: {  	[smem:$0x3FAC] =	sst s10  }
0x32: {  	s10 =	sld [smem:$0x3FAA];
	_ =	sdelay $0x3  }
0x33: {  	p0 =	seq.s32 s10, $0x1;
	s10 =	sld [smem:$0x3FAC];
	_ =	sdelay $0x3  }
0x34: {  	[smem:$0x3FAC] =	sst s10  }
0x35: {  	s10 =	sld [smem:$0x3FAB];
	_ =	sdelay $0x3  }
0x36: {  	p1 =	seq.s32 s10, $0x1;
	s10 =	sld [smem:$0x3FAC];
	_ =	sdelay $0x3  }
0x37: {  	[smem:$0x3FAC] =	sst s10  }
0x38: {  	s10 =	sld [smem:$0x3FAD]  }
0x39: {  	_ = 	snop;
	(pc) =	sbr.ind lr, $3  }
0x3a: {  	_ = 	snop  }
0x3b: {  	_ = 	snop  }
0x3c: {  	p2 =	seq.s32 s10, $0x1;
	s10 =	sld [smem:$0x3FAC]  }
0x3d: {  	_ =	shalt  }
0x3e: {  	_ =	shalt  }
0x3f: {  	_ =	shalt  }
0x40: {  	_ =	shalt  }
0x41: {  	_ =	shalt  }
0x42: {  	_ =	shalt  }
0x43: {  	_ =	shalt  }
0x44: {  	_ =	shalt  }
0x45: {  	_ =	shalt  }
0x46: {  	_ =	shalt  }
0x47: {  	_ =	shalt  }
0x48: {  	_ =	shalt  }
0x49: {  	_ =	shalt  }
0x4a: {  	_ =	shalt  }
0x4b: {  	_ =	shalt  }
0x4c: {  	_ =	shalt  }
0x4d: {  	_ =	shalt  }
0x4e: {  	_ =	shalt  }
0x4f: {  	_ =	shalt  }
0x50: {  	_ =	shalt  }
0x51: {  	_ =	shalt  }
0x52: {  	_ =	shalt  }
0x53: {  	_ =	shalt  }
0x54: {  	_ =	shalt  }
0x55: {  	_ =	shalt  }
0x56: {  	_ =	shalt  }
0x57: {  	_ =	shalt  }
0x58: {  	_ =	shalt  }
0x59: {  	_ =	shalt  }
0x5a: {  	_ =	shalt  }
0x5b: {  	_ =	shalt  }
0x5c: {  	_ =	shalt  }
0x5d: {  	_ =	shalt  }
0x5e: {  	_ =	shalt  }
0x5f: {  	_ =	shalt  }
0x60: {  	_ =	shalt  }
0x61: {  	_ =	shalt  }
0x62: {  	_ =	shalt  }
0x63: {  	_ =	shalt  }
0x64: {  	_ =	shalt  }
0x65: {  	_ =	shalt  }
0x66: {  	_ =	shalt  }
0x67: {  	_ =	shalt  }
0x68: {  	_ =	shalt  }
0x69: {  	_ =	shalt  }
0x6a: {  	_ =	shalt  }
0x6b: {  	_ =	shalt  }
0x6c: {  	_ =	shalt  }
0x6d: {  	_ =	shalt  }
0x6e: {  	_ =	shalt  }
0x6f: {  	_ =	shalt  }
0x70: {  	_ =	shalt  }
0x71: {  	_ =	shalt  }
0x72: {  	_ =	shalt  }
0x73: {  	_ =	shalt  }
0x74: {  	_ =	shalt  }
0x75: {  	_ =	shalt  }
0x76: {  	_ =	shalt  }
0x77: {  	_ =	shalt  }
0x78: {  	_ =	shalt  }
0x79: {  	_ =	shalt  }
0x7a: {  	_ =	shalt  }
0x7b: {  	_ =	shalt  }
0x7c: {  	_ =	shalt  }
0x7d: {  	_ =	shalt  }
0x7e: {  	_ =	shalt  }
0x7f: {  	_ =	shalt  }
0x80: {  	_ =	shalt  }
0x81: {  	_ =	shalt  }
0x82: {  	_ =	shalt  }
0x83: {  	_ =	shalt  }
0x84: {  	_ =	shalt  }
0x85: {  	_ =	shalt  }
0x86: {  	_ =	shalt  }
0x87: {  	_ =	shalt  }
.Lfunc_end0:
.L_simem_size_0:
called_computation.3_lowered:
.L_overlay_start_0:
0x88: {  	s2 =	sld [smem:$0x3FD9]  }
0x89: {  	s3 =	sld [smem:$0x3FFE];
	_ =	sdelay $0x1  }
0x8a: {  	s1 =	srdreg.scid  }
0x8b: {  	s0 =	sand.u32 $0x1, s1  }
0x8c: {  	s16 =	sshll.u32 s0, $0xA;
	s2 =	sadd.s32 s3, s2  }
0x8d: {  	s2 =	sadd.s32 s2, s16  }
0x8e: {  	[smem:$0x3FB8] =	sst s2  }
0x8f: {  	_ = 	snop  }
0x90: {  	(tm) =	ssettm $0x1  }
0x91: {  	s17 =	sld [smem:$0x3FFB];
	_ =	sdelay $0x3  }
0x92: {  	_ =	strace s17  }
0x93: {  	s2 =	sld [smem:$0x3FFC];
	_ =	sdelay $0x3  }
0x94: {  	_ =	strace s2  }
0x95: {  	s2 =	sld [smem:$0x3FFD];
	_ =	sdelay $0x3  }
0x96: {  	_ =	strace s2  }
0x97: {  	_ =	strace $0x8FFFFFFF  }
0x98: {  	s18 =	sld [smem:$0x3FDB];
	_ =	sdelay $0x1  }
0x99: {  	s19 =	simm.s32 $_scs_section_size  }
0x9a: {  	s4 =	simm.s32 $_size__tile_overlayer_lowered;
	s5 =	simm.s32 $_tile_overlayer_lowered  }
0x9b: {  	s22 =	simm.s32 $0x1BFF;
	s21 =	sshll.u32 s5, $0x1;
	s2 =	sadd.s32 s19, s18  }
0x9c: {  	s6 =	simm.s32 $0x0;
	s20 =	sshll.u32 s4, $0x1;
	s4 =	sadd.s32 s21, s2  }
0x9d: {  	[timem:s6], [sflag:s22] =	dma.local [hbm:s4], s20  }
0x9e: {  	_ =	swait.ge [sflag:s22], s20  }
0x9f: {  	s3 =	ssub.s32 $0x0, s20;
	[sflag:s22] =	ssyncset.done $0x0  }
0xa0: {  	[sflag:s22] =	ssyncadd.s32 s3;
	_ =	sdelay $0x1  }
0xa1: {  	s23 =	simm.s32 $0x1B8B  }
0xa2: {  	_ =	swait.ge [sflag:s23], $0x1  }
0xa3: {  	[sflag:s23] =	ssyncset.done $0x0  }
0xa4: {  	s25 =	simm.s32 $0x1B8E;
	s24 =	sld [smem:$0x3FFE];
	[sflag:s23] =	ssyncadd.s32 $0xFFFFFFFF  }
0xa5: {  	s26 =	simm.s32 $execute0_lowered;
	[smem:$0x3FD2] =	sst s25  }
0xa6: {  	s4 =	sshll.u32 s26, $0x1;
	_ =	strace $0x8000004F;
	[dreg:$0x1] =	wrdreg $0xFFFFFFFF  }
0xa7: {  	s28 =	simm.s32 $_size_execute0_lowered;
	s2 =	sadd.s32 s2, s4;
	[dreg:$0x0] =	wrdreg $0x0  }
0xa8: {  	s4 =	sshll.u32 s28, $0x1;
	[dreg:$0x2] =	wrdreg s2  }
0xa9: {  	[dreg:$0x3] =	wrdreg s4  }
0xaa: {  	[dreg:$0x4] =	wrdreg $0xC0  }
0xab: {  	_ =	task [dreg:s6], $0x5FFFF  }
0xac: {  	[dreg:$0x1] =	wrdreg $0xFFFFFFFF  }
0xad: {  	[dreg:$0x0] =	wrdreg $0x60  }
0xae: {  	[dreg:$0x2] =	wrdreg s24  }
0xaf: {  	[dreg:$0x3] =	wrdreg $0x52000  }
0xb0: {  	[dreg:$0x4] =	wrdreg $0x9  }
0xb1: {  	_ =	task.clear_ibuf [dreg:s6], $0x5FFFF;
	_ =	strace $0x9000004F  }
0xb2: {  	s29 =	simm.s32 $0x9;
	_ =	strace $0x80000051  }
0xb3: {  	_ =	swait.ge [sflag:s29], $0x1  }
0xb4: {  	[sflag:s29] =	ssyncadd.s32 $0xFFFFFFFF  }
0xb5: {  	_ =	strace $0x90000051  }
0xb6: {  	_ =	sfence  }
0xb7: {  	s30 =	sld [smem:$0x0];
	_ =	sdelay $0x2  }
0xb8: {  	s31 =	sshll.u32 s1, $0xD;
	s1 =	sshrl.u32 s1, $0x2  }
0xb9: {  	s3 =	sand.u32 $0x4000, s31;
	s1 =	sadd.s32 s1, s30  }
0xba: {  	s0 =	sor.u32 s3, s0;
	s1 =	sshll.u32 s1, $0x11  }
0xbb: {  	s0 =	sor.u32 s1, s0  }
0xbc: {  	s0 =	sadd.s32 $0x8F2B, s0  }
0xbd: {  	[sflag:s0] =	ssyncadd.remote.s32 $0x1  }
0xbe: {  	_ =	sfence.sel $0xFFFF  }
0xbf: {  	[dreg:$0x0] =	wrdreg $0xFFFFFFFF;
	(pc) =	sbr.abs _section_cstart, $3  }
0xc0: {  	[dreg:$0x1] =	wrdreg $0xFFFFFFFF  }
0xc1: {  	_ =	task.clear_ibuf [dreg:s6], $0x2FFFF;
	_ =	strace $0x9FFFFFFF  }
0xc2: {  	(tm) =	ssettm $0x7FFFFFFF  }
0xc3: {  	_ =	shalt  }
tec
execute0_lowered:
.L_overlay_start_1:
0x0: {  	(tag) =	ssettag $0x1  }
0x1: {  	s0 =	rddreg [dreg:$0x0]  }
0x2: {  	s1 =	rddreg [dreg:$0x1];
	s2 =	srdreg.scid  }
0x3: {  	s3 =	simm.s32 $0x0;
	s18 =	stileid.u32;
	s28 =	simm.s32 $0x0  }
0x4: {  	s2 =	sand.u32 $0x1, s2;
	[smem:$0x7FF] =	sst s3;
	s7 =	smul.u32 $0x14000, s18  }
0x5: {  	s4 =	sadd.s32 $0xE400, s0;
	s8 =	sadd.s32 $0x3FA00, s0;
	s10 =	smul.u32 $0x140000, s2  }
0x6: {  	s5 =	ssub.s32 $0x2, s2;
	_ =	strace $0x80000050;
	s23 =	smul.u32 $0x27100, s2  }
0x7: {  	s2 =	sshll.u32 s2, $0x4;
	s6 =	sshrl.u32 s5, $0x1;
	s9 =	sadd.s32 $0x5000, s7  }
0x8: {  	s11 =	sadd.s32 $0x7800, s7;
	s12 =	sadd.s32 $0xA000, s7;
	s15 =	sadd.s32 $0xC800, s7  }
0x9: {  	s22 =	sadd.s32 $0xF000, s7;
	s2 =	sor.u32 s18, s2;
	s5 =	ssub.s32 s5, s6  }
0xa: {  	s6 =	sor.u32 $0x2800, s7;
	s13 =	sadd.s32 s7, s10;
	s7 =	sadd.s32 $0x11800, s7  }
0xb: {  	s25 =	sadd.s32 s10, s9;
	s26 =	sadd.s32 s10, s11;
	s16 =	sadd.s32 s10, s12  }
0xc: {  	s20 =	sadd.s32 s10, s15;
	s21 =	sadd.s32 s10, s22;
	s30 =	sadd.s32 s9, s1  }
0xd: {  	s31 =	sadd.s32 s11, s1;
	s9 =	simm.s32 $0x100;
	s11 =	simm.s32 $0x1  }
0xe: {  	s14 =	sadd.s32 s10, s6;
	s13 =	sshrl.u32 s13, $0x3;
	s17 =	sshrl.u32 s16, $0x3  }
0xf: {  	s10 =	sadd.s32 s10, s7;
	s29 =	sadd.s32 s6, s1;
	s6 =	simm.s32 $0x200  }
0x10: {  	s14 =	sshrl.u32 s14, $0x3;
	s13 =	sadd.s32 s8, s13;
	s19 =	sadd.s32 s8, s17  }
0x11: {  	s17 =	smul.u32 $0x2710, s18;
	s10 =	sshrl.u32 s10, $0x3;
	[dreg:$0x3] =	wrdreg s13  }
0x12: {  	s24 =	sadd.s32 s8, s14;
	s13 =	sshrl.u32 s25, $0x3;
	s14 =	sshrl.u32 s26, $0x3  }
0x13: {  	[dreg:$0x7] =	wrdreg s19;
	s25 =	smul.u32 $0x50000, s18;
	s18 =	sadd.s32 s12, s1  }
0x14: {  	s19 =	sadd.s32 s22, s1;
	s22 =	sadd.s32 s7, s1;
	[dreg:$0x4] =	wrdreg s24  }
0x15: {  	s7 =	simm.s32 $0x5;
	s13 =	sadd.s32 s8, s13;
	[dreg:$0xc] =	wrdreg s19  }
0x16: {  	s26 =	sadd.s32 s17, s23;
	s23 =	sadd.s32 s15, s1;
	[dreg:$0x5] =	wrdreg s13  }
0x17: {  	s13 =	sadd.s32 s8, s14;
	s14 =	sshrl.u32 s21, $0x3;
	[dreg:$0xd] =	wrdreg s23  }
0x18: {  	[dreg:$0x6] =	wrdreg s13;
	s13 =	sshrl.u32 s20, $0x3;
	s24 =	sadd.s32 s8, s14  }
0x19: {  	s14 =	sadd.s32 $0x18200, s0;
	s13 =	sadd.s32 s8, s13;
	[dreg:$0x9] =	wrdreg s24  }
0x1a: {  	s8 =	sadd.s32 s8, s10;
	s24 =	sadd.s32 $0xF0, s26;
	s26 =	sadd.s32 $0xA0, s26  }
0x1b: {  	[dreg:$0x8] =	wrdreg s13;
	s13 =	sadd.s32 $0x4600, s0;
	s0 =	sadd.s32 $0x3F400, s0  }
0x1c: {  	s10 =	simm.s32 $0x180;
	[dreg:$0xb] =	wrdreg s0;
	s0 =	smul.u32 $0x2710, s2  }
0x1d: {  	[dreg:$0xa] =	wrdreg s8;
	s8 =	sshrl.u32 s25, $0x2;
	s25 =	smax.u32 s5, $0x1  }
0x1e: {  	[dreg:$0x15] =	wrdreg s26;
	s26 =	simm.s32 $0x4;
	s0 =	sshrl.u32 s0, $0x3  }
0x1f: {  	s17 =	sadd.s32 s8, s1;
	[dreg:$0x14] =	wrdreg s25;
	s12 =	sadd.s32 s4, s0  }
0x20: {  	s15 =	sadd.s32 $0xA, s0;
	s16 =	sadd.s32 s13, s0;
	[dreg:$0xe] =	wrdreg s12  }
0x21: {  	s8 =	simm.s32 $0x80;
	[dreg:$0xf] =	wrdreg s16;
	s20 =	sadd.s32 s4, s15  }
0x22: {  	s0 =	sadd.s32 $0x4D8, s0;
	s2 =	sadd.s32 s13, s15;
	[dreg:$0x10] =	wrdreg s20  }
0x23: {  	s25 =	simm.s32 $0x2A00;
	s21 =	sadd.s32 s4, s0;
	[dreg:$0x11] =	wrdreg s2  }
0x24: {  	s0 =	sadd.s32 s13, s0;
	s12 =	simm.s32 $0x50;
	[dreg:$0x12] =	wrdreg s21  }
0x25: {  	s15 =	simm.s32 $0x3;
	[dreg:$0x13] =	wrdreg s0;
	s2 =	sshrl.u32 s24, $0x3  }
0x26: {  	s24 =	simm.s32 $0x2;
	s0 =	sadd.s32 s2, s13;
	s2 =	sadd.s32 s2, s4  }
.LBB2_1:
0x27: {  	s16 =	rddreg [dreg:$0xb]  }
0x28: {  	[tilespmem:s6], [sflag:$0x5] =	stream.linear.gather [hbm4b:s16+s3], $0x2800, $0x38;
	[tilespmem:$0x19200] =	vst v63  }
0x29: {  	_ =	swait.ge [sflag:s7], $0x2800  }
0x2a: {  	[sflag:s7] =	ssyncset.done $0x0  }
0x2b: {  	[sflag:s7] =	ssyncadd.s32 $0xFFFFD800  }
0x2c: {  	[spmem:s17] =	stream.linear.scatter [tilespmem:s6], [sflag:$0x5], $0x2800, $0x38;
	[tilespmem:$0x19200] =	vst v63  }
0x2d: {  	_ =	swait.ge [sflag:s7], $0x2800  }
0x2e: {  	[sflag:s7] =	ssyncset.done $0x0  }
0x2f: {  	[sflag:s7] =	ssyncadd.s32 $0xFFFFD800  }
0x30: {  	[spmem:s29] =	stream.linear.scatter [tilespmem:s6], [sflag:$0x5], $0x2800, $0x38;
	[tilespmem:$0x19200] =	vst v63  }
0x31: {  	_ =	swait.ge [sflag:s7], $0x2800  }
0x32: {  	[sflag:s7] =	ssyncset.done $0x0  }
0x33: {  	[sflag:s7] =	ssyncadd.s32 $0xFFFFD800  }
0x34: {  	[spmem:s30] =	stream.linear.scatter [tilespmem:s6], [sflag:$0x5], $0x2800, $0x38;
	[tilespmem:$0x19200] =	vst v63  }
0x35: {  	_ =	swait.ge [sflag:s7], $0x2800  }
0x36: {  	[sflag:s7] =	ssyncset.done $0x0  }
0x37: {  	[sflag:s7] =	ssyncadd.s32 $0xFFFFD800  }
0x38: {  	[spmem:s31] =	stream.linear.scatter [tilespmem:s6], [sflag:$0x5], $0x2800, $0x38;
	[tilespmem:$0x19200] =	vst v63  }
0x39: {  	_ =	swait.ge [sflag:s7], $0x2800  }
0x3a: {  	[sflag:s7] =	ssyncset.done $0x0  }
0x3b: {  	s16 =	smov.u32 s18;
	[sflag:s7] =	ssyncadd.s32 $0xFFFFD800  }
0x3c: {  	[spmem:s16] =	stream.linear.scatter [tilespmem:s6], [sflag:$0x5], $0x2800, $0x38;
	[tilespmem:$0x19200] =	vst v63  }
0x3d: {  	_ =	swait.ge [sflag:s7], $0x2800  }
0x3e: {  	[sflag:s7] =	ssyncset.done $0x0  }
0x3f: {  	s18 =	smov.u32 s17;
	s17 =	smov.u32 s23;
	[sflag:s7] =	ssyncadd.s32 $0xFFFFD800  }
0x40: {  	[spmem:s17] =	stream.linear.scatter [tilespmem:s6], [sflag:$0x5], $0x2800, $0x38;
	[tilespmem:$0x19200] =	vst v63  }
0x41: {  	_ =	swait.ge [sflag:s7], $0x2800  }
0x42: {  	[sflag:s7] =	ssyncset.done $0x0  }
0x43: {  	s5 =	smov.u32 s19;
	[sflag:s7] =	ssyncadd.s32 $0xFFFFD800  }
0x44: {  	[spmem:s5] =	stream.linear.scatter [tilespmem:s6], [sflag:$0x5], $0x2800, $0x38;
	[tilespmem:$0x19200] =	vst v63  }
0x45: {  	_ =	swait.ge [sflag:s7], $0x2800  }
0x46: {  	[sflag:s7] =	ssyncset.done $0x0  }
0x47: {  	[sflag:s7] =	ssyncadd.s32 $0xFFFFD800  }
0x48: {  	[spmem:s22] =	stream.linear.scatter [tilespmem:s6], [sflag:$0x5], $0x2800, $0x38;
	[tilespmem:$0x19200] =	vst v63  }
0x49: {  	_ =	swait.ge [sflag:s7], $0x2800  }
0x4a: {  	[sflag:s7] =	ssyncset.done $0x0  }
0x4b: {  	[sflag:s7] =	ssyncadd.s32 $0xFFFFD800  }
0x4c: {  	[bflag:$0x0] =	sbarrier.arrive $0xFFFF  }
0x4d: {  	s17 =	rddreg [dreg:$0xe]  }
0x4e: {  	[tilespmem:s3], [sflag:$0x1] =	stream.linear.gather [hbm4b:s17+s3], $0x50, $0x38;
	[tilespmem:$0x19200] =	vst v63  }
0x4f: {  	s23 =	smov.u32 s16;
	s16 =	rddreg [dreg:$0xf]  }
0x50: {  	[tilespmem:s8], [sflag:$0x1] =	stream.linear.gather [hbm4b:s16+s3], $0x50, $0x38;
	[tilespmem:$0x19200] =	vst v63  }
0x51: {  	s17 =	rddreg [dreg:$0x10]  }
0x52: {  	[tilespmem:s9], [sflag:$0x2] =	stream.linear.gather [hbm4b:s17+s3], $0x50, $0x38;
	[tilespmem:$0x19200] =	vst v63  }
0x53: {  	s16 =	rddreg [dreg:$0x11]  }
0x54: {  	[tilespmem:s10], [sflag:$0x2] =	stream.linear.gather [hbm4b:s16+s3], $0x50, $0x38;
	[tilespmem:$0x19200] =	vst v63  }
0x55: {  	_ =	swait.ge [sflag:s11], $0x50  }
0x56: {  	[sflag:s11] =	ssyncset.done $0x0  }
0x57: {  	[sflag:s11] =	ssyncadd.s32 $0xFFFFFFB0  }
0x58: {  	_ =	swait.ge [sflag:s11], $0x50  }
0x59: {  	[sflag:s11] =	ssyncset.done $0x0  }
0x5a: {  	[sflag:s11] =	ssyncadd.s32 $0xFFFFFFB0  }
0x5b: {  	[tilespmem:s6], [sflag:$0x3] =	stream.indirect.gather [hbm4b:s14+s12], $0x80, s3, s12, $0xb8;
	[tilespmem:$0x19200] =	vst v63  }
0x5c: {  	_ =	swait.ge [sflag:s15], $0x2800  }
0x5d: {  	[sflag:s15] =	ssyncset.done $0x0  }
0x5e: {  	[sflag:s15] =	ssyncadd.s32 $0xFFFFD800  }
0x5f: {  	[spmem:s1] =	stream.indirect.scatter.add.f32 [tilespmem:s6], [sflag:$0x5], $0x80, s8, s12, $0xb8;
	[tilespmem:$0x19200] =	vst v63  }
0x60: {  	_ =	swait.ge [sflag:s7], $0x2800  }
0x61: {  	s17 =	rddreg [dreg:$0x15]  }
0x62: {  	s19 =	smov.u32 s29;
	[sflag:s7] =	ssyncset.done $0x0;
	s29 =	sshrl.u32 s17, $0x3  }
0x63: {  	s20 =	smov.u32 s30;
	[sflag:s7] =	ssyncadd.s32 $0xFFFFD800;
	s30 =	sadd.s32 s4, s29  }
0x64: {  	[tilespmem:s3], [sflag:$0x1] =	stream.linear.gather [hbm4b:s30+s3], $0x50, $0x38;
	[tilespmem:$0x19200] =	vst v63  }
0x65: {  	s29 =	sadd.s32 s13, s29  }
0x66: {  	[tilespmem:s8], [sflag:$0x1] =	stream.linear.gather [hbm4b:s29+s3], $0x50, $0x38;
	[tilespmem:$0x19200] =	vst v63  }
0x67: {  	_ =	swait.ge [sflag:s24], $0x50  }
0x68: {  	[sflag:s24] =	ssyncset.done $0x0  }
0x69: {  	[sflag:s24] =	ssyncadd.s32 $0xFFFFFFB0  }
0x6a: {  	_ =	swait.ge [sflag:s24], $0x50  }
0x6b: {  	[sflag:s24] =	ssyncset.done $0x0  }
0x6c: {  	[sflag:s24] =	ssyncadd.s32 $0xFFFFFFB0  }
0x6d: {  	[tilespmem:s25], [sflag:$0x4] =	stream.indirect.gather [hbm4b:s14+s12], $0x80, s9, s12, $0xb8;
	[tilespmem:$0x19200] =	vst v63  }
0x6e: {  	_ =	swait.ge [sflag:s26], $0x2800  }
0x6f: {  	[sflag:s26] =	ssyncset.done $0x0  }
0x70: {  	[sflag:s26] =	ssyncadd.s32 $0xFFFFD800  }
0x71: {  	[spmem:s1] =	stream.indirect.scatter.add.f32 [tilespmem:s25], [sflag:$0x5], $0x80, s10, s12, $0xb8;
	[tilespmem:$0x19200] =	vst v63  }
0x72: {  	_ =	swait.ge [sflag:s7], $0x2800  }
0x73: {  	[sflag:s7] =	ssyncset.done $0x0  }
0x74: {  	s21 =	smov.u32 s31;
	s29 =	sadd.s32 $0x0, s2;
	[sflag:s7] =	ssyncadd.s32 $0xFFFFD800  }
0x75: {  	[tilespmem:s9], [sflag:$0x2] =	stream.linear.gather [hbm4b:s29+s3], $0x50, $0x38;
	[tilespmem:$0x19200] =	vst v63  }
0x76: {  	s31 =	sadd.s32 $0x0, s0;
	s30 =	sadd.s32 $0xA0, s17;
	s29 =	simm.s32 $0x14  }
.LBB2_2:
0x77: {  	[tilespmem:s10], [sflag:$0x2] =	stream.linear.gather [hbm4b:s31+s3], $0x50, $0x38;
	[tilespmem:$0x19200] =	vst v63  }
0x78: {  	s31 =	smov.u32 s29  }
0x79: {  	p0 =	sne.s32 s29, $0x4B0;
	s29 =	sadd.s32 $0x14, s29;
	_ =	swait.ge [sflag:s11], $0x50  }
0x7a: {  	[sflag:s11] =	ssyncset.done $0x0  }
0x7b: {  	[sflag:s11] =	ssyncadd.s32 $0xFFFFFFB0  }
0x7c: {  	_ =	swait.ge [sflag:s11], $0x50  }
0x7d: {  	[sflag:s11] =	ssyncset.done $0x0  }
0x7e: {  	[sflag:s11] =	ssyncadd.s32 $0xFFFFFFB0  }
0x7f: {  	[tilespmem:s6], [sflag:$0x3] =	stream.indirect.gather [hbm4b:s14+s12], $0x80, s3, s12, $0xb8;
	[tilespmem:$0x19200] =	vst v63  }
0x80: {  	_ =	swait.ge [sflag:s15], $0x2800  }
0x81: {  	[sflag:s15] =	ssyncset.done $0x0  }
0x82: {  	[sflag:s15] =	ssyncadd.s32 $0xFFFFD800  }
0x83: {  	[spmem:s1] =	stream.indirect.scatter.add.f32 [tilespmem:s6], [sflag:$0x5], $0x80, s8, s12, $0xb8;
	[tilespmem:$0x19200] =	vst v63  }
0x84: {  	_ =	swait.ge [sflag:s7], $0x2800  }
0x85: {  	s16 =	sshrl.u32 s30, $0x3;
	[sflag:s7] =	ssyncset.done $0x0  }
0x86: {  	s17 =	sadd.s32 s4, s16;
	[sflag:s7] =	ssyncadd.s32 $0xFFFFD800  }
0x87: {  	[tilespmem:s3], [sflag:$0x1] =	stream.linear.gather [hbm4b:s17+s3], $0x50, $0x38;
	[tilespmem:$0x19200] =	vst v63  }
0x88: {  	s16 =	sadd.s32 s13, s16  }
0x89: {  	[tilespmem:s8], [sflag:$0x1] =	stream.linear.gather [hbm4b:s16+s3], $0x50, $0x38;
	[tilespmem:$0x19200] =	vst v63  }
0x8a: {  	_ =	swait.ge [sflag:s24], $0x50  }
0x8b: {  	[sflag:s24] =	ssyncset.done $0x0  }
0x8c: {  	[sflag:s24] =	ssyncadd.s32 $0xFFFFFFB0  }
0x8d: {  	_ =	swait.ge [sflag:s24], $0x50  }
0x8e: {  	[sflag:s24] =	ssyncset.done $0x0  }
0x8f: {  	[sflag:s24] =	ssyncadd.s32 $0xFFFFFFB0  }
0x90: {  	[tilespmem:s25], [sflag:$0x4] =	stream.indirect.gather [hbm4b:s14+s12], $0x80, s9, s12, $0xb8;
	[tilespmem:$0x19200] =	vst v63  }
0x91: {  	_ =	swait.ge [sflag:s26], $0x2800  }
0x92: {  	[sflag:s26] =	ssyncset.done $0x0  }
0x93: {  	[sflag:s26] =	ssyncadd.s32 $0xFFFFD800  }
0x94: {  	[spmem:s1] =	stream.indirect.scatter.add.f32 [tilespmem:s25], [sflag:$0x5], $0x80, s10, s12, $0xb8;
	[tilespmem:$0x19200] =	vst v63  }
.Ltmp0:
0x95: {  	_ =	swait.ge [sflag:s7], $0x2800;
	(pc) =	sbr.rel @p0 .LBB2_2-.Ltmp0, $4  }
0x96: {  	[sflag:s7] =	ssyncset.done $0x0  }
0x97: {  	s16 =	sadd.s32 s31, s2;
	[sflag:s7] =	ssyncadd.s32 $0xFFFFD800  }
0x98: {  	[tilespmem:s9], [sflag:$0x2] =	stream.linear.gather [hbm4b:s16+s3], $0x50, $0x38;
	[tilespmem:$0x19200] =	vst v63  }
0x99: {  	s30 =	sadd.s32 $0xA0, s30;
	s31 =	sadd.s32 s31, s0  }
0x9a: {  	[tilespmem:s10], [sflag:$0x2] =	stream.linear.gather [hbm4b:s31+s3], $0x50, $0x38;
	[tilespmem:$0x19200] =	vst v63  }
0x9b: {  	_ =	swait.ge [sflag:s11], $0x50  }
0x9c: {  	[sflag:s11] =	ssyncset.done $0x0  }
0x9d: {  	[sflag:s11] =	ssyncadd.s32 $0xFFFFFFB0  }
0x9e: {  	_ =	swait.ge [sflag:s11], $0x50  }
0x9f: {  	[sflag:s11] =	ssyncset.done $0x0  }
0xa0: {  	[sflag:s11] =	ssyncadd.s32 $0xFFFFFFB0  }
0xa1: {  	[tilespmem:s6], [sflag:$0x3] =	stream.indirect.gather [hbm4b:s14+s12], $0x80, s3, s12, $0xb8;
	[tilespmem:$0x19200] =	vst v63  }
0xa2: {  	_ =	swait.ge [sflag:s15], $0x2800  }
0xa3: {  	[sflag:s15] =	ssyncset.done $0x0  }
0xa4: {  	[sflag:s15] =	ssyncadd.s32 $0xFFFFD800  }
0xa5: {  	[spmem:s1] =	stream.indirect.scatter.add.f32 [tilespmem:s6], [sflag:$0x5], $0x80, s8, s12, $0xb8;
	[tilespmem:$0x19200] =	vst v63  }
0xa6: {  	_ =	swait.ge [sflag:s7], $0x2800  }
0xa7: {  	[sflag:s7] =	ssyncset.done $0x0  }
0xa8: {  	s16 =	rddreg [dreg:$0x12];
	[sflag:s7] =	ssyncadd.s32 $0xFFFFD800  }
0xa9: {  	[tilespmem:s3], [sflag:$0x1] =	stream.linear.gather [hbm4b:s16+s3], $0x50, $0x38;
	[tilespmem:$0x19200] =	vst v63  }
0xaa: {  	s17 =	rddreg [dreg:$0x13]  }
0xab: {  	[tilespmem:s8], [sflag:$0x1] =	stream.linear.gather [hbm4b:s17+s3], $0x50, $0x38;
	[tilespmem:$0x19200] =	vst v63  }
0xac: {  	_ =	swait.ge [sflag:s24], $0x50  }
0xad: {  	[sflag:s24] =	ssyncset.done $0x0  }
0xae: {  	[sflag:s24] =	ssyncadd.s32 $0xFFFFFFB0  }
0xaf: {  	_ =	swait.ge [sflag:s24], $0x50  }
0xb0: {  	[sflag:s24] =	ssyncset.done $0x0  }
0xb1: {  	[sflag:s24] =	ssyncadd.s32 $0xFFFFFFB0  }
0xb2: {  	[tilespmem:s25], [sflag:$0x4] =	stream.indirect.gather [hbm4b:s14+s12], $0x80, s9, s12, $0xb8;
	[tilespmem:$0x19200] =	vst v63  }
0xb3: {  	_ =	swait.ge [sflag:s26], $0x2800  }
0xb4: {  	[sflag:s26] =	ssyncset.done $0x0  }
0xb5: {  	[sflag:s26] =	ssyncadd.s32 $0xFFFFD800  }
0xb6: {  	[spmem:s1] =	stream.indirect.scatter.add.f32 [tilespmem:s25], [sflag:$0x5], $0x80, s10, s12, $0xb8;
	[tilespmem:$0x19200] =	vst v63  }
0xb7: {  	_ =	swait.ge [sflag:s7], $0x2800  }
0xb8: {  	[sflag:s7] =	ssyncset.done $0x0  }
0xb9: {  	[sflag:s7] =	ssyncadd.s32 $0xFFFFD800  }
0xba: {  	_ =	swait.ge [sflag:s11], $0x50  }
0xbb: {  	[sflag:s11] =	ssyncset.done $0x0  }
0xbc: {  	[sflag:s11] =	ssyncadd.s32 $0xFFFFFFB0  }
0xbd: {  	_ =	swait.ge [sflag:s11], $0x50  }
0xbe: {  	[sflag:s11] =	ssyncset.done $0x0  }
0xbf: {  	[sflag:s11] =	ssyncadd.s32 $0xFFFFFFB0  }
0xc0: {  	[tilespmem:s6], [sflag:$0x3] =	stream.indirect.gather [hbm4b:s14+s12], $0x80, s3, s12, $0xb8;
	[tilespmem:$0x19200] =	vst v63  }
0xc1: {  	_ =	swait.ge [sflag:s15], $0x2800  }
0xc2: {  	[sflag:s15] =	ssyncset.done $0x0  }
0xc3: {  	[sflag:s15] =	ssyncadd.s32 $0xFFFFD800  }
0xc4: {  	[spmem:s1] =	stream.indirect.scatter.add.f32 [tilespmem:s6], [sflag:$0x5], $0x80, s8, s12, $0xb8;
	[tilespmem:$0x19200] =	vst v63  }
0xc5: {  	_ =	swait.ge [sflag:s7], $0x2800  }
0xc6: {  	[sflag:s7] =	ssyncset.done $0x0  }
0xc7: {  	[sflag:s7] =	ssyncadd.s32 $0xFFFFD800  }
0xc8: {  	[bflag:$0x0] =	sbarrier.arrive $0xFFFF  }
0xc9: {  	[tilespmem:s6], [sflag:$0x5] =	stream.linear.gather [spmem:s18], $0x2800, $0x38;
	[tilespmem:$0x19200] =	vst v63  }
0xca: {  	_ =	swait.ge [sflag:s7], $0x2800  }
0xcb: {  	[sflag:s7] =	ssyncset.done $0x0  }
0xcc: {  	s17 =	smov.u32 s18;
	s18 =	rddreg [dreg:$0x3];
	[sflag:s7] =	ssyncadd.s32 $0xFFFFD800  }
0xcd: {  	[hbm4b:s18+s3] =	stream.linear.scatter [tilespmem:s6], [sflag:$0x5], $0x2800, $0x38;
	[tilespmem:$0x19200] =	vst v63  }
0xce: {  	_ =	swait.ge [sflag:s7], $0x2800  }
0xcf: {  	[sflag:s7] =	ssyncset.done $0x0  }
0xd0: {  	[sflag:s7] =	ssyncadd.s32 $0xFFFFD800  }
0xd1: {  	[tilespmem:s6], [sflag:$0x5] =	stream.linear.gather [spmem:s19], $0x2800, $0x38;
	[tilespmem:$0x19200] =	vst v63  }
0xd2: {  	_ =	swait.ge [sflag:s7], $0x2800  }
0xd3: {  	[sflag:s7] =	ssyncset.done $0x0  }
0xd4: {  	s5 =	rddreg [dreg:$0x4];
	[sflag:s7] =	ssyncadd.s32 $0xFFFFD800  }
0xd5: {  	[hbm4b:s5+s3] =	stream.linear.scatter [tilespmem:s6], [sflag:$0x5], $0x2800, $0x38;
	[tilespmem:$0x19200] =	vst v63  }
0xd6: {  	_ =	swait.ge [sflag:s7], $0x2800  }
0xd7: {  	[sflag:s7] =	ssyncset.done $0x0  }
0xd8: {  	[sflag:s7] =	ssyncadd.s32 $0xFFFFD800  }
0xd9: {  	[tilespmem:s6], [sflag:$0x5] =	stream.linear.gather [spmem:s20], $0x2800, $0x38;
	[tilespmem:$0x19200] =	vst v63  }
0xda: {  	_ =	swait.ge [sflag:s7], $0x2800  }
0xdb: {  	[sflag:s7] =	ssyncset.done $0x0  }
0xdc: {  	s18 =	rddreg [dreg:$0x5];
	[sflag:s7] =	ssyncadd.s32 $0xFFFFD800  }
0xdd: {  	[hbm4b:s18+s3] =	stream.linear.scatter [tilespmem:s6], [sflag:$0x5], $0x2800, $0x38;
	[tilespmem:$0x19200] =	vst v63  }
0xde: {  	_ =	swait.ge [sflag:s7], $0x2800  }
0xdf: {  	[sflag:s7] =	ssyncset.done $0x0  }
0xe0: {  	[sflag:s7] =	ssyncadd.s32 $0xFFFFD800  }
0xe1: {  	[tilespmem:s6], [sflag:$0x5] =	stream.linear.gather [spmem:s21], $0x2800, $0x38;
	[tilespmem:$0x19200] =	vst v63  }
0xe2: {  	_ =	swait.ge [sflag:s7], $0x2800  }
0xe3: {  	[sflag:s7] =	ssyncset.done $0x0  }
0xe4: {  	s29 =	smov.u32 s19;
	s19 =	rddreg [dreg:$0x6];
	[sflag:s7] =	ssyncadd.s32 $0xFFFFD800  }
0xe5: {  	[hbm4b:s19+s3] =	stream.linear.scatter [tilespmem:s6], [sflag:$0x5], $0x2800, $0x38;
	[tilespmem:$0x19200] =	vst v63  }
0xe6: {  	_ =	swait.ge [sflag:s7], $0x2800  }
0xe7: {  	[sflag:s7] =	ssyncset.done $0x0  }
0xe8: {  	[sflag:s7] =	ssyncadd.s32 $0xFFFFD800  }
0xe9: {  	[tilespmem:s6], [sflag:$0x5] =	stream.linear.gather [spmem:s23], $0x2800, $0x38;
	[tilespmem:$0x19200] =	vst v63  }
0xea: {  	_ =	swait.ge [sflag:s7], $0x2800  }
0xeb: {  	[sflag:s7] =	ssyncset.done $0x0  }
0xec: {  	s30 =	smov.u32 s20;
	s20 =	rddreg [dreg:$0x7];
	[sflag:s7] =	ssyncadd.s32 $0xFFFFD800  }
0xed: {  	[hbm4b:s20+s3] =	stream.linear.scatter [tilespmem:s6], [sflag:$0x5], $0x2800, $0x38;
	[tilespmem:$0x19200] =	vst v63  }
0xee: {  	_ =	swait.ge [sflag:s7], $0x2800  }
0xef: {  	[sflag:s7] =	ssyncset.done $0x0  }
0xf0: {  	s18 =	smov.u32 s23;
	s23 =	rddreg [dreg:$0xd];
	[sflag:s7] =	ssyncadd.s32 $0xFFFFD800  }
0xf1: {  	[tilespmem:s6], [sflag:$0x5] =	stream.linear.gather [spmem:s23], $0x2800, $0x38;
	[tilespmem:$0x19200] =	vst v63  }
0xf2: {  	_ =	swait.ge [sflag:s7], $0x2800  }
0xf3: {  	[sflag:s7] =	ssyncset.done $0x0  }
0xf4: {  	s31 =	smov.u32 s21;
	s21 =	rddreg [dreg:$0x8];
	[sflag:s7] =	ssyncadd.s32 $0xFFFFD800  }
0xf5: {  	[hbm4b:s21+s3] =	stream.linear.scatter [tilespmem:s6], [sflag:$0x5], $0x2800, $0x38;
	[tilespmem:$0x19200] =	vst v63  }
0xf6: {  	_ =	swait.ge [sflag:s7], $0x2800  }
0xf7: {  	[sflag:s7] =	ssyncset.done $0x0  }
0xf8: {  	s19 =	rddreg [dreg:$0xc];
	[sflag:s7] =	ssyncadd.s32 $0xFFFFD800  }
0xf9: {  	[tilespmem:s6], [sflag:$0x5] =	stream.linear.gather [spmem:s19], $0x2800, $0x38;
	[tilespmem:$0x19200] =	vst v63  }
0xfa: {  	_ =	swait.ge [sflag:s7], $0x2800  }
0xfb: {  	[sflag:s7] =	ssyncset.done $0x0  }
0xfc: {  	s5 =	rddreg [dreg:$0x9];
	[sflag:s7] =	ssyncadd.s32 $0xFFFFD800  }
0xfd: {  	[hbm4b:s5+s3] =	stream.linear.scatter [tilespmem:s6], [sflag:$0x5], $0x2800, $0x38;
	[tilespmem:$0x19200] =	vst v63  }
0xfe: {  	_ =	swait.ge [sflag:s7], $0x2800  }
0xff: {  	[sflag:s7] =	ssyncset.done $0x0  }
0x100: {  	[sflag:s7] =	ssyncadd.s32 $0xFFFFD800  }
0x101: {  	[tilespmem:s6], [sflag:$0x5] =	stream.linear.gather [spmem:s22], $0x2800, $0x38;
	[tilespmem:$0x19200] =	vst v63  }
0x102: {  	_ =	swait.ge [sflag:s7], $0x2800  }
0x103: {  	[sflag:s7] =	ssyncset.done $0x0  }
0x104: {  	s20 =	rddreg [dreg:$0xa];
	[sflag:s7] =	ssyncadd.s32 $0xFFFFD800  }
0x105: {  	[hbm4b:s20+s3] =	stream.linear.scatter [tilespmem:s6], [sflag:$0x5], $0x2800, $0x38;
	[tilespmem:$0x19200] =	vst v63  }
0x106: {  	_ =	swait.ge [sflag:s7], $0x2800  }
0x107: {  	s28 =	sadd.s32 $0x1, s28;
	s21 =	rddreg [dreg:$0x14]  }
0x108: {  	p0 =	sne.s32 s28, s21  }
.Ltmp1:
0x109: {  	_ = 	snop;
	(pc) =	sbr.rel @p0 .LBB2_1-.Ltmp1, $3  }
0x10a: {  	_ =	sdelay $0x1  }
0x10b: {  	[sflag:s7] =	ssyncset.done $0x0  }
0x10c: {  	[sflag:s7] =	ssyncadd.s32 $0xFFFFD800  }
0x10d: {  	_ =	sfence.sel $0x180000  }
0x10e: {  	[bflag:$0x0] =	sbarrier.arrive $0xFFFF  }
0x10f: {  	_ =	strace $0x90000050  }
0x110: {  	s0 =	stileid.u32;
	[bflag:$0x2] =	sbarrier.arrive $0xFFFF  }
0x111: {  	p0 =	sne.s32 s0, $0x0;
	s0 =	rddreg [dreg:$0x2]  }
0x112: {  	s0 =	sadd.s32 @!p0 $0x100000, s0  }
0x113: {  	[sflag:s0] =	ssyncadd.tile.s32 @!p0 $0x1;
	_ =	shalt  }
.Lfunc_end2:
_tile_overlayer_lowered:
.L_overlay_start_2:
0x114: {  	(tag) =	ssettag $0x2  }
0x115: {  	s0 =	rddreg [dreg:$0x0];
	s2 =	stileid.u32  }
0x116: {  	s1 =	rddreg [dreg:$0x1];
	p0 =	sne.s32 s2, $0x0  }
0x117: {  	s3 =	rddreg [dreg:$0x2];
	[bflag:$0x3] =	sbarrier.arrive $0xFFFF;
	s2 =	simm.s32 @!p0 $0x1C05  }
0x118: {  	[timem:s3], [sflag:s2] =	dma.local @!p0 [hbm:s0], s1  }
0x119: {  	s0 =	simm.s32 @!p0 $0x5  }
0x11a: {  	_ =	swait.ge @!p0 [sflag:s0], s1  }
0x11b: {  	s1 =	ssub.s32 @!p0 $0x0, s1;
	[sflag:s0] =	ssyncset.done @!p0 $0x0  }
0x11c: {  	[sflag:s0] =	ssyncadd.s32 @!p0 s1  }
0x11d: {  	[bflag:$0x3] =	sbarrier.arrive $0xFFFF  }
0x11e: {  	_ =	shalt  }

</sc_bundles>
